<compile_context>
chip_gen: v7x
topology: tpu7x:2x2x1
jax: 0.10.2.dev20260603
libtpu: 0.0.44.dev20260713+nightly
codegen_flags: <defaults>
</compile_context>

<pallas_src>
import functools

import jax
import jax.numpy as jnp
from jax import lax
from jax.experimental import pallas as pl
from jax.experimental.pallas import tpu as pltpu
from jax.experimental.pallas import tpu_sc as plsc

B = 16384
BC = 1024
D = 64
NC = 2
NS = 16
NW = NC * NS
BW = B // NW
BCW = BC // NW
S = 128
NSUB = BW // S


def _body(margin_h, aBHE_h, aBTE_h, aBC_h, nABHE_h, nABTE_h, nABC_h,
          uniqE_h, uniqBC_h, ent_h, bch_h, bct_h,
          memberL_h, discL_h, normL_h, alignL_h, countL_h,
          i_ahe, i_ate, i_ac, i_nhe, i_nte, i_nc, i_ue, i_bc,
          r_ahe, r_ate, r_ach, r_act, r_nhe, r_nte, r_nch, r_nct, r_ue,
          r_bh, r_bt,
          o_memb, o_disc, o_norm, o_align, o_count,
          t_a, t_b, t_c, margin_v, sem):
    cid = lax.axis_index("c")
    sid = lax.axis_index("s")
    wid = sid * NC + cid
    base = wid * BW

    pltpu.sync_copy(margin_h, margin_v)
    mvec = margin_v[...]
    iot = lax.iota(jnp.int32, 16)

    def transpose_sum(t_ref):
        acc = plsc.load_gather(t_ref, [iot, jnp.zeros((16,), jnp.int32)])
        for l in range(1, 16):
            acc = acc + plsc.load_gather(
                t_ref, [iot, jnp.full((16,), l, jnp.int32)])
        return acc

    for sub in range(NSUB):
        off = base + sub * S
        pltpu.sync_copy(aBHE_h.at[pl.ds(off, S)], i_ahe)
        pltpu.sync_copy(aBTE_h.at[pl.ds(off, S)], i_ate)
        pltpu.sync_copy(aBC_h.at[pl.ds(off, S)], i_ac)
        pltpu.sync_copy(nABHE_h.at[pl.ds(off, S)], i_nhe)
        pltpu.sync_copy(nABTE_h.at[pl.ds(off, S)], i_nte)
        pltpu.sync_copy(nABC_h.at[pl.ds(off, S)], i_nc)
        pltpu.sync_copy(uniqE_h.at[pl.ds(off, S)], i_ue)

        cps = [
            pltpu.async_copy(ent_h.at[i_ahe], r_ahe, sem),
            pltpu.async_copy(ent_h.at[i_ate], r_ate, sem),
            pltpu.async_copy(bch_h.at[i_ac], r_ach, sem),
            pltpu.async_copy(bct_h.at[i_ac], r_act, sem),
            pltpu.async_copy(ent_h.at[i_nhe], r_nhe, sem),
            pltpu.async_copy(ent_h.at[i_nte], r_nte, sem),
            pltpu.async_copy(bch_h.at[i_nc], r_nch, sem),
            pltpu.async_copy(bct_h.at[i_nc], r_nct, sem),
            pltpu.async_copy(ent_h.at[i_ue], r_ue, sem),
        ]
        for cp in cps:
            cp.wait()

        def group(g, carry, sub=sub):
            def item(j, c2):
                i = g * 16 + j
                macc = jnp.zeros((16,), jnp.float32)
                nacc = jnp.zeros((16,), jnp.float32)
                uacc = jnp.zeros((16,), jnp.float32)
                for c4 in range(D // 16):
                    sl = pl.ds(c4 * 16, 16)
                    th = (1.0 - r_ach[i, sl]) * r_ahe[i, sl]
                    tt = (1.0 - r_act[i, sl]) * r_ate[i, sl]
                    macc = macc + th * th + tt * tt
                    nh = (1.0 - r_nch[i, sl]) * r_nhe[i, sl]
                    nt = (1.0 - r_nct[i, sl]) * r_nte[i, sl]
                    nacc = nacc + nh * nh + nt * nt
                    ue = r_ue[i, sl]
                    uacc = uacc + ue * ue
                t_a[j, :] = macc
                t_b[j, :] = nacc
                t_c[j, :] = uacc
                return c2

            lax.fori_loop(0, 16, item, 0)
            ob = sub * S + g * 16
            o_memb[pl.ds(ob, 16)] = transpose_sum(t_a)
            o_disc[pl.ds(ob, 16)] = jnp.maximum(mvec - transpose_sum(t_b), 0.0)
            us = transpose_sum(t_c) - 1.0
            o_norm[pl.ds(ob, 16)] = us * us
            return carry

        lax.fori_loop(0, S // 16, group, 0)

    pltpu.sync_copy(o_memb, memberL_h.at[pl.ds(base, BW)])
    pltpu.sync_copy(o_disc, discL_h.at[pl.ds(base, BW)])
    pltpu.sync_copy(o_norm, normL_h.at[pl.ds(base, BW)])

    bco = wid * BCW
    pltpu.sync_copy(uniqBC_h.at[pl.ds(bco, BCW)], i_bc)
    cpb = [
        pltpu.async_copy(bch_h.at[i_bc], r_bh, sem),
        pltpu.async_copy(bct_h.at[i_bc], r_bt, sem),
    ]
    for cp in cpb:
        cp.wait()

    def bgroup(g, carry):
        def bitem(j, c2):
            i = g * 16 + j
            aacc = jnp.zeros((16,), jnp.float32)
            habs = jnp.zeros((16,), jnp.float32)
            tabs = jnp.zeros((16,), jnp.float32)
            for c4 in range(D // 16):
                sl = pl.ds(c4 * 16, 16)
                h = r_bh[i, sl]
                t = r_bt[i, sl]
                ph = h * (1.0 - h)
                ptt = t * (1.0 - t)
                aacc = aacc + ph * ph + ptt * ptt
                habs = habs + jnp.abs(h)
                tabs = tabs + jnp.abs(t)
            t_a[j, :] = aacc
            t_b[j, :] = habs
            t_c[j, :] = tabs
            return c2

        lax.fori_loop(0, 16, bitem, 0)
        ob = g * 16
        o_align[pl.ds(ob, 16)] = transpose_sum(t_a)
        o_count[pl.ds(ob, 16)] = (
            jnp.maximum(1.0 - transpose_sum(t_b), 0.0)
            + jnp.maximum(1.0 - transpose_sum(t_c), 0.0))
        return carry

    lax.fori_loop(0, BCW // 16, bgroup, 0)

    pltpu.sync_copy(o_align, alignL_h.at[pl.ds(bco, BCW)])
    pltpu.sync_copy(o_count, countL_h.at[pl.ds(bco, BCW)])


@jax.jit
def _run(margin, aBHE, aBTE, aBC, nABHE, nABTE, nABC, uniqE, uniqBC,
         entityEmbed, bConceptHEmbed, bConceptTEmbed):
    mesh = plsc.VectorSubcoreMesh(core_axis_name="c", subcore_axis_name="s")
    f32 = jnp.float32
    i32 = jnp.int32
    kern = functools.partial(
        pl.kernel,
        out_type=[
            jax.ShapeDtypeStruct((B,), f32),
            jax.ShapeDtypeStruct((B,), f32),
            jax.ShapeDtypeStruct((B,), f32),
            jax.ShapeDtypeStruct((BC,), f32),
            jax.ShapeDtypeStruct((BC,), f32),
        ],
        mesh=mesh,
        compiler_params=pltpu.CompilerParams(
            needs_layout_passes=False, use_tc_tiling_on_sc=False),
        scratch_types=[
            pltpu.VMEM((S,), i32), pltpu.VMEM((S,), i32),
            pltpu.VMEM((S,), i32), pltpu.VMEM((S,), i32),
            pltpu.VMEM((S,), i32), pltpu.VMEM((S,), i32),
            pltpu.VMEM((S,), i32), pltpu.VMEM((BCW,), i32),
            pltpu.VMEM((S, D), f32), pltpu.VMEM((S, D), f32),
            pltpu.VMEM((S, D), f32), pltpu.VMEM((S, D), f32),
            pltpu.VMEM((S, D), f32), pltpu.VMEM((S, D), f32),
            pltpu.VMEM((S, D), f32), pltpu.VMEM((S, D), f32),
            pltpu.VMEM((S, D), f32),
            pltpu.VMEM((BCW, D), f32), pltpu.VMEM((BCW, D), f32),
            pltpu.VMEM((BW,), f32), pltpu.VMEM((BW,), f32),
            pltpu.VMEM((BW,), f32),
            pltpu.VMEM((BCW,), f32), pltpu.VMEM((BCW,), f32),
            pltpu.VMEM((16, 16), f32), pltpu.VMEM((16, 16), f32),
            pltpu.VMEM((16, 16), f32),
            pltpu.VMEM((16,), f32),
            pltpu.SemaphoreType.DMA,
        ],
    )(_body)
    return kern(margin, aBHE, aBTE, aBC, nABHE, nABTE, nABC, uniqE, uniqBC,
                entityEmbed, bConceptHEmbed, bConceptTEmbed)


def kernel(aBHE, aBTE, aBC, nABHE, nABTE, nABC, uniqE, uniqBC, lossMargin,
           device, entityEmbed, bConceptHEmbed, bConceptTEmbed):
    del device
    margin = jnp.broadcast_to(jnp.asarray(lossMargin, jnp.float32), (16,))
    cast = lambda x: x.astype(jnp.int32)
    out = _run(margin, cast(aBHE), cast(aBTE), cast(aBC), cast(nABHE),
               cast(nABTE), cast(nABC), cast(uniqE), cast(uniqBC),
               entityEmbed, bConceptHEmbed, bConceptTEmbed)
    return tuple(out)

# --- scband reference (transcript-rebuilt; emitter-appended) ---
"""Pipeline reference for scband-reason-emodel-21835613733489 (READ-ONLY COPY).

The authoritative reference and input builder live on the scoring server;
editing this copy changes nothing except your own understanding.
"""

import jax, jax.numpy as jnp
import numpy as np

B = 16384
BC = 1024
E = 1000000
C = 1000
D = 64

def _xavier_normalized(key, rows, cols):
    bound = float(np.sqrt(6.0 / (rows + cols)))
    w = jax.random.uniform(key, (rows, cols), minval=-bound, maxval=bound, dtype=jnp.float32)
    return w / jnp.linalg.norm(w, axis=1, keepdims=True)

def setup_inputs(seed: int = 0):
    key = jax.random.key(seed)
    ks = jax.random.split(key, 12)
    inp = {}
    inp["aBHE"] = jax.random.randint(ks[0], (B,), 0, E)
    inp["aBTE"] = jax.random.randint(ks[1], (B,), 0, E)
    inp["aBC"] = jax.random.randint(ks[2], (B,), 0, C)
    inp["nABHE"] = jax.random.randint(ks[3], (B,), 0, E)
    inp["nABTE"] = jax.random.randint(ks[4], (B,), 0, E)
    inp["nABC"] = jax.random.randint(ks[5], (B,), 0, C)
    inp["uniqE"] = jax.random.randint(ks[6], (B,), 0, E)
    inp["uniqBC"] = jax.random.randint(ks[7], (BC,), 0, C)
    inp["lossMargin"] = 1
    inp["device"] = 0
    inp["entityEmbed"] = _xavier_normalized(ks[8], E, D)
    inp["bConceptHEmbed"] = _xavier_normalized(ks[9], C, D)
    inp["bConceptTEmbed"] = _xavier_normalized(ks[10], C, D)
    return inp

def reference(aBHE, aBTE, aBC, nABHE, nABTE, nABC, uniqE, uniqBC, lossMargin, device, entityEmbed, bConceptHEmbed, bConceptTEmbed):
    margin = jnp.float32(lossMargin)
    aBHEE = jnp.take(entityEmbed, aBHE, axis=0)
    aBTEE = jnp.take(entityEmbed, aBTE, axis=0)
    aBCHE = jnp.take(bConceptHEmbed, aBC, axis=0)
    aBCTE = jnp.take(bConceptTEmbed, aBC, axis=0)
    nABHEE = jnp.take(entityEmbed, nABHE, axis=0)
    nABTEE = jnp.take(entityEmbed, nABTE, axis=0)
    nABCHE = jnp.take(bConceptHEmbed, nABC, axis=0)
    nABCTE = jnp.take(bConceptTEmbed, nABC, axis=0)
    uniqEE = jnp.take(entityEmbed, uniqE, axis=0)
    uniqBCHE = jnp.take(bConceptHEmbed, uniqBC, axis=0)
    uniqBCTE = jnp.take(bConceptTEmbed, uniqBC, axis=0)
    tmpBE2CH = (1.0 - aBCHE) * aBHEE
    tmpBE2CT = (1.0 - aBCTE) * aBTEE
    bE2CMemberL = jnp.sum(tmpBE2CH * tmpBE2CH, axis=1) + jnp.sum(tmpBE2CT * tmpBE2CT, axis=1)
    tmpNBE2CH = (1.0 - nABCHE) * nABHEE
    tmpNBE2CT = (1.0 - nABCTE) * nABTEE
    tmpNBL = jnp.sum(tmpNBE2CH * tmpNBE2CH, axis=1) + jnp.sum(tmpNBE2CT * tmpNBE2CT, axis=1)
    bE2CDiscMemberL = jnp.maximum(margin - tmpNBL, 0.0)
    tmpE = jnp.sum(uniqEE * uniqEE, axis=1) - 1.0
    uniqENormL = tmpE * tmpE
    tmpBCH = uniqBCHE * (1.0 - uniqBCHE)
    tmpBCT = uniqBCTE * (1.0 - uniqBCTE)
    uniqBCBasisAlignL = jnp.sum(tmpBCH * tmpBCH, axis=1) + jnp.sum(tmpBCT * tmpBCT, axis=1)
    tmpBCHDim = jnp.sum(jnp.abs(uniqBCHE), axis=1)
    tmpBCHL = jnp.maximum(1.0 - tmpBCHDim, 0.0)
    tmpBCTDim = jnp.sum(jnp.abs(uniqBCTE), axis=1)
    tmpBCTL = jnp.maximum(1.0 - tmpBCTDim, 0.0)
    uniqBCBasisCountL = tmpBCHL + tmpBCTL
    return (bE2CMemberL, bE2CDiscMemberL, uniqENormL, uniqBCBasisAlignL, uniqBCBasisCountL)

if __name__ == "__main__":
    import jax
    _d = setup_inputs()
    print(jax.jit(kernel)(*tuple(_d.values())))

</pallas_src>

<mosaic_0001>
#map = affine_map<(d0, d1) -> (0)>
#map1 = affine_map<(d0, d1) -> (0, 0)>
module attributes {stable_mosaic.version = 14 : i64} {
  func.func @_body(%arg0: i32, %arg1: i32, %arg2: memref<16xf32, #tpu.memory_space<hbm>>, %arg3: memref<16384xi32, #tpu.memory_space<hbm>>, %arg4: memref<16384xi32, #tpu.memory_space<hbm>>, %arg5: memref<16384xi32, #tpu.memory_space<hbm>>, %arg6: memref<16384xi32, #tpu.memory_space<hbm>>, %arg7: memref<16384xi32, #tpu.memory_space<hbm>>, %arg8: memref<16384xi32, #tpu.memory_space<hbm>>, %arg9: memref<16384xi32, #tpu.memory_space<hbm>>, %arg10: memref<1024xi32, #tpu.memory_space<hbm>>, %arg11: memref<1000000x64xf32, #tpu.memory_space<hbm>>, %arg12: memref<1000x64xf32, #tpu.memory_space<hbm>>, %arg13: memref<1000x64xf32, #tpu.memory_space<hbm>>, %arg14: memref<16384xf32, #tpu.memory_space<hbm>>, %arg15: memref<16384xf32, #tpu.memory_space<hbm>>, %arg16: memref<16384xf32, #tpu.memory_space<hbm>>, %arg17: memref<1024xf32, #tpu.memory_space<hbm>>, %arg18: memref<1024xf32, #tpu.memory_space<hbm>>, %arg19: memref<128xi32, #tpu.memory_space<vmem>>, %arg20: memref<128xi32, #tpu.memory_space<vmem>>, %arg21: memref<128xi32, #tpu.memory_space<vmem>>, %arg22: memref<128xi32, #tpu.memory_space<vmem>>, %arg23: memref<128xi32, #tpu.memory_space<vmem>>, %arg24: memref<128xi32, #tpu.memory_space<vmem>>, %arg25: memref<128xi32, #tpu.memory_space<vmem>>, %arg26: memref<32xi32, #tpu.memory_space<vmem>>, %arg27: memref<128x64xf32, #tpu.memory_space<vmem>>, %arg28: memref<128x64xf32, #tpu.memory_space<vmem>>, %arg29: memref<128x64xf32, #tpu.memory_space<vmem>>, %arg30: memref<128x64xf32, #tpu.memory_space<vmem>>, %arg31: memref<128x64xf32, #tpu.memory_space<vmem>>, %arg32: memref<128x64xf32, #tpu.memory_space<vmem>>, %arg33: memref<128x64xf32, #tpu.memory_space<vmem>>, %arg34: memref<128x64xf32, #tpu.memory_space<vmem>>, %arg35: memref<128x64xf32, #tpu.memory_space<vmem>>, %arg36: memref<32x64xf32, #tpu.memory_space<vmem>>, %arg37: memref<32x64xf32, #tpu.memory_space<vmem>>, %arg38: memref<512xf32, #tpu.memory_space<vmem>>, %arg39: memref<512xf32, #tpu.memory_space<vmem>>, %arg40: memref<512xf32, #tpu.memory_space<vmem>>, %arg41: memref<32xf32, #tpu.memory_space<vmem>>, %arg42: memref<32xf32, #tpu.memory_space<vmem>>, %arg43: memref<16x16xf32, #tpu.memory_space<vmem>>, %arg44: memref<16x16xf32, #tpu.memory_space<vmem>>, %arg45: memref<16x16xf32, #tpu.memory_space<vmem>>, %arg46: memref<16xf32, #tpu.memory_space<vmem>>, %arg47: memref<!tpu.dma_semaphore, #tpu.memory_space<semaphore_mem>>) attributes {dimension_semantics = [#tpu.dimension_semantics<core_parallel>, #tpu.dimension_semantics<subcore_parallel>], iteration_bounds = array<i64: 2, 16>, scalar_prefetch = 0 : i64, scratch_operands = 29 : i64, tpu.core_type = #tpu.core_type<sc_vector_subcore>, window_params = [{transform_indices = #map}, {transform_indices = #map}, {transform_indices = #map}, {transform_indices = #map}, {transform_indices = #map}, {transform_indices = #map}, {transform_indices = #map}, {transform_indices = #map}, {transform_indices = #map}, {transform_indices = #map1}, {transform_indices = #map1}, {transform_indices = #map1}, {transform_indices = #map}, {transform_indices = #map}, {transform_indices = #map}, {transform_indices = #map}, {transform_indices = #map}]} {
    %mul3A = arith.constant 2 : i32
    %mul3A_0 = arith.muli %arg1, %mul3A : i32
    %add3A = arith.addi %mul3A_0, %arg0 : i32
    %mul3A_1 = arith.constant 512 : i32
    %mul3A_2 = arith.muli %add3A, %mul3A_1 : i32
    "tpu.region"() ({
      %run_scoped3A = tpu.sem_alloc : memref<!tpu.dma_semaphore, #tpu.memory_space<semaphore_mem>>
      tpu.enqueue_dma source(%arg2 : memref<16xf32, #tpu.memory_space<hbm>>) target(%arg46 : memref<16xf32, #tpu.memory_space<vmem>>) target_semaphore(%run_scoped3A : memref<!tpu.dma_semaphore, #tpu.memory_space<semaphore_mem>>)
      tpu.wait_dma2 semaphore(%run_scoped3A : memref<!tpu.dma_semaphore, #tpu.memory_space<semaphore_mem>>) src(%arg2 : memref<16xf32, #tpu.memory_space<hbm>>) dst(%arg46 : memref<16xf32, #tpu.memory_space<vmem>>)
      tpu.yield
    }) : () -> ()
    %get3A = arith.constant 0 : index
    %get3A_3 = tpu.vector_load %arg46[%get3A] {strides = array<i32>} : memref<16xf32, #tpu.memory_space<vmem>>, vector<16xf32>,
    %iota3A = tpu.iota {dimensions = array<i32: 0>} : vector<16xi32>
    %add3A_4 = arith.constant 0 : i32
    %add3A_5 = arith.addi %mul3A_2, %add3A_4 : i32
    "tpu.region"() ({
      %run_scoped3A = tpu.sem_alloc : memref<!tpu.dma_semaphore, #tpu.memory_space<semaphore_mem>>
      %dma_start3A_269 = tpu.memref_slice %arg3[%add3A_5] : memref<16384xi32, #tpu.memory_space<hbm>> -> memref<128xi32, #tpu.memory_space<hbm>>
      %dma_start3A_270 = tpu.memref_slice %arg3[%add3A_5] : memref<16384xi32, #tpu.memory_space<hbm>> -> memref<128xi32, #tpu.memory_space<hbm>>
      tpu.enqueue_dma source(%dma_start3A_270 : memref<128xi32, #tpu.memory_space<hbm>>) target(%arg19 : memref<128xi32, #tpu.memory_space<vmem>>) target_semaphore(%run_scoped3A : memref<!tpu.dma_semaphore, #tpu.memory_space<semaphore_mem>>)
      %dma_wait3A_271 = tpu.memref_slice %arg3[%add3A_5] : memref<16384xi32, #tpu.memory_space<hbm>> -> memref<128xi32, #tpu.memory_space<hbm>>
      %dma_wait3A_272 = tpu.memref_slice %arg3[%add3A_5] : memref<16384xi32, #tpu.memory_space<hbm>> -> memref<128xi32, #tpu.memory_space<hbm>>
      tpu.wait_dma2 semaphore(%run_scoped3A : memref<!tpu.dma_semaphore, #tpu.memory_space<semaphore_mem>>) src(%dma_wait3A_272 : memref<128xi32, #tpu.memory_space<hbm>>) dst(%arg19 : memref<128xi32, #tpu.memory_space<vmem>>)
      tpu.yield
    }) : () -> ()
    "tpu.region"() ({
      %run_scoped3A = tpu.sem_alloc : memref<!tpu.dma_semaphore, #tpu.memory_space<semaphore_mem>>
      %dma_start3A_269 = tpu.memref_slice %arg4[%add3A_5] : memref<16384xi32, #tpu.memory_space<hbm>> -> memref<128xi32, #tpu.memory_space<hbm>>
      %dma_start3A_270 = tpu.memref_slice %arg4[%add3A_5] : memref<16384xi32, #tpu.memory_space<hbm>> -> memref<128xi32, #tpu.memory_space<hbm>>
      tpu.enqueue_dma source(%dma_start3A_270 : memref<128xi32, #tpu.memory_space<hbm>>) target(%arg20 : memref<128xi32, #tpu.memory_space<vmem>>) target_semaphore(%run_scoped3A : memref<!tpu.dma_semaphore, #tpu.memory_space<semaphore_mem>>)
      %dma_wait3A_271 = tpu.memref_slice %arg4[%add3A_5] : memref<16384xi32, #tpu.memory_space<hbm>> -> memref<128xi32, #tpu.memory_space<hbm>>
      %dma_wait3A_272 = tpu.memref_slice %arg4[%add3A_5] : memref<16384xi32, #tpu.memory_space<hbm>> -> memref<128xi32, #tpu.memory_space<hbm>>
      tpu.wait_dma2 semaphore(%run_scoped3A : memref<!tpu.dma_semaphore, #tpu.memory_space<semaphore_mem>>) src(%dma_wait3A_272 : memref<128xi32, #tpu.memory_space<hbm>>) dst(%arg20 : memref<128xi32, #tpu.memory_space<vmem>>)
      tpu.yield
    }) : () -> ()
    "tpu.region"() ({
      %run_scoped3A = tpu.sem_alloc : memref<!tpu.dma_semaphore, #tpu.memory_space<semaphore_mem>>
      %dma_start3A_269 = tpu.memref_slice %arg5[%add3A_5] : memref<16384xi32, #tpu.memory_space<hbm>> -> memref<128xi32, #tpu.memory_space<hbm>>
      %dma_start3A_270 = tpu.memref_slice %arg5[%add3A_5] : memref<16384xi32, #tpu.memory_space<hbm>> -> memref<128xi32, #tpu.memory_space<hbm>>
      tpu.enqueue_dma source(%dma_start3A_270 : memref<128xi32, #tpu.memory_space<hbm>>) target(%arg21 : memref<128xi32, #tpu.memory_space<vmem>>) target_semaphore(%run_scoped3A : memref<!tpu.dma_semaphore, #tpu.memory_space<semaphore_mem>>)
      %dma_wait3A_271 = tpu.memref_slice %arg5[%add3A_5] : memref<16384xi32, #tpu.memory_space<hbm>> -> memref<128xi32, #tpu.memory_space<hbm>>
      %dma_wait3A_272 = tpu.memref_slice %arg5[%add3A_5] : memref<16384xi32, #tpu.memory_space<hbm>> -> memref<128xi32, #tpu.memory_space<hbm>>
      tpu.wait_dma2 semaphore(%run_scoped3A : memref<!tpu.dma_semaphore, #tpu.memory_space<semaphore_mem>>) src(%dma_wait3A_272 : memref<128xi32, #tpu.memory_space<hbm>>) dst(%arg21 : memref<128xi32, #tpu.memory_space<vmem>>)
      tpu.yield
    }) : () -> ()
    "tpu.region"() ({
      %run_scoped3A = tpu.sem_alloc : memref<!tpu.dma_semaphore, #tpu.memory_space<semaphore_mem>>
      %dma_start3A_269 = tpu.memref_slice %arg6[%add3A_5] : memref<16384xi32, #tpu.memory_space<hbm>> -> memref<128xi32, #tpu.memory_space<hbm>>
      %dma_start3A_270 = tpu.memref_slice %arg6[%add3A_5] : memref<16384xi32, #tpu.memory_space<hbm>> -> memref<128xi32, #tpu.memory_space<hbm>>
      tpu.enqueue_dma source(%dma_start3A_270 : memref<128xi32, #tpu.memory_space<hbm>>) target(%arg22 : memref<128xi32, #tpu.memory_space<vmem>>) target_semaphore(%run_scoped3A : memref<!tpu.dma_semaphore, #tpu.memory_space<semaphore_mem>>)
      %dma_wait3A_271 = tpu.memref_slice %arg6[%add3A_5] : memref<16384xi32, #tpu.memory_space<hbm>> -> memref<128xi32, #tpu.memory_space<hbm>>
      %dma_wait3A_272 = tpu.memref_slice %arg6[%add3A_5] : memref<16384xi32, #tpu.memory_space<hbm>> -> memref<128xi32, #tpu.memory_space<hbm>>
      tpu.wait_dma2 semaphore(%run_scoped3A : memref<!tpu.dma_semaphore, #tpu.memory_space<semaphore_mem>>) src(%dma_wait3A_272 : memref<128xi32, #tpu.memory_space<hbm>>) dst(%arg22 : memref<128xi32, #tpu.memory_space<vmem>>)
      tpu.yield
    }) : () -> ()
    "tpu.region"() ({
      %run_scoped3A = tpu.sem_alloc : memref<!tpu.dma_semaphore, #tpu.memory_space<semaphore_mem>>
      %dma_start3A_269 = tpu.memref_slice %arg7[%add3A_5] : memref<16384xi32, #tpu.memory_space<hbm>> -> memref<128xi32, #tpu.memory_space<hbm>>
      %dma_start3A_270 = tpu.memref_slice %arg7[%add3A_5] : memref<16384xi32, #tpu.memory_space<hbm>> -> memref<128xi32, #tpu.memory_space<hbm>>
      tpu.enqueue_dma source(%dma_start3A_270 : memref<128xi32, #tpu.memory_space<hbm>>) target(%arg23 : memref<128xi32, #tpu.memory_space<vmem>>) target_semaphore(%run_scoped3A : memref<!tpu.dma_semaphore, #tpu.memory_space<semaphore_mem>>)
      %dma_wait3A_271 = tpu.memref_slice %arg7[%add3A_5] : memref<16384xi32, #tpu.memory_space<hbm>> -> memref<128xi32, #tpu.memory_space<hbm>>
      %dma_wait3A_272 = tpu.memref_slice %arg7[%add3A_5] : memref<16384xi32, #tpu.memory_space<hbm>> -> memref<128xi32, #tpu.memory_space<hbm>>
      tpu.wait_dma2 semaphore(%run_scoped3A : memref<!tpu.dma_semaphore, #tpu.memory_space<semaphore_mem>>) src(%dma_wait3A_272 : memref<128xi32, #tpu.memory_space<hbm>>) dst(%arg23 : memref<128xi32, #tpu.memory_space<vmem>>)
      tpu.yield
    }) : () -> ()
    "tpu.region"() ({
      %run_scoped3A = tpu.sem_alloc : memref<!tpu.dma_semaphore, #tpu.memory_space<semaphore_mem>>
      %dma_start3A_269 = tpu.memref_slice %arg8[%add3A_5] : memref<16384xi32, #tpu.memory_space<hbm>> -> memref<128xi32, #tpu.memory_space<hbm>>
      %dma_start3A_270 = tpu.memref_slice %arg8[%add3A_5] : memref<16384xi32, #tpu.memory_space<hbm>> -> memref<128xi32, #tpu.memory_space<hbm>>
      tpu.enqueue_dma source(%dma_start3A_270 : memref<128xi32, #tpu.memory_space<hbm>>) target(%arg24 : memref<128xi32, #tpu.memory_space<vmem>>) target_semaphore(%run_scoped3A : memref<!tpu.dma_semaphore, #tpu.memory_space<semaphore_mem>>)
      %dma_wait3A_271 = tpu.memref_slice %arg8[%add3A_5] : memref<16384xi32, #tpu.memory_space<hbm>> -> memref<128xi32, #tpu.memory_space<hbm>>
      %dma_wait3A_272 = tpu.memref_slice %arg8[%add3A_5] : memref<16384xi32, #tpu.memory_space<hbm>> -> memref<128xi32, #tpu.memory_space<hbm>>
      tpu.wait_dma2 semaphore(%run_scoped3A : memref<!tpu.dma_semaphore, #tpu.memory_space<semaphore_mem>>) src(%dma_wait3A_272 : memref<128xi32, #tpu.memory_space<hbm>>) dst(%arg24 : memref<128xi32, #tpu.memory_space<vmem>>)
      tpu.yield
    }) : () -> ()
    "tpu.region"() ({
      %run_scoped3A = tpu.sem_alloc : memref<!tpu.dma_semaphore, #tpu.memory_space<semaphore_mem>>
      %dma_start3A_269 = tpu.memref_slice %arg9[%add3A_5] : memref<16384xi32, #tpu.memory_space<hbm>> -> memref<128xi32, #tpu.memory_space<hbm>>
      %dma_start3A_270 = tpu.memref_slice %arg9[%add3A_5] : memref<16384xi32, #tpu.memory_space<hbm>> -> memref<128xi32, #tpu.memory_space<hbm>>
      tpu.enqueue_dma source(%dma_start3A_270 : memref<128xi32, #tpu.memory_space<hbm>>) target(%arg25 : memref<128xi32, #tpu.memory_space<vmem>>) target_semaphore(%run_scoped3A : memref<!tpu.dma_semaphore, #tpu.memory_space<semaphore_mem>>)
      %dma_wait3A_271 = tpu.memref_slice %arg9[%add3A_5] : memref<16384xi32, #tpu.memory_space<hbm>> -> memref<128xi32, #tpu.memory_space<hbm>>
      %dma_wait3A_272 = tpu.memref_slice %arg9[%add3A_5] : memref<16384xi32, #tpu.memory_space<hbm>> -> memref<128xi32, #tpu.memory_space<hbm>>
      tpu.wait_dma2 semaphore(%run_scoped3A : memref<!tpu.dma_semaphore, #tpu.memory_space<semaphore_mem>>) src(%dma_wait3A_272 : memref<128xi32, #tpu.memory_space<hbm>>) dst(%arg25 : memref<128xi32, #tpu.memory_space<vmem>>)
      tpu.yield
    }) : () -> ()
    %dma_start3A = arith.constant 0 : i32
    %dma_start3A_6 = arith.constant 0 : i32
    %dma_start3A_7 = tpu.memref_slice %arg11[%dma_start3A, %dma_start3A_6] : memref<1000000x64xf32, #tpu.memory_space<hbm>> -> memref<1000000x64xf32, #tpu.memory_space<hbm>>
    tpu.enqueue_indirect_dma source(%dma_start3A_7 : memref<1000000x64xf32, #tpu.memory_space<hbm>>) target(%arg27 : memref<128x64xf32, #tpu.memory_space<vmem>>) offsets(%arg19 : memref<128xi32, #tpu.memory_space<vmem>>) semaphore(%arg47 : memref<!tpu.dma_semaphore, #tpu.memory_space<semaphore_mem>>)
    %dma_start3A_8 = arith.constant 0 : i32
    %dma_start3A_9 = arith.constant 0 : i32
    %dma_start3A_10 = tpu.memref_slice %arg11[%dma_start3A_8, %dma_start3A_9] : memref<1000000x64xf32, #tpu.memory_space<hbm>> -> memref<1000000x64xf32, #tpu.memory_space<hbm>>
    tpu.enqueue_indirect_dma source(%dma_start3A_10 : memref<1000000x64xf32, #tpu.memory_space<hbm>>) target(%arg28 : memref<128x64xf32, #tpu.memory_space<vmem>>) offsets(%arg20 : memref<128xi32, #tpu.memory_space<vmem>>) semaphore(%arg47 : memref<!tpu.dma_semaphore, #tpu.memory_space<semaphore_mem>>)
    %dma_start3A_11 = arith.constant 0 : i32
    %dma_start3A_12 = arith.constant 0 : i32
    %dma_start3A_13 = tpu.memref_slice %arg12[%dma_start3A_11, %dma_start3A_12] : memref<1000x64xf32, #tpu.memory_space<hbm>> -> memref<1000x64xf32, #tpu.memory_space<hbm>>
    tpu.enqueue_indirect_dma source(%dma_start3A_13 : memref<1000x64xf32, #tpu.memory_space<hbm>>) target(%arg29 : memref<128x64xf32, #tpu.memory_space<vmem>>) offsets(%arg21 : memref<128xi32, #tpu.memory_space<vmem>>) semaphore(%arg47 : memref<!tpu.dma_semaphore, #tpu.memory_space<semaphore_mem>>)
    %dma_start3A_14 = arith.constant 0 : i32
    %dma_start3A_15 = arith.constant 0 : i32
    %dma_start3A_16 = tpu.memref_slice %arg13[%dma_start3A_14, %dma_start3A_15] : memref<1000x64xf32, #tpu.memory_space<hbm>> -> memref<1000x64xf32, #tpu.memory_space<hbm>>
    tpu.enqueue_indirect_dma source(%dma_start3A_16 : memref<1000x64xf32, #tpu.memory_space<hbm>>) target(%arg30 : memref<128x64xf32, #tpu.memory_space<vmem>>) offsets(%arg21 : memref<128xi32, #tpu.memory_space<vmem>>) semaphore(%arg47 : memref<!tpu.dma_semaphore, #tpu.memory_space<semaphore_mem>>)
    %dma_start3A_17 = arith.constant 0 : i32
    %dma_start3A_18 = arith.constant 0 : i32
    %dma_start3A_19 = tpu.memref_slice %arg11[%dma_start3A_17, %dma_start3A_18] : memref<1000000x64xf32, #tpu.memory_space<hbm>> -> memref<1000000x64xf32, #tpu.memory_space<hbm>>
    tpu.enqueue_indirect_dma source(%dma_start3A_19 : memref<1000000x64xf32, #tpu.memory_space<hbm>>) target(%arg31 : memref<128x64xf32, #tpu.memory_space<vmem>>) offsets(%arg22 : memref<128xi32, #tpu.memory_space<vmem>>) semaphore(%arg47 : memref<!tpu.dma_semaphore, #tpu.memory_space<semaphore_mem>>)
    %dma_start3A_20 = arith.constant 0 : i32
    %dma_start3A_21 = arith.constant 0 : i32
    %dma_start3A_22 = tpu.memref_slice %arg11[%dma_start3A_20, %dma_start3A_21] : memref<1000000x64xf32, #tpu.memory_space<hbm>> -> memref<1000000x64xf32, #tpu.memory_space<hbm>>
    tpu.enqueue_indirect_dma source(%dma_start3A_22 : memref<1000000x64xf32, #tpu.memory_space<hbm>>) target(%arg32 : memref<128x64xf32, #tpu.memory_space<vmem>>) offsets(%arg23 : memref<128xi32, #tpu.memory_space<vmem>>) semaphore(%arg47 : memref<!tpu.dma_semaphore, #tpu.memory_space<semaphore_mem>>)
    %dma_start3A_23 = arith.constant 0 : i32
    %dma_start3A_24 = arith.constant 0 : i32
    %dma_start3A_25 = tpu.memref_slice %arg12[%dma_start3A_23, %dma_start3A_24] : memref<1000x64xf32, #tpu.memory_space<hbm>> -> memref<1000x64xf32, #tpu.memory_space<hbm>>
    tpu.enqueue_indirect_dma source(%dma_start3A_25 : memref<1000x64xf32, #tpu.memory_space<hbm>>) target(%arg33 : memref<128x64xf32, #tpu.memory_space<vmem>>) offsets(%arg24 : memref<128xi32, #tpu.memory_space<vmem>>) semaphore(%arg47 : memref<!tpu.dma_semaphore, #tpu.memory_space<semaphore_mem>>)
    %dma_start3A_26 = arith.constant 0 : i32
    %dma_start3A_27 = arith.constant 0 : i32
    %dma_start3A_28 = tpu.memref_slice %arg13[%dma_start3A_26, %dma_start3A_27] : memref<1000x64xf32, #tpu.memory_space<hbm>> -> memref<1000x64xf32, #tpu.memory_space<hbm>>
    tpu.enqueue_indirect_dma source(%dma_start3A_28 : memref<1000x64xf32, #tpu.memory_space<hbm>>) target(%arg34 : memref<128x64xf32, #tpu.memory_space<vmem>>) offsets(%arg24 : memref<128xi32, #tpu.memory_space<vmem>>) semaphore(%arg47 : memref<!tpu.dma_semaphore, #tpu.memory_space<semaphore_mem>>)
    %dma_start3A_29 = arith.constant 0 : i32
    %dma_start3A_30 = arith.constant 0 : i32
    %dma_start3A_31 = tpu.memref_slice %arg11[%dma_start3A_29, %dma_start3A_30] : memref<1000000x64xf32, #tpu.memory_space<hbm>> -> memref<1000000x64xf32, #tpu.memory_space<hbm>>
    tpu.enqueue_indirect_dma source(%dma_start3A_31 : memref<1000000x64xf32, #tpu.memory_space<hbm>>) target(%arg35 : memref<128x64xf32, #tpu.memory_space<vmem>>) offsets(%arg25 : memref<128xi32, #tpu.memory_space<vmem>>) semaphore(%arg47 : memref<!tpu.dma_semaphore, #tpu.memory_space<semaphore_mem>>)
    %dma_wait3A = arith.constant 0 : i32
    %dma_wait3A_32 = arith.constant 0 : i32
    %dma_wait3A_33 = tpu.memref_slice %arg11[%dma_wait3A, %dma_wait3A_32] : memref<1000000x64xf32, #tpu.memory_space<hbm>> -> memref<1000000x64xf32, #tpu.memory_space<hbm>>
    tpu.wait_indirect_dma semaphore(%arg47 : memref<!tpu.dma_semaphore, #tpu.memory_space<semaphore_mem>>) src(%dma_wait3A_33 : memref<1000000x64xf32, #tpu.memory_space<hbm>>) dst(%arg27 : memref<128x64xf32, #tpu.memory_space<vmem>>)
    %dma_wait3A_34 = arith.constant 0 : i32
    %dma_wait3A_35 = arith.constant 0 : i32
    %dma_wait3A_36 = tpu.memref_slice %arg11[%dma_wait3A_34, %dma_wait3A_35] : memref<1000000x64xf32, #tpu.memory_space<hbm>> -> memref<1000000x64xf32, #tpu.memory_space<hbm>>
    tpu.wait_indirect_dma semaphore(%arg47 : memref<!tpu.dma_semaphore, #tpu.memory_space<semaphore_mem>>) src(%dma_wait3A_36 : memref<1000000x64xf32, #tpu.memory_space<hbm>>) dst(%arg28 : memref<128x64xf32, #tpu.memory_space<vmem>>)
    %dma_wait3A_37 = arith.constant 0 : i32
    %dma_wait3A_38 = arith.constant 0 : i32
    %dma_wait3A_39 = tpu.memref_slice %arg12[%dma_wait3A_37, %dma_wait3A_38] : memref<1000x64xf32, #tpu.memory_space<hbm>> -> memref<1000x64xf32, #tpu.memory_space<hbm>>
    tpu.wait_indirect_dma semaphore(%arg47 : memref<!tpu.dma_semaphore, #tpu.memory_space<semaphore_mem>>) src(%dma_wait3A_39 : memref<1000x64xf32, #tpu.memory_space<hbm>>) dst(%arg29 : memref<128x64xf32, #tpu.memory_space<vmem>>)
    %dma_wait3A_40 = arith.constant 0 : i32
    %dma_wait3A_41 = arith.constant 0 : i32
    %dma_wait3A_42 = tpu.memref_slice %arg13[%dma_wait3A_40, %dma_wait3A_41] : memref<1000x64xf32, #tpu.memory_space<hbm>> -> memref<1000x64xf32, #tpu.memory_space<hbm>>
    tpu.wait_indirect_dma semaphore(%arg47 : memref<!tpu.dma_semaphore, #tpu.memory_space<semaphore_mem>>) src(%dma_wait3A_42 : memref<1000x64xf32, #tpu.memory_space<hbm>>) dst(%arg30 : memref<128x64xf32, #tpu.memory_space<vmem>>)
    %dma_wait3A_43 = arith.constant 0 : i32
    %dma_wait3A_44 = arith.constant 0 : i32
    %dma_wait3A_45 = tpu.memref_slice %arg11[%dma_wait3A_43, %dma_wait3A_44] : memref<1000000x64xf32, #tpu.memory_space<hbm>> -> memref<1000000x64xf32, #tpu.memory_space<hbm>>
    tpu.wait_indirect_dma semaphore(%arg47 : memref<!tpu.dma_semaphore, #tpu.memory_space<semaphore_mem>>) src(%dma_wait3A_45 : memref<1000000x64xf32, #tpu.memory_space<hbm>>) dst(%arg31 : memref<128x64xf32, #tpu.memory_space<vmem>>)
    %dma_wait3A_46 = arith.constant 0 : i32
    %dma_wait3A_47 = arith.constant 0 : i32
    %dma_wait3A_48 = tpu.memref_slice %arg11[%dma_wait3A_46, %dma_wait3A_47] : memref<1000000x64xf32, #tpu.memory_space<hbm>> -> memref<1000000x64xf32, #tpu.memory_space<hbm>>
    tpu.wait_indirect_dma semaphore(%arg47 : memref<!tpu.dma_semaphore, #tpu.memory_space<semaphore_mem>>) src(%dma_wait3A_48 : memref<1000000x64xf32, #tpu.memory_space<hbm>>) dst(%arg32 : memref<128x64xf32, #tpu.memory_space<vmem>>)
    %dma_wait3A_49 = arith.constant 0 : i32
    %dma_wait3A_50 = arith.constant 0 : i32
    %dma_wait3A_51 = tpu.memref_slice %arg12[%dma_wait3A_49, %dma_wait3A_50] : memref<1000x64xf32, #tpu.memory_space<hbm>> -> memref<1000x64xf32, #tpu.memory_space<hbm>>
    tpu.wait_indirect_dma semaphore(%arg47 : memref<!tpu.dma_semaphore, #tpu.memory_space<semaphore_mem>>) src(%dma_wait3A_51 : memref<1000x64xf32, #tpu.memory_space<hbm>>) dst(%arg33 : memref<128x64xf32, #tpu.memory_space<vmem>>)
    %dma_wait3A_52 = arith.constant 0 : i32
    %dma_wait3A_53 = arith.constant 0 : i32
    %dma_wait3A_54 = tpu.memref_slice %arg13[%dma_wait3A_52, %dma_wait3A_53] : memref<1000x64xf32, #tpu.memory_space<hbm>> -> memref<1000x64xf32, #tpu.memory_space<hbm>>
    tpu.wait_indirect_dma semaphore(%arg47 : memref<!tpu.dma_semaphore, #tpu.memory_space<semaphore_mem>>) src(%dma_wait3A_54 : memref<1000x64xf32, #tpu.memory_space<hbm>>) dst(%arg34 : memref<128x64xf32, #tpu.memory_space<vmem>>)
    %dma_wait3A_55 = arith.constant 0 : i32
    %dma_wait3A_56 = arith.constant 0 : i32
    %dma_wait3A_57 = tpu.memref_slice %arg11[%dma_wait3A_55, %dma_wait3A_56] : memref<1000000x64xf32, #tpu.memory_space<hbm>> -> memref<1000000x64xf32, #tpu.memory_space<hbm>>
    tpu.wait_indirect_dma semaphore(%arg47 : memref<!tpu.dma_semaphore, #tpu.memory_space<semaphore_mem>>) src(%dma_wait3A_57 : memref<1000000x64xf32, #tpu.memory_space<hbm>>) dst(%arg35 : memref<128x64xf32, #tpu.memory_space<vmem>>)
    %scan3A = arith.constant 0 : i32
    %scan3A_58 = arith.constant 0 : i32
    %scan3A_59 = arith.constant 8 : i32
    %scan3A_60 = arith.addi %scan3A_58, %scan3A_59 : i32
    %scan3A_61 = arith.constant 1 : i32
    scf.for %scan3A_269 = %scan3A_58 to %scan3A_60 step %scan3A_61  : i32 {
      %scan3A_270 = arith.constant 0 : i32
      %scan3A_271 = arith.constant 0 : i32
      %scan3A_272 = arith.constant 16 : i32
      %scan3A_273 = arith.addi %scan3A_271, %scan3A_272 : i32
      %scan3A_274 = arith.constant 1 : i32
      scf.for %scan3A_478 = %scan3A_271 to %scan3A_273 step %scan3A_274  : i32 {
        %mul3A_479 = arith.constant 16 : i32
        %mul3A_480 = arith.muli %scan3A_269, %mul3A_479 : i32
        %add3A_481 = arith.addi %mul3A_480, %scan3A_478 : i32
        %broadcast_in_dim3A_482 = arith.constant 0.000000e+00 : f32
        %broadcast_in_dim3A_483 = vector.broadcast %broadcast_in_dim3A_482 : f32 to vector<16xf32>
        %broadcast_in_dim3A_484 = arith.constant 0.000000e+00 : f32
        %broadcast_in_dim3A_485 = vector.broadcast %broadcast_in_dim3A_484 : f32 to vector<16xf32>
        %broadcast_in_dim3A_486 = arith.constant 0.000000e+00 : f32
        %broadcast_in_dim3A_487 = vector.broadcast %broadcast_in_dim3A_486 : f32 to vector<16xf32>
        %get3A_488 = arith.index_cast %add3A_481 : i32 to index
        %get3A_489 = arith.constant 0 : index
        %get3A_490 = tpu.vector_load %arg29[%get3A_488, %get3A_489] {strides = array<i32>} : memref<128x64xf32, #tpu.memory_space<vmem>>, vector<16xf32>,
        %sub3A_491 = arith.constant 1.000000e+00 : f32
        %sub3A_492 = vector.broadcast %sub3A_491 : f32 to vector<16xf32>
        %sub3A_493 = arith.subf %sub3A_492, %get3A_490 : vector<16xf32>
        %get3A_494 = arith.index_cast %add3A_481 : i32 to index
        %get3A_495 = arith.constant 0 : index
        %get3A_496 = tpu.vector_load %arg27[%get3A_494, %get3A_495] {strides = array<i32>} : memref<128x64xf32, #tpu.memory_space<vmem>>, vector<16xf32>,
        %mul3A_497 = arith.mulf %sub3A_493, %get3A_496 : vector<16xf32>
        %get3A_498 = arith.index_cast %add3A_481 : i32 to index
        %get3A_499 = arith.constant 0 : index
        %get3A_500 = tpu.vector_load %arg30[%get3A_498, %get3A_499] {strides = array<i32>} : memref<128x64xf32, #tpu.memory_space<vmem>>, vector<16xf32>,
        %sub3A_501 = arith.constant 1.000000e+00 : f32
        %sub3A_502 = vector.broadcast %sub3A_501 : f32 to vector<16xf32>
        %sub3A_503 = arith.subf %sub3A_502, %get3A_500 : vector<16xf32>
        %get3A_504 = arith.index_cast %add3A_481 : i32 to index
        %get3A_505 = arith.constant 0 : index
        %get3A_506 = tpu.vector_load %arg28[%get3A_504, %get3A_505] {strides = array<i32>} : memref<128x64xf32, #tpu.memory_space<vmem>>, vector<16xf32>,
        %mul3A_507 = arith.mulf %sub3A_503, %get3A_506 : vector<16xf32>
        %mul3A_508 = arith.mulf %mul3A_497, %mul3A_497 : vector<16xf32>
        %add3A_509 = arith.addf %broadcast_in_dim3A_483, %mul3A_508 : vector<16xf32>
        %mul3A_510 = arith.mulf %mul3A_507, %mul3A_507 : vector<16xf32>
        %add3A_511 = arith.addf %add3A_509, %mul3A_510 : vector<16xf32>
        %get3A_512 = arith.index_cast %add3A_481 : i32 to index
        %get3A_513 = arith.constant 0 : index
        %get3A_514 = tpu.vector_load %arg33[%get3A_512, %get3A_513] {strides = array<i32>} : memref<128x64xf32, #tpu.memory_space<vmem>>, vector<16xf32>,
        %sub3A_515 = arith.constant 1.000000e+00 : f32
        %sub3A_516 = vector.broadcast %sub3A_515 : f32 to vector<16xf32>
        %sub3A_517 = arith.subf %sub3A_516, %get3A_514 : vector<16xf32>
        %get3A_518 = arith.index_cast %add3A_481 : i32 to index
        %get3A_519 = arith.constant 0 : index
        %get3A_520 = tpu.vector_load %arg31[%get3A_518, %get3A_519] {strides = array<i32>} : memref<128x64xf32, #tpu.memory_space<vmem>>, vector<16xf32>,
        %mul3A_521 = arith.mulf %sub3A_517, %get3A_520 : vector<16xf32>
        %get3A_522 = arith.index_cast %add3A_481 : i32 to index
        %get3A_523 = arith.constant 0 : index
        %get3A_524 = tpu.vector_load %arg34[%get3A_522, %get3A_523] {strides = array<i32>} : memref<128x64xf32, #tpu.memory_space<vmem>>, vector<16xf32>,
        %sub3A_525 = arith.constant 1.000000e+00 : f32
        %sub3A_526 = vector.broadcast %sub3A_525 : f32 to vector<16xf32>
        %sub3A_527 = arith.subf %sub3A_526, %get3A_524 : vector<16xf32>
        %get3A_528 = arith.index_cast %add3A_481 : i32 to index
        %get3A_529 = arith.constant 0 : index
        %get3A_530 = tpu.vector_load %arg32[%get3A_528, %get3A_529] {strides = array<i32>} : memref<128x64xf32, #tpu.memory_space<vmem>>, vector<16xf32>,
        %mul3A_531 = arith.mulf %sub3A_527, %get3A_530 : vector<16xf32>
        %mul3A_532 = arith.mulf %mul3A_521, %mul3A_521 : vector<16xf32>
        %add3A_533 = arith.addf %broadcast_in_dim3A_485, %mul3A_532 : vector<16xf32>
        %mul3A_534 = arith.mulf %mul3A_531, %mul3A_531 : vector<16xf32>
        %add3A_535 = arith.addf %add3A_533, %mul3A_534 : vector<16xf32>
        %get3A_536 = arith.index_cast %add3A_481 : i32 to index
        %get3A_537 = arith.constant 0 : index
        %get3A_538 = tpu.vector_load %arg35[%get3A_536, %get3A_537] {strides = array<i32>} : memref<128x64xf32, #tpu.memory_space<vmem>>, vector<16xf32>,
        %mul3A_539 = arith.mulf %get3A_538, %get3A_538 : vector<16xf32>
        %add3A_540 = arith.addf %broadcast_in_dim3A_487, %mul3A_539 : vector<16xf32>
        %get3A_541 = arith.index_cast %add3A_481 : i32 to index
        %get3A_542 = arith.constant 16 : index
        %get3A_543 = tpu.vector_load %arg29[%get3A_541, %get3A_542] {strides = array<i32>} : memref<128x64xf32, #tpu.memory_space<vmem>>, vector<16xf32>,
        %sub3A_544 = arith.constant 1.000000e+00 : f32
        %sub3A_545 = vector.broadcast %sub3A_544 : f32 to vector<16xf32>
        %sub3A_546 = arith.subf %sub3A_545, %get3A_543 : vector<16xf32>
        %get3A_547 = arith.index_cast %add3A_481 : i32 to index
        %get3A_548 = arith.constant 16 : index
        %get3A_549 = tpu.vector_load %arg27[%get3A_547, %get3A_548] {strides = array<i32>} : memref<128x64xf32, #tpu.memory_space<vmem>>, vector<16xf32>,
        %mul3A_550 = arith.mulf %sub3A_546, %get3A_549 : vector<16xf32>
        %get3A_551 = arith.index_cast %add3A_481 : i32 to index
        %get3A_552 = arith.constant 16 : index
        %get3A_553 = tpu.vector_load %arg30[%get3A_551, %get3A_552] {strides = array<i32>} : memref<128x64xf32, #tpu.memory_space<vmem>>, vector<16xf32>,
        %sub3A_554 = arith.constant 1.000000e+00 : f32
        %sub3A_555 = vector.broadcast %sub3A_554 : f32 to vector<16xf32>
        %sub3A_556 = arith.subf %sub3A_555, %get3A_553 : vector<16xf32>
        %get3A_557 = arith.index_cast %add3A_481 : i32 to index
        %get3A_558 = arith.constant 16 : index
        %get3A_559 = tpu.vector_load %arg28[%get3A_557, %get3A_558] {strides = array<i32>} : memref<128x64xf32, #tpu.memory_space<vmem>>, vector<16xf32>,
        %mul3A_560 = arith.mulf %sub3A_556, %get3A_559 : vector<16xf32>
        %mul3A_561 = arith.mulf %mul3A_550, %mul3A_550 : vector<16xf32>
        %add3A_562 = arith.addf %add3A_511, %mul3A_561 : vector<16xf32>
        %mul3A_563 = arith.mulf %mul3A_560, %mul3A_560 : vector<16xf32>
        %add3A_564 = arith.addf %add3A_562, %mul3A_563 : vector<16xf32>
        %get3A_565 = arith.index_cast %add3A_481 : i32 to index
        %get3A_566 = arith.constant 16 : index
        %get3A_567 = tpu.vector_load %arg33[%get3A_565, %get3A_566] {strides = array<i32>} : memref<128x64xf32, #tpu.memory_space<vmem>>, vector<16xf32>,
        %sub3A_568 = arith.constant 1.000000e+00 : f32
        %sub3A_569 = vector.broadcast %sub3A_568 : f32 to vector<16xf32>
        %sub3A_570 = arith.subf %sub3A_569, %get3A_567 : vector<16xf32>
        %get3A_571 = arith.index_cast %add3A_481 : i32 to index
        %get3A_572 = arith.constant 16 : index
        %get3A_573 = tpu.vector_load %arg31[%get3A_571, %get3A_572] {strides = array<i32>} : memref<128x64xf32, #tpu.memory_space<vmem>>, vector<16xf32>,
        %mul3A_574 = arith.mulf %sub3A_570, %get3A_573 : vector<16xf32>
        %get3A_575 = arith.index_cast %add3A_481 : i32 to index
        %get3A_576 = arith.constant 16 : index
        %get3A_577 = tpu.vector_load %arg34[%get3A_575, %get3A_576] {strides = array<i32>} : memref<128x64xf32, #tpu.memory_space<vmem>>, vector<16xf32>,
        %sub3A_578 = arith.constant 1.000000e+00 : f32
        %sub3A_579 = vector.broadcast %sub3A_578 : f32 to vector<16xf32>
        %sub3A_580 = arith.subf %sub3A_579, %get3A_577 : vector<16xf32>
        %get3A_581 = arith.index_cast %add3A_481 : i32 to index
        %get3A_582 = arith.constant 16 : index
        %get3A_583 = tpu.vector_load %arg32[%get3A_581, %get3A_582] {strides = array<i32>} : memref<128x64xf32, #tpu.memory_space<vmem>>, vector<16xf32>,
        %mul3A_584 = arith.mulf %sub3A_580, %get3A_583 : vector<16xf32>
        %mul3A_585 = arith.mulf %mul3A_574, %mul3A_574 : vector<16xf32>
        %add3A_586 = arith.addf %add3A_535, %mul3A_585 : vector<16xf32>
        %mul3A_587 = arith.mulf %mul3A_584, %mul3A_584 : vector<16xf32>
        %add3A_588 = arith.addf %add3A_586, %mul3A_587 : vector<16xf32>
        %get3A_589 = arith.index_cast %add3A_481 : i32 to index
        %get3A_590 = arith.constant 16 : index
        %get3A_591 = tpu.vector_load %arg35[%get3A_589, %get3A_590] {strides = array<i32>} : memref<128x64xf32, #tpu.memory_space<vmem>>, vector<16xf32>,
        %mul3A_592 = arith.mulf %get3A_591, %get3A_591 : vector<16xf32>
        %add3A_593 = arith.addf %add3A_540, %mul3A_592 : vector<16xf32>
        %get3A_594 = arith.index_cast %add3A_481 : i32 to index
        %get3A_595 = arith.constant 32 : index
        %get3A_596 = tpu.vector_load %arg29[%get3A_594, %get3A_595] {strides = array<i32>} : memref<128x64xf32, #tpu.memory_space<vmem>>, vector<16xf32>,
        %sub3A_597 = arith.constant 1.000000e+00 : f32
        %sub3A_598 = vector.broadcast %sub3A_597 : f32 to vector<16xf32>
        %sub3A_599 = arith.subf %sub3A_598, %get3A_596 : vector<16xf32>
        %get3A_600 = arith.index_cast %add3A_481 : i32 to index
        %get3A_601 = arith.constant 32 : index
        %get3A_602 = tpu.vector_load %arg27[%get3A_600, %get3A_601] {strides = array<i32>} : memref<128x64xf32, #tpu.memory_space<vmem>>, vector<16xf32>,
        %mul3A_603 = arith.mulf %sub3A_599, %get3A_602 : vector<16xf32>
        %get3A_604 = arith.index_cast %add3A_481 : i32 to index
        %get3A_605 = arith.constant 32 : index
        %get3A_606 = tpu.vector_load %arg30[%get3A_604, %get3A_605] {strides = array<i32>} : memref<128x64xf32, #tpu.memory_space<vmem>>, vector<16xf32>,
        %sub3A_607 = arith.constant 1.000000e+00 : f32
        %sub3A_608 = vector.broadcast %sub3A_607 : f32 to vector<16xf32>
        %sub3A_609 = arith.subf %sub3A_608, %get3A_606 : vector<16xf32>
        %get3A_610 = arith.index_cast %add3A_481 : i32 to index
        %get3A_611 = arith.constant 32 : index
        %get3A_612 = tpu.vector_load %arg28[%get3A_610, %get3A_611] {strides = array<i32>} : memref<128x64xf32, #tpu.memory_space<vmem>>, vector<16xf32>,
        %mul3A_613 = arith.mulf %sub3A_609, %get3A_612 : vector<16xf32>
        %mul3A_614 = arith.mulf %mul3A_603, %mul3A_603 : vector<16xf32>
        %add3A_615 = arith.addf %add3A_564, %mul3A_614 : vector<16xf32>
        %mul3A_616 = arith.mulf %mul3A_613, %mul3A_613 : vector<16xf32>
        %add3A_617 = arith.addf %add3A_615, %mul3A_616 : vector<16xf32>
        %get3A_618 = arith.index_cast %add3A_481 : i32 to index
        %get3A_619 = arith.constant 32 : index
        %get3A_620 = tpu.vector_load %arg33[%get3A_618, %get3A_619] {strides = array<i32>} : memref<128x64xf32, #tpu.memory_space<vmem>>, vector<16xf32>,
        %sub3A_621 = arith.constant 1.000000e+00 : f32
        %sub3A_622 = vector.broadcast %sub3A_621 : f32 to vector<16xf32>
        %sub3A_623 = arith.subf %sub3A_622, %get3A_620 : vector<16xf32>
        %get3A_624 = arith.index_cast %add3A_481 : i32 to index
        %get3A_625 = arith.constant 32 : index
        %get3A_626 = tpu.vector_load %arg31[%get3A_624, %get3A_625] {strides = array<i32>} : memref<128x64xf32, #tpu.memory_space<vmem>>, vector<16xf32>,
        %mul3A_627 = arith.mulf %sub3A_623, %get3A_626 : vector<16xf32>
        %get3A_628 = arith.index_cast %add3A_481 : i32 to index
        %get3A_629 = arith.constant 32 : index
        %get3A_630 = tpu.vector_load %arg34[%get3A_628, %get3A_629] {strides = array<i32>} : memref<128x64xf32, #tpu.memory_space<vmem>>, vector<16xf32>,
        %sub3A_631 = arith.constant 1.000000e+00 : f32
        %sub3A_632 = vector.broadcast %sub3A_631 : f32 to vector<16xf32>
        %sub3A_633 = arith.subf %sub3A_632, %get3A_630 : vector<16xf32>
        %get3A_634 = arith.index_cast %add3A_481 : i32 to index
        %get3A_635 = arith.constant 32 : index
        %get3A_636 = tpu.vector_load %arg32[%get3A_634, %get3A_635] {strides = array<i32>} : memref<128x64xf32, #tpu.memory_space<vmem>>, vector<16xf32>,
        %mul3A_637 = arith.mulf %sub3A_633, %get3A_636 : vector<16xf32>
        %mul3A_638 = arith.mulf %mul3A_627, %mul3A_627 : vector<16xf32>
        %add3A_639 = arith.addf %add3A_588, %mul3A_638 : vector<16xf32>
        %mul3A_640 = arith.mulf %mul3A_637, %mul3A_637 : vector<16xf32>
        %add3A_641 = arith.addf %add3A_639, %mul3A_640 : vector<16xf32>
        %get3A_642 = arith.index_cast %add3A_481 : i32 to index
        %get3A_643 = arith.constant 32 : index
        %get3A_644 = tpu.vector_load %arg35[%get3A_642, %get3A_643] {strides = array<i32>} : memref<128x64xf32, #tpu.memory_space<vmem>>, vector<16xf32>,
        %mul3A_645 = arith.mulf %get3A_644, %get3A_644 : vector<16xf32>
        %add3A_646 = arith.addf %add3A_593, %mul3A_645 : vector<16xf32>
        %get3A_647 = arith.index_cast %add3A_481 : i32 to index
        %get3A_648 = arith.constant 48 : index
        %get3A_649 = tpu.vector_load %arg29[%get3A_647, %get3A_648] {strides = array<i32>} : memref<128x64xf32, #tpu.memory_space<vmem>>, vector<16xf32>,
        %sub3A_650 = arith.constant 1.000000e+00 : f32
        %sub3A_651 = vector.broadcast %sub3A_650 : f32 to vector<16xf32>
        %sub3A_652 = arith.subf %sub3A_651, %get3A_649 : vector<16xf32>
        %get3A_653 = arith.index_cast %add3A_481 : i32 to index
        %get3A_654 = arith.constant 48 : index
        %get3A_655 = tpu.vector_load %arg27[%get3A_653, %get3A_654] {strides = array<i32>} : memref<128x64xf32, #tpu.memory_space<vmem>>, vector<16xf32>,
        %mul3A_656 = arith.mulf %sub3A_652, %get3A_655 : vector<16xf32>
        %get3A_657 = arith.index_cast %add3A_481 : i32 to index
        %get3A_658 = arith.constant 48 : index
        %get3A_659 = tpu.vector_load %arg30[%get3A_657, %get3A_658] {strides = array<i32>} : memref<128x64xf32, #tpu.memory_space<vmem>>, vector<16xf32>,
        %sub3A_660 = arith.constant 1.000000e+00 : f32
        %sub3A_661 = vector.broadcast %sub3A_660 : f32 to vector<16xf32>
        %sub3A_662 = arith.subf %sub3A_661, %get3A_659 : vector<16xf32>
        %get3A_663 = arith.index_cast %add3A_481 : i32 to index
        %get3A_664 = arith.constant 48 : index
        %get3A_665 = tpu.vector_load %arg28[%get3A_663, %get3A_664] {strides = array<i32>} : memref<128x64xf32, #tpu.memory_space<vmem>>, vector<16xf32>,
        %mul3A_666 = arith.mulf %sub3A_662, %get3A_665 : vector<16xf32>
        %mul3A_667 = arith.mulf %mul3A_656, %mul3A_656 : vector<16xf32>
        %add3A_668 = arith.addf %add3A_617, %mul3A_667 : vector<16xf32>
        %mul3A_669 = arith.mulf %mul3A_666, %mul3A_666 : vector<16xf32>
        %add3A_670 = arith.addf %add3A_668, %mul3A_669 : vector<16xf32>
        %get3A_671 = arith.index_cast %add3A_481 : i32 to index
        %get3A_672 = arith.constant 48 : index
        %get3A_673 = tpu.vector_load %arg33[%get3A_671, %get3A_672] {strides = array<i32>} : memref<128x64xf32, #tpu.memory_space<vmem>>, vector<16xf32>,
        %sub3A_674 = arith.constant 1.000000e+00 : f32
        %sub3A_675 = vector.broadcast %sub3A_674 : f32 to vector<16xf32>
        %sub3A_676 = arith.subf %sub3A_675, %get3A_673 : vector<16xf32>
        %get3A_677 = arith.index_cast %add3A_481 : i32 to index
        %get3A_678 = arith.constant 48 : index
        %get3A_679 = tpu.vector_load %arg31[%get3A_677, %get3A_678] {strides = array<i32>} : memref<128x64xf32, #tpu.memory_space<vmem>>, vector<16xf32>,
        %mul3A_680 = arith.mulf %sub3A_676, %get3A_679 : vector<16xf32>
        %get3A_681 = arith.index_cast %add3A_481 : i32 to index
        %get3A_682 = arith.constant 48 : index
        %get3A_683 = tpu.vector_load %arg34[%get3A_681, %get3A_682] {strides = array<i32>} : memref<128x64xf32, #tpu.memory_space<vmem>>, vector<16xf32>,
        %sub3A_684 = arith.constant 1.000000e+00 : f32
        %sub3A_685 = vector.broadcast %sub3A_684 : f32 to vector<16xf32>
        %sub3A_686 = arith.subf %sub3A_685, %get3A_683 : vector<16xf32>
        %get3A_687 = arith.index_cast %add3A_481 : i32 to index
        %get3A_688 = arith.constant 48 : index
        %get3A_689 = tpu.vector_load %arg32[%get3A_687, %get3A_688] {strides = array<i32>} : memref<128x64xf32, #tpu.memory_space<vmem>>, vector<16xf32>,
        %mul3A_690 = arith.mulf %sub3A_686, %get3A_689 : vector<16xf32>
        %mul3A_691 = arith.mulf %mul3A_680, %mul3A_680 : vector<16xf32>
        %add3A_692 = arith.addf %add3A_641, %mul3A_691 : vector<16xf32>
        %mul3A_693 = arith.mulf %mul3A_690, %mul3A_690 : vector<16xf32>
        %add3A_694 = arith.addf %add3A_692, %mul3A_693 : vector<16xf32>
        %get3A_695 = arith.index_cast %add3A_481 : i32 to index
        %get3A_696 = arith.constant 48 : index
        %get3A_697 = tpu.vector_load %arg35[%get3A_695, %get3A_696] {strides = array<i32>} : memref<128x64xf32, #tpu.memory_space<vmem>>, vector<16xf32>,
        %mul3A_698 = arith.mulf %get3A_697, %get3A_697 : vector<16xf32>
        %add3A_699 = arith.addf %add3A_646, %mul3A_698 : vector<16xf32>
        %swap3A_700 = arith.index_cast %scan3A_478 : i32 to index
        %swap3A_701 = arith.constant 0 : index
        %swap3A_702 = tpu.vector_load %arg43[%swap3A_700, %swap3A_701] {strides = array<i32>} : memref<16x16xf32, #tpu.memory_space<vmem>>, vector<16xf32>,
        tpu.vector_store %arg43[%swap3A_700, %swap3A_701], %add3A_670 {strides = array<i32>} : memref<16x16xf32, #tpu.memory_space<vmem>>, vector<16xf32>,
        %swap3A_703 = arith.index_cast %scan3A_478 : i32 to index
        %swap3A_704 = arith.constant 0 : index
        %swap3A_705 = tpu.vector_load %arg44[%swap3A_703, %swap3A_704] {strides = array<i32>} : memref<16x16xf32, #tpu.memory_space<vmem>>, vector<16xf32>,
        tpu.vector_store %arg44[%swap3A_703, %swap3A_704], %add3A_694 {strides = array<i32>} : memref<16x16xf32, #tpu.memory_space<vmem>>, vector<16xf32>,
        %swap3A_706 = arith.index_cast %scan3A_478 : i32 to index
        %swap3A_707 = arith.constant 0 : index
        %swap3A_708 = tpu.vector_load %arg45[%swap3A_706, %swap3A_707] {strides = array<i32>} : memref<16x16xf32, #tpu.memory_space<vmem>>, vector<16xf32>,
        tpu.vector_store %arg45[%swap3A_706, %swap3A_707], %add3A_699 {strides = array<i32>} : memref<16x16xf32, #tpu.memory_space<vmem>>, vector<16xf32>,
      }
      %scan3A_275 = arith.constant 16 : i32
      %mul3A_276 = arith.constant 16 : i32
      %mul3A_277 = arith.muli %scan3A_269, %mul3A_276 : i32
      %add3A_278 = arith.constant 0 : i32
      %add3A_279 = arith.addi %add3A_278, %mul3A_277 : i32
      %broadcast_in_dim3A = arith.constant 0 : i32
      %broadcast_in_dim3A_280 = vector.broadcast %broadcast_in_dim3A : i32 to vector<16xi32>
      %gather3A = tpu.vector_load_idx %arg43[%iota3A, %broadcast_in_dim3A_280] : memref<16x16xf32, #tpu.memory_space<vmem>>[vector<16xi32>, vector<16xi32>], vector<16xf32>,
      %broadcast_in_dim3A_281 = arith.constant 1 : i32
      %broadcast_in_dim3A_282 = vector.broadcast %broadcast_in_dim3A_281 : i32 to vector<16xi32>
      %gather3A_283 = tpu.vector_load_idx %arg43[%iota3A, %broadcast_in_dim3A_282] : memref<16x16xf32, #tpu.memory_space<vmem>>[vector<16xi32>, vector<16xi32>], vector<16xf32>,
      %add3A_284 = arith.addf %gather3A, %gather3A_283 : vector<16xf32>
      %broadcast_in_dim3A_285 = arith.constant 2 : i32
      %broadcast_in_dim3A_286 = vector.broadcast %broadcast_in_dim3A_285 : i32 to vector<16xi32>
      %gather3A_287 = tpu.vector_load_idx %arg43[%iota3A, %broadcast_in_dim3A_286] : memref<16x16xf32, #tpu.memory_space<vmem>>[vector<16xi32>, vector<16xi32>], vector<16xf32>,
      %add3A_288 = arith.addf %add3A_284, %gather3A_287 : vector<16xf32>
      %broadcast_in_dim3A_289 = arith.constant 3 : i32
      %broadcast_in_dim3A_290 = vector.broadcast %broadcast_in_dim3A_289 : i32 to vector<16xi32>
      %gather3A_291 = tpu.vector_load_idx %arg43[%iota3A, %broadcast_in_dim3A_290] : memref<16x16xf32, #tpu.memory_space<vmem>>[vector<16xi32>, vector<16xi32>], vector<16xf32>,
      %add3A_292 = arith.addf %add3A_288, %gather3A_291 : vector<16xf32>
      %broadcast_in_dim3A_293 = arith.constant 4 : i32
      %broadcast_in_dim3A_294 = vector.broadcast %broadcast_in_dim3A_293 : i32 to vector<16xi32>
      %gather3A_295 = tpu.vector_load_idx %arg43[%iota3A, %broadcast_in_dim3A_294] : memref<16x16xf32, #tpu.memory_space<vmem>>[vector<16xi32>, vector<16xi32>], vector<16xf32>,
      %add3A_296 = arith.addf %add3A_292, %gather3A_295 : vector<16xf32>
      %broadcast_in_dim3A_297 = arith.constant 5 : i32
      %broadcast_in_dim3A_298 = vector.broadcast %broadcast_in_dim3A_297 : i32 to vector<16xi32>
      %gather3A_299 = tpu.vector_load_idx %arg43[%iota3A, %broadcast_in_dim3A_298] : memref<16x16xf32, #tpu.memory_space<vmem>>[vector<16xi32>, vector<16xi32>], vector<16xf32>,
      %add3A_300 = arith.addf %add3A_296, %gather3A_299 : vector<16xf32>
      %broadcast_in_dim3A_301 = arith.constant 6 : i32
      %broadcast_in_dim3A_302 = vector.broadcast %broadcast_in_dim3A_301 : i32 to vector<16xi32>
      %gather3A_303 = tpu.vector_load_idx %arg43[%iota3A, %broadcast_in_dim3A_302] : memref<16x16xf32, #tpu.memory_space<vmem>>[vector<16xi32>, vector<16xi32>], vector<16xf32>,
      %add3A_304 = arith.addf %add3A_300, %gather3A_303 : vector<16xf32>
      %broadcast_in_dim3A_305 = arith.constant 7 : i32
      %broadcast_in_dim3A_306 = vector.broadcast %broadcast_in_dim3A_305 : i32 to vector<16xi32>
      %gather3A_307 = tpu.vector_load_idx %arg43[%iota3A, %broadcast_in_dim3A_306] : memref<16x16xf32, #tpu.memory_space<vmem>>[vector<16xi32>, vector<16xi32>], vector<16xf32>,
      %add3A_308 = arith.addf %add3A_304, %gather3A_307 : vector<16xf32>
      %broadcast_in_dim3A_309 = arith.constant 8 : i32
      %broadcast_in_dim3A_310 = vector.broadcast %broadcast_in_dim3A_309 : i32 to vector<16xi32>
      %gather3A_311 = tpu.vector_load_idx %arg43[%iota3A, %broadcast_in_dim3A_310] : memref<16x16xf32, #tpu.memory_space<vmem>>[vector<16xi32>, vector<16xi32>], vector<16xf32>,
      %add3A_312 = arith.addf %add3A_308, %gather3A_311 : vector<16xf32>
      %broadcast_in_dim3A_313 = arith.constant 9 : i32
      %broadcast_in_dim3A_314 = vector.broadcast %broadcast_in_dim3A_313 : i32 to vector<16xi32>
      %gather3A_315 = tpu.vector_load_idx %arg43[%iota3A, %broadcast_in_dim3A_314] : memref<16x16xf32, #tpu.memory_space<vmem>>[vector<16xi32>, vector<16xi32>], vector<16xf32>,
      %add3A_316 = arith.addf %add3A_312, %gather3A_315 : vector<16xf32>
      %broadcast_in_dim3A_317 = arith.constant 10 : i32
      %broadcast_in_dim3A_318 = vector.broadcast %broadcast_in_dim3A_317 : i32 to vector<16xi32>
      %gather3A_319 = tpu.vector_load_idx %arg43[%iota3A, %broadcast_in_dim3A_318] : memref<16x16xf32, #tpu.memory_space<vmem>>[vector<16xi32>, vector<16xi32>], vector<16xf32>,
      %add3A_320 = arith.addf %add3A_316, %gather3A_319 : vector<16xf32>
      %broadcast_in_dim3A_321 = arith.constant 11 : i32
      %broadcast_in_dim3A_322 = vector.broadcast %broadcast_in_dim3A_321 : i32 to vector<16xi32>
      %gather3A_323 = tpu.vector_load_idx %arg43[%iota3A, %broadcast_in_dim3A_322] : memref<16x16xf32, #tpu.memory_space<vmem>>[vector<16xi32>, vector<16xi32>], vector<16xf32>,
      %add3A_324 = arith.addf %add3A_320, %gather3A_323 : vector<16xf32>
      %broadcast_in_dim3A_325 = arith.constant 12 : i32
      %broadcast_in_dim3A_326 = vector.broadcast %broadcast_in_dim3A_325 : i32 to vector<16xi32>
      %gather3A_327 = tpu.vector_load_idx %arg43[%iota3A, %broadcast_in_dim3A_326] : memref<16x16xf32, #tpu.memory_space<vmem>>[vector<16xi32>, vector<16xi32>], vector<16xf32>,
      %add3A_328 = arith.addf %add3A_324, %gather3A_327 : vector<16xf32>
      %broadcast_in_dim3A_329 = arith.constant 13 : i32
      %broadcast_in_dim3A_330 = vector.broadcast %broadcast_in_dim3A_329 : i32 to vector<16xi32>
      %gather3A_331 = tpu.vector_load_idx %arg43[%iota3A, %broadcast_in_dim3A_330] : memref<16x16xf32, #tpu.memory_space<vmem>>[vector<16xi32>, vector<16xi32>], vector<16xf32>,
      %add3A_332 = arith.addf %add3A_328, %gather3A_331 : vector<16xf32>
      %broadcast_in_dim3A_333 = arith.constant 14 : i32
      %broadcast_in_dim3A_334 = vector.broadcast %broadcast_in_dim3A_333 : i32 to vector<16xi32>
      %gather3A_335 = tpu.vector_load_idx %arg43[%iota3A, %broadcast_in_dim3A_334] : memref<16x16xf32, #tpu.memory_space<vmem>>[vector<16xi32>, vector<16xi32>], vector<16xf32>,
      %add3A_336 = arith.addf %add3A_332, %gather3A_335 : vector<16xf32>
      %broadcast_in_dim3A_337 = arith.constant 15 : i32
      %broadcast_in_dim3A_338 = vector.broadcast %broadcast_in_dim3A_337 : i32 to vector<16xi32>
      %gather3A_339 = tpu.vector_load_idx %arg43[%iota3A, %broadcast_in_dim3A_338] : memref<16x16xf32, #tpu.memory_space<vmem>>[vector<16xi32>, vector<16xi32>], vector<16xf32>,
      %add3A_340 = arith.addf %add3A_336, %gather3A_339 : vector<16xf32>
      %swap3A = arith.index_cast %add3A_279 : i32 to index
      %swap3A_341 = tpu.vector_load %arg38[%swap3A] {strides = array<i32>} : memref<512xf32, #tpu.memory_space<vmem>>, vector<16xf32>,
      tpu.vector_store %arg38[%swap3A], %add3A_340 {strides = array<i32>} : memref<512xf32, #tpu.memory_space<vmem>>, vector<16xf32>,
      %broadcast_in_dim3A_342 = arith.constant 0 : i32
      %broadcast_in_dim3A_343 = vector.broadcast %broadcast_in_dim3A_342 : i32 to vector<16xi32>
      %gather3A_344 = tpu.vector_load_idx %arg44[%iota3A, %broadcast_in_dim3A_343] : memref<16x16xf32, #tpu.memory_space<vmem>>[vector<16xi32>, vector<16xi32>], vector<16xf32>,
      %broadcast_in_dim3A_345 = arith.constant 1 : i32
      %broadcast_in_dim3A_346 = vector.broadcast %broadcast_in_dim3A_345 : i32 to vector<16xi32>
      %gather3A_347 = tpu.vector_load_idx %arg44[%iota3A, %broadcast_in_dim3A_346] : memref<16x16xf32, #tpu.memory_space<vmem>>[vector<16xi32>, vector<16xi32>], vector<16xf32>,
      %add3A_348 = arith.addf %gather3A_344, %gather3A_347 : vector<16xf32>
      %broadcast_in_dim3A_349 = arith.constant 2 : i32
      %broadcast_in_dim3A_350 = vector.broadcast %broadcast_in_dim3A_349 : i32 to vector<16xi32>
      %gather3A_351 = tpu.vector_load_idx %arg44[%iota3A, %broadcast_in_dim3A_350] : memref<16x16xf32, #tpu.memory_space<vmem>>[vector<16xi32>, vector<16xi32>], vector<16xf32>,
      %add3A_352 = arith.addf %add3A_348, %gather3A_351 : vector<16xf32>
      %broadcast_in_dim3A_353 = arith.constant 3 : i32
      %broadcast_in_dim3A_354 = vector.broadcast %broadcast_in_dim3A_353 : i32 to vector<16xi32>
      %gather3A_355 = tpu.vector_load_idx %arg44[%iota3A, %broadcast_in_dim3A_354] : memref<16x16xf32, #tpu.memory_space<vmem>>[vector<16xi32>, vector<16xi32>], vector<16xf32>,
      %add3A_356 = arith.addf %add3A_352, %gather3A_355 : vector<16xf32>
      %broadcast_in_dim3A_357 = arith.constant 4 : i32
      %broadcast_in_dim3A_358 = vector.broadcast %broadcast_in_dim3A_357 : i32 to vector<16xi32>
      %gather3A_359 = tpu.vector_load_idx %arg44[%iota3A, %broadcast_in_dim3A_358] : memref<16x16xf32, #tpu.memory_space<vmem>>[vector<16xi32>, vector<16xi32>], vector<16xf32>,
      %add3A_360 = arith.addf %add3A_356, %gather3A_359 : vector<16xf32>
      %broadcast_in_dim3A_361 = arith.constant 5 : i32
      %broadcast_in_dim3A_362 = vector.broadcast %broadcast_in_dim3A_361 : i32 to vector<16xi32>
      %gather3A_363 = tpu.vector_load_idx %arg44[%iota3A, %broadcast_in_dim3A_362] : memref<16x16xf32, #tpu.memory_space<vmem>>[vector<16xi32>, vector<16xi32>], vector<16xf32>,
      %add3A_364 = arith.addf %add3A_360, %gather3A_363 : vector<16xf32>
      %broadcast_in_dim3A_365 = arith.constant 6 : i32
      %broadcast_in_dim3A_366 = vector.broadcast %broadcast_in_dim3A_365 : i32 to vector<16xi32>
      %gather3A_367 = tpu.vector_load_idx %arg44[%iota3A, %broadcast_in_dim3A_366] : memref<16x16xf32, #tpu.memory_space<vmem>>[vector<16xi32>, vector<16xi32>], vector<16xf32>,
      %add3A_368 = arith.addf %add3A_364, %gather3A_367 : vector<16xf32>
      %broadcast_in_dim3A_369 = arith.constant 7 : i32
      %broadcast_in_dim3A_370 = vector.broadcast %broadcast_in_dim3A_369 : i32 to vector<16xi32>
      %gather3A_371 = tpu.vector_load_idx %arg44[%iota3A, %broadcast_in_dim3A_370] : memref<16x16xf32, #tpu.memory_space<vmem>>[vector<16xi32>, vector<16xi32>], vector<16xf32>,
      %add3A_372 = arith.addf %add3A_368, %gather3A_371 : vector<16xf32>
      %broadcast_in_dim3A_373 = arith.constant 8 : i32
      %broadcast_in_dim3A_374 = vector.broadcast %broadcast_in_dim3A_373 : i32 to vector<16xi32>
      %gather3A_375 = tpu.vector_load_idx %arg44[%iota3A, %broadcast_in_dim3A_374] : memref<16x16xf32, #tpu.memory_space<vmem>>[vector<16xi32>, vector<16xi32>], vector<16xf32>,
      %add3A_376 = arith.addf %add3A_372, %gather3A_375 : vector<16xf32>
      %broadcast_in_dim3A_377 = arith.constant 9 : i32
      %broadcast_in_dim3A_378 = vector.broadcast %broadcast_in_dim3A_377 : i32 to vector<16xi32>
      %gather3A_379 = tpu.vector_load_idx %arg44[%iota3A, %broadcast_in_dim3A_378] : memref<16x16xf32, #tpu.memory_space<vmem>>[vector<16xi32>, vector<16xi32>], vector<16xf32>,
      %add3A_380 = arith.addf %add3A_376, %gather3A_379 : vector<16xf32>
      %broadcast_in_dim3A_381 = arith.constant 10 : i32
      %broadcast_in_dim3A_382 = vector.broadcast %broadcast_in_dim3A_381 : i32 to vector<16xi32>
      %gather3A_383 = tpu.vector_load_idx %arg44[%iota3A, %broadcast_in_dim3A_382] : memref<16x16xf32, #tpu.memory_space<vmem>>[vector<16xi32>, vector<16xi32>], vector<16xf32>,
      %add3A_384 = arith.addf %add3A_380, %gather3A_383 : vector<16xf32>
      %broadcast_in_dim3A_385 = arith.constant 11 : i32
      %broadcast_in_dim3A_386 = vector.broadcast %broadcast_in_dim3A_385 : i32 to vector<16xi32>
      %gather3A_387 = tpu.vector_load_idx %arg44[%iota3A, %broadcast_in_dim3A_386] : memref<16x16xf32, #tpu.memory_space<vmem>>[vector<16xi32>, vector<16xi32>], vector<16xf32>,
      %add3A_388 = arith.addf %add3A_384, %gather3A_387 : vector<16xf32>
      %broadcast_in_dim3A_389 = arith.constant 12 : i32
      %broadcast_in_dim3A_390 = vector.broadcast %broadcast_in_dim3A_389 : i32 to vector<16xi32>
      %gather3A_391 = tpu.vector_load_idx %arg44[%iota3A, %broadcast_in_dim3A_390] : memref<16x16xf32, #tpu.memory_space<vmem>>[vector<16xi32>, vector<16xi32>], vector<16xf32>,
      %add3A_392 = arith.addf %add3A_388, %gather3A_391 : vector<16xf32>
      %broadcast_in_dim3A_393 = arith.constant 13 : i32
      %broadcast_in_dim3A_394 = vector.broadcast %broadcast_in_dim3A_393 : i32 to vector<16xi32>
      %gather3A_395 = tpu.vector_load_idx %arg44[%iota3A, %broadcast_in_dim3A_394] : memref<16x16xf32, #tpu.memory_space<vmem>>[vector<16xi32>, vector<16xi32>], vector<16xf32>,
      %add3A_396 = arith.addf %add3A_392, %gather3A_395 : vector<16xf32>
      %broadcast_in_dim3A_397 = arith.constant 14 : i32
      %broadcast_in_dim3A_398 = vector.broadcast %broadcast_in_dim3A_397 : i32 to vector<16xi32>
      %gather3A_399 = tpu.vector_load_idx %arg44[%iota3A, %broadcast_in_dim3A_398] : memref<16x16xf32, #tpu.memory_space<vmem>>[vector<16xi32>, vector<16xi32>], vector<16xf32>,
      %add3A_400 = arith.addf %add3A_396, %gather3A_399 : vector<16xf32>
      %broadcast_in_dim3A_401 = arith.constant 15 : i32
      %broadcast_in_dim3A_402 = vector.broadcast %broadcast_in_dim3A_401 : i32 to vector<16xi32>
      %gather3A_403 = tpu.vector_load_idx %arg44[%iota3A, %broadcast_in_dim3A_402] : memref<16x16xf32, #tpu.memory_space<vmem>>[vector<16xi32>, vector<16xi32>], vector<16xf32>,
      %add3A_404 = arith.addf %add3A_400, %gather3A_403 : vector<16xf32>
      %sub3A = arith.subf %get3A_3, %add3A_404 : vector<16xf32>
      %max3A = arith.constant 0.000000e+00 : f32
      %max3A_405 = vector.broadcast %max3A : f32 to vector<16xf32>
      %max3A_406 = arith.maximumf %sub3A, %max3A_405 : vector<16xf32>
      %swap3A_407 = arith.index_cast %add3A_279 : i32 to index
      %swap3A_408 = tpu.vector_load %arg39[%swap3A_407] {strides = array<i32>} : memref<512xf32, #tpu.memory_space<vmem>>, vector<16xf32>,
      tpu.vector_store %arg39[%swap3A_407], %max3A_406 {strides = array<i32>} : memref<512xf32, #tpu.memory_space<vmem>>, vector<16xf32>,
      %broadcast_in_dim3A_409 = arith.constant 0 : i32
      %broadcast_in_dim3A_410 = vector.broadcast %broadcast_in_dim3A_409 : i32 to vector<16xi32>
      %gather3A_411 = tpu.vector_load_idx %arg45[%iota3A, %broadcast_in_dim3A_410] : memref<16x16xf32, #tpu.memory_space<vmem>>[vector<16xi32>, vector<16xi32>], vector<16xf32>,
      %broadcast_in_dim3A_412 = arith.constant 1 : i32
      %broadcast_in_dim3A_413 = vector.broadcast %broadcast_in_dim3A_412 : i32 to vector<16xi32>
      %gather3A_414 = tpu.vector_load_idx %arg45[%iota3A, %broadcast_in_dim3A_413] : memref<16x16xf32, #tpu.memory_space<vmem>>[vector<16xi32>, vector<16xi32>], vector<16xf32>,
      %add3A_415 = arith.addf %gather3A_411, %gather3A_414 : vector<16xf32>
      %broadcast_in_dim3A_416 = arith.constant 2 : i32
      %broadcast_in_dim3A_417 = vector.broadcast %broadcast_in_dim3A_416 : i32 to vector<16xi32>
      %gather3A_418 = tpu.vector_load_idx %arg45[%iota3A, %broadcast_in_dim3A_417] : memref<16x16xf32, #tpu.memory_space<vmem>>[vector<16xi32>, vector<16xi32>], vector<16xf32>,
      %add3A_419 = arith.addf %add3A_415, %gather3A_418 : vector<16xf32>
      %broadcast_in_dim3A_420 = arith.constant 3 : i32
      %broadcast_in_dim3A_421 = vector.broadcast %broadcast_in_dim3A_420 : i32 to vector<16xi32>
      %gather3A_422 = tpu.vector_load_idx %arg45[%iota3A, %broadcast_in_dim3A_421] : memref<16x16xf32, #tpu.memory_space<vmem>>[vector<16xi32>, vector<16xi32>], vector<16xf32>,
      %add3A_423 = arith.addf %add3A_419, %gather3A_422 : vector<16xf32>
      %broadcast_in_dim3A_424 = arith.constant 4 : i32
      %broadcast_in_dim3A_425 = vector.broadcast %broadcast_in_dim3A_424 : i32 to vector<16xi32>
      %gather3A_426 = tpu.vector_load_idx %arg45[%iota3A, %broadcast_in_dim3A_425] : memref<16x16xf32, #tpu.memory_space<vmem>>[vector<16xi32>, vector<16xi32>], vector<16xf32>,
      %add3A_427 = arith.addf %add3A_423, %gather3A_426 : vector<16xf32>
      %broadcast_in_dim3A_428 = arith.constant 5 : i32
      %broadcast_in_dim3A_429 = vector.broadcast %broadcast_in_dim3A_428 : i32 to vector<16xi32>
      %gather3A_430 = tpu.vector_load_idx %arg45[%iota3A, %broadcast_in_dim3A_429] : memref<16x16xf32, #tpu.memory_space<vmem>>[vector<16xi32>, vector<16xi32>], vector<16xf32>,
      %add3A_431 = arith.addf %add3A_427, %gather3A_430 : vector<16xf32>
      %broadcast_in_dim3A_432 = arith.constant 6 : i32
      %broadcast_in_dim3A_433 = vector.broadcast %broadcast_in_dim3A_432 : i32 to vector<16xi32>
      %gather3A_434 = tpu.vector_load_idx %arg45[%iota3A, %broadcast_in_dim3A_433] : memref<16x16xf32, #tpu.memory_space<vmem>>[vector<16xi32>, vector<16xi32>], vector<16xf32>,
      %add3A_435 = arith.addf %add3A_431, %gather3A_434 : vector<16xf32>
      %broadcast_in_dim3A_436 = arith.constant 7 : i32
      %broadcast_in_dim3A_437 = vector.broadcast %broadcast_in_dim3A_436 : i32 to vector<16xi32>
      %gather3A_438 = tpu.vector_load_idx %arg45[%iota3A, %broadcast_in_dim3A_437] : memref<16x16xf32, #tpu.memory_space<vmem>>[vector<16xi32>, vector<16xi32>], vector<16xf32>,
      %add3A_439 = arith.addf %add3A_435, %gather3A_438 : vector<16xf32>
      %broadcast_in_dim3A_440 = arith.constant 8 : i32
      %broadcast_in_dim3A_441 = vector.broadcast %broadcast_in_dim3A_440 : i32 to vector<16xi32>
      %gather3A_442 = tpu.vector_load_idx %arg45[%iota3A, %broadcast_in_dim3A_441] : memref<16x16xf32, #tpu.memory_space<vmem>>[vector<16xi32>, vector<16xi32>], vector<16xf32>,
      %add3A_443 = arith.addf %add3A_439, %gather3A_442 : vector<16xf32>
      %broadcast_in_dim3A_444 = arith.constant 9 : i32
      %broadcast_in_dim3A_445 = vector.broadcast %broadcast_in_dim3A_444 : i32 to vector<16xi32>
      %gather3A_446 = tpu.vector_load_idx %arg45[%iota3A, %broadcast_in_dim3A_445] : memref<16x16xf32, #tpu.memory_space<vmem>>[vector<16xi32>, vector<16xi32>], vector<16xf32>,
      %add3A_447 = arith.addf %add3A_443, %gather3A_446 : vector<16xf32>
      %broadcast_in_dim3A_448 = arith.constant 10 : i32
      %broadcast_in_dim3A_449 = vector.broadcast %broadcast_in_dim3A_448 : i32 to vector<16xi32>
      %gather3A_450 = tpu.vector_load_idx %arg45[%iota3A, %broadcast_in_dim3A_449] : memref<16x16xf32, #tpu.memory_space<vmem>>[vector<16xi32>, vector<16xi32>], vector<16xf32>,
      %add3A_451 = arith.addf %add3A_447, %gather3A_450 : vector<16xf32>
      %broadcast_in_dim3A_452 = arith.constant 11 : i32
      %broadcast_in_dim3A_453 = vector.broadcast %broadcast_in_dim3A_452 : i32 to vector<16xi32>
      %gather3A_454 = tpu.vector_load_idx %arg45[%iota3A, %broadcast_in_dim3A_453] : memref<16x16xf32, #tpu.memory_space<vmem>>[vector<16xi32>, vector<16xi32>], vector<16xf32>,
      %add3A_455 = arith.addf %add3A_451, %gather3A_454 : vector<16xf32>
      %broadcast_in_dim3A_456 = arith.constant 12 : i32
      %broadcast_in_dim3A_457 = vector.broadcast %broadcast_in_dim3A_456 : i32 to vector<16xi32>
      %gather3A_458 = tpu.vector_load_idx %arg45[%iota3A, %broadcast_in_dim3A_457] : memref<16x16xf32, #tpu.memory_space<vmem>>[vector<16xi32>, vector<16xi32>], vector<16xf32>,
      %add3A_459 = arith.addf %add3A_455, %gather3A_458 : vector<16xf32>
      %broadcast_in_dim3A_460 = arith.constant 13 : i32
      %broadcast_in_dim3A_461 = vector.broadcast %broadcast_in_dim3A_460 : i32 to vector<16xi32>
      %gather3A_462 = tpu.vector_load_idx %arg45[%iota3A, %broadcast_in_dim3A_461] : memref<16x16xf32, #tpu.memory_space<vmem>>[vector<16xi32>, vector<16xi32>], vector<16xf32>,
      %add3A_463 = arith.addf %add3A_459, %gather3A_462 : vector<16xf32>
      %broadcast_in_dim3A_464 = arith.constant 14 : i32
      %broadcast_in_dim3A_465 = vector.broadcast %broadcast_in_dim3A_464 : i32 to vector<16xi32>
      %gather3A_466 = tpu.vector_load_idx %arg45[%iota3A, %broadcast_in_dim3A_465] : memref<16x16xf32, #tpu.memory_space<vmem>>[vector<16xi32>, vector<16xi32>], vector<16xf32>,
      %add3A_467 = arith.addf %add3A_463, %gather3A_466 : vector<16xf32>
      %broadcast_in_dim3A_468 = arith.constant 15 : i32
      %broadcast_in_dim3A_469 = vector.broadcast %broadcast_in_dim3A_468 : i32 to vector<16xi32>
      %gather3A_470 = tpu.vector_load_idx %arg45[%iota3A, %broadcast_in_dim3A_469] : memref<16x16xf32, #tpu.memory_space<vmem>>[vector<16xi32>, vector<16xi32>], vector<16xf32>,
      %add3A_471 = arith.addf %add3A_467, %gather3A_470 : vector<16xf32>
      %sub3A_472 = arith.constant 1.000000e+00 : f32
      %sub3A_473 = vector.broadcast %sub3A_472 : f32 to vector<16xf32>
      %sub3A_474 = arith.subf %add3A_471, %sub3A_473 : vector<16xf32>
      %mul3A_475 = arith.mulf %sub3A_474, %sub3A_474 : vector<16xf32>
      %swap3A_476 = arith.index_cast %add3A_279 : i32 to index
      %swap3A_477 = tpu.vector_load %arg40[%swap3A_476] {strides = array<i32>} : memref<512xf32, #tpu.memory_space<vmem>>, vector<16xf32>,
      tpu.vector_store %arg40[%swap3A_476], %mul3A_475 {strides = array<i32>} : memref<512xf32, #tpu.memory_space<vmem>>, vector<16xf32>,
    }
    %scan3A_62 = arith.constant 8 : i32
    %add3A_63 = arith.constant 128 : i32
    %add3A_64 = arith.addi %mul3A_2, %add3A_63 : i32
    "tpu.region"() ({
      %run_scoped3A = tpu.sem_alloc : memref<!tpu.dma_semaphore, #tpu.memory_space<semaphore_mem>>
      %dma_start3A_269 = tpu.memref_slice %arg3[%add3A_64] : memref<16384xi32, #tpu.memory_space<hbm>> -> memref<128xi32, #tpu.memory_space<hbm>>
      %dma_start3A_270 = tpu.memref_slice %arg3[%add3A_64] : memref<16384xi32, #tpu.memory_space<hbm>> -> memref<128xi32, #tpu.memory_space<hbm>>
      tpu.enqueue_dma source(%dma_start3A_270 : memref<128xi32, #tpu.memory_space<hbm>>) target(%arg19 : memref<128xi32, #tpu.memory_space<vmem>>) target_semaphore(%run_scoped3A : memref<!tpu.dma_semaphore, #tpu.memory_space<semaphore_mem>>)
      %dma_wait3A_271 = tpu.memref_slice %arg3[%add3A_64] : memref<16384xi32, #tpu.memory_space<hbm>> -> memref<128xi32, #tpu.memory_space<hbm>>
      %dma_wait3A_272 = tpu.memref_slice %arg3[%add3A_64] : memref<16384xi32, #tpu.memory_space<hbm>> -> memref<128xi32, #tpu.memory_space<hbm>>
      tpu.wait_dma2 semaphore(%run_scoped3A : memref<!tpu.dma_semaphore, #tpu.memory_space<semaphore_mem>>) src(%dma_wait3A_272 : memref<128xi32, #tpu.memory_space<hbm>>) dst(%arg19 : memref<128xi32, #tpu.memory_space<vmem>>)
      tpu.yield
    }) : () -> ()
    "tpu.region"() ({
      %run_scoped3A = tpu.sem_alloc : memref<!tpu.dma_semaphore, #tpu.memory_space<semaphore_mem>>
      %dma_start3A_269 = tpu.memref_slice %arg4[%add3A_64] : memref<16384xi32, #tpu.memory_space<hbm>> -> memref<128xi32, #tpu.memory_space<hbm>>
      %dma_start3A_270 = tpu.memref_slice %arg4[%add3A_64] : memref<16384xi32, #tpu.memory_space<hbm>> -> memref<128xi32, #tpu.memory_space<hbm>>
      tpu.enqueue_dma source(%dma_start3A_270 : memref<128xi32, #tpu.memory_space<hbm>>) target(%arg20 : memref<128xi32, #tpu.memory_space<vmem>>) target_semaphore(%run_scoped3A : memref<!tpu.dma_semaphore, #tpu.memory_space<semaphore_mem>>)
      %dma_wait3A_271 = tpu.memref_slice %arg4[%add3A_64] : memref<16384xi32, #tpu.memory_space<hbm>> -> memref<128xi32, #tpu.memory_space<hbm>>
      %dma_wait3A_272 = tpu.memref_slice %arg4[%add3A_64] : memref<16384xi32, #tpu.memory_space<hbm>> -> memref<128xi32, #tpu.memory_space<hbm>>
      tpu.wait_dma2 semaphore(%run_scoped3A : memref<!tpu.dma_semaphore, #tpu.memory_space<semaphore_mem>>) src(%dma_wait3A_272 : memref<128xi32, #tpu.memory_space<hbm>>) dst(%arg20 : memref<128xi32, #tpu.memory_space<vmem>>)
      tpu.yield
    }) : () -> ()
    "tpu.region"() ({
      %run_scoped3A = tpu.sem_alloc : memref<!tpu.dma_semaphore, #tpu.memory_space<semaphore_mem>>
      %dma_start3A_269 = tpu.memref_slice %arg5[%add3A_64] : memref<16384xi32, #tpu.memory_space<hbm>> -> memref<128xi32, #tpu.memory_space<hbm>>
      %dma_start3A_270 = tpu.memref_slice %arg5[%add3A_64] : memref<16384xi32, #tpu.memory_space<hbm>> -> memref<128xi32, #tpu.memory_space<hbm>>
      tpu.enqueue_dma source(%dma_start3A_270 : memref<128xi32, #tpu.memory_space<hbm>>) target(%arg21 : memref<128xi32, #tpu.memory_space<vmem>>) target_semaphore(%run_scoped3A : memref<!tpu.dma_semaphore, #tpu.memory_space<semaphore_mem>>)
      %dma_wait3A_271 = tpu.memref_slice %arg5[%add3A_64] : memref<16384xi32, #tpu.memory_space<hbm>> -> memref<128xi32, #tpu.memory_space<hbm>>
      %dma_wait3A_272 = tpu.memref_slice %arg5[%add3A_64] : memref<16384xi32, #tpu.memory_space<hbm>> -> memref<128xi32, #tpu.memory_space<hbm>>
      tpu.wait_dma2 semaphore(%run_scoped3A : memref<!tpu.dma_semaphore, #tpu.memory_space<semaphore_mem>>) src(%dma_wait3A_272 : memref<128xi32, #tpu.memory_space<hbm>>) dst(%arg21 : memref<128xi32, #tpu.memory_space<vmem>>)
      tpu.yield
    }) : () -> ()
    "tpu.region"() ({
      %run_scoped3A = tpu.sem_alloc : memref<!tpu.dma_semaphore, #tpu.memory_space<semaphore_mem>>
      %dma_start3A_269 = tpu.memref_slice %arg6[%add3A_64] : memref<16384xi32, #tpu.memory_space<hbm>> -> memref<128xi32, #tpu.memory_space<hbm>>
      %dma_start3A_270 = tpu.memref_slice %arg6[%add3A_64] : memref<16384xi32, #tpu.memory_space<hbm>> -> memref<128xi32, #tpu.memory_space<hbm>>
      tpu.enqueue_dma source(%dma_start3A_270 : memref<128xi32, #tpu.memory_space<hbm>>) target(%arg22 : memref<128xi32, #tpu.memory_space<vmem>>) target_semaphore(%run_scoped3A : memref<!tpu.dma_semaphore, #tpu.memory_space<semaphore_mem>>)
      %dma_wait3A_271 = tpu.memref_slice %arg6[%add3A_64] : memref<16384xi32, #tpu.memory_space<hbm>> -> memref<128xi32, #tpu.memory_space<hbm>>
      %dma_wait3A_272 = tpu.memref_slice %arg6[%add3A_64] : memref<16384xi32, #tpu.memory_space<hbm>> -> memref<128xi32, #tpu.memory_space<hbm>>
      tpu.wait_dma2 semaphore(%run_scoped3A : memref<!tpu.dma_semaphore, #tpu.memory_space<semaphore_mem>>) src(%dma_wait3A_272 : memref<128xi32, #tpu.memory_space<hbm>>) dst(%arg22 : memref<128xi32, #tpu.memory_space<vmem>>)
      tpu.yield
    }) : () -> ()
    "tpu.region"() ({
      %run_scoped3A = tpu.sem_alloc : memref<!tpu.dma_semaphore, #tpu.memory_space<semaphore_mem>>
      %dma_start3A_269 = tpu.memref_slice %arg7[%add3A_64] : memref<16384xi32, #tpu.memory_space<hbm>> -> memref<128xi32, #tpu.memory_space<hbm>>
      %dma_start3A_270 = tpu.memref_slice %arg7[%add3A_64] : memref<16384xi32, #tpu.memory_space<hbm>> -> memref<128xi32, #tpu.memory_space<hbm>>
      tpu.enqueue_dma source(%dma_start3A_270 : memref<128xi32, #tpu.memory_space<hbm>>) target(%arg23 : memref<128xi32, #tpu.memory_space<vmem>>) target_semaphore(%run_scoped3A : memref<!tpu.dma_semaphore, #tpu.memory_space<semaphore_mem>>)
      %dma_wait3A_271 = tpu.memref_slice %arg7[%add3A_64] : memref<16384xi32, #tpu.memory_space<hbm>> -> memref<128xi32, #tpu.memory_space<hbm>>
      %dma_wait3A_272 = tpu.memref_slice %arg7[%add3A_64] : memref<16384xi32, #tpu.memory_space<hbm>> -> memref<128xi32, #tpu.memory_space<hbm>>
      tpu.wait_dma2 semaphore(%run_scoped3A : memref<!tpu.dma_semaphore, #tpu.memory_space<semaphore_mem>>) src(%dma_wait3A_272 : memref<128xi32, #tpu.memory_space<hbm>>) dst(%arg23 : memref<128xi32, #tpu.memory_space<vmem>>)
      tpu.yield
    }) : () -> ()
    "tpu.region"() ({
      %run_scoped3A = tpu.sem_alloc : memref<!tpu.dma_semaphore, #tpu.memory_space<semaphore_mem>>
      %dma_start3A_269 = tpu.memref_slice %arg8[%add3A_64] : memref<16384xi32, #tpu.memory_space<hbm>> -> memref<128xi32, #tpu.memory_space<hbm>>
      %dma_start3A_270 = tpu.memref_slice %arg8[%add3A_64] : memref<16384xi32, #tpu.memory_space<hbm>> -> memref<128xi32, #tpu.memory_space<hbm>>
      tpu.enqueue_dma source(%dma_start3A_270 : memref<128xi32, #tpu.memory_space<hbm>>) target(%arg24 : memref<128xi32, #tpu.memory_space<vmem>>) target_semaphore(%run_scoped3A : memref<!tpu.dma_semaphore, #tpu.memory_space<semaphore_mem>>)
      %dma_wait3A_271 = tpu.memref_slice %arg8[%add3A_64] : memref<16384xi32, #tpu.memory_space<hbm>> -> memref<128xi32, #tpu.memory_space<hbm>>
      %dma_wait3A_272 = tpu.memref_slice %arg8[%add3A_64] : memref<16384xi32, #tpu.memory_space<hbm>> -> memref<128xi32, #tpu.memory_space<hbm>>
      tpu.wait_dma2 semaphore(%run_scoped3A : memref<!tpu.dma_semaphore, #tpu.memory_space<semaphore_mem>>) src(%dma_wait3A_272 : memref<128xi32, #tpu.memory_space<hbm>>) dst(%arg24 : memref<128xi32, #tpu.memory_space<vmem>>)
      tpu.yield
    }) : () -> ()
    "tpu.region"() ({
      %run_scoped3A = tpu.sem_alloc : memref<!tpu.dma_semaphore, #tpu.memory_space<semaphore_mem>>
      %dma_start3A_269 = tpu.memref_slice %arg9[%add3A_64] : memref<16384xi32, #tpu.memory_space<hbm>> -> memref<128xi32, #tpu.memory_space<hbm>>
      %dma_start3A_270 = tpu.memref_slice %arg9[%add3A_64] : memref<16384xi32, #tpu.memory_space<hbm>> -> memref<128xi32, #tpu.memory_space<hbm>>
      tpu.enqueue_dma source(%dma_start3A_270 : memref<128xi32, #tpu.memory_space<hbm>>) target(%arg25 : memref<128xi32, #tpu.memory_space<vmem>>) target_semaphore(%run_scoped3A : memref<!tpu.dma_semaphore, #tpu.memory_space<semaphore_mem>>)
      %dma_wait3A_271 = tpu.memref_slice %arg9[%add3A_64] : memref<16384xi32, #tpu.memory_space<hbm>> -> memref<128xi32, #tpu.memory_space<hbm>>
      %dma_wait3A_272 = tpu.memref_slice %arg9[%add3A_64] : memref<16384xi32, #tpu.memory_space<hbm>> -> memref<128xi32, #tpu.memory_space<hbm>>
      tpu.wait_dma2 semaphore(%run_scoped3A : memref<!tpu.dma_semaphore, #tpu.memory_space<semaphore_mem>>) src(%dma_wait3A_272 : memref<128xi32, #tpu.memory_space<hbm>>) dst(%arg25 : memref<128xi32, #tpu.memory_space<vmem>>)
      tpu.yield
    }) : () -> ()
    %dma_start3A_65 = arith.constant 0 : i32
    %dma_start3A_66 = arith.constant 0 : i32
    %dma_start3A_67 = tpu.memref_slice %arg11[%dma_start3A_65, %dma_start3A_66] : memref<1000000x64xf32, #tpu.memory_space<hbm>> -> memref<1000000x64xf32, #tpu.memory_space<hbm>>
    tpu.enqueue_indirect_dma source(%dma_start3A_67 : memref<1000000x64xf32, #tpu.memory_space<hbm>>) target(%arg27 : memref<128x64xf32, #tpu.memory_space<vmem>>) offsets(%arg19 : memref<128xi32, #tpu.memory_space<vmem>>) semaphore(%arg47 : memref<!tpu.dma_semaphore, #tpu.memory_space<semaphore_mem>>)
    %dma_start3A_68 = arith.constant 0 : i32
    %dma_start3A_69 = arith.constant 0 : i32
    %dma_start3A_70 = tpu.memref_slice %arg11[%dma_start3A_68, %dma_start3A_69] : memref<1000000x64xf32, #tpu.memory_space<hbm>> -> memref<1000000x64xf32, #tpu.memory_space<hbm>>
    tpu.enqueue_indirect_dma source(%dma_start3A_70 : memref<1000000x64xf32, #tpu.memory_space<hbm>>) target(%arg28 : memref<128x64xf32, #tpu.memory_space<vmem>>) offsets(%arg20 : memref<128xi32, #tpu.memory_space<vmem>>) semaphore(%arg47 : memref<!tpu.dma_semaphore, #tpu.memory_space<semaphore_mem>>)
    %dma_start3A_71 = arith.constant 0 : i32
    %dma_start3A_72 = arith.constant 0 : i32
    %dma_start3A_73 = tpu.memref_slice %arg12[%dma_start3A_71, %dma_start3A_72] : memref<1000x64xf32, #tpu.memory_space<hbm>> -> memref<1000x64xf32, #tpu.memory_space<hbm>>
    tpu.enqueue_indirect_dma source(%dma_start3A_73 : memref<1000x64xf32, #tpu.memory_space<hbm>>) target(%arg29 : memref<128x64xf32, #tpu.memory_space<vmem>>) offsets(%arg21 : memref<128xi32, #tpu.memory_space<vmem>>) semaphore(%arg47 : memref<!tpu.dma_semaphore, #tpu.memory_space<semaphore_mem>>)
    %dma_start3A_74 = arith.constant 0 : i32
    %dma_start3A_75 = arith.constant 0 : i32
    %dma_start3A_76 = tpu.memref_slice %arg13[%dma_start3A_74, %dma_start3A_75] : memref<1000x64xf32, #tpu.memory_space<hbm>> -> memref<1000x64xf32, #tpu.memory_space<hbm>>
    tpu.enqueue_indirect_dma source(%dma_start3A_76 : memref<1000x64xf32, #tpu.memory_space<hbm>>) target(%arg30 : memref<128x64xf32, #tpu.memory_space<vmem>>) offsets(%arg21 : memref<128xi32, #tpu.memory_space<vmem>>) semaphore(%arg47 : memref<!tpu.dma_semaphore, #tpu.memory_space<semaphore_mem>>)
    %dma_start3A_77 = arith.constant 0 : i32
    %dma_start3A_78 = arith.constant 0 : i32
    %dma_start3A_79 = tpu.memref_slice %arg11[%dma_start3A_77, %dma_start3A_78] : memref<1000000x64xf32, #tpu.memory_space<hbm>> -> memref<1000000x64xf32, #tpu.memory_space<hbm>>
    tpu.enqueue_indirect_dma source(%dma_start3A_79 : memref<1000000x64xf32, #tpu.memory_space<hbm>>) target(%arg31 : memref<128x64xf32, #tpu.memory_space<vmem>>) offsets(%arg22 : memref<128xi32, #tpu.memory_space<vmem>>) semaphore(%arg47 : memref<!tpu.dma_semaphore, #tpu.memory_space<semaphore_mem>>)
    %dma_start3A_80 = arith.constant 0 : i32
    %dma_start3A_81 = arith.constant 0 : i32
    %dma_start3A_82 = tpu.memref_slice %arg11[%dma_start3A_80, %dma_start3A_81] : memref<1000000x64xf32, #tpu.memory_space<hbm>> -> memref<1000000x64xf32, #tpu.memory_space<hbm>>
    tpu.enqueue_indirect_dma source(%dma_start3A_82 : memref<1000000x64xf32, #tpu.memory_space<hbm>>) target(%arg32 : memref<128x64xf32, #tpu.memory_space<vmem>>) offsets(%arg23 : memref<128xi32, #tpu.memory_space<vmem>>) semaphore(%arg47 : memref<!tpu.dma_semaphore, #tpu.memory_space<semaphore_mem>>)
    %dma_start3A_83 = arith.constant 0 : i32
    %dma_start3A_84 = arith.constant 0 : i32
    %dma_start3A_85 = tpu.memref_slice %arg12[%dma_start3A_83, %dma_start3A_84] : memref<1000x64xf32, #tpu.memory_space<hbm>> -> memref<1000x64xf32, #tpu.memory_space<hbm>>
    tpu.enqueue_indirect_dma source(%dma_start3A_85 : memref<1000x64xf32, #tpu.memory_space<hbm>>) target(%arg33 : memref<128x64xf32, #tpu.memory_space<vmem>>) offsets(%arg24 : memref<128xi32, #tpu.memory_space<vmem>>) semaphore(%arg47 : memref<!tpu.dma_semaphore, #tpu.memory_space<semaphore_mem>>)
    %dma_start3A_86 = arith.constant 0 : i32
    %dma_start3A_87 = arith.constant 0 : i32
    %dma_start3A_88 = tpu.memref_slice %arg13[%dma_start3A_86, %dma_start3A_87] : memref<1000x64xf32, #tpu.memory_space<hbm>> -> memref<1000x64xf32, #tpu.memory_space<hbm>>
    tpu.enqueue_indirect_dma source(%dma_start3A_88 : memref<1000x64xf32, #tpu.memory_space<hbm>>) target(%arg34 : memref<128x64xf32, #tpu.memory_space<vmem>>) offsets(%arg24 : memref<128xi32, #tpu.memory_space<vmem>>) semaphore(%arg47 : memref<!tpu.dma_semaphore, #tpu.memory_space<semaphore_mem>>)
    %dma_start3A_89 = arith.constant 0 : i32
    %dma_start3A_90 = arith.constant 0 : i32
    %dma_start3A_91 = tpu.memref_slice %arg11[%dma_start3A_89, %dma_start3A_90] : memref<1000000x64xf32, #tpu.memory_space<hbm>> -> memref<1000000x64xf32, #tpu.memory_space<hbm>>
    tpu.enqueue_indirect_dma source(%dma_start3A_91 : memref<1000000x64xf32, #tpu.memory_space<hbm>>) target(%arg35 : memref<128x64xf32, #tpu.memory_space<vmem>>) offsets(%arg25 : memref<128xi32, #tpu.memory_space<vmem>>) semaphore(%arg47 : memref<!tpu.dma_semaphore, #tpu.memory_space<semaphore_mem>>)
    %dma_wait3A_92 = arith.constant 0 : i32
    %dma_wait3A_93 = arith.constant 0 : i32
    %dma_wait3A_94 = tpu.memref_slice %arg11[%dma_wait3A_92, %dma_wait3A_93] : memref<1000000x64xf32, #tpu.memory_space<hbm>> -> memref<1000000x64xf32, #tpu.memory_space<hbm>>
    tpu.wait_indirect_dma semaphore(%arg47 : memref<!tpu.dma_semaphore, #tpu.memory_space<semaphore_mem>>) src(%dma_wait3A_94 : memref<1000000x64xf32, #tpu.memory_space<hbm>>) dst(%arg27 : memref<128x64xf32, #tpu.memory_space<vmem>>)
    %dma_wait3A_95 = arith.constant 0 : i32
    %dma_wait3A_96 = arith.constant 0 : i32
    %dma_wait3A_97 = tpu.memref_slice %arg11[%dma_wait3A_95, %dma_wait3A_96] : memref<1000000x64xf32, #tpu.memory_space<hbm>> -> memref<1000000x64xf32, #tpu.memory_space<hbm>>
    tpu.wait_indirect_dma semaphore(%arg47 : memref<!tpu.dma_semaphore, #tpu.memory_space<semaphore_mem>>) src(%dma_wait3A_97 : memref<1000000x64xf32, #tpu.memory_space<hbm>>) dst(%arg28 : memref<128x64xf32, #tpu.memory_space<vmem>>)
    %dma_wait3A_98 = arith.constant 0 : i32
    %dma_wait3A_99 = arith.constant 0 : i32
    %dma_wait3A_100 = tpu.memref_slice %arg12[%dma_wait3A_98, %dma_wait3A_99] : memref<1000x64xf32, #tpu.memory_space<hbm>> -> memref<1000x64xf32, #tpu.memory_space<hbm>>
    tpu.wait_indirect_dma semaphore(%arg47 : memref<!tpu.dma_semaphore, #tpu.memory_space<semaphore_mem>>) src(%dma_wait3A_100 : memref<1000x64xf32, #tpu.memory_space<hbm>>) dst(%arg29 : memref<128x64xf32, #tpu.memory_space<vmem>>)
    %dma_wait3A_101 = arith.constant 0 : i32
    %dma_wait3A_102 = arith.constant 0 : i32
    %dma_wait3A_103 = tpu.memref_slice %arg13[%dma_wait3A_101, %dma_wait3A_102] : memref<1000x64xf32, #tpu.memory_space<hbm>> -> memref<1000x64xf32, #tpu.memory_space<hbm>>
    tpu.wait_indirect_dma semaphore(%arg47 : memref<!tpu.dma_semaphore, #tpu.memory_space<semaphore_mem>>) src(%dma_wait3A_103 : memref<1000x64xf32, #tpu.memory_space<hbm>>) dst(%arg30 : memref<128x64xf32, #tpu.memory_space<vmem>>)
    %dma_wait3A_104 = arith.constant 0 : i32
    %dma_wait3A_105 = arith.constant 0 : i32
    %dma_wait3A_106 = tpu.memref_slice %arg11[%dma_wait3A_104, %dma_wait3A_105] : memref<1000000x64xf32, #tpu.memory_space<hbm>> -> memref<1000000x64xf32, #tpu.memory_space<hbm>>
    tpu.wait_indirect_dma semaphore(%arg47 : memref<!tpu.dma_semaphore, #tpu.memory_space<semaphore_mem>>) src(%dma_wait3A_106 : memref<1000000x64xf32, #tpu.memory_space<hbm>>) dst(%arg31 : memref<128x64xf32, #tpu.memory_space<vmem>>)
    %dma_wait3A_107 = arith.constant 0 : i32
    %dma_wait3A_108 = arith.constant 0 : i32
    %dma_wait3A_109 = tpu.memref_slice %arg11[%dma_wait3A_107, %dma_wait3A_108] : memref<1000000x64xf32, #tpu.memory_space<hbm>> -> memref<1000000x64xf32, #tpu.memory_space<hbm>>
    tpu.wait_indirect_dma semaphore(%arg47 : memref<!tpu.dma_semaphore, #tpu.memory_space<semaphore_mem>>) src(%dma_wait3A_109 : memref<1000000x64xf32, #tpu.memory_space<hbm>>) dst(%arg32 : memref<128x64xf32, #tpu.memory_space<vmem>>)
    %dma_wait3A_110 = arith.constant 0 : i32
    %dma_wait3A_111 = arith.constant 0 : i32
    %dma_wait3A_112 = tpu.memref_slice %arg12[%dma_wait3A_110, %dma_wait3A_111] : memref<1000x64xf32, #tpu.memory_space<hbm>> -> memref<1000x64xf32, #tpu.memory_space<hbm>>
    tpu.wait_indirect_dma semaphore(%arg47 : memref<!tpu.dma_semaphore, #tpu.memory_space<semaphore_mem>>) src(%dma_wait3A_112 : memref<1000x64xf32, #tpu.memory_space<hbm>>) dst(%arg33 : memref<128x64xf32, #tpu.memory_space<vmem>>)
    %dma_wait3A_113 = arith.constant 0 : i32
    %dma_wait3A_114 = arith.constant 0 : i32
    %dma_wait3A_115 = tpu.memref_slice %arg13[%dma_wait3A_113, %dma_wait3A_114] : memref<1000x64xf32, #tpu.memory_space<hbm>> -> memref<1000x64xf32, #tpu.memory_space<hbm>>
    tpu.wait_indirect_dma semaphore(%arg47 : memref<!tpu.dma_semaphore, #tpu.memory_space<semaphore_mem>>) src(%dma_wait3A_115 : memref<1000x64xf32, #tpu.memory_space<hbm>>) dst(%arg34 : memref<128x64xf32, #tpu.memory_space<vmem>>)
    %dma_wait3A_116 = arith.constant 0 : i32
    %dma_wait3A_117 = arith.constant 0 : i32
    %dma_wait3A_118 = tpu.memref_slice %arg11[%dma_wait3A_116, %dma_wait3A_117] : memref<1000000x64xf32, #tpu.memory_space<hbm>> -> memref<1000000x64xf32, #tpu.memory_space<hbm>>
    tpu.wait_indirect_dma semaphore(%arg47 : memref<!tpu.dma_semaphore, #tpu.memory_space<semaphore_mem>>) src(%dma_wait3A_118 : memref<1000000x64xf32, #tpu.memory_space<hbm>>) dst(%arg35 : memref<128x64xf32, #tpu.memory_space<vmem>>)
    %scan3A_119 = arith.constant 0 : i32
    %scan3A_120 = arith.constant 0 : i32
    %scan3A_121 = arith.constant 8 : i32
    %scan3A_122 = arith.addi %scan3A_120, %scan3A_121 : i32
    %scan3A_123 = arith.constant 1 : i32
    scf.for %scan3A_269 = %scan3A_120 to %scan3A_122 step %scan3A_123  : i32 {
      %scan3A_270 = arith.constant 0 : i32
      %scan3A_271 = arith.constant 0 : i32
      %scan3A_272 = arith.constant 16 : i32
      %scan3A_273 = arith.addi %scan3A_271, %scan3A_272 : i32
      %scan3A_274 = arith.constant 1 : i32
      scf.for %scan3A_478 = %scan3A_271 to %scan3A_273 step %scan3A_274  : i32 {
        %mul3A_479 = arith.constant 16 : i32
        %mul3A_480 = arith.muli %scan3A_269, %mul3A_479 : i32
        %add3A_481 = arith.addi %mul3A_480, %scan3A_478 : i32
        %broadcast_in_dim3A_482 = arith.constant 0.000000e+00 : f32
        %broadcast_in_dim3A_483 = vector.broadcast %broadcast_in_dim3A_482 : f32 to vector<16xf32>
        %broadcast_in_dim3A_484 = arith.constant 0.000000e+00 : f32
        %broadcast_in_dim3A_485 = vector.broadcast %broadcast_in_dim3A_484 : f32 to vector<16xf32>
        %broadcast_in_dim3A_486 = arith.constant 0.000000e+00 : f32
        %broadcast_in_dim3A_487 = vector.broadcast %broadcast_in_dim3A_486 : f32 to vector<16xf32>
        %get3A_488 = arith.index_cast %add3A_481 : i32 to index
        %get3A_489 = arith.constant 0 : index
        %get3A_490 = tpu.vector_load %arg29[%get3A_488, %get3A_489] {strides = array<i32>} : memref<128x64xf32, #tpu.memory_space<vmem>>, vector<16xf32>,
        %sub3A_491 = arith.constant 1.000000e+00 : f32
        %sub3A_492 = vector.broadcast %sub3A_491 : f32 to vector<16xf32>
        %sub3A_493 = arith.subf %sub3A_492, %get3A_490 : vector<16xf32>
        %get3A_494 = arith.index_cast %add3A_481 : i32 to index
        %get3A_495 = arith.constant 0 : index
        %get3A_496 = tpu.vector_load %arg27[%get3A_494, %get3A_495] {strides = array<i32>} : memref<128x64xf32, #tpu.memory_space<vmem>>, vector<16xf32>,
        %mul3A_497 = arith.mulf %sub3A_493, %get3A_496 : vector<16xf32>
        %get3A_498 = arith.index_cast %add3A_481 : i32 to index
        %get3A_499 = arith.constant 0 : index
        %get3A_500 = tpu.vector_load %arg30[%get3A_498, %get3A_499] {strides = array<i32>} : memref<128x64xf32, #tpu.memory_space<vmem>>, vector<16xf32>,
        %sub3A_501 = arith.constant 1.000000e+00 : f32
        %sub3A_502 = vector.broadcast %sub3A_501 : f32 to vector<16xf32>
        %sub3A_503 = arith.subf %sub3A_502, %get3A_500 : vector<16xf32>
        %get3A_504 = arith.index_cast %add3A_481 : i32 to index
        %get3A_505 = arith.constant 0 : index
        %get3A_506 = tpu.vector_load %arg28[%get3A_504, %get3A_505] {strides = array<i32>} : memref<128x64xf32, #tpu.memory_space<vmem>>, vector<16xf32>,
        %mul3A_507 = arith.mulf %sub3A_503, %get3A_506 : vector<16xf32>
        %mul3A_508 = arith.mulf %mul3A_497, %mul3A_497 : vector<16xf32>
        %add3A_509 = arith.addf %broadcast_in_dim3A_483, %mul3A_508 : vector<16xf32>
        %mul3A_510 = arith.mulf %mul3A_507, %mul3A_507 : vector<16xf32>
        %add3A_511 = arith.addf %add3A_509, %mul3A_510 : vector<16xf32>
        %get3A_512 = arith.index_cast %add3A_481 : i32 to index
        %get3A_513 = arith.constant 0 : index
        %get3A_514 = tpu.vector_load %arg33[%get3A_512, %get3A_513] {strides = array<i32>} : memref<128x64xf32, #tpu.memory_space<vmem>>, vector<16xf32>,
        %sub3A_515 = arith.constant 1.000000e+00 : f32
        %sub3A_516 = vector.broadcast %sub3A_515 : f32 to vector<16xf32>
        %sub3A_517 = arith.subf %sub3A_516, %get3A_514 : vector<16xf32>
        %get3A_518 = arith.index_cast %add3A_481 : i32 to index
        %get3A_519 = arith.constant 0 : index
        %get3A_520 = tpu.vector_load %arg31[%get3A_518, %get3A_519] {strides = array<i32>} : memref<128x64xf32, #tpu.memory_space<vmem>>, vector<16xf32>,
        %mul3A_521 = arith.mulf %sub3A_517, %get3A_520 : vector<16xf32>
        %get3A_522 = arith.index_cast %add3A_481 : i32 to index
        %get3A_523 = arith.constant 0 : index
        %get3A_524 = tpu.vector_load %arg34[%get3A_522, %get3A_523] {strides = array<i32>} : memref<128x64xf32, #tpu.memory_space<vmem>>, vector<16xf32>,
        %sub3A_525 = arith.constant 1.000000e+00 : f32
        %sub3A_526 = vector.broadcast %sub3A_525 : f32 to vector<16xf32>
        %sub3A_527 = arith.subf %sub3A_526, %get3A_524 : vector<16xf32>
        %get3A_528 = arith.index_cast %add3A_481 : i32 to index
        %get3A_529 = arith.constant 0 : index
        %get3A_530 = tpu.vector_load %arg32[%get3A_528, %get3A_529] {strides = array<i32>} : memref<128x64xf32, #tpu.memory_space<vmem>>, vector<16xf32>,
        %mul3A_531 = arith.mulf %sub3A_527, %get3A_530 : vector<16xf32>
        %mul3A_532 = arith.mulf %mul3A_521, %mul3A_521 : vector<16xf32>
        %add3A_533 = arith.addf %broadcast_in_dim3A_485, %mul3A_532 : vector<16xf32>
        %mul3A_534 = arith.mulf %mul3A_531, %mul3A_531 : vector<16xf32>
        %add3A_535 = arith.addf %add3A_533, %mul3A_534 : vector<16xf32>
        %get3A_536 = arith.index_cast %add3A_481 : i32 to index
        %get3A_537 = arith.constant 0 : index
        %get3A_538 = tpu.vector_load %arg35[%get3A_536, %get3A_537] {strides = array<i32>} : memref<128x64xf32, #tpu.memory_space<vmem>>, vector<16xf32>,
        %mul3A_539 = arith.mulf %get3A_538, %get3A_538 : vector<16xf32>
        %add3A_540 = arith.addf %broadcast_in_dim3A_487, %mul3A_539 : vector<16xf32>
        %get3A_541 = arith.index_cast %add3A_481 : i32 to index
        %get3A_542 = arith.constant 16 : index
        %get3A_543 = tpu.vector_load %arg29[%get3A_541, %get3A_542] {strides = array<i32>} : memref<128x64xf32, #tpu.memory_space<vmem>>, vector<16xf32>,
        %sub3A_544 = arith.constant 1.000000e+00 : f32
        %sub3A_545 = vector.broadcast %sub3A_544 : f32 to vector<16xf32>
        %sub3A_546 = arith.subf %sub3A_545, %get3A_543 : vector<16xf32>
        %get3A_547 = arith.index_cast %add3A_481 : i32 to index
        %get3A_548 = arith.constant 16 : index
        %get3A_549 = tpu.vector_load %arg27[%get3A_547, %get3A_548] {strides = array<i32>} : memref<128x64xf32, #tpu.memory_space<vmem>>, vector<16xf32>,
        %mul3A_550 = arith.mulf %sub3A_546, %get3A_549 : vector<16xf32>
        %get3A_551 = arith.index_cast %add3A_481 : i32 to index
        %get3A_552 = arith.constant 16 : index
        %get3A_553 = tpu.vector_load %arg30[%get3A_551, %get3A_552] {strides = array<i32>} : memref<128x64xf32, #tpu.memory_space<vmem>>, vector<16xf32>,
        %sub3A_554 = arith.constant 1.000000e+00 : f32
        %sub3A_555 = vector.broadcast %sub3A_554 : f32 to vector<16xf32>
        %sub3A_556 = arith.subf %sub3A_555, %get3A_553 : vector<16xf32>
        %get3A_557 = arith.index_cast %add3A_481 : i32 to index
        %get3A_558 = arith.constant 16 : index
        %get3A_559 = tpu.vector_load %arg28[%get3A_557, %get3A_558] {strides = array<i32>} : memref<128x64xf32, #tpu.memory_space<vmem>>, vector<16xf32>,
        %mul3A_560 = arith.mulf %sub3A_556, %get3A_559 : vector<16xf32>
        %mul3A_561 = arith.mulf %mul3A_550, %mul3A_550 : vector<16xf32>
        %add3A_562 = arith.addf %add3A_511, %mul3A_561 : vector<16xf32>
        %mul3A_563 = arith.mulf %mul3A_560, %mul3A_560 : vector<16xf32>
        %add3A_564 = arith.addf %add3A_562, %mul3A_563 : vector<16xf32>
        %get3A_565 = arith.index_cast %add3A_481 : i32 to index
        %get3A_566 = arith.constant 16 : index
        %get3A_567 = tpu.vector_load %arg33[%get3A_565, %get3A_566] {strides = array<i32>} : memref<128x64xf32, #tpu.memory_space<vmem>>, vector<16xf32>,
        %sub3A_568 = arith.constant 1.000000e+00 : f32
        %sub3A_569 = vector.broadcast %sub3A_568 : f32 to vector<16xf32>
        %sub3A_570 = arith.subf %sub3A_569, %get3A_567 : vector<16xf32>
        %get3A_571 = arith.index_cast %add3A_481 : i32 to index
        %get3A_572 = arith.constant 16 : index
        %get3A_573 = tpu.vector_load %arg31[%get3A_571, %get3A_572] {strides = array<i32>} : memref<128x64xf32, #tpu.memory_space<vmem>>, vector<16xf32>,
        %mul3A_574 = arith.mulf %sub3A_570, %get3A_573 : vector<16xf32>
        %get3A_575 = arith.index_cast %add3A_481 : i32 to index
        %get3A_576 = arith.constant 16 : index
        %get3A_577 = tpu.vector_load %arg34[%get3A_575, %get3A_576] {strides = array<i32>} : memref<128x64xf32, #tpu.memory_space<vmem>>, vector<16xf32>,
        %sub3A_578 = arith.constant 1.000000e+00 : f32
        %sub3A_579 = vector.broadcast %sub3A_578 : f32 to vector<16xf32>
        %sub3A_580 = arith.subf %sub3A_579, %get3A_577 : vector<16xf32>
        %get3A_581 = arith.index_cast %add3A_481 : i32 to index
        %get3A_582 = arith.constant 16 : index
        %get3A_583 = tpu.vector_load %arg32[%get3A_581, %get3A_582] {strides = array<i32>} : memref<128x64xf32, #tpu.memory_space<vmem>>, vector<16xf32>,
        %mul3A_584 = arith.mulf %sub3A_580, %get3A_583 : vector<16xf32>
        %mul3A_585 = arith.mulf %mul3A_574, %mul3A_574 : vector<16xf32>
        %add3A_586 = arith.addf %add3A_535, %mul3A_585 : vector<16xf32>
        %mul3A_587 = arith.mulf %mul3A_584, %mul3A_584 : vector<16xf32>
        %add3A_588 = arith.addf %add3A_586, %mul3A_587 : vector<16xf32>
        %get3A_589 = arith.index_cast %add3A_481 : i32 to index
        %get3A_590 = arith.constant 16 : index
        %get3A_591 = tpu.vector_load %arg35[%get3A_589, %get3A_590] {strides = array<i32>} : memref<128x64xf32, #tpu.memory_space<vmem>>, vector<16xf32>,
        %mul3A_592 = arith.mulf %get3A_591, %get3A_591 : vector<16xf32>
        %add3A_593 = arith.addf %add3A_540, %mul3A_592 : vector<16xf32>
        %get3A_594 = arith.index_cast %add3A_481 : i32 to index
        %get3A_595 = arith.constant 32 : index
        %get3A_596 = tpu.vector_load %arg29[%get3A_594, %get3A_595] {strides = array<i32>} : memref<128x64xf32, #tpu.memory_space<vmem>>, vector<16xf32>,
        %sub3A_597 = arith.constant 1.000000e+00 : f32
        %sub3A_598 = vector.broadcast %sub3A_597 : f32 to vector<16xf32>
        %sub3A_599 = arith.subf %sub3A_598, %get3A_596 : vector<16xf32>
        %get3A_600 = arith.index_cast %add3A_481 : i32 to index
        %get3A_601 = arith.constant 32 : index
        %get3A_602 = tpu.vector_load %arg27[%get3A_600, %get3A_601] {strides = array<i32>} : memref<128x64xf32, #tpu.memory_space<vmem>>, vector<16xf32>,
        %mul3A_603 = arith.mulf %sub3A_599, %get3A_602 : vector<16xf32>
        %get3A_604 = arith.index_cast %add3A_481 : i32 to index
        %get3A_605 = arith.constant 32 : index
        %get3A_606 = tpu.vector_load %arg30[%get3A_604, %get3A_605] {strides = array<i32>} : memref<128x64xf32, #tpu.memory_space<vmem>>, vector<16xf32>,
        %sub3A_607 = arith.constant 1.000000e+00 : f32
        %sub3A_608 = vector.broadcast %sub3A_607 : f32 to vector<16xf32>
        %sub3A_609 = arith.subf %sub3A_608, %get3A_606 : vector<16xf32>
        %get3A_610 = arith.index_cast %add3A_481 : i32 to index
        %get3A_611 = arith.constant 32 : index
        %get3A_612 = tpu.vector_load %arg28[%get3A_610, %get3A_611] {strides = array<i32>} : memref<128x64xf32, #tpu.memory_space<vmem>>, vector<16xf32>,
        %mul3A_613 = arith.mulf %sub3A_609, %get3A_612 : vector<16xf32>
        %mul3A_614 = arith.mulf %mul3A_603, %mul3A_603 : vector<16xf32>
        %add3A_615 = arith.addf %add3A_564, %mul3A_614 : vector<16xf32>
        %mul3A_616 = arith.mulf %mul3A_613, %mul3A_613 : vector<16xf32>
        %add3A_617 = arith.addf %add3A_615, %mul3A_616 : vector<16xf32>
        %get3A_618 = arith.index_cast %add3A_481 : i32 to index
        %get3A_619 = arith.constant 32 : index
        %get3A_620 = tpu.vector_load %arg33[%get3A_618, %get3A_619] {strides = array<i32>} : memref<128x64xf32, #tpu.memory_space<vmem>>, vector<16xf32>,
        %sub3A_621 = arith.constant 1.000000e+00 : f32
        %sub3A_622 = vector.broadcast %sub3A_621 : f32 to vector<16xf32>
        %sub3A_623 = arith.subf %sub3A_622, %get3A_620 : vector<16xf32>
        %get3A_624 = arith.index_cast %add3A_481 : i32 to index
        %get3A_625 = arith.constant 32 : index
        %get3A_626 = tpu.vector_load %arg31[%get3A_624, %get3A_625] {strides = array<i32>} : memref<128x64xf32, #tpu.memory_space<vmem>>, vector<16xf32>,
        %mul3A_627 = arith.mulf %sub3A_623, %get3A_626 : vector<16xf32>
        %get3A_628 = arith.index_cast %add3A_481 : i32 to index
        %get3A_629 = arith.constant 32 : index
        %get3A_630 = tpu.vector_load %arg34[%get3A_628, %get3A_629] {strides = array<i32>} : memref<128x64xf32, #tpu.memory_space<vmem>>, vector<16xf32>,
        %sub3A_631 = arith.constant 1.000000e+00 : f32
        %sub3A_632 = vector.broadcast %sub3A_631 : f32 to vector<16xf32>
        %sub3A_633 = arith.subf %sub3A_632, %get3A_630 : vector<16xf32>
        %get3A_634 = arith.index_cast %add3A_481 : i32 to index
        %get3A_635 = arith.constant 32 : index
        %get3A_636 = tpu.vector_load %arg32[%get3A_634, %get3A_635] {strides = array<i32>} : memref<128x64xf32, #tpu.memory_space<vmem>>, vector<16xf32>,
        %mul3A_637 = arith.mulf %sub3A_633, %get3A_636 : vector<16xf32>
        %mul3A_638 = arith.mulf %mul3A_627, %mul3A_627 : vector<16xf32>
        %add3A_639 = arith.addf %add3A_588, %mul3A_638 : vector<16xf32>
        %mul3A_640 = arith.mulf %mul3A_637, %mul3A_637 : vector<16xf32>
        %add3A_641 = arith.addf %add3A_639, %mul3A_640 : vector<16xf32>
        %get3A_642 = arith.index_cast %add3A_481 : i32 to index
        %get3A_643 = arith.constant 32 : index
        %get3A_644 = tpu.vector_load %arg35[%get3A_642, %get3A_643] {strides = array<i32>} : memref<128x64xf32, #tpu.memory_space<vmem>>, vector<16xf32>,
        %mul3A_645 = arith.mulf %get3A_644, %get3A_644 : vector<16xf32>
        %add3A_646 = arith.addf %add3A_593, %mul3A_645 : vector<16xf32>
        %get3A_647 = arith.index_cast %add3A_481 : i32 to index
        %get3A_648 = arith.constant 48 : index
        %get3A_649 = tpu.vector_load %arg29[%get3A_647, %get3A_648] {strides = array<i32>} : memref<128x64xf32, #tpu.memory_space<vmem>>, vector<16xf32>,
        %sub3A_650 = arith.constant 1.000000e+00 : f32
        %sub3A_651 = vector.broadcast %sub3A_650 : f32 to vector<16xf32>
        %sub3A_652 = arith.subf %sub3A_651, %get3A_649 : vector<16xf32>
        %get3A_653 = arith.index_cast %add3A_481 : i32 to index
        %get3A_654 = arith.constant 48 : index
        %get3A_655 = tpu.vector_load %arg27[%get3A_653, %get3A_654] {strides = array<i32>} : memref<128x64xf32, #tpu.memory_space<vmem>>, vector<16xf32>,
        %mul3A_656 = arith.mulf %sub3A_652, %get3A_655 : vector<16xf32>
        %get3A_657 = arith.index_cast %add3A_481 : i32 to index
        %get3A_658 = arith.constant 48 : index
        %get3A_659 = tpu.vector_load %arg30[%get3A_657, %get3A_658] {strides = array<i32>} : memref<128x64xf32, #tpu.memory_space<vmem>>, vector<16xf32>,
        %sub3A_660 = arith.constant 1.000000e+00 : f32
        %sub3A_661 = vector.broadcast %sub3A_660 : f32 to vector<16xf32>
        %sub3A_662 = arith.subf %sub3A_661, %get3A_659 : vector<16xf32>
        %get3A_663 = arith.index_cast %add3A_481 : i32 to index
        %get3A_664 = arith.constant 48 : index
        %get3A_665 = tpu.vector_load %arg28[%get3A_663, %get3A_664] {strides = array<i32>} : memref<128x64xf32, #tpu.memory_space<vmem>>, vector<16xf32>,
        %mul3A_666 = arith.mulf %sub3A_662, %get3A_665 : vector<16xf32>
        %mul3A_667 = arith.mulf %mul3A_656, %mul3A_656 : vector<16xf32>
        %add3A_668 = arith.addf %add3A_617, %mul3A_667 : vector<16xf32>
        %mul3A_669 = arith.mulf %mul3A_666, %mul3A_666 : vector<16xf32>
        %add3A_670 = arith.addf %add3A_668, %mul3A_669 : vector<16xf32>
        %get3A_671 = arith.index_cast %add3A_481 : i32 to index
        %get3A_672 = arith.constant 48 : index
        %get3A_673 = tpu.vector_load %arg33[%get3A_671, %get3A_672] {strides = array<i32>} : memref<128x64xf32, #tpu.memory_space<vmem>>, vector<16xf32>,
        %sub3A_674 = arith.constant 1.000000e+00 : f32
        %sub3A_675 = vector.broadcast %sub3A_674 : f32 to vector<16xf32>
        %sub3A_676 = arith.subf %sub3A_675, %get3A_673 : vector<16xf32>
        %get3A_677 = arith.index_cast %add3A_481 : i32 to index
        %get3A_678 = arith.constant 48 : index
        %get3A_679 = tpu.vector_load %arg31[%get3A_677, %get3A_678] {strides = array<i32>} : memref<128x64xf32, #tpu.memory_space<vmem>>, vector<16xf32>,
        %mul3A_680 = arith.mulf %sub3A_676, %get3A_679 : vector<16xf32>
        %get3A_681 = arith.index_cast %add3A_481 : i32 to index
        %get3A_682 = arith.constant 48 : index
        %get3A_683 = tpu.vector_load %arg34[%get3A_681, %get3A_682] {strides = array<i32>} : memref<128x64xf32, #tpu.memory_space<vmem>>, vector<16xf32>,
        %sub3A_684 = arith.constant 1.000000e+00 : f32
        %sub3A_685 = vector.broadcast %sub3A_684 : f32 to vector<16xf32>
        %sub3A_686 = arith.subf %sub3A_685, %get3A_683 : vector<16xf32>
        %get3A_687 = arith.index_cast %add3A_481 : i32 to index
        %get3A_688 = arith.constant 48 : index
        %get3A_689 = tpu.vector_load %arg32[%get3A_687, %get3A_688] {strides = array<i32>} : memref<128x64xf32, #tpu.memory_space<vmem>>, vector<16xf32>,
        %mul3A_690 = arith.mulf %sub3A_686, %get3A_689 : vector<16xf32>
        %mul3A_691 = arith.mulf %mul3A_680, %mul3A_680 : vector<16xf32>
        %add3A_692 = arith.addf %add3A_641, %mul3A_691 : vector<16xf32>
        %mul3A_693 = arith.mulf %mul3A_690, %mul3A_690 : vector<16xf32>
        %add3A_694 = arith.addf %add3A_692, %mul3A_693 : vector<16xf32>
        %get3A_695 = arith.index_cast %add3A_481 : i32 to index
        %get3A_696 = arith.constant 48 : index
        %get3A_697 = tpu.vector_load %arg35[%get3A_695, %get3A_696] {strides = array<i32>} : memref<128x64xf32, #tpu.memory_space<vmem>>, vector<16xf32>,
        %mul3A_698 = arith.mulf %get3A_697, %get3A_697 : vector<16xf32>
        %add3A_699 = arith.addf %add3A_646, %mul3A_698 : vector<16xf32>
        %swap3A_700 = arith.index_cast %scan3A_478 : i32 to index
        %swap3A_701 = arith.constant 0 : index
        %swap3A_702 = tpu.vector_load %arg43[%swap3A_700, %swap3A_701] {strides = array<i32>} : memref<16x16xf32, #tpu.memory_space<vmem>>, vector<16xf32>,
        tpu.vector_store %arg43[%swap3A_700, %swap3A_701], %add3A_670 {strides = array<i32>} : memref<16x16xf32, #tpu.memory_space<vmem>>, vector<16xf32>,
        %swap3A_703 = arith.index_cast %scan3A_478 : i32 to index
        %swap3A_704 = arith.constant 0 : index
        %swap3A_705 = tpu.vector_load %arg44[%swap3A_703, %swap3A_704] {strides = array<i32>} : memref<16x16xf32, #tpu.memory_space<vmem>>, vector<16xf32>,
        tpu.vector_store %arg44[%swap3A_703, %swap3A_704], %add3A_694 {strides = array<i32>} : memref<16x16xf32, #tpu.memory_space<vmem>>, vector<16xf32>,
        %swap3A_706 = arith.index_cast %scan3A_478 : i32 to index
        %swap3A_707 = arith.constant 0 : index
        %swap3A_708 = tpu.vector_load %arg45[%swap3A_706, %swap3A_707] {strides = array<i32>} : memref<16x16xf32, #tpu.memory_space<vmem>>, vector<16xf32>,
        tpu.vector_store %arg45[%swap3A_706, %swap3A_707], %add3A_699 {strides = array<i32>} : memref<16x16xf32, #tpu.memory_space<vmem>>, vector<16xf32>,
      }
      %scan3A_275 = arith.constant 16 : i32
      %mul3A_276 = arith.constant 16 : i32
      %mul3A_277 = arith.muli %scan3A_269, %mul3A_276 : i32
      %add3A_278 = arith.constant 128 : i32
      %add3A_279 = arith.addi %add3A_278, %mul3A_277 : i32
      %broadcast_in_dim3A = arith.constant 0 : i32
      %broadcast_in_dim3A_280 = vector.broadcast %broadcast_in_dim3A : i32 to vector<16xi32>
      %gather3A = tpu.vector_load_idx %arg43[%iota3A, %broadcast_in_dim3A_280] : memref<16x16xf32, #tpu.memory_space<vmem>>[vector<16xi32>, vector<16xi32>], vector<16xf32>,
      %broadcast_in_dim3A_281 = arith.constant 1 : i32
      %broadcast_in_dim3A_282 = vector.broadcast %broadcast_in_dim3A_281 : i32 to vector<16xi32>
      %gather3A_283 = tpu.vector_load_idx %arg43[%iota3A, %broadcast_in_dim3A_282] : memref<16x16xf32, #tpu.memory_space<vmem>>[vector<16xi32>, vector<16xi32>], vector<16xf32>,
      %add3A_284 = arith.addf %gather3A, %gather3A_283 : vector<16xf32>
      %broadcast_in_dim3A_285 = arith.constant 2 : i32
      %broadcast_in_dim3A_286 = vector.broadcast %broadcast_in_dim3A_285 : i32 to vector<16xi32>
      %gather3A_287 = tpu.vector_load_idx %arg43[%iota3A, %broadcast_in_dim3A_286] : memref<16x16xf32, #tpu.memory_space<vmem>>[vector<16xi32>, vector<16xi32>], vector<16xf32>,
      %add3A_288 = arith.addf %add3A_284, %gather3A_287 : vector<16xf32>
      %broadcast_in_dim3A_289 = arith.constant 3 : i32
      %broadcast_in_dim3A_290 = vector.broadcast %broadcast_in_dim3A_289 : i32 to vector<16xi32>
      %gather3A_291 = tpu.vector_load_idx %arg43[%iota3A, %broadcast_in_dim3A_290] : memref<16x16xf32, #tpu.memory_space<vmem>>[vector<16xi32>, vector<16xi32>], vector<16xf32>,
      %add3A_292 = arith.addf %add3A_288, %gather3A_291 : vector<16xf32>
      %broadcast_in_dim3A_293 = arith.constant 4 : i32
      %broadcast_in_dim3A_294 = vector.broadcast %broadcast_in_dim3A_293 : i32 to vector<16xi32>
      %gather3A_295 = tpu.vector_load_idx %arg43[%iota3A, %broadcast_in_dim3A_294] : memref<16x16xf32, #tpu.memory_space<vmem>>[vector<16xi32>, vector<16xi32>], vector<16xf32>,
      %add3A_296 = arith.addf %add3A_292, %gather3A_295 : vector<16xf32>
      %broadcast_in_dim3A_297 = arith.constant 5 : i32
      %broadcast_in_dim3A_298 = vector.broadcast %broadcast_in_dim3A_297 : i32 to vector<16xi32>
      %gather3A_299 = tpu.vector_load_idx %arg43[%iota3A, %broadcast_in_dim3A_298] : memref<16x16xf32, #tpu.memory_space<vmem>>[vector<16xi32>, vector<16xi32>], vector<16xf32>,
      %add3A_300 = arith.addf %add3A_296, %gather3A_299 : vector<16xf32>
      %broadcast_in_dim3A_301 = arith.constant 6 : i32
      %broadcast_in_dim3A_302 = vector.broadcast %broadcast_in_dim3A_301 : i32 to vector<16xi32>
      %gather3A_303 = tpu.vector_load_idx %arg43[%iota3A, %broadcast_in_dim3A_302] : memref<16x16xf32, #tpu.memory_space<vmem>>[vector<16xi32>, vector<16xi32>], vector<16xf32>,
      %add3A_304 = arith.addf %add3A_300, %gather3A_303 : vector<16xf32>
      %broadcast_in_dim3A_305 = arith.constant 7 : i32
      %broadcast_in_dim3A_306 = vector.broadcast %broadcast_in_dim3A_305 : i32 to vector<16xi32>
      %gather3A_307 = tpu.vector_load_idx %arg43[%iota3A, %broadcast_in_dim3A_306] : memref<16x16xf32, #tpu.memory_space<vmem>>[vector<16xi32>, vector<16xi32>], vector<16xf32>,
      %add3A_308 = arith.addf %add3A_304, %gather3A_307 : vector<16xf32>
      %broadcast_in_dim3A_309 = arith.constant 8 : i32
      %broadcast_in_dim3A_310 = vector.broadcast %broadcast_in_dim3A_309 : i32 to vector<16xi32>
      %gather3A_311 = tpu.vector_load_idx %arg43[%iota3A, %broadcast_in_dim3A_310] : memref<16x16xf32, #tpu.memory_space<vmem>>[vector<16xi32>, vector<16xi32>], vector<16xf32>,
      %add3A_312 = arith.addf %add3A_308, %gather3A_311 : vector<16xf32>
      %broadcast_in_dim3A_313 = arith.constant 9 : i32
      %broadcast_in_dim3A_314 = vector.broadcast %broadcast_in_dim3A_313 : i32 to vector<16xi32>
      %gather3A_315 = tpu.vector_load_idx %arg43[%iota3A, %broadcast_in_dim3A_314] : memref<16x16xf32, #tpu.memory_space<vmem>>[vector<16xi32>, vector<16xi32>], vector<16xf32>,
      %add3A_316 = arith.addf %add3A_312, %gather3A_315 : vector<16xf32>
      %broadcast_in_dim3A_317 = arith.constant 10 : i32
      %broadcast_in_dim3A_318 = vector.broadcast %broadcast_in_dim3A_317 : i32 to vector<16xi32>
      %gather3A_319 = tpu.vector_load_idx %arg43[%iota3A, %broadcast_in_dim3A_318] : memref<16x16xf32, #tpu.memory_space<vmem>>[vector<16xi32>, vector<16xi32>], vector<16xf32>,
      %add3A_320 = arith.addf %add3A_316, %gather3A_319 : vector<16xf32>
      %broadcast_in_dim3A_321 = arith.constant 11 : i32
      %broadcast_in_dim3A_322 = vector.broadcast %broadcast_in_dim3A_321 : i32 to vector<16xi32>
      %gather3A_323 = tpu.vector_load_idx %arg43[%iota3A, %broadcast_in_dim3A_322] : memref<16x16xf32, #tpu.memory_space<vmem>>[vector<16xi32>, vector<16xi32>], vector<16xf32>,
      %add3A_324 = arith.addf %add3A_320, %gather3A_323 : vector<16xf32>
      %broadcast_in_dim3A_325 = arith.constant 12 : i32
      %broadcast_in_dim3A_326 = vector.broadcast %broadcast_in_dim3A_325 : i32 to vector<16xi32>
      %gather3A_327 = tpu.vector_load_idx %arg43[%iota3A, %broadcast_in_dim3A_326] : memref<16x16xf32, #tpu.memory_space<vmem>>[vector<16xi32>, vector<16xi32>], vector<16xf32>,
      %add3A_328 = arith.addf %add3A_324, %gather3A_327 : vector<16xf32>
      %broadcast_in_dim3A_329 = arith.constant 13 : i32
      %broadcast_in_dim3A_330 = vector.broadcast %broadcast_in_dim3A_329 : i32 to vector<16xi32>
      %gather3A_331 = tpu.vector_load_idx %arg43[%iota3A, %broadcast_in_dim3A_330] : memref<16x16xf32, #tpu.memory_space<vmem>>[vector<16xi32>, vector<16xi32>], vector<16xf32>,
      %add3A_332 = arith.addf %add3A_328, %gather3A_331 : vector<16xf32>
      %broadcast_in_dim3A_333 = arith.constant 14 : i32
      %broadcast_in_dim3A_334 = vector.broadcast %broadcast_in_dim3A_333 : i32 to vector<16xi32>
      %gather3A_335 = tpu.vector_load_idx %arg43[%iota3A, %broadcast_in_dim3A_334] : memref<16x16xf32, #tpu.memory_space<vmem>>[vector<16xi32>, vector<16xi32>], vector<16xf32>,
      %add3A_336 = arith.addf %add3A_332, %gather3A_335 : vector<16xf32>
      %broadcast_in_dim3A_337 = arith.constant 15 : i32
      %broadcast_in_dim3A_338 = vector.broadcast %broadcast_in_dim3A_337 : i32 to vector<16xi32>
      %gather3A_339 = tpu.vector_load_idx %arg43[%iota3A, %broadcast_in_dim3A_338] : memref<16x16xf32, #tpu.memory_space<vmem>>[vector<16xi32>, vector<16xi32>], vector<16xf32>,
      %add3A_340 = arith.addf %add3A_336, %gather3A_339 : vector<16xf32>
      %swap3A = arith.index_cast %add3A_279 : i32 to index
      %swap3A_341 = tpu.vector_load %arg38[%swap3A] {strides = array<i32>} : memref<512xf32, #tpu.memory_space<vmem>>, vector<16xf32>,
      tpu.vector_store %arg38[%swap3A], %add3A_340 {strides = array<i32>} : memref<512xf32, #tpu.memory_space<vmem>>, vector<16xf32>,
      %broadcast_in_dim3A_342 = arith.constant 0 : i32
      %broadcast_in_dim3A_343 = vector.broadcast %broadcast_in_dim3A_342 : i32 to vector<16xi32>
      %gather3A_344 = tpu.vector_load_idx %arg44[%iota3A, %broadcast_in_dim3A_343] : memref<16x16xf32, #tpu.memory_space<vmem>>[vector<16xi32>, vector<16xi32>], vector<16xf32>,
      %broadcast_in_dim3A_345 = arith.constant 1 : i32
      %broadcast_in_dim3A_346 = vector.broadcast %broadcast_in_dim3A_345 : i32 to vector<16xi32>
      %gather3A_347 = tpu.vector_load_idx %arg44[%iota3A, %broadcast_in_dim3A_346] : memref<16x16xf32, #tpu.memory_space<vmem>>[vector<16xi32>, vector<16xi32>], vector<16xf32>,
      %add3A_348 = arith.addf %gather3A_344, %gather3A_347 : vector<16xf32>
      %broadcast_in_dim3A_349 = arith.constant 2 : i32
      %broadcast_in_dim3A_350 = vector.broadcast %broadcast_in_dim3A_349 : i32 to vector<16xi32>
      %gather3A_351 = tpu.vector_load_idx %arg44[%iota3A, %broadcast_in_dim3A_350] : memref<16x16xf32, #tpu.memory_space<vmem>>[vector<16xi32>, vector<16xi32>], vector<16xf32>,
      %add3A_352 = arith.addf %add3A_348, %gather3A_351 : vector<16xf32>
      %broadcast_in_dim3A_353 = arith.constant 3 : i32
      %broadcast_in_dim3A_354 = vector.broadcast %broadcast_in_dim3A_353 : i32 to vector<16xi32>
      %gather3A_355 = tpu.vector_load_idx %arg44[%iota3A, %broadcast_in_dim3A_354] : memref<16x16xf32, #tpu.memory_space<vmem>>[vector<16xi32>, vector<16xi32>], vector<16xf32>,
      %add3A_356 = arith.addf %add3A_352, %gather3A_355 : vector<16xf32>
      %broadcast_in_dim3A_357 = arith.constant 4 : i32
      %broadcast_in_dim3A_358 = vector.broadcast %broadcast_in_dim3A_357 : i32 to vector<16xi32>
      %gather3A_359 = tpu.vector_load_idx %arg44[%iota3A, %broadcast_in_dim3A_358] : memref<16x16xf32, #tpu.memory_space<vmem>>[vector<16xi32>, vector<16xi32>], vector<16xf32>,
      %add3A_360 = arith.addf %add3A_356, %gather3A_359 : vector<16xf32>
      %broadcast_in_dim3A_361 = arith.constant 5 : i32
      %broadcast_in_dim3A_362 = vector.broadcast %broadcast_in_dim3A_361 : i32 to vector<16xi32>
      %gather3A_363 = tpu.vector_load_idx %arg44[%iota3A, %broadcast_in_dim3A_362] : memref<16x16xf32, #tpu.memory_space<vmem>>[vector<16xi32>, vector<16xi32>], vector<16xf32>,
      %add3A_364 = arith.addf %add3A_360, %gather3A_363 : vector<16xf32>
      %broadcast_in_dim3A_365 = arith.constant 6 : i32
      %broadcast_in_dim3A_366 = vector.broadcast %broadcast_in_dim3A_365 : i32 to vector<16xi32>
      %gather3A_367 = tpu.vector_load_idx %arg44[%iota3A, %broadcast_in_dim3A_366] : memref<16x16xf32, #tpu.memory_space<vmem>>[vector<16xi32>, vector<16xi32>], vector<16xf32>,
      %add3A_368 = arith.addf %add3A_364, %gather3A_367 : vector<16xf32>
      %broadcast_in_dim3A_369 = arith.constant 7 : i32
      %broadcast_in_dim3A_370 = vector.broadcast %broadcast_in_dim3A_369 : i32 to vector<16xi32>
      %gather3A_371 = tpu.vector_load_idx %arg44[%iota3A, %broadcast_in_dim3A_370] : memref<16x16xf32, #tpu.memory_space<vmem>>[vector<16xi32>, vector<16xi32>], vector<16xf32>,
      %add3A_372 = arith.addf %add3A_368, %gather3A_371 : vector<16xf32>
      %broadcast_in_dim3A_373 = arith.constant 8 : i32
      %broadcast_in_dim3A_374 = vector.broadcast %broadcast_in_dim3A_373 : i32 to vector<16xi32>
      %gather3A_375 = tpu.vector_load_idx %arg44[%iota3A, %broadcast_in_dim3A_374] : memref<16x16xf32, #tpu.memory_space<vmem>>[vector<16xi32>, vector<16xi32>], vector<16xf32>,
      %add3A_376 = arith.addf %add3A_372, %gather3A_375 : vector<16xf32>
      %broadcast_in_dim3A_377 = arith.constant 9 : i32
      %broadcast_in_dim3A_378 = vector.broadcast %broadcast_in_dim3A_377 : i32 to vector<16xi32>
      %gather3A_379 = tpu.vector_load_idx %arg44[%iota3A, %broadcast_in_dim3A_378] : memref<16x16xf32, #tpu.memory_space<vmem>>[vector<16xi32>, vector<16xi32>], vector<16xf32>,
      %add3A_380 = arith.addf %add3A_376, %gather3A_379 : vector<16xf32>
      %broadcast_in_dim3A_381 = arith.constant 10 : i32
      %broadcast_in_dim3A_382 = vector.broadcast %broadcast_in_dim3A_381 : i32 to vector<16xi32>
      %gather3A_383 = tpu.vector_load_idx %arg44[%iota3A, %broadcast_in_dim3A_382] : memref<16x16xf32, #tpu.memory_space<vmem>>[vector<16xi32>, vector<16xi32>], vector<16xf32>,
      %add3A_384 = arith.addf %add3A_380, %gather3A_383 : vector<16xf32>
      %broadcast_in_dim3A_385 = arith.constant 11 : i32
      %broadcast_in_dim3A_386 = vector.broadcast %broadcast_in_dim3A_385 : i32 to vector<16xi32>
      %gather3A_387 = tpu.vector_load_idx %arg44[%iota3A, %broadcast_in_dim3A_386] : memref<16x16xf32, #tpu.memory_space<vmem>>[vector<16xi32>, vector<16xi32>], vector<16xf32>,
      %add3A_388 = arith.addf %add3A_384, %gather3A_387 : vector<16xf32>
      %broadcast_in_dim3A_389 = arith.constant 12 : i32
      %broadcast_in_dim3A_390 = vector.broadcast %broadcast_in_dim3A_389 : i32 to vector<16xi32>
      %gather3A_391 = tpu.vector_load_idx %arg44[%iota3A, %broadcast_in_dim3A_390] : memref<16x16xf32, #tpu.memory_space<vmem>>[vector<16xi32>, vector<16xi32>], vector<16xf32>,
      %add3A_392 = arith.addf %add3A_388, %gather3A_391 : vector<16xf32>
      %broadcast_in_dim3A_393 = arith.constant 13 : i32
      %broadcast_in_dim3A_394 = vector.broadcast %broadcast_in_dim3A_393 : i32 to vector<16xi32>
      %gather3A_395 = tpu.vector_load_idx %arg44[%iota3A, %broadcast_in_dim3A_394] : memref<16x16xf32, #tpu.memory_space<vmem>>[vector<16xi32>, vector<16xi32>], vector<16xf32>,
      %add3A_396 = arith.addf %add3A_392, %gather3A_395 : vector<16xf32>
      %broadcast_in_dim3A_397 = arith.constant 14 : i32
      %broadcast_in_dim3A_398 = vector.broadcast %broadcast_in_dim3A_397 : i32 to vector<16xi32>
      %gather3A_399 = tpu.vector_load_idx %arg44[%iota3A, %broadcast_in_dim3A_398] : memref<16x16xf32, #tpu.memory_space<vmem>>[vector<16xi32>, vector<16xi32>], vector<16xf32>,
      %add3A_400 = arith.addf %add3A_396, %gather3A_399 : vector<16xf32>
      %broadcast_in_dim3A_401 = arith.constant 15 : i32
      %broadcast_in_dim3A_402 = vector.broadcast %broadcast_in_dim3A_401 : i32 to vector<16xi32>
      %gather3A_403 = tpu.vector_load_idx %arg44[%iota3A, %broadcast_in_dim3A_402] : memref<16x16xf32, #tpu.memory_space<vmem>>[vector<16xi32>, vector<16xi32>], vector<16xf32>,
      %add3A_404 = arith.addf %add3A_400, %gather3A_403 : vector<16xf32>
      %sub3A = arith.subf %get3A_3, %add3A_404 : vector<16xf32>
      %max3A = arith.constant 0.000000e+00 : f32
      %max3A_405 = vector.broadcast %max3A : f32 to vector<16xf32>
      %max3A_406 = arith.maximumf %sub3A, %max3A_405 : vector<16xf32>
      %swap3A_407 = arith.index_cast %add3A_279 : i32 to index
      %swap3A_408 = tpu.vector_load %arg39[%swap3A_407] {strides = array<i32>} : memref<512xf32, #tpu.memory_space<vmem>>, vector<16xf32>,
      tpu.vector_store %arg39[%swap3A_407], %max3A_406 {strides = array<i32>} : memref<512xf32, #tpu.memory_space<vmem>>, vector<16xf32>,
      %broadcast_in_dim3A_409 = arith.constant 0 : i32
      %broadcast_in_dim3A_410 = vector.broadcast %broadcast_in_dim3A_409 : i32 to vector<16xi32>
      %gather3A_411 = tpu.vector_load_idx %arg45[%iota3A, %broadcast_in_dim3A_410] : memref<16x16xf32, #tpu.memory_space<vmem>>[vector<16xi32>, vector<16xi32>], vector<16xf32>,
      %broadcast_in_dim3A_412 = arith.constant 1 : i32
      %broadcast_in_dim3A_413 = vector.broadcast %broadcast_in_dim3A_412 : i32 to vector<16xi32>
      %gather3A_414 = tpu.vector_load_idx %arg45[%iota3A, %broadcast_in_dim3A_413] : memref<16x16xf32, #tpu.memory_space<vmem>>[vector<16xi32>, vector<16xi32>], vector<16xf32>,
      %add3A_415 = arith.addf %gather3A_411, %gather3A_414 : vector<16xf32>
      %broadcast_in_dim3A_416 = arith.constant 2 : i32
      %broadcast_in_dim3A_417 = vector.broadcast %broadcast_in_dim3A_416 : i32 to vector<16xi32>
      %gather3A_418 = tpu.vector_load_idx %arg45[%iota3A, %broadcast_in_dim3A_417] : memref<16x16xf32, #tpu.memory_space<vmem>>[vector<16xi32>, vector<16xi32>], vector<16xf32>,
      %add3A_419 = arith.addf %add3A_415, %gather3A_418 : vector<16xf32>
      %broadcast_in_dim3A_420 = arith.constant 3 : i32
      %broadcast_in_dim3A_421 = vector.broadcast %broadcast_in_dim3A_420 : i32 to vector<16xi32>
      %gather3A_422 = tpu.vector_load_idx %arg45[%iota3A, %broadcast_in_dim3A_421] : memref<16x16xf32, #tpu.memory_space<vmem>>[vector<16xi32>, vector<16xi32>], vector<16xf32>,
      %add3A_423 = arith.addf %add3A_419, %gather3A_422 : vector<16xf32>
      %broadcast_in_dim3A_424 = arith.constant 4 : i32
      %broadcast_in_dim3A_425 = vector.broadcast %broadcast_in_dim3A_424 : i32 to vector<16xi32>
      %gather3A_426 = tpu.vector_load_idx %arg45[%iota3A, %broadcast_in_dim3A_425] : memref<16x16xf32, #tpu.memory_space<vmem>>[vector<16xi32>, vector<16xi32>], vector<16xf32>,
      %add3A_427 = arith.addf %add3A_423, %gather3A_426 : vector<16xf32>
      %broadcast_in_dim3A_428 = arith.constant 5 : i32
      %broadcast_in_dim3A_429 = vector.broadcast %broadcast_in_dim3A_428 : i32 to vector<16xi32>
      %gather3A_430 = tpu.vector_load_idx %arg45[%iota3A, %broadcast_in_dim3A_429] : memref<16x16xf32, #tpu.memory_space<vmem>>[vector<16xi32>, vector<16xi32>], vector<16xf32>,
      %add3A_431 = arith.addf %add3A_427, %gather3A_430 : vector<16xf32>
      %broadcast_in_dim3A_432 = arith.constant 6 : i32
      %broadcast_in_dim3A_433 = vector.broadcast %broadcast_in_dim3A_432 : i32 to vector<16xi32>
      %gather3A_434 = tpu.vector_load_idx %arg45[%iota3A, %broadcast_in_dim3A_433] : memref<16x16xf32, #tpu.memory_space<vmem>>[vector<16xi32>, vector<16xi32>], vector<16xf32>,
      %add3A_435 = arith.addf %add3A_431, %gather3A_434 : vector<16xf32>
      %broadcast_in_dim3A_436 = arith.constant 7 : i32
      %broadcast_in_dim3A_437 = vector.broadcast %broadcast_in_dim3A_436 : i32 to vector<16xi32>
      %gather3A_438 = tpu.vector_load_idx %arg45[%iota3A, %broadcast_in_dim3A_437] : memref<16x16xf32, #tpu.memory_space<vmem>>[vector<16xi32>, vector<16xi32>], vector<16xf32>,
      %add3A_439 = arith.addf %add3A_435, %gather3A_438 : vector<16xf32>
      %broadcast_in_dim3A_440 = arith.constant 8 : i32
      %broadcast_in_dim3A_441 = vector.broadcast %broadcast_in_dim3A_440 : i32 to vector<16xi32>
      %gather3A_442 = tpu.vector_load_idx %arg45[%iota3A, %broadcast_in_dim3A_441] : memref<16x16xf32, #tpu.memory_space<vmem>>[vector<16xi32>, vector<16xi32>], vector<16xf32>,
      %add3A_443 = arith.addf %add3A_439, %gather3A_442 : vector<16xf32>
      %broadcast_in_dim3A_444 = arith.constant 9 : i32
      %broadcast_in_dim3A_445 = vector.broadcast %broadcast_in_dim3A_444 : i32 to vector<16xi32>
      %gather3A_446 = tpu.vector_load_idx %arg45[%iota3A, %broadcast_in_dim3A_445] : memref<16x16xf32, #tpu.memory_space<vmem>>[vector<16xi32>, vector<16xi32>], vector<16xf32>,
      %add3A_447 = arith.addf %add3A_443, %gather3A_446 : vector<16xf32>
      %broadcast_in_dim3A_448 = arith.constant 10 : i32
      %broadcast_in_dim3A_449 = vector.broadcast %broadcast_in_dim3A_448 : i32 to vector<16xi32>
      %gather3A_450 = tpu.vector_load_idx %arg45[%iota3A, %broadcast_in_dim3A_449] : memref<16x16xf32, #tpu.memory_space<vmem>>[vector<16xi32>, vector<16xi32>], vector<16xf32>,
      %add3A_451 = arith.addf %add3A_447, %gather3A_450 : vector<16xf32>
      %broadcast_in_dim3A_452 = arith.constant 11 : i32
      %broadcast_in_dim3A_453 = vector.broadcast %broadcast_in_dim3A_452 : i32 to vector<16xi32>
      %gather3A_454 = tpu.vector_load_idx %arg45[%iota3A, %broadcast_in_dim3A_453] : memref<16x16xf32, #tpu.memory_space<vmem>>[vector<16xi32>, vector<16xi32>], vector<16xf32>,
      %add3A_455 = arith.addf %add3A_451, %gather3A_454 : vector<16xf32>
      %broadcast_in_dim3A_456 = arith.constant 12 : i32
      %broadcast_in_dim3A_457 = vector.broadcast %broadcast_in_dim3A_456 : i32 to vector<16xi32>
      %gather3A_458 = tpu.vector_load_idx %arg45[%iota3A, %broadcast_in_dim3A_457] : memref<16x16xf32, #tpu.memory_space<vmem>>[vector<16xi32>, vector<16xi32>], vector<16xf32>,
      %add3A_459 = arith.addf %add3A_455, %gather3A_458 : vector<16xf32>
      %broadcast_in_dim3A_460 = arith.constant 13 : i32
      %broadcast_in_dim3A_461 = vector.broadcast %broadcast_in_dim3A_460 : i32 to vector<16xi32>
      %gather3A_462 = tpu.vector_load_idx %arg45[%iota3A, %broadcast_in_dim3A_461] : memref<16x16xf32, #tpu.memory_space<vmem>>[vector<16xi32>, vector<16xi32>], vector<16xf32>,
      %add3A_463 = arith.addf %add3A_459, %gather3A_462 : vector<16xf32>
      %broadcast_in_dim3A_464 = arith.constant 14 : i32
      %broadcast_in_dim3A_465 = vector.broadcast %broadcast_in_dim3A_464 : i32 to vector<16xi32>
      %gather3A_466 = tpu.vector_load_idx %arg45[%iota3A, %broadcast_in_dim3A_465] : memref<16x16xf32, #tpu.memory_space<vmem>>[vector<16xi32>, vector<16xi32>], vector<16xf32>,
      %add3A_467 = arith.addf %add3A_463, %gather3A_466 : vector<16xf32>
      %broadcast_in_dim3A_468 = arith.constant 15 : i32
      %broadcast_in_dim3A_469 = vector.broadcast %broadcast_in_dim3A_468 : i32 to vector<16xi32>
      %gather3A_470 = tpu.vector_load_idx %arg45[%iota3A, %broadcast_in_dim3A_469] : memref<16x16xf32, #tpu.memory_space<vmem>>[vector<16xi32>, vector<16xi32>], vector<16xf32>,
      %add3A_471 = arith.addf %add3A_467, %gather3A_470 : vector<16xf32>
      %sub3A_472 = arith.constant 1.000000e+00 : f32
      %sub3A_473 = vector.broadcast %sub3A_472 : f32 to vector<16xf32>
      %sub3A_474 = arith.subf %add3A_471, %sub3A_473 : vector<16xf32>
      %mul3A_475 = arith.mulf %sub3A_474, %sub3A_474 : vector<16xf32>
      %swap3A_476 = arith.index_cast %add3A_279 : i32 to index
      %swap3A_477 = tpu.vector_load %arg40[%swap3A_476] {strides = array<i32>} : memref<512xf32, #tpu.memory_space<vmem>>, vector<16xf32>,
      tpu.vector_store %arg40[%swap3A_476], %mul3A_475 {strides = array<i32>} : memref<512xf32, #tpu.memory_space<vmem>>, vector<16xf32>,
    }
    %scan3A_124 = arith.constant 8 : i32
    %add3A_125 = arith.constant 256 : i32
    %add3A_126 = arith.addi %mul3A_2, %add3A_125 : i32
    "tpu.region"() ({
      %run_scoped3A = tpu.sem_alloc : memref<!tpu.dma_semaphore, #tpu.memory_space<semaphore_mem>>
      %dma_start3A_269 = tpu.memref_slice %arg3[%add3A_126] : memref<16384xi32, #tpu.memory_space<hbm>> -> memref<128xi32, #tpu.memory_space<hbm>>
      %dma_start3A_270 = tpu.memref_slice %arg3[%add3A_126] : memref<16384xi32, #tpu.memory_space<hbm>> -> memref<128xi32, #tpu.memory_space<hbm>>
      tpu.enqueue_dma source(%dma_start3A_270 : memref<128xi32, #tpu.memory_space<hbm>>) target(%arg19 : memref<128xi32, #tpu.memory_space<vmem>>) target_semaphore(%run_scoped3A : memref<!tpu.dma_semaphore, #tpu.memory_space<semaphore_mem>>)
      %dma_wait3A_271 = tpu.memref_slice %arg3[%add3A_126] : memref<16384xi32, #tpu.memory_space<hbm>> -> memref<128xi32, #tpu.memory_space<hbm>>
      %dma_wait3A_272 = tpu.memref_slice %arg3[%add3A_126] : memref<16384xi32, #tpu.memory_space<hbm>> -> memref<128xi32, #tpu.memory_space<hbm>>
      tpu.wait_dma2 semaphore(%run_scoped3A : memref<!tpu.dma_semaphore, #tpu.memory_space<semaphore_mem>>) src(%dma_wait3A_272 : memref<128xi32, #tpu.memory_space<hbm>>) dst(%arg19 : memref<128xi32, #tpu.memory_space<vmem>>)
      tpu.yield
    }) : () -> ()
    "tpu.region"() ({
      %run_scoped3A = tpu.sem_alloc : memref<!tpu.dma_semaphore, #tpu.memory_space<semaphore_mem>>
      %dma_start3A_269 = tpu.memref_slice %arg4[%add3A_126] : memref<16384xi32, #tpu.memory_space<hbm>> -> memref<128xi32, #tpu.memory_space<hbm>>
      %dma_start3A_270 = tpu.memref_slice %arg4[%add3A_126] : memref<16384xi32, #tpu.memory_space<hbm>> -> memref<128xi32, #tpu.memory_space<hbm>>
      tpu.enqueue_dma source(%dma_start3A_270 : memref<128xi32, #tpu.memory_space<hbm>>) target(%arg20 : memref<128xi32, #tpu.memory_space<vmem>>) target_semaphore(%run_scoped3A : memref<!tpu.dma_semaphore, #tpu.memory_space<semaphore_mem>>)
      %dma_wait3A_271 = tpu.memref_slice %arg4[%add3A_126] : memref<16384xi32, #tpu.memory_space<hbm>> -> memref<128xi32, #tpu.memory_space<hbm>>
      %dma_wait3A_272 = tpu.memref_slice %arg4[%add3A_126] : memref<16384xi32, #tpu.memory_space<hbm>> -> memref<128xi32, #tpu.memory_space<hbm>>
      tpu.wait_dma2 semaphore(%run_scoped3A : memref<!tpu.dma_semaphore, #tpu.memory_space<semaphore_mem>>) src(%dma_wait3A_272 : memref<128xi32, #tpu.memory_space<hbm>>) dst(%arg20 : memref<128xi32, #tpu.memory_space<vmem>>)
      tpu.yield
    }) : () -> ()
    "tpu.region"() ({
      %run_scoped3A = tpu.sem_alloc : memref<!tpu.dma_semaphore, #tpu.memory_space<semaphore_mem>>
      %dma_start3A_269 = tpu.memref_slice %arg5[%add3A_126] : memref<16384xi32, #tpu.memory_space<hbm>> -> memref<128xi32, #tpu.memory_space<hbm>>
      %dma_start3A_270 = tpu.memref_slice %arg5[%add3A_126] : memref<16384xi32, #tpu.memory_space<hbm>> -> memref<128xi32, #tpu.memory_space<hbm>>
      tpu.enqueue_dma source(%dma_start3A_270 : memref<128xi32, #tpu.memory_space<hbm>>) target(%arg21 : memref<128xi32, #tpu.memory_space<vmem>>) target_semaphore(%run_scoped3A : memref<!tpu.dma_semaphore, #tpu.memory_space<semaphore_mem>>)
      %dma_wait3A_271 = tpu.memref_slice %arg5[%add3A_126] : memref<16384xi32, #tpu.memory_space<hbm>> -> memref<128xi32, #tpu.memory_space<hbm>>
      %dma_wait3A_272 = tpu.memref_slice %arg5[%add3A_126] : memref<16384xi32, #tpu.memory_space<hbm>> -> memref<128xi32, #tpu.memory_space<hbm>>
      tpu.wait_dma2 semaphore(%run_scoped3A : memref<!tpu.dma_semaphore, #tpu.memory_space<semaphore_mem>>) src(%dma_wait3A_272 : memref<128xi32, #tpu.memory_space<hbm>>) dst(%arg21 : memref<128xi32, #tpu.memory_space<vmem>>)
      tpu.yield
    }) : () -> ()
    "tpu.region"() ({
      %run_scoped3A = tpu.sem_alloc : memref<!tpu.dma_semaphore, #tpu.memory_space<semaphore_mem>>
      %dma_start3A_269 = tpu.memref_slice %arg6[%add3A_126] : memref<16384xi32, #tpu.memory_space<hbm>> -> memref<128xi32, #tpu.memory_space<hbm>>
      %dma_start3A_270 = tpu.memref_slice %arg6[%add3A_126] : memref<16384xi32, #tpu.memory_space<hbm>> -> memref<128xi32, #tpu.memory_space<hbm>>
      tpu.enqueue_dma source(%dma_start3A_270 : memref<128xi32, #tpu.memory_space<hbm>>) target(%arg22 : memref<128xi32, #tpu.memory_space<vmem>>) target_semaphore(%run_scoped3A : memref<!tpu.dma_semaphore, #tpu.memory_space<semaphore_mem>>)
      %dma_wait3A_271 = tpu.memref_slice %arg6[%add3A_126] : memref<16384xi32, #tpu.memory_space<hbm>> -> memref<128xi32, #tpu.memory_space<hbm>>
      %dma_wait3A_272 = tpu.memref_slice %arg6[%add3A_126] : memref<16384xi32, #tpu.memory_space<hbm>> -> memref<128xi32, #tpu.memory_space<hbm>>
      tpu.wait_dma2 semaphore(%run_scoped3A : memref<!tpu.dma_semaphore, #tpu.memory_space<semaphore_mem>>) src(%dma_wait3A_272 : memref<128xi32, #tpu.memory_space<hbm>>) dst(%arg22 : memref<128xi32, #tpu.memory_space<vmem>>)
      tpu.yield
    }) : () -> ()
    "tpu.region"() ({
      %run_scoped3A = tpu.sem_alloc : memref<!tpu.dma_semaphore, #tpu.memory_space<semaphore_mem>>
      %dma_start3A_269 = tpu.memref_slice %arg7[%add3A_126] : memref<16384xi32, #tpu.memory_space<hbm>> -> memref<128xi32, #tpu.memory_space<hbm>>
      %dma_start3A_270 = tpu.memref_slice %arg7[%add3A_126] : memref<16384xi32, #tpu.memory_space<hbm>> -> memref<128xi32, #tpu.memory_space<hbm>>
      tpu.enqueue_dma source(%dma_start3A_270 : memref<128xi32, #tpu.memory_space<hbm>>) target(%arg23 : memref<128xi32, #tpu.memory_space<vmem>>) target_semaphore(%run_scoped3A : memref<!tpu.dma_semaphore, #tpu.memory_space<semaphore_mem>>)
      %dma_wait3A_271 = tpu.memref_slice %arg7[%add3A_126] : memref<16384xi32, #tpu.memory_space<hbm>> -> memref<128xi32, #tpu.memory_space<hbm>>
      %dma_wait3A_272 = tpu.memref_slice %arg7[%add3A_126] : memref<16384xi32, #tpu.memory_space<hbm>> -> memref<128xi32, #tpu.memory_space<hbm>>
      tpu.wait_dma2 semaphore(%run_scoped3A : memref<!tpu.dma_semaphore, #tpu.memory_space<semaphore_mem>>) src(%dma_wait3A_272 : memref<128xi32, #tpu.memory_space<hbm>>) dst(%arg23 : memref<128xi32, #tpu.memory_space<vmem>>)
      tpu.yield
    }) : () -> ()
    "tpu.region"() ({
      %run_scoped3A = tpu.sem_alloc : memref<!tpu.dma_semaphore, #tpu.memory_space<semaphore_mem>>
      %dma_start3A_269 = tpu.memref_slice %arg8[%add3A_126] : memref<16384xi32, #tpu.memory_space<hbm>> -> memref<128xi32, #tpu.memory_space<hbm>>
      %dma_start3A_270 = tpu.memref_slice %arg8[%add3A_126] : memref<16384xi32, #tpu.memory_space<hbm>> -> memref<128xi32, #tpu.memory_space<hbm>>
      tpu.enqueue_dma source(%dma_start3A_270 : memref<128xi32, #tpu.memory_space<hbm>>) target(%arg24 : memref<128xi32, #tpu.memory_space<vmem>>) target_semaphore(%run_scoped3A : memref<!tpu.dma_semaphore, #tpu.memory_space<semaphore_mem>>)
      %dma_wait3A_271 = tpu.memref_slice %arg8[%add3A_126] : memref<16384xi32, #tpu.memory_space<hbm>> -> memref<128xi32, #tpu.memory_space<hbm>>
      %dma_wait3A_272 = tpu.memref_slice %arg8[%add3A_126] : memref<16384xi32, #tpu.memory_space<hbm>> -> memref<128xi32, #tpu.memory_space<hbm>>
      tpu.wait_dma2 semaphore(%run_scoped3A : memref<!tpu.dma_semaphore, #tpu.memory_space<semaphore_mem>>) src(%dma_wait3A_272 : memref<128xi32, #tpu.memory_space<hbm>>) dst(%arg24 : memref<128xi32, #tpu.memory_space<vmem>>)
      tpu.yield
    }) : () -> ()
    "tpu.region"() ({
      %run_scoped3A = tpu.sem_alloc : memref<!tpu.dma_semaphore, #tpu.memory_space<semaphore_mem>>
      %dma_start3A_269 = tpu.memref_slice %arg9[%add3A_126] : memref<16384xi32, #tpu.memory_space<hbm>> -> memref<128xi32, #tpu.memory_space<hbm>>
      %dma_start3A_270 = tpu.memref_slice %arg9[%add3A_126] : memref<16384xi32, #tpu.memory_space<hbm>> -> memref<128xi32, #tpu.memory_space<hbm>>
      tpu.enqueue_dma source(%dma_start3A_270 : memref<128xi32, #tpu.memory_space<hbm>>) target(%arg25 : memref<128xi32, #tpu.memory_space<vmem>>) target_semaphore(%run_scoped3A : memref<!tpu.dma_semaphore, #tpu.memory_space<semaphore_mem>>)
      %dma_wait3A_271 = tpu.memref_slice %arg9[%add3A_126] : memref<16384xi32, #tpu.memory_space<hbm>> -> memref<128xi32, #tpu.memory_space<hbm>>
      %dma_wait3A_272 = tpu.memref_slice %arg9[%add3A_126] : memref<16384xi32, #tpu.memory_space<hbm>> -> memref<128xi32, #tpu.memory_space<hbm>>
      tpu.wait_dma2 semaphore(%run_scoped3A : memref<!tpu.dma_semaphore, #tpu.memory_space<semaphore_mem>>) src(%dma_wait3A_272 : memref<128xi32, #tpu.memory_space<hbm>>) dst(%arg25 : memref<128xi32, #tpu.memory_space<vmem>>)
      tpu.yield
    }) : () -> ()
    %dma_start3A_127 = arith.constant 0 : i32
    %dma_start3A_128 = arith.constant 0 : i32
    %dma_start3A_129 = tpu.memref_slice %arg11[%dma_start3A_127, %dma_start3A_128] : memref<1000000x64xf32, #tpu.memory_space<hbm>> -> memref<1000000x64xf32, #tpu.memory_space<hbm>>
    tpu.enqueue_indirect_dma source(%dma_start3A_129 : memref<1000000x64xf32, #tpu.memory_space<hbm>>) target(%arg27 : memref<128x64xf32, #tpu.memory_space<vmem>>) offsets(%arg19 : memref<128xi32, #tpu.memory_space<vmem>>) semaphore(%arg47 : memref<!tpu.dma_semaphore, #tpu.memory_space<semaphore_mem>>)
    %dma_start3A_130 = arith.constant 0 : i32
    %dma_start3A_131 = arith.constant 0 : i32
    %dma_start3A_132 = tpu.memref_slice %arg11[%dma_start3A_130, %dma_start3A_131] : memref<1000000x64xf32, #tpu.memory_space<hbm>> -> memref<1000000x64xf32, #tpu.memory_space<hbm>>
    tpu.enqueue_indirect_dma source(%dma_start3A_132 : memref<1000000x64xf32, #tpu.memory_space<hbm>>) target(%arg28 : memref<128x64xf32, #tpu.memory_space<vmem>>) offsets(%arg20 : memref<128xi32, #tpu.memory_space<vmem>>) semaphore(%arg47 : memref<!tpu.dma_semaphore, #tpu.memory_space<semaphore_mem>>)
    %dma_start3A_133 = arith.constant 0 : i32
    %dma_start3A_134 = arith.constant 0 : i32
    %dma_start3A_135 = tpu.memref_slice %arg12[%dma_start3A_133, %dma_start3A_134] : memref<1000x64xf32, #tpu.memory_space<hbm>> -> memref<1000x64xf32, #tpu.memory_space<hbm>>
    tpu.enqueue_indirect_dma source(%dma_start3A_135 : memref<1000x64xf32, #tpu.memory_space<hbm>>) target(%arg29 : memref<128x64xf32, #tpu.memory_space<vmem>>) offsets(%arg21 : memref<128xi32, #tpu.memory_space<vmem>>) semaphore(%arg47 : memref<!tpu.dma_semaphore, #tpu.memory_space<semaphore_mem>>)
    %dma_start3A_136 = arith.constant 0 : i32
    %dma_start3A_137 = arith.constant 0 : i32
    %dma_start3A_138 = tpu.memref_slice %arg13[%dma_start3A_136, %dma_start3A_137] : memref<1000x64xf32, #tpu.memory_space<hbm>> -> memref<1000x64xf32, #tpu.memory_space<hbm>>
    tpu.enqueue_indirect_dma source(%dma_start3A_138 : memref<1000x64xf32, #tpu.memory_space<hbm>>) target(%arg30 : memref<128x64xf32, #tpu.memory_space<vmem>>) offsets(%arg21 : memref<128xi32, #tpu.memory_space<vmem>>) semaphore(%arg47 : memref<!tpu.dma_semaphore, #tpu.memory_space<semaphore_mem>>)
    %dma_start3A_139 = arith.constant 0 : i32
    %dma_start3A_140 = arith.constant 0 : i32
    %dma_start3A_141 = tpu.memref_slice %arg11[%dma_start3A_139, %dma_start3A_140] : memref<1000000x64xf32, #tpu.memory_space<hbm>> -> memref<1000000x64xf32, #tpu.memory_space<hbm>>
    tpu.enqueue_indirect_dma source(%dma_start3A_141 : memref<1000000x64xf32, #tpu.memory_space<hbm>>) target(%arg31 : memref<128x64xf32, #tpu.memory_space<vmem>>) offsets(%arg22 : memref<128xi32, #tpu.memory_space<vmem>>) semaphore(%arg47 : memref<!tpu.dma_semaphore, #tpu.memory_space<semaphore_mem>>)
    %dma_start3A_142 = arith.constant 0 : i32
    %dma_start3A_143 = arith.constant 0 : i32
    %dma_start3A_144 = tpu.memref_slice %arg11[%dma_start3A_142, %dma_start3A_143] : memref<1000000x64xf32, #tpu.memory_space<hbm>> -> memref<1000000x64xf32, #tpu.memory_space<hbm>>
    tpu.enqueue_indirect_dma source(%dma_start3A_144 : memref<1000000x64xf32, #tpu.memory_space<hbm>>) target(%arg32 : memref<128x64xf32, #tpu.memory_space<vmem>>) offsets(%arg23 : memref<128xi32, #tpu.memory_space<vmem>>) semaphore(%arg47 : memref<!tpu.dma_semaphore, #tpu.memory_space<semaphore_mem>>)
    %dma_start3A_145 = arith.constant 0 : i32
    %dma_start3A_146 = arith.constant 0 : i32
    %dma_start3A_147 = tpu.memref_slice %arg12[%dma_start3A_145, %dma_start3A_146] : memref<1000x64xf32, #tpu.memory_space<hbm>> -> memref<1000x64xf32, #tpu.memory_space<hbm>>
    tpu.enqueue_indirect_dma source(%dma_start3A_147 : memref<1000x64xf32, #tpu.memory_space<hbm>>) target(%arg33 : memref<128x64xf32, #tpu.memory_space<vmem>>) offsets(%arg24 : memref<128xi32, #tpu.memory_space<vmem>>) semaphore(%arg47 : memref<!tpu.dma_semaphore, #tpu.memory_space<semaphore_mem>>)
    %dma_start3A_148 = arith.constant 0 : i32
    %dma_start3A_149 = arith.constant 0 : i32
    %dma_start3A_150 = tpu.memref_slice %arg13[%dma_start3A_148, %dma_start3A_149] : memref<1000x64xf32, #tpu.memory_space<hbm>> -> memref<1000x64xf32, #tpu.memory_space<hbm>>
    tpu.enqueue_indirect_dma source(%dma_start3A_150 : memref<1000x64xf32, #tpu.memory_space<hbm>>) target(%arg34 : memref<128x64xf32, #tpu.memory_space<vmem>>) offsets(%arg24 : memref<128xi32, #tpu.memory_space<vmem>>) semaphore(%arg47 : memref<!tpu.dma_semaphore, #tpu.memory_space<semaphore_mem>>)
    %dma_start3A_151 = arith.constant 0 : i32
    %dma_start3A_152 = arith.constant 0 : i32
    %dma_start3A_153 = tpu.memref_slice %arg11[%dma_start3A_151, %dma_start3A_152] : memref<1000000x64xf32, #tpu.memory_space<hbm>> -> memref<1000000x64xf32, #tpu.memory_space<hbm>>
    tpu.enqueue_indirect_dma source(%dma_start3A_153 : memref<1000000x64xf32, #tpu.memory_space<hbm>>) target(%arg35 : memref<128x64xf32, #tpu.memory_space<vmem>>) offsets(%arg25 : memref<128xi32, #tpu.memory_space<vmem>>) semaphore(%arg47 : memref<!tpu.dma_semaphore, #tpu.memory_space<semaphore_mem>>)
    %dma_wait3A_154 = arith.constant 0 : i32
    %dma_wait3A_155 = arith.constant 0 : i32
    %dma_wait3A_156 = tpu.memref_slice %arg11[%dma_wait3A_154, %dma_wait3A_155] : memref<1000000x64xf32, #tpu.memory_space<hbm>> -> memref<1000000x64xf32, #tpu.memory_space<hbm>>
    tpu.wait_indirect_dma semaphore(%arg47 : memref<!tpu.dma_semaphore, #tpu.memory_space<semaphore_mem>>) src(%dma_wait3A_156 : memref<1000000x64xf32, #tpu.memory_space<hbm>>) dst(%arg27 : memref<128x64xf32, #tpu.memory_space<vmem>>)
    %dma_wait3A_157 = arith.constant 0 : i32
    %dma_wait3A_158 = arith.constant 0 : i32
    %dma_wait3A_159 = tpu.memref_slice %arg11[%dma_wait3A_157, %dma_wait3A_158] : memref<1000000x64xf32, #tpu.memory_space<hbm>> -> memref<1000000x64xf32, #tpu.memory_space<hbm>>
    tpu.wait_indirect_dma semaphore(%arg47 : memref<!tpu.dma_semaphore, #tpu.memory_space<semaphore_mem>>) src(%dma_wait3A_159 : memref<1000000x64xf32, #tpu.memory_space<hbm>>) dst(%arg28 : memref<128x64xf32, #tpu.memory_space<vmem>>)
    %dma_wait3A_160 = arith.constant 0 : i32
    %dma_wait3A_161 = arith.constant 0 : i32
    %dma_wait3A_162 = tpu.memref_slice %arg12[%dma_wait3A_160, %dma_wait3A_161] : memref<1000x64xf32, #tpu.memory_space<hbm>> -> memref<1000x64xf32, #tpu.memory_space<hbm>>
    tpu.wait_indirect_dma semaphore(%arg47 : memref<!tpu.dma_semaphore, #tpu.memory_space<semaphore_mem>>) src(%dma_wait3A_162 : memref<1000x64xf32, #tpu.memory_space<hbm>>) dst(%arg29 : memref<128x64xf32, #tpu.memory_space<vmem>>)
    %dma_wait3A_163 = arith.constant 0 : i32
    %dma_wait3A_164 = arith.constant 0 : i32
    %dma_wait3A_165 = tpu.memref_slice %arg13[%dma_wait3A_163, %dma_wait3A_164] : memref<1000x64xf32, #tpu.memory_space<hbm>> -> memref<1000x64xf32, #tpu.memory_space<hbm>>
    tpu.wait_indirect_dma semaphore(%arg47 : memref<!tpu.dma_semaphore, #tpu.memory_space<semaphore_mem>>) src(%dma_wait3A_165 : memref<1000x64xf32, #tpu.memory_space<hbm>>) dst(%arg30 : memref<128x64xf32, #tpu.memory_space<vmem>>)
    %dma_wait3A_166 = arith.constant 0 : i32
    %dma_wait3A_167 = arith.constant 0 : i32
    %dma_wait3A_168 = tpu.memref_slice %arg11[%dma_wait3A_166, %dma_wait3A_167] : memref<1000000x64xf32, #tpu.memory_space<hbm>> -> memref<1000000x64xf32, #tpu.memory_space<hbm>>
    tpu.wait_indirect_dma semaphore(%arg47 : memref<!tpu.dma_semaphore, #tpu.memory_space<semaphore_mem>>) src(%dma_wait3A_168 : memref<1000000x64xf32, #tpu.memory_space<hbm>>) dst(%arg31 : memref<128x64xf32, #tpu.memory_space<vmem>>)
    %dma_wait3A_169 = arith.constant 0 : i32
    %dma_wait3A_170 = arith.constant 0 : i32
    %dma_wait3A_171 = tpu.memref_slice %arg11[%dma_wait3A_169, %dma_wait3A_170] : memref<1000000x64xf32, #tpu.memory_space<hbm>> -> memref<1000000x64xf32, #tpu.memory_space<hbm>>
    tpu.wait_indirect_dma semaphore(%arg47 : memref<!tpu.dma_semaphore, #tpu.memory_space<semaphore_mem>>) src(%dma_wait3A_171 : memref<1000000x64xf32, #tpu.memory_space<hbm>>) dst(%arg32 : memref<128x64xf32, #tpu.memory_space<vmem>>)
    %dma_wait3A_172 = arith.constant 0 : i32
    %dma_wait3A_173 = arith.constant 0 : i32
    %dma_wait3A_174 = tpu.memref_slice %arg12[%dma_wait3A_172, %dma_wait3A_173] : memref<1000x64xf32, #tpu.memory_space<hbm>> -> memref<1000x64xf32, #tpu.memory_space<hbm>>
    tpu.wait_indirect_dma semaphore(%arg47 : memref<!tpu.dma_semaphore, #tpu.memory_space<semaphore_mem>>) src(%dma_wait3A_174 : memref<1000x64xf32, #tpu.memory_space<hbm>>) dst(%arg33 : memref<128x64xf32, #tpu.memory_space<vmem>>)
    %dma_wait3A_175 = arith.constant 0 : i32
    %dma_wait3A_176 = arith.constant 0 : i32
    %dma_wait3A_177 = tpu.memref_slice %arg13[%dma_wait3A_175, %dma_wait3A_176] : memref<1000x64xf32, #tpu.memory_space<hbm>> -> memref<1000x64xf32, #tpu.memory_space<hbm>>
    tpu.wait_indirect_dma semaphore(%arg47 : memref<!tpu.dma_semaphore, #tpu.memory_space<semaphore_mem>>) src(%dma_wait3A_177 : memref<1000x64xf32, #tpu.memory_space<hbm>>) dst(%arg34 : memref<128x64xf32, #tpu.memory_space<vmem>>)
    %dma_wait3A_178 = arith.constant 0 : i32
    %dma_wait3A_179 = arith.constant 0 : i32
    %dma_wait3A_180 = tpu.memref_slice %arg11[%dma_wait3A_178, %dma_wait3A_179] : memref<1000000x64xf32, #tpu.memory_space<hbm>> -> memref<1000000x64xf32, #tpu.memory_space<hbm>>
    tpu.wait_indirect_dma semaphore(%arg47 : memref<!tpu.dma_semaphore, #tpu.memory_space<semaphore_mem>>) src(%dma_wait3A_180 : memref<1000000x64xf32, #tpu.memory_space<hbm>>) dst(%arg35 : memref<128x64xf32, #tpu.memory_space<vmem>>)
    %scan3A_181 = arith.constant 0 : i32
    %scan3A_182 = arith.constant 0 : i32
    %scan3A_183 = arith.constant 8 : i32
    %scan3A_184 = arith.addi %scan3A_182, %scan3A_183 : i32
    %scan3A_185 = arith.constant 1 : i32
    scf.for %scan3A_269 = %scan3A_182 to %scan3A_184 step %scan3A_185  : i32 {
      %scan3A_270 = arith.constant 0 : i32
      %scan3A_271 = arith.constant 0 : i32
      %scan3A_272 = arith.constant 16 : i32
      %scan3A_273 = arith.addi %scan3A_271, %scan3A_272 : i32
      %scan3A_274 = arith.constant 1 : i32
      scf.for %scan3A_478 = %scan3A_271 to %scan3A_273 step %scan3A_274  : i32 {
        %mul3A_479 = arith.constant 16 : i32
        %mul3A_480 = arith.muli %scan3A_269, %mul3A_479 : i32
        %add3A_481 = arith.addi %mul3A_480, %scan3A_478 : i32
        %broadcast_in_dim3A_482 = arith.constant 0.000000e+00 : f32
        %broadcast_in_dim3A_483 = vector.broadcast %broadcast_in_dim3A_482 : f32 to vector<16xf32>
        %broadcast_in_dim3A_484 = arith.constant 0.000000e+00 : f32
        %broadcast_in_dim3A_485 = vector.broadcast %broadcast_in_dim3A_484 : f32 to vector<16xf32>
        %broadcast_in_dim3A_486 = arith.constant 0.000000e+00 : f32
        %broadcast_in_dim3A_487 = vector.broadcast %broadcast_in_dim3A_486 : f32 to vector<16xf32>
        %get3A_488 = arith.index_cast %add3A_481 : i32 to index
        %get3A_489 = arith.constant 0 : index
        %get3A_490 = tpu.vector_load %arg29[%get3A_488, %get3A_489] {strides = array<i32>} : memref<128x64xf32, #tpu.memory_space<vmem>>, vector<16xf32>,
        %sub3A_491 = arith.constant 1.000000e+00 : f32
        %sub3A_492 = vector.broadcast %sub3A_491 : f32 to vector<16xf32>
        %sub3A_493 = arith.subf %sub3A_492, %get3A_490 : vector<16xf32>
        %get3A_494 = arith.index_cast %add3A_481 : i32 to index
        %get3A_495 = arith.constant 0 : index
        %get3A_496 = tpu.vector_load %arg27[%get3A_494, %get3A_495] {strides = array<i32>} : memref<128x64xf32, #tpu.memory_space<vmem>>, vector<16xf32>,
        %mul3A_497 = arith.mulf %sub3A_493, %get3A_496 : vector<16xf32>
        %get3A_498 = arith.index_cast %add3A_481 : i32 to index
        %get3A_499 = arith.constant 0 : index
        %get3A_500 = tpu.vector_load %arg30[%get3A_498, %get3A_499] {strides = array<i32>} : memref<128x64xf32, #tpu.memory_space<vmem>>, vector<16xf32>,
        %sub3A_501 = arith.constant 1.000000e+00 : f32
        %sub3A_502 = vector.broadcast %sub3A_501 : f32 to vector<16xf32>
        %sub3A_503 = arith.subf %sub3A_502, %get3A_500 : vector<16xf32>
        %get3A_504 = arith.index_cast %add3A_481 : i32 to index
        %get3A_505 = arith.constant 0 : index
        %get3A_506 = tpu.vector_load %arg28[%get3A_504, %get3A_505] {strides = array<i32>} : memref<128x64xf32, #tpu.memory_space<vmem>>, vector<16xf32>,
        %mul3A_507 = arith.mulf %sub3A_503, %get3A_506 : vector<16xf32>
        %mul3A_508 = arith.mulf %mul3A_497, %mul3A_497 : vector<16xf32>
        %add3A_509 = arith.addf %broadcast_in_dim3A_483, %mul3A_508 : vector<16xf32>
        %mul3A_510 = arith.mulf %mul3A_507, %mul3A_507 : vector<16xf32>
        %add3A_511 = arith.addf %add3A_509, %mul3A_510 : vector<16xf32>
        %get3A_512 = arith.index_cast %add3A_481 : i32 to index
        %get3A_513 = arith.constant 0 : index
        %get3A_514 = tpu.vector_load %arg33[%get3A_512, %get3A_513] {strides = array<i32>} : memref<128x64xf32, #tpu.memory_space<vmem>>, vector<16xf32>,
        %sub3A_515 = arith.constant 1.000000e+00 : f32
        %sub3A_516 = vector.broadcast %sub3A_515 : f32 to vector<16xf32>
        %sub3A_517 = arith.subf %sub3A_516, %get3A_514 : vector<16xf32>
        %get3A_518 = arith.index_cast %add3A_481 : i32 to index
        %get3A_519 = arith.constant 0 : index
        %get3A_520 = tpu.vector_load %arg31[%get3A_518, %get3A_519] {strides = array<i32>} : memref<128x64xf32, #tpu.memory_space<vmem>>, vector<16xf32>,
        %mul3A_521 = arith.mulf %sub3A_517, %get3A_520 : vector<16xf32>
        %get3A_522 = arith.index_cast %add3A_481 : i32 to index
        %get3A_523 = arith.constant 0 : index
        %get3A_524 = tpu.vector_load %arg34[%get3A_522, %get3A_523] {strides = array<i32>} : memref<128x64xf32, #tpu.memory_space<vmem>>, vector<16xf32>,
        %sub3A_525 = arith.constant 1.000000e+00 : f32
        %sub3A_526 = vector.broadcast %sub3A_525 : f32 to vector<16xf32>
        %sub3A_527 = arith.subf %sub3A_526, %get3A_524 : vector<16xf32>
        %get3A_528 = arith.index_cast %add3A_481 : i32 to index
        %get3A_529 = arith.constant 0 : index
        %get3A_530 = tpu.vector_load %arg32[%get3A_528, %get3A_529] {strides = array<i32>} : memref<128x64xf32, #tpu.memory_space<vmem>>, vector<16xf32>,
        %mul3A_531 = arith.mulf %sub3A_527, %get3A_530 : vector<16xf32>
        %mul3A_532 = arith.mulf %mul3A_521, %mul3A_521 : vector<16xf32>
        %add3A_533 = arith.addf %broadcast_in_dim3A_485, %mul3A_532 : vector<16xf32>
        %mul3A_534 = arith.mulf %mul3A_531, %mul3A_531 : vector<16xf32>
        %add3A_535 = arith.addf %add3A_533, %mul3A_534 : vector<16xf32>
        %get3A_536 = arith.index_cast %add3A_481 : i32 to index
        %get3A_537 = arith.constant 0 : index
        %get3A_538 = tpu.vector_load %arg35[%get3A_536, %get3A_537] {strides = array<i32>} : memref<128x64xf32, #tpu.memory_space<vmem>>, vector<16xf32>,
        %mul3A_539 = arith.mulf %get3A_538, %get3A_538 : vector<16xf32>
        %add3A_540 = arith.addf %broadcast_in_dim3A_487, %mul3A_539 : vector<16xf32>
        %get3A_541 = arith.index_cast %add3A_481 : i32 to index
        %get3A_542 = arith.constant 16 : index
        %get3A_543 = tpu.vector_load %arg29[%get3A_541, %get3A_542] {strides = array<i32>} : memref<128x64xf32, #tpu.memory_space<vmem>>, vector<16xf32>,
        %sub3A_544 = arith.constant 1.000000e+00 : f32
        %sub3A_545 = vector.broadcast %sub3A_544 : f32 to vector<16xf32>
        %sub3A_546 = arith.subf %sub3A_545, %get3A_543 : vector<16xf32>
        %get3A_547 = arith.index_cast %add3A_481 : i32 to index
        %get3A_548 = arith.constant 16 : index
        %get3A_549 = tpu.vector_load %arg27[%get3A_547, %get3A_548] {strides = array<i32>} : memref<128x64xf32, #tpu.memory_space<vmem>>, vector<16xf32>,
        %mul3A_550 = arith.mulf %sub3A_546, %get3A_549 : vector<16xf32>
        %get3A_551 = arith.index_cast %add3A_481 : i32 to index
        %get3A_552 = arith.constant 16 : index
        %get3A_553 = tpu.vector_load %arg30[%get3A_551, %get3A_552] {strides = array<i32>} : memref<128x64xf32, #tpu.memory_space<vmem>>, vector<16xf32>,
        %sub3A_554 = arith.constant 1.000000e+00 : f32
        %sub3A_555 = vector.broadcast %sub3A_554 : f32 to vector<16xf32>
        %sub3A_556 = arith.subf %sub3A_555, %get3A_553 : vector<16xf32>
        %get3A_557 = arith.index_cast %add3A_481 : i32 to index
        %get3A_558 = arith.constant 16 : index
        %get3A_559 = tpu.vector_load %arg28[%get3A_557, %get3A_558] {strides = array<i32>} : memref<128x64xf32, #tpu.memory_space<vmem>>, vector<16xf32>,
        %mul3A_560 = arith.mulf %sub3A_556, %get3A_559 : vector<16xf32>
        %mul3A_561 = arith.mulf %mul3A_550, %mul3A_550 : vector<16xf32>
        %add3A_562 = arith.addf %add3A_511, %mul3A_561 : vector<16xf32>
        %mul3A_563 = arith.mulf %mul3A_560, %mul3A_560 : vector<16xf32>
        %add3A_564 = arith.addf %add3A_562, %mul3A_563 : vector<16xf32>
        %get3A_565 = arith.index_cast %add3A_481 : i32 to index
        %get3A_566 = arith.constant 16 : index
        %get3A_567 = tpu.vector_load %arg33[%get3A_565, %get3A_566] {strides = array<i32>} : memref<128x64xf32, #tpu.memory_space<vmem>>, vector<16xf32>,
        %sub3A_568 = arith.constant 1.000000e+00 : f32
        %sub3A_569 = vector.broadcast %sub3A_568 : f32 to vector<16xf32>
        %sub3A_570 = arith.subf %sub3A_569, %get3A_567 : vector<16xf32>
        %get3A_571 = arith.index_cast %add3A_481 : i32 to index
        %get3A_572 = arith.constant 16 : index
        %get3A_573 = tpu.vector_load %arg31[%get3A_571, %get3A_572] {strides = array<i32>} : memref<128x64xf32, #tpu.memory_space<vmem>>, vector<16xf32>,
        %mul3A_574 = arith.mulf %sub3A_570, %get3A_573 : vector<16xf32>
        %get3A_575 = arith.index_cast %add3A_481 : i32 to index
        %get3A_576 = arith.constant 16 : index
        %get3A_577 = tpu.vector_load %arg34[%get3A_575, %get3A_576] {strides = array<i32>} : memref<128x64xf32, #tpu.memory_space<vmem>>, vector<16xf32>,
        %sub3A_578 = arith.constant 1.000000e+00 : f32
        %sub3A_579 = vector.broadcast %sub3A_578 : f32 to vector<16xf32>
        %sub3A_580 = arith.subf %sub3A_579, %get3A_577 : vector<16xf32>
        %get3A_581 = arith.index_cast %add3A_481 : i32 to index
        %get3A_582 = arith.constant 16 : index
        %get3A_583 = tpu.vector_load %arg32[%get3A_581, %get3A_582] {strides = array<i32>} : memref<128x64xf32, #tpu.memory_space<vmem>>, vector<16xf32>,
        %mul3A_584 = arith.mulf %sub3A_580, %get3A_583 : vector<16xf32>
        %mul3A_585 = arith.mulf %mul3A_574, %mul3A_574 : vector<16xf32>
        %add3A_586 = arith.addf %add3A_535, %mul3A_585 : vector<16xf32>
        %mul3A_587 = arith.mulf %mul3A_584, %mul3A_584 : vector<16xf32>
        %add3A_588 = arith.addf %add3A_586, %mul3A_587 : vector<16xf32>
        %get3A_589 = arith.index_cast %add3A_481 : i32 to index
        %get3A_590 = arith.constant 16 : index
        %get3A_591 = tpu.vector_load %arg35[%get3A_589, %get3A_590] {strides = array<i32>} : memref<128x64xf32, #tpu.memory_space<vmem>>, vector<16xf32>,
        %mul3A_592 = arith.mulf %get3A_591, %get3A_591 : vector<16xf32>
        %add3A_593 = arith.addf %add3A_540, %mul3A_592 : vector<16xf32>
        %get3A_594 = arith.index_cast %add3A_481 : i32 to index
        %get3A_595 = arith.constant 32 : index
        %get3A_596 = tpu.vector_load %arg29[%get3A_594, %get3A_595] {strides = array<i32>} : memref<128x64xf32, #tpu.memory_space<vmem>>, vector<16xf32>,
        %sub3A_597 = arith.constant 1.000000e+00 : f32
        %sub3A_598 = vector.broadcast %sub3A_597 : f32 to vector<16xf32>
        %sub3A_599 = arith.subf %sub3A_598, %get3A_596 : vector<16xf32>
        %get3A_600 = arith.index_cast %add3A_481 : i32 to index
        %get3A_601 = arith.constant 32 : index
        %get3A_602 = tpu.vector_load %arg27[%get3A_600, %get3A_601] {strides = array<i32>} : memref<128x64xf32, #tpu.memory_space<vmem>>, vector<16xf32>,
        %mul3A_603 = arith.mulf %sub3A_599, %get3A_602 : vector<16xf32>
        %get3A_604 = arith.index_cast %add3A_481 : i32 to index
        %get3A_605 = arith.constant 32 : index
        %get3A_606 = tpu.vector_load %arg30[%get3A_604, %get3A_605] {strides = array<i32>} : memref<128x64xf32, #tpu.memory_space<vmem>>, vector<16xf32>,
        %sub3A_607 = arith.constant 1.000000e+00 : f32
        %sub3A_608 = vector.broadcast %sub3A_607 : f32 to vector<16xf32>
        %sub3A_609 = arith.subf %sub3A_608, %get3A_606 : vector<16xf32>
        %get3A_610 = arith.index_cast %add3A_481 : i32 to index
        %get3A_611 = arith.constant 32 : index
        %get3A_612 = tpu.vector_load %arg28[%get3A_610, %get3A_611] {strides = array<i32>} : memref<128x64xf32, #tpu.memory_space<vmem>>, vector<16xf32>,
        %mul3A_613 = arith.mulf %sub3A_609, %get3A_612 : vector<16xf32>
        %mul3A_614 = arith.mulf %mul3A_603, %mul3A_603 : vector<16xf32>
        %add3A_615 = arith.addf %add3A_564, %mul3A_614 : vector<16xf32>
        %mul3A_616 = arith.mulf %mul3A_613, %mul3A_613 : vector<16xf32>
        %add3A_617 = arith.addf %add3A_615, %mul3A_616 : vector<16xf32>
        %get3A_618 = arith.index_cast %add3A_481 : i32 to index
        %get3A_619 = arith.constant 32 : index
        %get3A_620 = tpu.vector_load %arg33[%get3A_618, %get3A_619] {strides = array<i32>} : memref<128x64xf32, #tpu.memory_space<vmem>>, vector<16xf32>,
        %sub3A_621 = arith.constant 1.000000e+00 : f32
        %sub3A_622 = vector.broadcast %sub3A_621 : f32 to vector<16xf32>
        %sub3A_623 = arith.subf %sub3A_622, %get3A_620 : vector<16xf32>
        %get3A_624 = arith.index_cast %add3A_481 : i32 to index
        %get3A_625 = arith.constant 32 : index
        %get3A_626 = tpu.vector_load %arg31[%get3A_624, %get3A_625] {strides = array<i32>} : memref<128x64xf32, #tpu.memory_space<vmem>>, vector<16xf32>,
        %mul3A_627 = arith.mulf %sub3A_623, %get3A_626 : vector<16xf32>
        %get3A_628 = arith.index_cast %add3A_481 : i32 to index
        %get3A_629 = arith.constant 32 : index
        %get3A_630 = tpu.vector_load %arg34[%get3A_628, %get3A_629] {strides = array<i32>} : memref<128x64xf32, #tpu.memory_space<vmem>>, vector<16xf32>,
        %sub3A_631 = arith.constant 1.000000e+00 : f32
        %sub3A_632 = vector.broadcast %sub3A_631 : f32 to vector<16xf32>
        %sub3A_633 = arith.subf %sub3A_632, %get3A_630 : vector<16xf32>
        %get3A_634 = arith.index_cast %add3A_481 : i32 to index
        %get3A_635 = arith.constant 32 : index
        %get3A_636 = tpu.vector_load %arg32[%get3A_634, %get3A_635] {strides = array<i32>} : memref<128x64xf32, #tpu.memory_space<vmem>>, vector<16xf32>,
        %mul3A_637 = arith.mulf %sub3A_633, %get3A_636 : vector<16xf32>
        %mul3A_638 = arith.mulf %mul3A_627, %mul3A_627 : vector<16xf32>
        %add3A_639 = arith.addf %add3A_588, %mul3A_638 : vector<16xf32>
        %mul3A_640 = arith.mulf %mul3A_637, %mul3A_637 : vector<16xf32>
        %add3A_641 = arith.addf %add3A_639, %mul3A_640 : vector<16xf32>
        %get3A_642 = arith.index_cast %add3A_481 : i32 to index
        %get3A_643 = arith.constant 32 : index
        %get3A_644 = tpu.vector_load %arg35[%get3A_642, %get3A_643] {strides = array<i32>} : memref<128x64xf32, #tpu.memory_space<vmem>>, vector<16xf32>,
        %mul3A_645 = arith.mulf %get3A_644, %get3A_644 : vector<16xf32>
        %add3A_646 = arith.addf %add3A_593, %mul3A_645 : vector<16xf32>
        %get3A_647 = arith.index_cast %add3A_481 : i32 to index
        %get3A_648 = arith.constant 48 : index
        %get3A_649 = tpu.vector_load %arg29[%get3A_647, %get3A_648] {strides = array<i32>} : memref<128x64xf32, #tpu.memory_space<vmem>>, vector<16xf32>,
        %sub3A_650 = arith.constant 1.000000e+00 : f32
        %sub3A_651 = vector.broadcast %sub3A_650 : f32 to vector<16xf32>
        %sub3A_652 = arith.subf %sub3A_651, %get3A_649 : vector<16xf32>
        %get3A_653 = arith.index_cast %add3A_481 : i32 to index
        %get3A_654 = arith.constant 48 : index
        %get3A_655 = tpu.vector_load %arg27[%get3A_653, %get3A_654] {strides = array<i32>} : memref<128x64xf32, #tpu.memory_space<vmem>>, vector<16xf32>,
        %mul3A_656 = arith.mulf %sub3A_652, %get3A_655 : vector<16xf32>
        %get3A_657 = arith.index_cast %add3A_481 : i32 to index
        %get3A_658 = arith.constant 48 : index
        %get3A_659 = tpu.vector_load %arg30[%get3A_657, %get3A_658] {strides = array<i32>} : memref<128x64xf32, #tpu.memory_space<vmem>>, vector<16xf32>,
        %sub3A_660 = arith.constant 1.000000e+00 : f32
        %sub3A_661 = vector.broadcast %sub3A_660 : f32 to vector<16xf32>
        %sub3A_662 = arith.subf %sub3A_661, %get3A_659 : vector<16xf32>
        %get3A_663 = arith.index_cast %add3A_481 : i32 to index
        %get3A_664 = arith.constant 48 : index
        %get3A_665 = tpu.vector_load %arg28[%get3A_663, %get3A_664] {strides = array<i32>} : memref<128x64xf32, #tpu.memory_space<vmem>>, vector<16xf32>,
        %mul3A_666 = arith.mulf %sub3A_662, %get3A_665 : vector<16xf32>
        %mul3A_667 = arith.mulf %mul3A_656, %mul3A_656 : vector<16xf32>
        %add3A_668 = arith.addf %add3A_617, %mul3A_667 : vector<16xf32>
        %mul3A_669 = arith.mulf %mul3A_666, %mul3A_666 : vector<16xf32>
        %add3A_670 = arith.addf %add3A_668, %mul3A_669 : vector<16xf32>
        %get3A_671 = arith.index_cast %add3A_481 : i32 to index
        %get3A_672 = arith.constant 48 : index
        %get3A_673 = tpu.vector_load %arg33[%get3A_671, %get3A_672] {strides = array<i32>} : memref<128x64xf32, #tpu.memory_space<vmem>>, vector<16xf32>,
        %sub3A_674 = arith.constant 1.000000e+00 : f32
        %sub3A_675 = vector.broadcast %sub3A_674 : f32 to vector<16xf32>
        %sub3A_676 = arith.subf %sub3A_675, %get3A_673 : vector<16xf32>
        %get3A_677 = arith.index_cast %add3A_481 : i32 to index
        %get3A_678 = arith.constant 48 : index
        %get3A_679 = tpu.vector_load %arg31[%get3A_677, %get3A_678] {strides = array<i32>} : memref<128x64xf32, #tpu.memory_space<vmem>>, vector<16xf32>,
        %mul3A_680 = arith.mulf %sub3A_676, %get3A_679 : vector<16xf32>
        %get3A_681 = arith.index_cast %add3A_481 : i32 to index
        %get3A_682 = arith.constant 48 : index
        %get3A_683 = tpu.vector_load %arg34[%get3A_681, %get3A_682] {strides = array<i32>} : memref<128x64xf32, #tpu.memory_space<vmem>>, vector<16xf32>,
        %sub3A_684 = arith.constant 1.000000e+00 : f32
        %sub3A_685 = vector.broadcast %sub3A_684 : f32 to vector<16xf32>
        %sub3A_686 = arith.subf %sub3A_685, %get3A_683 : vector<16xf32>
        %get3A_687 = arith.index_cast %add3A_481 : i32 to index
        %get3A_688 = arith.constant 48 : index
        %get3A_689 = tpu.vector_load %arg32[%get3A_687, %get3A_688] {strides = array<i32>} : memref<128x64xf32, #tpu.memory_space<vmem>>, vector<16xf32>,
        %mul3A_690 = arith.mulf %sub3A_686, %get3A_689 : vector<16xf32>
        %mul3A_691 = arith.mulf %mul3A_680, %mul3A_680 : vector<16xf32>
        %add3A_692 = arith.addf %add3A_641, %mul3A_691 : vector<16xf32>
        %mul3A_693 = arith.mulf %mul3A_690, %mul3A_690 : vector<16xf32>
        %add3A_694 = arith.addf %add3A_692, %mul3A_693 : vector<16xf32>
        %get3A_695 = arith.index_cast %add3A_481 : i32 to index
        %get3A_696 = arith.constant 48 : index
        %get3A_697 = tpu.vector_load %arg35[%get3A_695, %get3A_696] {strides = array<i32>} : memref<128x64xf32, #tpu.memory_space<vmem>>, vector<16xf32>,
        %mul3A_698 = arith.mulf %get3A_697, %get3A_697 : vector<16xf32>
        %add3A_699 = arith.addf %add3A_646, %mul3A_698 : vector<16xf32>
        %swap3A_700 = arith.index_cast %scan3A_478 : i32 to index
        %swap3A_701 = arith.constant 0 : index
        %swap3A_702 = tpu.vector_load %arg43[%swap3A_700, %swap3A_701] {strides = array<i32>} : memref<16x16xf32, #tpu.memory_space<vmem>>, vector<16xf32>,
        tpu.vector_store %arg43[%swap3A_700, %swap3A_701], %add3A_670 {strides = array<i32>} : memref<16x16xf32, #tpu.memory_space<vmem>>, vector<16xf32>,
        %swap3A_703 = arith.index_cast %scan3A_478 : i32 to index
        %swap3A_704 = arith.constant 0 : index
        %swap3A_705 = tpu.vector_load %arg44[%swap3A_703, %swap3A_704] {strides = array<i32>} : memref<16x16xf32, #tpu.memory_space<vmem>>, vector<16xf32>,
        tpu.vector_store %arg44[%swap3A_703, %swap3A_704], %add3A_694 {strides = array<i32>} : memref<16x16xf32, #tpu.memory_space<vmem>>, vector<16xf32>,
        %swap3A_706 = arith.index_cast %scan3A_478 : i32 to index
        %swap3A_707 = arith.constant 0 : index
        %swap3A_708 = tpu.vector_load %arg45[%swap3A_706, %swap3A_707] {strides = array<i32>} : memref<16x16xf32, #tpu.memory_space<vmem>>, vector<16xf32>,
        tpu.vector_store %arg45[%swap3A_706, %swap3A_707], %add3A_699 {strides = array<i32>} : memref<16x16xf32, #tpu.memory_space<vmem>>, vector<16xf32>,
      }
      %scan3A_275 = arith.constant 16 : i32
      %mul3A_276 = arith.constant 16 : i32
      %mul3A_277 = arith.muli %scan3A_269, %mul3A_276 : i32
      %add3A_278 = arith.constant 256 : i32
      %add3A_279 = arith.addi %add3A_278, %mul3A_277 : i32
      %broadcast_in_dim3A = arith.constant 0 : i32
      %broadcast_in_dim3A_280 = vector.broadcast %broadcast_in_dim3A : i32 to vector<16xi32>
      %gather3A = tpu.vector_load_idx %arg43[%iota3A, %broadcast_in_dim3A_280] : memref<16x16xf32, #tpu.memory_space<vmem>>[vector<16xi32>, vector<16xi32>], vector<16xf32>,
      %broadcast_in_dim3A_281 = arith.constant 1 : i32
      %broadcast_in_dim3A_282 = vector.broadcast %broadcast_in_dim3A_281 : i32 to vector<16xi32>
      %gather3A_283 = tpu.vector_load_idx %arg43[%iota3A, %broadcast_in_dim3A_282] : memref<16x16xf32, #tpu.memory_space<vmem>>[vector<16xi32>, vector<16xi32>], vector<16xf32>,
      %add3A_284 = arith.addf %gather3A, %gather3A_283 : vector<16xf32>
      %broadcast_in_dim3A_285 = arith.constant 2 : i32
      %broadcast_in_dim3A_286 = vector.broadcast %broadcast_in_dim3A_285 : i32 to vector<16xi32>
      %gather3A_287 = tpu.vector_load_idx %arg43[%iota3A, %broadcast_in_dim3A_286] : memref<16x16xf32, #tpu.memory_space<vmem>>[vector<16xi32>, vector<16xi32>], vector<16xf32>,
      %add3A_288 = arith.addf %add3A_284, %gather3A_287 : vector<16xf32>
      %broadcast_in_dim3A_289 = arith.constant 3 : i32
      %broadcast_in_dim3A_290 = vector.broadcast %broadcast_in_dim3A_289 : i32 to vector<16xi32>
      %gather3A_291 = tpu.vector_load_idx %arg43[%iota3A, %broadcast_in_dim3A_290] : memref<16x16xf32, #tpu.memory_space<vmem>>[vector<16xi32>, vector<16xi32>], vector<16xf32>,
      %add3A_292 = arith.addf %add3A_288, %gather3A_291 : vector<16xf32>
      %broadcast_in_dim3A_293 = arith.constant 4 : i32
      %broadcast_in_dim3A_294 = vector.broadcast %broadcast_in_dim3A_293 : i32 to vector<16xi32>
      %gather3A_295 = tpu.vector_load_idx %arg43[%iota3A, %broadcast_in_dim3A_294] : memref<16x16xf32, #tpu.memory_space<vmem>>[vector<16xi32>, vector<16xi32>], vector<16xf32>,
      %add3A_296 = arith.addf %add3A_292, %gather3A_295 : vector<16xf32>
      %broadcast_in_dim3A_297 = arith.constant 5 : i32
      %broadcast_in_dim3A_298 = vector.broadcast %broadcast_in_dim3A_297 : i32 to vector<16xi32>
      %gather3A_299 = tpu.vector_load_idx %arg43[%iota3A, %broadcast_in_dim3A_298] : memref<16x16xf32, #tpu.memory_space<vmem>>[vector<16xi32>, vector<16xi32>], vector<16xf32>,
      %add3A_300 = arith.addf %add3A_296, %gather3A_299 : vector<16xf32>
      %broadcast_in_dim3A_301 = arith.constant 6 : i32
      %broadcast_in_dim3A_302 = vector.broadcast %broadcast_in_dim3A_301 : i32 to vector<16xi32>
      %gather3A_303 = tpu.vector_load_idx %arg43[%iota3A, %broadcast_in_dim3A_302] : memref<16x16xf32, #tpu.memory_space<vmem>>[vector<16xi32>, vector<16xi32>], vector<16xf32>,
      %add3A_304 = arith.addf %add3A_300, %gather3A_303 : vector<16xf32>
      %broadcast_in_dim3A_305 = arith.constant 7 : i32
      %broadcast_in_dim3A_306 = vector.broadcast %broadcast_in_dim3A_305 : i32 to vector<16xi32>
      %gather3A_307 = tpu.vector_load_idx %arg43[%iota3A, %broadcast_in_dim3A_306] : memref<16x16xf32, #tpu.memory_space<vmem>>[vector<16xi32>, vector<16xi32>], vector<16xf32>,
      %add3A_308 = arith.addf %add3A_304, %gather3A_307 : vector<16xf32>
      %broadcast_in_dim3A_309 = arith.constant 8 : i32
      %broadcast_in_dim3A_310 = vector.broadcast %broadcast_in_dim3A_309 : i32 to vector<16xi32>
      %gather3A_311 = tpu.vector_load_idx %arg43[%iota3A, %broadcast_in_dim3A_310] : memref<16x16xf32, #tpu.memory_space<vmem>>[vector<16xi32>, vector<16xi32>], vector<16xf32>,
      %add3A_312 = arith.addf %add3A_308, %gather3A_311 : vector<16xf32>
      %broadcast_in_dim3A_313 = arith.constant 9 : i32
      %broadcast_in_dim3A_314 = vector.broadcast %broadcast_in_dim3A_313 : i32 to vector<16xi32>
      %gather3A_315 = tpu.vector_load_idx %arg43[%iota3A, %broadcast_in_dim3A_314] : memref<16x16xf32, #tpu.memory_space<vmem>>[vector<16xi32>, vector<16xi32>], vector<16xf32>,
      %add3A_316 = arith.addf %add3A_312, %gather3A_315 : vector<16xf32>
      %broadcast_in_dim3A_317 = arith.constant 10 : i32
      %broadcast_in_dim3A_318 = vector.broadcast %broadcast_in_dim3A_317 : i32 to vector<16xi32>
      %gather3A_319 = tpu.vector_load_idx %arg43[%iota3A, %broadcast_in_dim3A_318] : memref<16x16xf32, #tpu.memory_space<vmem>>[vector<16xi32>, vector<16xi32>], vector<16xf32>,
      %add3A_320 = arith.addf %add3A_316, %gather3A_319 : vector<16xf32>
      %broadcast_in_dim3A_321 = arith.constant 11 : i32
      %broadcast_in_dim3A_322 = vector.broadcast %broadcast_in_dim3A_321 : i32 to vector<16xi32>
      %gather3A_323 = tpu.vector_load_idx %arg43[%iota3A, %broadcast_in_dim3A_322] : memref<16x16xf32, #tpu.memory_space<vmem>>[vector<16xi32>, vector<16xi32>], vector<16xf32>,
      %add3A_324 = arith.addf %add3A_320, %gather3A_323 : vector<16xf32>
      %broadcast_in_dim3A_325 = arith.constant 12 : i32
      %broadcast_in_dim3A_326 = vector.broadcast %broadcast_in_dim3A_325 : i32 to vector<16xi32>
      %gather3A_327 = tpu.vector_load_idx %arg43[%iota3A, %broadcast_in_dim3A_326] : memref<16x16xf32, #tpu.memory_space<vmem>>[vector<16xi32>, vector<16xi32>], vector<16xf32>,
      %add3A_328 = arith.addf %add3A_324, %gather3A_327 : vector<16xf32>
      %broadcast_in_dim3A_329 = arith.constant 13 : i32
      %broadcast_in_dim3A_330 = vector.broadcast %broadcast_in_dim3A_329 : i32 to vector<16xi32>
      %gather3A_331 = tpu.vector_load_idx %arg43[%iota3A, %broadcast_in_dim3A_330] : memref<16x16xf32, #tpu.memory_space<vmem>>[vector<16xi32>, vector<16xi32>], vector<16xf32>,
      %add3A_332 = arith.addf %add3A_328, %gather3A_331 : vector<16xf32>
      %broadcast_in_dim3A_333 = arith.constant 14 : i32
      %broadcast_in_dim3A_334 = vector.broadcast %broadcast_in_dim3A_333 : i32 to vector<16xi32>
      %gather3A_335 = tpu.vector_load_idx %arg43[%iota3A, %broadcast_in_dim3A_334] : memref<16x16xf32, #tpu.memory_space<vmem>>[vector<16xi32>, vector<16xi32>], vector<16xf32>,
      %add3A_336 = arith.addf %add3A_332, %gather3A_335 : vector<16xf32>
      %broadcast_in_dim3A_337 = arith.constant 15 : i32
      %broadcast_in_dim3A_338 = vector.broadcast %broadcast_in_dim3A_337 : i32 to vector<16xi32>
      %gather3A_339 = tpu.vector_load_idx %arg43[%iota3A, %broadcast_in_dim3A_338] : memref<16x16xf32, #tpu.memory_space<vmem>>[vector<16xi32>, vector<16xi32>], vector<16xf32>,
      %add3A_340 = arith.addf %add3A_336, %gather3A_339 : vector<16xf32>
      %swap3A = arith.index_cast %add3A_279 : i32 to index
      %swap3A_341 = tpu.vector_load %arg38[%swap3A] {strides = array<i32>} : memref<512xf32, #tpu.memory_space<vmem>>, vector<16xf32>,
      tpu.vector_store %arg38[%swap3A], %add3A_340 {strides = array<i32>} : memref<512xf32, #tpu.memory_space<vmem>>, vector<16xf32>,
      %broadcast_in_dim3A_342 = arith.constant 0 : i32
      %broadcast_in_dim3A_343 = vector.broadcast %broadcast_in_dim3A_342 : i32 to vector<16xi32>
      %gather3A_344 = tpu.vector_load_idx %arg44[%iota3A, %broadcast_in_dim3A_343] : memref<16x16xf32, #tpu.memory_space<vmem>>[vector<16xi32>, vector<16xi32>], vector<16xf32>,
      %broadcast_in_dim3A_345 = arith.constant 1 : i32
      %broadcast_in_dim3A_346 = vector.broadcast %broadcast_in_dim3A_345 : i32 to vector<16xi32>
      %gather3A_347 = tpu.vector_load_idx %arg44[%iota3A, %broadcast_in_dim3A_346] : memref<16x16xf32, #tpu.memory_space<vmem>>[vector<16xi32>, vector<16xi32>], vector<16xf32>,
      %add3A_348 = arith.addf %gather3A_344, %gather3A_347 : vector<16xf32>
      %broadcast_in_dim3A_349 = arith.constant 2 : i32
      %broadcast_in_dim3A_350 = vector.broadcast %broadcast_in_dim3A_349 : i32 to vector<16xi32>
      %gather3A_351 = tpu.vector_load_idx %arg44[%iota3A, %broadcast_in_dim3A_350] : memref<16x16xf32, #tpu.memory_space<vmem>>[vector<16xi32>, vector<16xi32>], vector<16xf32>,
      %add3A_352 = arith.addf %add3A_348, %gather3A_351 : vector<16xf32>
      %broadcast_in_dim3A_353 = arith.constant 3 : i32
      %broadcast_in_dim3A_354 = vector.broadcast %broadcast_in_dim3A_353 : i32 to vector<16xi32>
      %gather3A_355 = tpu.vector_load_idx %arg44[%iota3A, %broadcast_in_dim3A_354] : memref<16x16xf32, #tpu.memory_space<vmem>>[vector<16xi32>, vector<16xi32>], vector<16xf32>,
      %add3A_356 = arith.addf %add3A_352, %gather3A_355 : vector<16xf32>
      %broadcast_in_dim3A_357 = arith.constant 4 : i32
      %broadcast_in_dim3A_358 = vector.broadcast %broadcast_in_dim3A_357 : i32 to vector<16xi32>
      %gather3A_359 = tpu.vector_load_idx %arg44[%iota3A, %broadcast_in_dim3A_358] : memref<16x16xf32, #tpu.memory_space<vmem>>[vector<16xi32>, vector<16xi32>], vector<16xf32>,
      %add3A_360 = arith.addf %add3A_356, %gather3A_359 : vector<16xf32>
      %broadcast_in_dim3A_361 = arith.constant 5 : i32
      %broadcast_in_dim3A_362 = vector.broadcast %broadcast_in_dim3A_361 : i32 to vector<16xi32>
      %gather3A_363 = tpu.vector_load_idx %arg44[%iota3A, %broadcast_in_dim3A_362] : memref<16x16xf32, #tpu.memory_space<vmem>>[vector<16xi32>, vector<16xi32>], vector<16xf32>,
      %add3A_364 = arith.addf %add3A_360, %gather3A_363 : vector<16xf32>
      %broadcast_in_dim3A_365 = arith.constant 6 : i32
      %broadcast_in_dim3A_366 = vector.broadcast %broadcast_in_dim3A_365 : i32 to vector<16xi32>
      %gather3A_367 = tpu.vector_load_idx %arg44[%iota3A, %broadcast_in_dim3A_366] : memref<16x16xf32, #tpu.memory_space<vmem>>[vector<16xi32>, vector<16xi32>], vector<16xf32>,
      %add3A_368 = arith.addf %add3A_364, %gather3A_367 : vector<16xf32>
      %broadcast_in_dim3A_369 = arith.constant 7 : i32
      %broadcast_in_dim3A_370 = vector.broadcast %broadcast_in_dim3A_369 : i32 to vector<16xi32>
      %gather3A_371 = tpu.vector_load_idx %arg44[%iota3A, %broadcast_in_dim3A_370] : memref<16x16xf32, #tpu.memory_space<vmem>>[vector<16xi32>, vector<16xi32>], vector<16xf32>,
      %add3A_372 = arith.addf %add3A_368, %gather3A_371 : vector<16xf32>
      %broadcast_in_dim3A_373 = arith.constant 8 : i32
      %broadcast_in_dim3A_374 = vector.broadcast %broadcast_in_dim3A_373 : i32 to vector<16xi32>
      %gather3A_375 = tpu.vector_load_idx %arg44[%iota3A, %broadcast_in_dim3A_374] : memref<16x16xf32, #tpu.memory_space<vmem>>[vector<16xi32>, vector<16xi32>], vector<16xf32>,
      %add3A_376 = arith.addf %add3A_372, %gather3A_375 : vector<16xf32>
      %broadcast_in_dim3A_377 = arith.constant 9 : i32
      %broadcast_in_dim3A_378 = vector.broadcast %broadcast_in_dim3A_377 : i32 to vector<16xi32>
      %gather3A_379 = tpu.vector_load_idx %arg44[%iota3A, %broadcast_in_dim3A_378] : memref<16x16xf32, #tpu.memory_space<vmem>>[vector<16xi32>, vector<16xi32>], vector<16xf32>,
      %add3A_380 = arith.addf %add3A_376, %gather3A_379 : vector<16xf32>
      %broadcast_in_dim3A_381 = arith.constant 10 : i32
      %broadcast_in_dim3A_382 = vector.broadcast %broadcast_in_dim3A_381 : i32 to vector<16xi32>
      %gather3A_383 = tpu.vector_load_idx %arg44[%iota3A, %broadcast_in_dim3A_382] : memref<16x16xf32, #tpu.memory_space<vmem>>[vector<16xi32>, vector<16xi32>], vector<16xf32>,
      %add3A_384 = arith.addf %add3A_380, %gather3A_383 : vector<16xf32>
      %broadcast_in_dim3A_385 = arith.constant 11 : i32
      %broadcast_in_dim3A_386 = vector.broadcast %broadcast_in_dim3A_385 : i32 to vector<16xi32>
      %gather3A_387 = tpu.vector_load_idx %arg44[%iota3A, %broadcast_in_dim3A_386] : memref<16x16xf32, #tpu.memory_space<vmem>>[vector<16xi32>, vector<16xi32>], vector<16xf32>,
      %add3A_388 = arith.addf %add3A_384, %gather3A_387 : vector<16xf32>
      %broadcast_in_dim3A_389 = arith.constant 12 : i32
      %broadcast_in_dim3A_390 = vector.broadcast %broadcast_in_dim3A_389 : i32 to vector<16xi32>
      %gather3A_391 = tpu.vector_load_idx %arg44[%iota3A, %broadcast_in_dim3A_390] : memref<16x16xf32, #tpu.memory_space<vmem>>[vector<16xi32>, vector<16xi32>], vector<16xf32>,
      %add3A_392 = arith.addf %add3A_388, %gather3A_391 : vector<16xf32>
      %broadcast_in_dim3A_393 = arith.constant 13 : i32
      %broadcast_in_dim3A_394 = vector.broadcast %broadcast_in_dim3A_393 : i32 to vector<16xi32>
      %gather3A_395 = tpu.vector_load_idx %arg44[%iota3A, %broadcast_in_dim3A_394] : memref<16x16xf32, #tpu.memory_space<vmem>>[vector<16xi32>, vector<16xi32>], vector<16xf32>,
      %add3A_396 = arith.addf %add3A_392, %gather3A_395 : vector<16xf32>
      %broadcast_in_dim3A_397 = arith.constant 14 : i32
      %broadcast_in_dim3A_398 = vector.broadcast %broadcast_in_dim3A_397 : i32 to vector<16xi32>
      %gather3A_399 = tpu.vector_load_idx %arg44[%iota3A, %broadcast_in_dim3A_398] : memref<16x16xf32, #tpu.memory_space<vmem>>[vector<16xi32>, vector<16xi32>], vector<16xf32>,
      %add3A_400 = arith.addf %add3A_396, %gather3A_399 : vector<16xf32>
      %broadcast_in_dim3A_401 = arith.constant 15 : i32
      %broadcast_in_dim3A_402 = vector.broadcast %broadcast_in_dim3A_401 : i32 to vector<16xi32>
      %gather3A_403 = tpu.vector_load_idx %arg44[%iota3A, %broadcast_in_dim3A_402] : memref<16x16xf32, #tpu.memory_space<vmem>>[vector<16xi32>, vector<16xi32>], vector<16xf32>,
      %add3A_404 = arith.addf %add3A_400, %gather3A_403 : vector<16xf32>
      %sub3A = arith.subf %get3A_3, %add3A_404 : vector<16xf32>
      %max3A = arith.constant 0.000000e+00 : f32
      %max3A_405 = vector.broadcast %max3A : f32 to vector<16xf32>
      %max3A_406 = arith.maximumf %sub3A, %max3A_405 : vector<16xf32>
      %swap3A_407 = arith.index_cast %add3A_279 : i32 to index
      %swap3A_408 = tpu.vector_load %arg39[%swap3A_407] {strides = array<i32>} : memref<512xf32, #tpu.memory_space<vmem>>, vector<16xf32>,
      tpu.vector_store %arg39[%swap3A_407], %max3A_406 {strides = array<i32>} : memref<512xf32, #tpu.memory_space<vmem>>, vector<16xf32>,
      %broadcast_in_dim3A_409 = arith.constant 0 : i32
      %broadcast_in_dim3A_410 = vector.broadcast %broadcast_in_dim3A_409 : i32 to vector<16xi32>
      %gather3A_411 = tpu.vector_load_idx %arg45[%iota3A, %broadcast_in_dim3A_410] : memref<16x16xf32, #tpu.memory_space<vmem>>[vector<16xi32>, vector<16xi32>], vector<16xf32>,
      %broadcast_in_dim3A_412 = arith.constant 1 : i32
      %broadcast_in_dim3A_413 = vector.broadcast %broadcast_in_dim3A_412 : i32 to vector<16xi32>
      %gather3A_414 = tpu.vector_load_idx %arg45[%iota3A, %broadcast_in_dim3A_413] : memref<16x16xf32, #tpu.memory_space<vmem>>[vector<16xi32>, vector<16xi32>], vector<16xf32>,
      %add3A_415 = arith.addf %gather3A_411, %gather3A_414 : vector<16xf32>
      %broadcast_in_dim3A_416 = arith.constant 2 : i32
      %broadcast_in_dim3A_417 = vector.broadcast %broadcast_in_dim3A_416 : i32 to vector<16xi32>
      %gather3A_418 = tpu.vector_load_idx %arg45[%iota3A, %broadcast_in_dim3A_417] : memref<16x16xf32, #tpu.memory_space<vmem>>[vector<16xi32>, vector<16xi32>], vector<16xf32>,
      %add3A_419 = arith.addf %add3A_415, %gather3A_418 : vector<16xf32>
      %broadcast_in_dim3A_420 = arith.constant 3 : i32
      %broadcast_in_dim3A_421 = vector.broadcast %broadcast_in_dim3A_420 : i32 to vector<16xi32>
      %gather3A_422 = tpu.vector_load_idx %arg45[%iota3A, %broadcast_in_dim3A_421] : memref<16x16xf32, #tpu.memory_space<vmem>>[vector<16xi32>, vector<16xi32>], vector<16xf32>,
      %add3A_423 = arith.addf %add3A_419, %gather3A_422 : vector<16xf32>
      %broadcast_in_dim3A_424 = arith.constant 4 : i32
      %broadcast_in_dim3A_425 = vector.broadcast %broadcast_in_dim3A_424 : i32 to vector<16xi32>
      %gather3A_426 = tpu.vector_load_idx %arg45[%iota3A, %broadcast_in_dim3A_425] : memref<16x16xf32, #tpu.memory_space<vmem>>[vector<16xi32>, vector<16xi32>], vector<16xf32>,
      %add3A_427 = arith.addf %add3A_423, %gather3A_426 : vector<16xf32>
      %broadcast_in_dim3A_428 = arith.constant 5 : i32
      %broadcast_in_dim3A_429 = vector.broadcast %broadcast_in_dim3A_428 : i32 to vector<16xi32>
      %gather3A_430 = tpu.vector_load_idx %arg45[%iota3A, %broadcast_in_dim3A_429] : memref<16x16xf32, #tpu.memory_space<vmem>>[vector<16xi32>, vector<16xi32>], vector<16xf32>,
      %add3A_431 = arith.addf %add3A_427, %gather3A_430 : vector<16xf32>
      %broadcast_in_dim3A_432 = arith.constant 6 : i32
      %broadcast_in_dim3A_433 = vector.broadcast %broadcast_in_dim3A_432 : i32 to vector<16xi32>
      %gather3A_434 = tpu.vector_load_idx %arg45[%iota3A, %broadcast_in_dim3A_433] : memref<16x16xf32, #tpu.memory_space<vmem>>[vector<16xi32>, vector<16xi32>], vector<16xf32>,
      %add3A_435 = arith.addf %add3A_431, %gather3A_434 : vector<16xf32>
      %broadcast_in_dim3A_436 = arith.constant 7 : i32
      %broadcast_in_dim3A_437 = vector.broadcast %broadcast_in_dim3A_436 : i32 to vector<16xi32>
      %gather3A_438 = tpu.vector_load_idx %arg45[%iota3A, %broadcast_in_dim3A_437] : memref<16x16xf32, #tpu.memory_space<vmem>>[vector<16xi32>, vector<16xi32>], vector<16xf32>,
      %add3A_439 = arith.addf %add3A_435, %gather3A_438 : vector<16xf32>
      %broadcast_in_dim3A_440 = arith.constant 8 : i32
      %broadcast_in_dim3A_441 = vector.broadcast %broadcast_in_dim3A_440 : i32 to vector<16xi32>
      %gather3A_442 = tpu.vector_load_idx %arg45[%iota3A, %broadcast_in_dim3A_441] : memref<16x16xf32, #tpu.memory_space<vmem>>[vector<16xi32>, vector<16xi32>], vector<16xf32>,
      %add3A_443 = arith.addf %add3A_439, %gather3A_442 : vector<16xf32>
      %broadcast_in_dim3A_444 = arith.constant 9 : i32
      %broadcast_in_dim3A_445 = vector.broadcast %broadcast_in_dim3A_444 : i32 to vector<16xi32>
      %gather3A_446 = tpu.vector_load_idx %arg45[%iota3A, %broadcast_in_dim3A_445] : memref<16x16xf32, #tpu.memory_space<vmem>>[vector<16xi32>, vector<16xi32>], vector<16xf32>,
      %add3A_447 = arith.addf %add3A_443, %gather3A_446 : vector<16xf32>
      %broadcast_in_dim3A_448 = arith.constant 10 : i32
      %broadcast_in_dim3A_449 = vector.broadcast %broadcast_in_dim3A_448 : i32 to vector<16xi32>
      %gather3A_450 = tpu.vector_load_idx %arg45[%iota3A, %broadcast_in_dim3A_449] : memref<16x16xf32, #tpu.memory_space<vmem>>[vector<16xi32>, vector<16xi32>], vector<16xf32>,
      %add3A_451 = arith.addf %add3A_447, %gather3A_450 : vector<16xf32>
      %broadcast_in_dim3A_452 = arith.constant 11 : i32
      %broadcast_in_dim3A_453 = vector.broadcast %broadcast_in_dim3A_452 : i32 to vector<16xi32>
      %gather3A_454 = tpu.vector_load_idx %arg45[%iota3A, %broadcast_in_dim3A_453] : memref<16x16xf32, #tpu.memory_space<vmem>>[vector<16xi32>, vector<16xi32>], vector<16xf32>,
      %add3A_455 = arith.addf %add3A_451, %gather3A_454 : vector<16xf32>
      %broadcast_in_dim3A_456 = arith.constant 12 : i32
      %broadcast_in_dim3A_457 = vector.broadcast %broadcast_in_dim3A_456 : i32 to vector<16xi32>
      %gather3A_458 = tpu.vector_load_idx %arg45[%iota3A, %broadcast_in_dim3A_457] : memref<16x16xf32, #tpu.memory_space<vmem>>[vector<16xi32>, vector<16xi32>], vector<16xf32>,
      %add3A_459 = arith.addf %add3A_455, %gather3A_458 : vector<16xf32>
      %broadcast_in_dim3A_460 = arith.constant 13 : i32
      %broadcast_in_dim3A_461 = vector.broadcast %broadcast_in_dim3A_460 : i32 to vector<16xi32>
      %gather3A_462 = tpu.vector_load_idx %arg45[%iota3A, %broadcast_in_dim3A_461] : memref<16x16xf32, #tpu.memory_space<vmem>>[vector<16xi32>, vector<16xi32>], vector<16xf32>,
      %add3A_463 = arith.addf %add3A_459, %gather3A_462 : vector<16xf32>
      %broadcast_in_dim3A_464 = arith.constant 14 : i32
      %broadcast_in_dim3A_465 = vector.broadcast %broadcast_in_dim3A_464 : i32 to vector<16xi32>
      %gather3A_466 = tpu.vector_load_idx %arg45[%iota3A, %broadcast_in_dim3A_465] : memref<16x16xf32, #tpu.memory_space<vmem>>[vector<16xi32>, vector<16xi32>], vector<16xf32>,
      %add3A_467 = arith.addf %add3A_463, %gather3A_466 : vector<16xf32>
      %broadcast_in_dim3A_468 = arith.constant 15 : i32
      %broadcast_in_dim3A_469 = vector.broadcast %broadcast_in_dim3A_468 : i32 to vector<16xi32>
      %gather3A_470 = tpu.vector_load_idx %arg45[%iota3A, %broadcast_in_dim3A_469] : memref<16x16xf32, #tpu.memory_space<vmem>>[vector<16xi32>, vector<16xi32>], vector<16xf32>,
      %add3A_471 = arith.addf %add3A_467, %gather3A_470 : vector<16xf32>
      %sub3A_472 = arith.constant 1.000000e+00 : f32
      %sub3A_473 = vector.broadcast %sub3A_472 : f32 to vector<16xf32>
      %sub3A_474 = arith.subf %add3A_471, %sub3A_473 : vector<16xf32>
      %mul3A_475 = arith.mulf %sub3A_474, %sub3A_474 : vector<16xf32>
      %swap3A_476 = arith.index_cast %add3A_279 : i32 to index
      %swap3A_477 = tpu.vector_load %arg40[%swap3A_476] {strides = array<i32>} : memref<512xf32, #tpu.memory_space<vmem>>, vector<16xf32>,
      tpu.vector_store %arg40[%swap3A_476], %mul3A_475 {strides = array<i32>} : memref<512xf32, #tpu.memory_space<vmem>>, vector<16xf32>,
    }
    %scan3A_186 = arith.constant 8 : i32
    %add3A_187 = arith.constant 384 : i32
    %add3A_188 = arith.addi %mul3A_2, %add3A_187 : i32
    "tpu.region"() ({
      %run_scoped3A = tpu.sem_alloc : memref<!tpu.dma_semaphore, #tpu.memory_space<semaphore_mem>>
      %dma_start3A_269 = tpu.memref_slice %arg3[%add3A_188] : memref<16384xi32, #tpu.memory_space<hbm>> -> memref<128xi32, #tpu.memory_space<hbm>>
      %dma_start3A_270 = tpu.memref_slice %arg3[%add3A_188] : memref<16384xi32, #tpu.memory_space<hbm>> -> memref<128xi32, #tpu.memory_space<hbm>>
      tpu.enqueue_dma source(%dma_start3A_270 : memref<128xi32, #tpu.memory_space<hbm>>) target(%arg19 : memref<128xi32, #tpu.memory_space<vmem>>) target_semaphore(%run_scoped3A : memref<!tpu.dma_semaphore, #tpu.memory_space<semaphore_mem>>)
      %dma_wait3A_271 = tpu.memref_slice %arg3[%add3A_188] : memref<16384xi32, #tpu.memory_space<hbm>> -> memref<128xi32, #tpu.memory_space<hbm>>
      %dma_wait3A_272 = tpu.memref_slice %arg3[%add3A_188] : memref<16384xi32, #tpu.memory_space<hbm>> -> memref<128xi32, #tpu.memory_space<hbm>>
      tpu.wait_dma2 semaphore(%run_scoped3A : memref<!tpu.dma_semaphore, #tpu.memory_space<semaphore_mem>>) src(%dma_wait3A_272 : memref<128xi32, #tpu.memory_space<hbm>>) dst(%arg19 : memref<128xi32, #tpu.memory_space<vmem>>)
      tpu.yield
    }) : () -> ()
    "tpu.region"() ({
      %run_scoped3A = tpu.sem_alloc : memref<!tpu.dma_semaphore, #tpu.memory_space<semaphore_mem>>
      %dma_start3A_269 = tpu.memref_slice %arg4[%add3A_188] : memref<16384xi32, #tpu.memory_space<hbm>> -> memref<128xi32, #tpu.memory_space<hbm>>
      %dma_start3A_270 = tpu.memref_slice %arg4[%add3A_188] : memref<16384xi32, #tpu.memory_space<hbm>> -> memref<128xi32, #tpu.memory_space<hbm>>
      tpu.enqueue_dma source(%dma_start3A_270 : memref<128xi32, #tpu.memory_space<hbm>>) target(%arg20 : memref<128xi32, #tpu.memory_space<vmem>>) target_semaphore(%run_scoped3A : memref<!tpu.dma_semaphore, #tpu.memory_space<semaphore_mem>>)
      %dma_wait3A_271 = tpu.memref_slice %arg4[%add3A_188] : memref<16384xi32, #tpu.memory_space<hbm>> -> memref<128xi32, #tpu.memory_space<hbm>>
      %dma_wait3A_272 = tpu.memref_slice %arg4[%add3A_188] : memref<16384xi32, #tpu.memory_space<hbm>> -> memref<128xi32, #tpu.memory_space<hbm>>
      tpu.wait_dma2 semaphore(%run_scoped3A : memref<!tpu.dma_semaphore, #tpu.memory_space<semaphore_mem>>) src(%dma_wait3A_272 : memref<128xi32, #tpu.memory_space<hbm>>) dst(%arg20 : memref<128xi32, #tpu.memory_space<vmem>>)
      tpu.yield
    }) : () -> ()
    "tpu.region"() ({
      %run_scoped3A = tpu.sem_alloc : memref<!tpu.dma_semaphore, #tpu.memory_space<semaphore_mem>>
      %dma_start3A_269 = tpu.memref_slice %arg5[%add3A_188] : memref<16384xi32, #tpu.memory_space<hbm>> -> memref<128xi32, #tpu.memory_space<hbm>>
      %dma_start3A_270 = tpu.memref_slice %arg5[%add3A_188] : memref<16384xi32, #tpu.memory_space<hbm>> -> memref<128xi32, #tpu.memory_space<hbm>>
      tpu.enqueue_dma source(%dma_start3A_270 : memref<128xi32, #tpu.memory_space<hbm>>) target(%arg21 : memref<128xi32, #tpu.memory_space<vmem>>) target_semaphore(%run_scoped3A : memref<!tpu.dma_semaphore, #tpu.memory_space<semaphore_mem>>)
      %dma_wait3A_271 = tpu.memref_slice %arg5[%add3A_188] : memref<16384xi32, #tpu.memory_space<hbm>> -> memref<128xi32, #tpu.memory_space<hbm>>
      %dma_wait3A_272 = tpu.memref_slice %arg5[%add3A_188] : memref<16384xi32, #tpu.memory_space<hbm>> -> memref<128xi32, #tpu.memory_space<hbm>>
      tpu.wait_dma2 semaphore(%run_scoped3A : memref<!tpu.dma_semaphore, #tpu.memory_space<semaphore_mem>>) src(%dma_wait3A_272 : memref<128xi32, #tpu.memory_space<hbm>>) dst(%arg21 : memref<128xi32, #tpu.memory_space<vmem>>)
      tpu.yield
    }) : () -> ()
    "tpu.region"() ({
      %run_scoped3A = tpu.sem_alloc : memref<!tpu.dma_semaphore, #tpu.memory_space<semaphore_mem>>
      %dma_start3A_269 = tpu.memref_slice %arg6[%add3A_188] : memref<16384xi32, #tpu.memory_space<hbm>> -> memref<128xi32, #tpu.memory_space<hbm>>
      %dma_start3A_270 = tpu.memref_slice %arg6[%add3A_188] : memref<16384xi32, #tpu.memory_space<hbm>> -> memref<128xi32, #tpu.memory_space<hbm>>
      tpu.enqueue_dma source(%dma_start3A_270 : memref<128xi32, #tpu.memory_space<hbm>>) target(%arg22 : memref<128xi32, #tpu.memory_space<vmem>>) target_semaphore(%run_scoped3A : memref<!tpu.dma_semaphore, #tpu.memory_space<semaphore_mem>>)
      %dma_wait3A_271 = tpu.memref_slice %arg6[%add3A_188] : memref<16384xi32, #tpu.memory_space<hbm>> -> memref<128xi32, #tpu.memory_space<hbm>>
      %dma_wait3A_272 = tpu.memref_slice %arg6[%add3A_188] : memref<16384xi32, #tpu.memory_space<hbm>> -> memref<128xi32, #tpu.memory_space<hbm>>
      tpu.wait_dma2 semaphore(%run_scoped3A : memref<!tpu.dma_semaphore, #tpu.memory_space<semaphore_mem>>) src(%dma_wait3A_272 : memref<128xi32, #tpu.memory_space<hbm>>) dst(%arg22 : memref<128xi32, #tpu.memory_space<vmem>>)
      tpu.yield
    }) : () -> ()
    "tpu.region"() ({
      %run_scoped3A = tpu.sem_alloc : memref<!tpu.dma_semaphore, #tpu.memory_space<semaphore_mem>>
      %dma_start3A_269 = tpu.memref_slice %arg7[%add3A_188] : memref<16384xi32, #tpu.memory_space<hbm>> -> memref<128xi32, #tpu.memory_space<hbm>>
      %dma_start3A_270 = tpu.memref_slice %arg7[%add3A_188] : memref<16384xi32, #tpu.memory_space<hbm>> -> memref<128xi32, #tpu.memory_space<hbm>>
      tpu.enqueue_dma source(%dma_start3A_270 : memref<128xi32, #tpu.memory_space<hbm>>) target(%arg23 : memref<128xi32, #tpu.memory_space<vmem>>) target_semaphore(%run_scoped3A : memref<!tpu.dma_semaphore, #tpu.memory_space<semaphore_mem>>)
      %dma_wait3A_271 = tpu.memref_slice %arg7[%add3A_188] : memref<16384xi32, #tpu.memory_space<hbm>> -> memref<128xi32, #tpu.memory_space<hbm>>
      %dma_wait3A_272 = tpu.memref_slice %arg7[%add3A_188] : memref<16384xi32, #tpu.memory_space<hbm>> -> memref<128xi32, #tpu.memory_space<hbm>>
      tpu.wait_dma2 semaphore(%run_scoped3A : memref<!tpu.dma_semaphore, #tpu.memory_space<semaphore_mem>>) src(%dma_wait3A_272 : memref<128xi32, #tpu.memory_space<hbm>>) dst(%arg23 : memref<128xi32, #tpu.memory_space<vmem>>)
      tpu.yield
    }) : () -> ()
    "tpu.region"() ({
      %run_scoped3A = tpu.sem_alloc : memref<!tpu.dma_semaphore, #tpu.memory_space<semaphore_mem>>
      %dma_start3A_269 = tpu.memref_slice %arg8[%add3A_188] : memref<16384xi32, #tpu.memory_space<hbm>> -> memref<128xi32, #tpu.memory_space<hbm>>
      %dma_start3A_270 = tpu.memref_slice %arg8[%add3A_188] : memref<16384xi32, #tpu.memory_space<hbm>> -> memref<128xi32, #tpu.memory_space<hbm>>
      tpu.enqueue_dma source(%dma_start3A_270 : memref<128xi32, #tpu.memory_space<hbm>>) target(%arg24 : memref<128xi32, #tpu.memory_space<vmem>>) target_semaphore(%run_scoped3A : memref<!tpu.dma_semaphore, #tpu.memory_space<semaphore_mem>>)
      %dma_wait3A_271 = tpu.memref_slice %arg8[%add3A_188] : memref<16384xi32, #tpu.memory_space<hbm>> -> memref<128xi32, #tpu.memory_space<hbm>>
      %dma_wait3A_272 = tpu.memref_slice %arg8[%add3A_188] : memref<16384xi32, #tpu.memory_space<hbm>> -> memref<128xi32, #tpu.memory_space<hbm>>
      tpu.wait_dma2 semaphore(%run_scoped3A : memref<!tpu.dma_semaphore, #tpu.memory_space<semaphore_mem>>) src(%dma_wait3A_272 : memref<128xi32, #tpu.memory_space<hbm>>) dst(%arg24 : memref<128xi32, #tpu.memory_space<vmem>>)
      tpu.yield
    }) : () -> ()
    "tpu.region"() ({
      %run_scoped3A = tpu.sem_alloc : memref<!tpu.dma_semaphore, #tpu.memory_space<semaphore_mem>>
      %dma_start3A_269 = tpu.memref_slice %arg9[%add3A_188] : memref<16384xi32, #tpu.memory_space<hbm>> -> memref<128xi32, #tpu.memory_space<hbm>>
      %dma_start3A_270 = tpu.memref_slice %arg9[%add3A_188] : memref<16384xi32, #tpu.memory_space<hbm>> -> memref<128xi32, #tpu.memory_space<hbm>>
      tpu.enqueue_dma source(%dma_start3A_270 : memref<128xi32, #tpu.memory_space<hbm>>) target(%arg25 : memref<128xi32, #tpu.memory_space<vmem>>) target_semaphore(%run_scoped3A : memref<!tpu.dma_semaphore, #tpu.memory_space<semaphore_mem>>)
      %dma_wait3A_271 = tpu.memref_slice %arg9[%add3A_188] : memref<16384xi32, #tpu.memory_space<hbm>> -> memref<128xi32, #tpu.memory_space<hbm>>
      %dma_wait3A_272 = tpu.memref_slice %arg9[%add3A_188] : memref<16384xi32, #tpu.memory_space<hbm>> -> memref<128xi32, #tpu.memory_space<hbm>>
      tpu.wait_dma2 semaphore(%run_scoped3A : memref<!tpu.dma_semaphore, #tpu.memory_space<semaphore_mem>>) src(%dma_wait3A_272 : memref<128xi32, #tpu.memory_space<hbm>>) dst(%arg25 : memref<128xi32, #tpu.memory_space<vmem>>)
      tpu.yield
    }) : () -> ()
    %dma_start3A_189 = arith.constant 0 : i32
    %dma_start3A_190 = arith.constant 0 : i32
    %dma_start3A_191 = tpu.memref_slice %arg11[%dma_start3A_189, %dma_start3A_190] : memref<1000000x64xf32, #tpu.memory_space<hbm>> -> memref<1000000x64xf32, #tpu.memory_space<hbm>>
    tpu.enqueue_indirect_dma source(%dma_start3A_191 : memref<1000000x64xf32, #tpu.memory_space<hbm>>) target(%arg27 : memref<128x64xf32, #tpu.memory_space<vmem>>) offsets(%arg19 : memref<128xi32, #tpu.memory_space<vmem>>) semaphore(%arg47 : memref<!tpu.dma_semaphore, #tpu.memory_space<semaphore_mem>>)
    %dma_start3A_192 = arith.constant 0 : i32
    %dma_start3A_193 = arith.constant 0 : i32
    %dma_start3A_194 = tpu.memref_slice %arg11[%dma_start3A_192, %dma_start3A_193] : memref<1000000x64xf32, #tpu.memory_space<hbm>> -> memref<1000000x64xf32, #tpu.memory_space<hbm>>
    tpu.enqueue_indirect_dma source(%dma_start3A_194 : memref<1000000x64xf32, #tpu.memory_space<hbm>>) target(%arg28 : memref<128x64xf32, #tpu.memory_space<vmem>>) offsets(%arg20 : memref<128xi32, #tpu.memory_space<vmem>>) semaphore(%arg47 : memref<!tpu.dma_semaphore, #tpu.memory_space<semaphore_mem>>)
    %dma_start3A_195 = arith.constant 0 : i32
    %dma_start3A_196 = arith.constant 0 : i32
    %dma_start3A_197 = tpu.memref_slice %arg12[%dma_start3A_195, %dma_start3A_196] : memref<1000x64xf32, #tpu.memory_space<hbm>> -> memref<1000x64xf32, #tpu.memory_space<hbm>>
    tpu.enqueue_indirect_dma source(%dma_start3A_197 : memref<1000x64xf32, #tpu.memory_space<hbm>>) target(%arg29 : memref<128x64xf32, #tpu.memory_space<vmem>>) offsets(%arg21 : memref<128xi32, #tpu.memory_space<vmem>>) semaphore(%arg47 : memref<!tpu.dma_semaphore, #tpu.memory_space<semaphore_mem>>)
    %dma_start3A_198 = arith.constant 0 : i32
    %dma_start3A_199 = arith.constant 0 : i32
    %dma_start3A_200 = tpu.memref_slice %arg13[%dma_start3A_198, %dma_start3A_199] : memref<1000x64xf32, #tpu.memory_space<hbm>> -> memref<1000x64xf32, #tpu.memory_space<hbm>>
    tpu.enqueue_indirect_dma source(%dma_start3A_200 : memref<1000x64xf32, #tpu.memory_space<hbm>>) target(%arg30 : memref<128x64xf32, #tpu.memory_space<vmem>>) offsets(%arg21 : memref<128xi32, #tpu.memory_space<vmem>>) semaphore(%arg47 : memref<!tpu.dma_semaphore, #tpu.memory_space<semaphore_mem>>)
    %dma_start3A_201 = arith.constant 0 : i32
    %dma_start3A_202 = arith.constant 0 : i32
    %dma_start3A_203 = tpu.memref_slice %arg11[%dma_start3A_201, %dma_start3A_202] : memref<1000000x64xf32, #tpu.memory_space<hbm>> -> memref<1000000x64xf32, #tpu.memory_space<hbm>>
    tpu.enqueue_indirect_dma source(%dma_start3A_203 : memref<1000000x64xf32, #tpu.memory_space<hbm>>) target(%arg31 : memref<128x64xf32, #tpu.memory_space<vmem>>) offsets(%arg22 : memref<128xi32, #tpu.memory_space<vmem>>) semaphore(%arg47 : memref<!tpu.dma_semaphore, #tpu.memory_space<semaphore_mem>>)
    %dma_start3A_204 = arith.constant 0 : i32
    %dma_start3A_205 = arith.constant 0 : i32
    %dma_start3A_206 = tpu.memref_slice %arg11[%dma_start3A_204, %dma_start3A_205] : memref<1000000x64xf32, #tpu.memory_space<hbm>> -> memref<1000000x64xf32, #tpu.memory_space<hbm>>
    tpu.enqueue_indirect_dma source(%dma_start3A_206 : memref<1000000x64xf32, #tpu.memory_space<hbm>>) target(%arg32 : memref<128x64xf32, #tpu.memory_space<vmem>>) offsets(%arg23 : memref<128xi32, #tpu.memory_space<vmem>>) semaphore(%arg47 : memref<!tpu.dma_semaphore, #tpu.memory_space<semaphore_mem>>)
    %dma_start3A_207 = arith.constant 0 : i32
    %dma_start3A_208 = arith.constant 0 : i32
    %dma_start3A_209 = tpu.memref_slice %arg12[%dma_start3A_207, %dma_start3A_208] : memref<1000x64xf32, #tpu.memory_space<hbm>> -> memref<1000x64xf32, #tpu.memory_space<hbm>>
    tpu.enqueue_indirect_dma source(%dma_start3A_209 : memref<1000x64xf32, #tpu.memory_space<hbm>>) target(%arg33 : memref<128x64xf32, #tpu.memory_space<vmem>>) offsets(%arg24 : memref<128xi32, #tpu.memory_space<vmem>>) semaphore(%arg47 : memref<!tpu.dma_semaphore, #tpu.memory_space<semaphore_mem>>)
    %dma_start3A_210 = arith.constant 0 : i32
    %dma_start3A_211 = arith.constant 0 : i32
    %dma_start3A_212 = tpu.memref_slice %arg13[%dma_start3A_210, %dma_start3A_211] : memref<1000x64xf32, #tpu.memory_space<hbm>> -> memref<1000x64xf32, #tpu.memory_space<hbm>>
    tpu.enqueue_indirect_dma source(%dma_start3A_212 : memref<1000x64xf32, #tpu.memory_space<hbm>>) target(%arg34 : memref<128x64xf32, #tpu.memory_space<vmem>>) offsets(%arg24 : memref<128xi32, #tpu.memory_space<vmem>>) semaphore(%arg47 : memref<!tpu.dma_semaphore, #tpu.memory_space<semaphore_mem>>)
    %dma_start3A_213 = arith.constant 0 : i32
    %dma_start3A_214 = arith.constant 0 : i32
    %dma_start3A_215 = tpu.memref_slice %arg11[%dma_start3A_213, %dma_start3A_214] : memref<1000000x64xf32, #tpu.memory_space<hbm>> -> memref<1000000x64xf32, #tpu.memory_space<hbm>>
    tpu.enqueue_indirect_dma source(%dma_start3A_215 : memref<1000000x64xf32, #tpu.memory_space<hbm>>) target(%arg35 : memref<128x64xf32, #tpu.memory_space<vmem>>) offsets(%arg25 : memref<128xi32, #tpu.memory_space<vmem>>) semaphore(%arg47 : memref<!tpu.dma_semaphore, #tpu.memory_space<semaphore_mem>>)
    %dma_wait3A_216 = arith.constant 0 : i32
    %dma_wait3A_217 = arith.constant 0 : i32
    %dma_wait3A_218 = tpu.memref_slice %arg11[%dma_wait3A_216, %dma_wait3A_217] : memref<1000000x64xf32, #tpu.memory_space<hbm>> -> memref<1000000x64xf32, #tpu.memory_space<hbm>>
    tpu.wait_indirect_dma semaphore(%arg47 : memref<!tpu.dma_semaphore, #tpu.memory_space<semaphore_mem>>) src(%dma_wait3A_218 : memref<1000000x64xf32, #tpu.memory_space<hbm>>) dst(%arg27 : memref<128x64xf32, #tpu.memory_space<vmem>>)
    %dma_wait3A_219 = arith.constant 0 : i32
    %dma_wait3A_220 = arith.constant 0 : i32
    %dma_wait3A_221 = tpu.memref_slice %arg11[%dma_wait3A_219, %dma_wait3A_220] : memref<1000000x64xf32, #tpu.memory_space<hbm>> -> memref<1000000x64xf32, #tpu.memory_space<hbm>>
    tpu.wait_indirect_dma semaphore(%arg47 : memref<!tpu.dma_semaphore, #tpu.memory_space<semaphore_mem>>) src(%dma_wait3A_221 : memref<1000000x64xf32, #tpu.memory_space<hbm>>) dst(%arg28 : memref<128x64xf32, #tpu.memory_space<vmem>>)
    %dma_wait3A_222 = arith.constant 0 : i32
    %dma_wait3A_223 = arith.constant 0 : i32
    %dma_wait3A_224 = tpu.memref_slice %arg12[%dma_wait3A_222, %dma_wait3A_223] : memref<1000x64xf32, #tpu.memory_space<hbm>> -> memref<1000x64xf32, #tpu.memory_space<hbm>>
    tpu.wait_indirect_dma semaphore(%arg47 : memref<!tpu.dma_semaphore, #tpu.memory_space<semaphore_mem>>) src(%dma_wait3A_224 : memref<1000x64xf32, #tpu.memory_space<hbm>>) dst(%arg29 : memref<128x64xf32, #tpu.memory_space<vmem>>)
    %dma_wait3A_225 = arith.constant 0 : i32
    %dma_wait3A_226 = arith.constant 0 : i32
    %dma_wait3A_227 = tpu.memref_slice %arg13[%dma_wait3A_225, %dma_wait3A_226] : memref<1000x64xf32, #tpu.memory_space<hbm>> -> memref<1000x64xf32, #tpu.memory_space<hbm>>
    tpu.wait_indirect_dma semaphore(%arg47 : memref<!tpu.dma_semaphore, #tpu.memory_space<semaphore_mem>>) src(%dma_wait3A_227 : memref<1000x64xf32, #tpu.memory_space<hbm>>) dst(%arg30 : memref<128x64xf32, #tpu.memory_space<vmem>>)
    %dma_wait3A_228 = arith.constant 0 : i32
    %dma_wait3A_229 = arith.constant 0 : i32
    %dma_wait3A_230 = tpu.memref_slice %arg11[%dma_wait3A_228, %dma_wait3A_229] : memref<1000000x64xf32, #tpu.memory_space<hbm>> -> memref<1000000x64xf32, #tpu.memory_space<hbm>>
    tpu.wait_indirect_dma semaphore(%arg47 : memref<!tpu.dma_semaphore, #tpu.memory_space<semaphore_mem>>) src(%dma_wait3A_230 : memref<1000000x64xf32, #tpu.memory_space<hbm>>) dst(%arg31 : memref<128x64xf32, #tpu.memory_space<vmem>>)
    %dma_wait3A_231 = arith.constant 0 : i32
    %dma_wait3A_232 = arith.constant 0 : i32
    %dma_wait3A_233 = tpu.memref_slice %arg11[%dma_wait3A_231, %dma_wait3A_232] : memref<1000000x64xf32, #tpu.memory_space<hbm>> -> memref<1000000x64xf32, #tpu.memory_space<hbm>>
    tpu.wait_indirect_dma semaphore(%arg47 : memref<!tpu.dma_semaphore, #tpu.memory_space<semaphore_mem>>) src(%dma_wait3A_233 : memref<1000000x64xf32, #tpu.memory_space<hbm>>) dst(%arg32 : memref<128x64xf32, #tpu.memory_space<vmem>>)
    %dma_wait3A_234 = arith.constant 0 : i32
    %dma_wait3A_235 = arith.constant 0 : i32
    %dma_wait3A_236 = tpu.memref_slice %arg12[%dma_wait3A_234, %dma_wait3A_235] : memref<1000x64xf32, #tpu.memory_space<hbm>> -> memref<1000x64xf32, #tpu.memory_space<hbm>>
    tpu.wait_indirect_dma semaphore(%arg47 : memref<!tpu.dma_semaphore, #tpu.memory_space<semaphore_mem>>) src(%dma_wait3A_236 : memref<1000x64xf32, #tpu.memory_space<hbm>>) dst(%arg33 : memref<128x64xf32, #tpu.memory_space<vmem>>)
    %dma_wait3A_237 = arith.constant 0 : i32
    %dma_wait3A_238 = arith.constant 0 : i32
    %dma_wait3A_239 = tpu.memref_slice %arg13[%dma_wait3A_237, %dma_wait3A_238] : memref<1000x64xf32, #tpu.memory_space<hbm>> -> memref<1000x64xf32, #tpu.memory_space<hbm>>
    tpu.wait_indirect_dma semaphore(%arg47 : memref<!tpu.dma_semaphore, #tpu.memory_space<semaphore_mem>>) src(%dma_wait3A_239 : memref<1000x64xf32, #tpu.memory_space<hbm>>) dst(%arg34 : memref<128x64xf32, #tpu.memory_space<vmem>>)
    %dma_wait3A_240 = arith.constant 0 : i32
    %dma_wait3A_241 = arith.constant 0 : i32
    %dma_wait3A_242 = tpu.memref_slice %arg11[%dma_wait3A_240, %dma_wait3A_241] : memref<1000000x64xf32, #tpu.memory_space<hbm>> -> memref<1000000x64xf32, #tpu.memory_space<hbm>>
    tpu.wait_indirect_dma semaphore(%arg47 : memref<!tpu.dma_semaphore, #tpu.memory_space<semaphore_mem>>) src(%dma_wait3A_242 : memref<1000000x64xf32, #tpu.memory_space<hbm>>) dst(%arg35 : memref<128x64xf32, #tpu.memory_space<vmem>>)
    %scan3A_243 = arith.constant 0 : i32
    %scan3A_244 = arith.constant 0 : i32
    %scan3A_245 = arith.constant 8 : i32
    %scan3A_246 = arith.addi %scan3A_244, %scan3A_245 : i32
    %scan3A_247 = arith.constant 1 : i32
    scf.for %scan3A_269 = %scan3A_244 to %scan3A_246 step %scan3A_247  : i32 {
      %scan3A_270 = arith.constant 0 : i32
      %scan3A_271 = arith.constant 0 : i32
      %scan3A_272 = arith.constant 16 : i32
      %scan3A_273 = arith.addi %scan3A_271, %scan3A_272 : i32
      %scan3A_274 = arith.constant 1 : i32
      scf.for %scan3A_478 = %scan3A_271 to %scan3A_273 step %scan3A_274  : i32 {
        %mul3A_479 = arith.constant 16 : i32
        %mul3A_480 = arith.muli %scan3A_269, %mul3A_479 : i32
        %add3A_481 = arith.addi %mul3A_480, %scan3A_478 : i32
        %broadcast_in_dim3A_482 = arith.constant 0.000000e+00 : f32
        %broadcast_in_dim3A_483 = vector.broadcast %broadcast_in_dim3A_482 : f32 to vector<16xf32>
        %broadcast_in_dim3A_484 = arith.constant 0.000000e+00 : f32
        %broadcast_in_dim3A_485 = vector.broadcast %broadcast_in_dim3A_484 : f32 to vector<16xf32>
        %broadcast_in_dim3A_486 = arith.constant 0.000000e+00 : f32
        %broadcast_in_dim3A_487 = vector.broadcast %broadcast_in_dim3A_486 : f32 to vector<16xf32>
        %get3A_488 = arith.index_cast %add3A_481 : i32 to index
        %get3A_489 = arith.constant 0 : index
        %get3A_490 = tpu.vector_load %arg29[%get3A_488, %get3A_489] {strides = array<i32>} : memref<128x64xf32, #tpu.memory_space<vmem>>, vector<16xf32>,
        %sub3A_491 = arith.constant 1.000000e+00 : f32
        %sub3A_492 = vector.broadcast %sub3A_491 : f32 to vector<16xf32>
        %sub3A_493 = arith.subf %sub3A_492, %get3A_490 : vector<16xf32>
        %get3A_494 = arith.index_cast %add3A_481 : i32 to index
        %get3A_495 = arith.constant 0 : index
        %get3A_496 = tpu.vector_load %arg27[%get3A_494, %get3A_495] {strides = array<i32>} : memref<128x64xf32, #tpu.memory_space<vmem>>, vector<16xf32>,
        %mul3A_497 = arith.mulf %sub3A_493, %get3A_496 : vector<16xf32>
        %get3A_498 = arith.index_cast %add3A_481 : i32 to index
        %get3A_499 = arith.constant 0 : index
        %get3A_500 = tpu.vector_load %arg30[%get3A_498, %get3A_499] {strides = array<i32>} : memref<128x64xf32, #tpu.memory_space<vmem>>, vector<16xf32>,
        %sub3A_501 = arith.constant 1.000000e+00 : f32
        %sub3A_502 = vector.broadcast %sub3A_501 : f32 to vector<16xf32>
        %sub3A_503 = arith.subf %sub3A_502, %get3A_500 : vector<16xf32>
        %get3A_504 = arith.index_cast %add3A_481 : i32 to index
        %get3A_505 = arith.constant 0 : index
        %get3A_506 = tpu.vector_load %arg28[%get3A_504, %get3A_505] {strides = array<i32>} : memref<128x64xf32, #tpu.memory_space<vmem>>, vector<16xf32>,
        %mul3A_507 = arith.mulf %sub3A_503, %get3A_506 : vector<16xf32>
        %mul3A_508 = arith.mulf %mul3A_497, %mul3A_497 : vector<16xf32>
        %add3A_509 = arith.addf %broadcast_in_dim3A_483, %mul3A_508 : vector<16xf32>
        %mul3A_510 = arith.mulf %mul3A_507, %mul3A_507 : vector<16xf32>
        %add3A_511 = arith.addf %add3A_509, %mul3A_510 : vector<16xf32>
        %get3A_512 = arith.index_cast %add3A_481 : i32 to index
        %get3A_513 = arith.constant 0 : index
        %get3A_514 = tpu.vector_load %arg33[%get3A_512, %get3A_513] {strides = array<i32>} : memref<128x64xf32, #tpu.memory_space<vmem>>, vector<16xf32>,
        %sub3A_515 = arith.constant 1.000000e+00 : f32
        %sub3A_516 = vector.broadcast %sub3A_515 : f32 to vector<16xf32>
        %sub3A_517 = arith.subf %sub3A_516, %get3A_514 : vector<16xf32>
        %get3A_518 = arith.index_cast %add3A_481 : i32 to index
        %get3A_519 = arith.constant 0 : index
        %get3A_520 = tpu.vector_load %arg31[%get3A_518, %get3A_519] {strides = array<i32>} : memref<128x64xf32, #tpu.memory_space<vmem>>, vector<16xf32>,
        %mul3A_521 = arith.mulf %sub3A_517, %get3A_520 : vector<16xf32>
        %get3A_522 = arith.index_cast %add3A_481 : i32 to index
        %get3A_523 = arith.constant 0 : index
        %get3A_524 = tpu.vector_load %arg34[%get3A_522, %get3A_523] {strides = array<i32>} : memref<128x64xf32, #tpu.memory_space<vmem>>, vector<16xf32>,
        %sub3A_525 = arith.constant 1.000000e+00 : f32
        %sub3A_526 = vector.broadcast %sub3A_525 : f32 to vector<16xf32>
        %sub3A_527 = arith.subf %sub3A_526, %get3A_524 : vector<16xf32>
        %get3A_528 = arith.index_cast %add3A_481 : i32 to index
        %get3A_529 = arith.constant 0 : index
        %get3A_530 = tpu.vector_load %arg32[%get3A_528, %get3A_529] {strides = array<i32>} : memref<128x64xf32, #tpu.memory_space<vmem>>, vector<16xf32>,
        %mul3A_531 = arith.mulf %sub3A_527, %get3A_530 : vector<16xf32>
        %mul3A_532 = arith.mulf %mul3A_521, %mul3A_521 : vector<16xf32>
        %add3A_533 = arith.addf %broadcast_in_dim3A_485, %mul3A_532 : vector<16xf32>
        %mul3A_534 = arith.mulf %mul3A_531, %mul3A_531 : vector<16xf32>
        %add3A_535 = arith.addf %add3A_533, %mul3A_534 : vector<16xf32>
        %get3A_536 = arith.index_cast %add3A_481 : i32 to index
        %get3A_537 = arith.constant 0 : index
        %get3A_538 = tpu.vector_load %arg35[%get3A_536, %get3A_537] {strides = array<i32>} : memref<128x64xf32, #tpu.memory_space<vmem>>, vector<16xf32>,
        %mul3A_539 = arith.mulf %get3A_538, %get3A_538 : vector<16xf32>
        %add3A_540 = arith.addf %broadcast_in_dim3A_487, %mul3A_539 : vector<16xf32>
        %get3A_541 = arith.index_cast %add3A_481 : i32 to index
        %get3A_542 = arith.constant 16 : index
        %get3A_543 = tpu.vector_load %arg29[%get3A_541, %get3A_542] {strides = array<i32>} : memref<128x64xf32, #tpu.memory_space<vmem>>, vector<16xf32>,
        %sub3A_544 = arith.constant 1.000000e+00 : f32
        %sub3A_545 = vector.broadcast %sub3A_544 : f32 to vector<16xf32>
        %sub3A_546 = arith.subf %sub3A_545, %get3A_543 : vector<16xf32>
        %get3A_547 = arith.index_cast %add3A_481 : i32 to index
        %get3A_548 = arith.constant 16 : index
        %get3A_549 = tpu.vector_load %arg27[%get3A_547, %get3A_548] {strides = array<i32>} : memref<128x64xf32, #tpu.memory_space<vmem>>, vector<16xf32>,
        %mul3A_550 = arith.mulf %sub3A_546, %get3A_549 : vector<16xf32>
        %get3A_551 = arith.index_cast %add3A_481 : i32 to index
        %get3A_552 = arith.constant 16 : index
        %get3A_553 = tpu.vector_load %arg30[%get3A_551, %get3A_552] {strides = array<i32>} : memref<128x64xf32, #tpu.memory_space<vmem>>, vector<16xf32>,
        %sub3A_554 = arith.constant 1.000000e+00 : f32
        %sub3A_555 = vector.broadcast %sub3A_554 : f32 to vector<16xf32>
        %sub3A_556 = arith.subf %sub3A_555, %get3A_553 : vector<16xf32>
        %get3A_557 = arith.index_cast %add3A_481 : i32 to index
        %get3A_558 = arith.constant 16 : index
        %get3A_559 = tpu.vector_load %arg28[%get3A_557, %get3A_558] {strides = array<i32>} : memref<128x64xf32, #tpu.memory_space<vmem>>, vector<16xf32>,
        %mul3A_560 = arith.mulf %sub3A_556, %get3A_559 : vector<16xf32>
        %mul3A_561 = arith.mulf %mul3A_550, %mul3A_550 : vector<16xf32>
        %add3A_562 = arith.addf %add3A_511, %mul3A_561 : vector<16xf32>
        %mul3A_563 = arith.mulf %mul3A_560, %mul3A_560 : vector<16xf32>
        %add3A_564 = arith.addf %add3A_562, %mul3A_563 : vector<16xf32>
        %get3A_565 = arith.index_cast %add3A_481 : i32 to index
        %get3A_566 = arith.constant 16 : index
        %get3A_567 = tpu.vector_load %arg33[%get3A_565, %get3A_566] {strides = array<i32>} : memref<128x64xf32, #tpu.memory_space<vmem>>, vector<16xf32>,
        %sub3A_568 = arith.constant 1.000000e+00 : f32
        %sub3A_569 = vector.broadcast %sub3A_568 : f32 to vector<16xf32>
        %sub3A_570 = arith.subf %sub3A_569, %get3A_567 : vector<16xf32>
        %get3A_571 = arith.index_cast %add3A_481 : i32 to index
        %get3A_572 = arith.constant 16 : index
        %get3A_573 = tpu.vector_load %arg31[%get3A_571, %get3A_572] {strides = array<i32>} : memref<128x64xf32, #tpu.memory_space<vmem>>, vector<16xf32>,
        %mul3A_574 = arith.mulf %sub3A_570, %get3A_573 : vector<16xf32>
        %get3A_575 = arith.index_cast %add3A_481 : i32 to index
        %get3A_576 = arith.constant 16 : index
        %get3A_577 = tpu.vector_load %arg34[%get3A_575, %get3A_576] {strides = array<i32>} : memref<128x64xf32, #tpu.memory_space<vmem>>, vector<16xf32>,
        %sub3A_578 = arith.constant 1.000000e+00 : f32
        %sub3A_579 = vector.broadcast %sub3A_578 : f32 to vector<16xf32>
        %sub3A_580 = arith.subf %sub3A_579, %get3A_577 : vector<16xf32>
        %get3A_581 = arith.index_cast %add3A_481 : i32 to index
        %get3A_582 = arith.constant 16 : index
        %get3A_583 = tpu.vector_load %arg32[%get3A_581, %get3A_582] {strides = array<i32>} : memref<128x64xf32, #tpu.memory_space<vmem>>, vector<16xf32>,
        %mul3A_584 = arith.mulf %sub3A_580, %get3A_583 : vector<16xf32>
        %mul3A_585 = arith.mulf %mul3A_574, %mul3A_574 : vector<16xf32>
        %add3A_586 = arith.addf %add3A_535, %mul3A_585 : vector<16xf32>
        %mul3A_587 = arith.mulf %mul3A_584, %mul3A_584 : vector<16xf32>
        %add3A_588 = arith.addf %add3A_586, %mul3A_587 : vector<16xf32>
        %get3A_589 = arith.index_cast %add3A_481 : i32 to index
        %get3A_590 = arith.constant 16 : index
        %get3A_591 = tpu.vector_load %arg35[%get3A_589, %get3A_590] {strides = array<i32>} : memref<128x64xf32, #tpu.memory_space<vmem>>, vector<16xf32>,
        %mul3A_592 = arith.mulf %get3A_591, %get3A_591 : vector<16xf32>
        %add3A_593 = arith.addf %add3A_540, %mul3A_592 : vector<16xf32>
        %get3A_594 = arith.index_cast %add3A_481 : i32 to index
        %get3A_595 = arith.constant 32 : index
        %get3A_596 = tpu.vector_load %arg29[%get3A_594, %get3A_595] {strides = array<i32>} : memref<128x64xf32, #tpu.memory_space<vmem>>, vector<16xf32>,
        %sub3A_597 = arith.constant 1.000000e+00 : f32
        %sub3A_598 = vector.broadcast %sub3A_597 : f32 to vector<16xf32>
        %sub3A_599 = arith.subf %sub3A_598, %get3A_596 : vector<16xf32>
        %get3A_600 = arith.index_cast %add3A_481 : i32 to index
        %get3A_601 = arith.constant 32 : index
        %get3A_602 = tpu.vector_load %arg27[%get3A_600, %get3A_601] {strides = array<i32>} : memref<128x64xf32, #tpu.memory_space<vmem>>, vector<16xf32>,
        %mul3A_603 = arith.mulf %sub3A_599, %get3A_602 : vector<16xf32>
        %get3A_604 = arith.index_cast %add3A_481 : i32 to index
        %get3A_605 = arith.constant 32 : index
        %get3A_606 = tpu.vector_load %arg30[%get3A_604, %get3A_605] {strides = array<i32>} : memref<128x64xf32, #tpu.memory_space<vmem>>, vector<16xf32>,
        %sub3A_607 = arith.constant 1.000000e+00 : f32
        %sub3A_608 = vector.broadcast %sub3A_607 : f32 to vector<16xf32>
        %sub3A_609 = arith.subf %sub3A_608, %get3A_606 : vector<16xf32>
        %get3A_610 = arith.index_cast %add3A_481 : i32 to index
        %get3A_611 = arith.constant 32 : index
        %get3A_612 = tpu.vector_load %arg28[%get3A_610, %get3A_611] {strides = array<i32>} : memref<128x64xf32, #tpu.memory_space<vmem>>, vector<16xf32>,
        %mul3A_613 = arith.mulf %sub3A_609, %get3A_612 : vector<16xf32>
        %mul3A_614 = arith.mulf %mul3A_603, %mul3A_603 : vector<16xf32>
        %add3A_615 = arith.addf %add3A_564, %mul3A_614 : vector<16xf32>
        %mul3A_616 = arith.mulf %mul3A_613, %mul3A_613 : vector<16xf32>
        %add3A_617 = arith.addf %add3A_615, %mul3A_616 : vector<16xf32>
        %get3A_618 = arith.index_cast %add3A_481 : i32 to index
        %get3A_619 = arith.constant 32 : index
        %get3A_620 = tpu.vector_load %arg33[%get3A_618, %get3A_619] {strides = array<i32>} : memref<128x64xf32, #tpu.memory_space<vmem>>, vector<16xf32>,
        %sub3A_621 = arith.constant 1.000000e+00 : f32
        %sub3A_622 = vector.broadcast %sub3A_621 : f32 to vector<16xf32>
        %sub3A_623 = arith.subf %sub3A_622, %get3A_620 : vector<16xf32>
        %get3A_624 = arith.index_cast %add3A_481 : i32 to index
        %get3A_625 = arith.constant 32 : index
        %get3A_626 = tpu.vector_load %arg31[%get3A_624, %get3A_625] {strides = array<i32>} : memref<128x64xf32, #tpu.memory_space<vmem>>, vector<16xf32>,
        %mul3A_627 = arith.mulf %sub3A_623, %get3A_626 : vector<16xf32>
        %get3A_628 = arith.index_cast %add3A_481 : i32 to index
        %get3A_629 = arith.constant 32 : index
        %get3A_630 = tpu.vector_load %arg34[%get3A_628, %get3A_629] {strides = array<i32>} : memref<128x64xf32, #tpu.memory_space<vmem>>, vector<16xf32>,
        %sub3A_631 = arith.constant 1.000000e+00 : f32
        %sub3A_632 = vector.broadcast %sub3A_631 : f32 to vector<16xf32>
        %sub3A_633 = arith.subf %sub3A_632, %get3A_630 : vector<16xf32>
        %get3A_634 = arith.index_cast %add3A_481 : i32 to index
        %get3A_635 = arith.constant 32 : index
        %get3A_636 = tpu.vector_load %arg32[%get3A_634, %get3A_635] {strides = array<i32>} : memref<128x64xf32, #tpu.memory_space<vmem>>, vector<16xf32>,
        %mul3A_637 = arith.mulf %sub3A_633, %get3A_636 : vector<16xf32>
        %mul3A_638 = arith.mulf %mul3A_627, %mul3A_627 : vector<16xf32>
        %add3A_639 = arith.addf %add3A_588, %mul3A_638 : vector<16xf32>
        %mul3A_640 = arith.mulf %mul3A_637, %mul3A_637 : vector<16xf32>
        %add3A_641 = arith.addf %add3A_639, %mul3A_640 : vector<16xf32>
        %get3A_642 = arith.index_cast %add3A_481 : i32 to index
        %get3A_643 = arith.constant 32 : index
        %get3A_644 = tpu.vector_load %arg35[%get3A_642, %get3A_643] {strides = array<i32>} : memref<128x64xf32, #tpu.memory_space<vmem>>, vector<16xf32>,
        %mul3A_645 = arith.mulf %get3A_644, %get3A_644 : vector<16xf32>
        %add3A_646 = arith.addf %add3A_593, %mul3A_645 : vector<16xf32>
        %get3A_647 = arith.index_cast %add3A_481 : i32 to index
        %get3A_648 = arith.constant 48 : index
        %get3A_649 = tpu.vector_load %arg29[%get3A_647, %get3A_648] {strides = array<i32>} : memref<128x64xf32, #tpu.memory_space<vmem>>, vector<16xf32>,
        %sub3A_650 = arith.constant 1.000000e+00 : f32
        %sub3A_651 = vector.broadcast %sub3A_650 : f32 to vector<16xf32>
        %sub3A_652 = arith.subf %sub3A_651, %get3A_649 : vector<16xf32>
        %get3A_653 = arith.index_cast %add3A_481 : i32 to index
        %get3A_654 = arith.constant 48 : index
        %get3A_655 = tpu.vector_load %arg27[%get3A_653, %get3A_654] {strides = array<i32>} : memref<128x64xf32, #tpu.memory_space<vmem>>, vector<16xf32>,
        %mul3A_656 = arith.mulf %sub3A_652, %get3A_655 : vector<16xf32>
        %get3A_657 = arith.index_cast %add3A_481 : i32 to index
        %get3A_658 = arith.constant 48 : index
        %get3A_659 = tpu.vector_load %arg30[%get3A_657, %get3A_658] {strides = array<i32>} : memref<128x64xf32, #tpu.memory_space<vmem>>, vector<16xf32>,
        %sub3A_660 = arith.constant 1.000000e+00 : f32
        %sub3A_661 = vector.broadcast %sub3A_660 : f32 to vector<16xf32>
        %sub3A_662 = arith.subf %sub3A_661, %get3A_659 : vector<16xf32>
        %get3A_663 = arith.index_cast %add3A_481 : i32 to index
        %get3A_664 = arith.constant 48 : index
        %get3A_665 = tpu.vector_load %arg28[%get3A_663, %get3A_664] {strides = array<i32>} : memref<128x64xf32, #tpu.memory_space<vmem>>, vector<16xf32>,
        %mul3A_666 = arith.mulf %sub3A_662, %get3A_665 : vector<16xf32>
        %mul3A_667 = arith.mulf %mul3A_656, %mul3A_656 : vector<16xf32>
        %add3A_668 = arith.addf %add3A_617, %mul3A_667 : vector<16xf32>
        %mul3A_669 = arith.mulf %mul3A_666, %mul3A_666 : vector<16xf32>
        %add3A_670 = arith.addf %add3A_668, %mul3A_669 : vector<16xf32>
        %get3A_671 = arith.index_cast %add3A_481 : i32 to index
        %get3A_672 = arith.constant 48 : index
        %get3A_673 = tpu.vector_load %arg33[%get3A_671, %get3A_672] {strides = array<i32>} : memref<128x64xf32, #tpu.memory_space<vmem>>, vector<16xf32>,
        %sub3A_674 = arith.constant 1.000000e+00 : f32
        %sub3A_675 = vector.broadcast %sub3A_674 : f32 to vector<16xf32>
        %sub3A_676 = arith.subf %sub3A_675, %get3A_673 : vector<16xf32>
        %get3A_677 = arith.index_cast %add3A_481 : i32 to index
        %get3A_678 = arith.constant 48 : index
        %get3A_679 = tpu.vector_load %arg31[%get3A_677, %get3A_678] {strides = array<i32>} : memref<128x64xf32, #tpu.memory_space<vmem>>, vector<16xf32>,
        %mul3A_680 = arith.mulf %sub3A_676, %get3A_679 : vector<16xf32>
        %get3A_681 = arith.index_cast %add3A_481 : i32 to index
        %get3A_682 = arith.constant 48 : index
        %get3A_683 = tpu.vector_load %arg34[%get3A_681, %get3A_682] {strides = array<i32>} : memref<128x64xf32, #tpu.memory_space<vmem>>, vector<16xf32>,
        %sub3A_684 = arith.constant 1.000000e+00 : f32
        %sub3A_685 = vector.broadcast %sub3A_684 : f32 to vector<16xf32>
        %sub3A_686 = arith.subf %sub3A_685, %get3A_683 : vector<16xf32>
        %get3A_687 = arith.index_cast %add3A_481 : i32 to index
        %get3A_688 = arith.constant 48 : index
        %get3A_689 = tpu.vector_load %arg32[%get3A_687, %get3A_688] {strides = array<i32>} : memref<128x64xf32, #tpu.memory_space<vmem>>, vector<16xf32>,
        %mul3A_690 = arith.mulf %sub3A_686, %get3A_689 : vector<16xf32>
        %mul3A_691 = arith.mulf %mul3A_680, %mul3A_680 : vector<16xf32>
        %add3A_692 = arith.addf %add3A_641, %mul3A_691 : vector<16xf32>
        %mul3A_693 = arith.mulf %mul3A_690, %mul3A_690 : vector<16xf32>
        %add3A_694 = arith.addf %add3A_692, %mul3A_693 : vector<16xf32>
        %get3A_695 = arith.index_cast %add3A_481 : i32 to index
        %get3A_696 = arith.constant 48 : index
        %get3A_697 = tpu.vector_load %arg35[%get3A_695, %get3A_696] {strides = array<i32>} : memref<128x64xf32, #tpu.memory_space<vmem>>, vector<16xf32>,
        %mul3A_698 = arith.mulf %get3A_697, %get3A_697 : vector<16xf32>
        %add3A_699 = arith.addf %add3A_646, %mul3A_698 : vector<16xf32>
        %swap3A_700 = arith.index_cast %scan3A_478 : i32 to index
        %swap3A_701 = arith.constant 0 : index
        %swap3A_702 = tpu.vector_load %arg43[%swap3A_700, %swap3A_701] {strides = array<i32>} : memref<16x16xf32, #tpu.memory_space<vmem>>, vector<16xf32>,
        tpu.vector_store %arg43[%swap3A_700, %swap3A_701], %add3A_670 {strides = array<i32>} : memref<16x16xf32, #tpu.memory_space<vmem>>, vector<16xf32>,
        %swap3A_703 = arith.index_cast %scan3A_478 : i32 to index
        %swap3A_704 = arith.constant 0 : index
        %swap3A_705 = tpu.vector_load %arg44[%swap3A_703, %swap3A_704] {strides = array<i32>} : memref<16x16xf32, #tpu.memory_space<vmem>>, vector<16xf32>,
        tpu.vector_store %arg44[%swap3A_703, %swap3A_704], %add3A_694 {strides = array<i32>} : memref<16x16xf32, #tpu.memory_space<vmem>>, vector<16xf32>,
        %swap3A_706 = arith.index_cast %scan3A_478 : i32 to index
        %swap3A_707 = arith.constant 0 : index
        %swap3A_708 = tpu.vector_load %arg45[%swap3A_706, %swap3A_707] {strides = array<i32>} : memref<16x16xf32, #tpu.memory_space<vmem>>, vector<16xf32>,
        tpu.vector_store %arg45[%swap3A_706, %swap3A_707], %add3A_699 {strides = array<i32>} : memref<16x16xf32, #tpu.memory_space<vmem>>, vector<16xf32>,
      }
      %scan3A_275 = arith.constant 16 : i32
      %mul3A_276 = arith.constant 16 : i32
      %mul3A_277 = arith.muli %scan3A_269, %mul3A_276 : i32
      %add3A_278 = arith.constant 384 : i32
      %add3A_279 = arith.addi %add3A_278, %mul3A_277 : i32
      %broadcast_in_dim3A = arith.constant 0 : i32
      %broadcast_in_dim3A_280 = vector.broadcast %broadcast_in_dim3A : i32 to vector<16xi32>
      %gather3A = tpu.vector_load_idx %arg43[%iota3A, %broadcast_in_dim3A_280] : memref<16x16xf32, #tpu.memory_space<vmem>>[vector<16xi32>, vector<16xi32>], vector<16xf32>,
      %broadcast_in_dim3A_281 = arith.constant 1 : i32
      %broadcast_in_dim3A_282 = vector.broadcast %broadcast_in_dim3A_281 : i32 to vector<16xi32>
      %gather3A_283 = tpu.vector_load_idx %arg43[%iota3A, %broadcast_in_dim3A_282] : memref<16x16xf32, #tpu.memory_space<vmem>>[vector<16xi32>, vector<16xi32>], vector<16xf32>,
      %add3A_284 = arith.addf %gather3A, %gather3A_283 : vector<16xf32>
      %broadcast_in_dim3A_285 = arith.constant 2 : i32
      %broadcast_in_dim3A_286 = vector.broadcast %broadcast_in_dim3A_285 : i32 to vector<16xi32>
      %gather3A_287 = tpu.vector_load_idx %arg43[%iota3A, %broadcast_in_dim3A_286] : memref<16x16xf32, #tpu.memory_space<vmem>>[vector<16xi32>, vector<16xi32>], vector<16xf32>,
      %add3A_288 = arith.addf %add3A_284, %gather3A_287 : vector<16xf32>
      %broadcast_in_dim3A_289 = arith.constant 3 : i32
      %broadcast_in_dim3A_290 = vector.broadcast %broadcast_in_dim3A_289 : i32 to vector<16xi32>
      %gather3A_291 = tpu.vector_load_idx %arg43[%iota3A, %broadcast_in_dim3A_290] : memref<16x16xf32, #tpu.memory_space<vmem>>[vector<16xi32>, vector<16xi32>], vector<16xf32>,
      %add3A_292 = arith.addf %add3A_288, %gather3A_291 : vector<16xf32>
      %broadcast_in_dim3A_293 = arith.constant 4 : i32
      %broadcast_in_dim3A_294 = vector.broadcast %broadcast_in_dim3A_293 : i32 to vector<16xi32>
      %gather3A_295 = tpu.vector_load_idx %arg43[%iota3A, %broadcast_in_dim3A_294] : memref<16x16xf32, #tpu.memory_space<vmem>>[vector<16xi32>, vector<16xi32>], vector<16xf32>,
      %add3A_296 = arith.addf %add3A_292, %gather3A_295 : vector<16xf32>
      %broadcast_in_dim3A_297 = arith.constant 5 : i32
      %broadcast_in_dim3A_298 = vector.broadcast %broadcast_in_dim3A_297 : i32 to vector<16xi32>
      %gather3A_299 = tpu.vector_load_idx %arg43[%iota3A, %broadcast_in_dim3A_298] : memref<16x16xf32, #tpu.memory_space<vmem>>[vector<16xi32>, vector<16xi32>], vector<16xf32>,
      %add3A_300 = arith.addf %add3A_296, %gather3A_299 : vector<16xf32>
      %broadcast_in_dim3A_301 = arith.constant 6 : i32
      %broadcast_in_dim3A_302 = vector.broadcast %broadcast_in_dim3A_301 : i32 to vector<16xi32>
      %gather3A_303 = tpu.vector_load_idx %arg43[%iota3A, %broadcast_in_dim3A_302] : memref<16x16xf32, #tpu.memory_space<vmem>>[vector<16xi32>, vector<16xi32>], vector<16xf32>,
      %add3A_304 = arith.addf %add3A_300, %gather3A_303 : vector<16xf32>
      %broadcast_in_dim3A_305 = arith.constant 7 : i32
      %broadcast_in_dim3A_306 = vector.broadcast %broadcast_in_dim3A_305 : i32 to vector<16xi32>
      %gather3A_307 = tpu.vector_load_idx %arg43[%iota3A, %broadcast_in_dim3A_306] : memref<16x16xf32, #tpu.memory_space<vmem>>[vector<16xi32>, vector<16xi32>], vector<16xf32>,
      %add3A_308 = arith.addf %add3A_304, %gather3A_307 : vector<16xf32>
      %broadcast_in_dim3A_309 = arith.constant 8 : i32
      %broadcast_in_dim3A_310 = vector.broadcast %broadcast_in_dim3A_309 : i32 to vector<16xi32>
      %gather3A_311 = tpu.vector_load_idx %arg43[%iota3A, %broadcast_in_dim3A_310] : memref<16x16xf32, #tpu.memory_space<vmem>>[vector<16xi32>, vector<16xi32>], vector<16xf32>,
      %add3A_312 = arith.addf %add3A_308, %gather3A_311 : vector<16xf32>
      %broadcast_in_dim3A_313 = arith.constant 9 : i32
      %broadcast_in_dim3A_314 = vector.broadcast %broadcast_in_dim3A_313 : i32 to vector<16xi32>
      %gather3A_315 = tpu.vector_load_idx %arg43[%iota3A, %broadcast_in_dim3A_314] : memref<16x16xf32, #tpu.memory_space<vmem>>[vector<16xi32>, vector<16xi32>], vector<16xf32>,
      %add3A_316 = arith.addf %add3A_312, %gather3A_315 : vector<16xf32>
      %broadcast_in_dim3A_317 = arith.constant 10 : i32
      %broadcast_in_dim3A_318 = vector.broadcast %broadcast_in_dim3A_317 : i32 to vector<16xi32>
      %gather3A_319 = tpu.vector_load_idx %arg43[%iota3A, %broadcast_in_dim3A_318] : memref<16x16xf32, #tpu.memory_space<vmem>>[vector<16xi32>, vector<16xi32>], vector<16xf32>,
      %add3A_320 = arith.addf %add3A_316, %gather3A_319 : vector<16xf32>
      %broadcast_in_dim3A_321 = arith.constant 11 : i32
      %broadcast_in_dim3A_322 = vector.broadcast %broadcast_in_dim3A_321 : i32 to vector<16xi32>
      %gather3A_323 = tpu.vector_load_idx %arg43[%iota3A, %broadcast_in_dim3A_322] : memref<16x16xf32, #tpu.memory_space<vmem>>[vector<16xi32>, vector<16xi32>], vector<16xf32>,
      %add3A_324 = arith.addf %add3A_320, %gather3A_323 : vector<16xf32>
      %broadcast_in_dim3A_325 = arith.constant 12 : i32
      %broadcast_in_dim3A_326 = vector.broadcast %broadcast_in_dim3A_325 : i32 to vector<16xi32>
      %gather3A_327 = tpu.vector_load_idx %arg43[%iota3A, %broadcast_in_dim3A_326] : memref<16x16xf32, #tpu.memory_space<vmem>>[vector<16xi32>, vector<16xi32>], vector<16xf32>,
      %add3A_328 = arith.addf %add3A_324, %gather3A_327 : vector<16xf32>
      %broadcast_in_dim3A_329 = arith.constant 13 : i32
      %broadcast_in_dim3A_330 = vector.broadcast %broadcast_in_dim3A_329 : i32 to vector<16xi32>
      %gather3A_331 = tpu.vector_load_idx %arg43[%iota3A, %broadcast_in_dim3A_330] : memref<16x16xf32, #tpu.memory_space<vmem>>[vector<16xi32>, vector<16xi32>], vector<16xf32>,
      %add3A_332 = arith.addf %add3A_328, %gather3A_331 : vector<16xf32>
      %broadcast_in_dim3A_333 = arith.constant 14 : i32
      %broadcast_in_dim3A_334 = vector.broadcast %broadcast_in_dim3A_333 : i32 to vector<16xi32>
      %gather3A_335 = tpu.vector_load_idx %arg43[%iota3A, %broadcast_in_dim3A_334] : memref<16x16xf32, #tpu.memory_space<vmem>>[vector<16xi32>, vector<16xi32>], vector<16xf32>,
      %add3A_336 = arith.addf %add3A_332, %gather3A_335 : vector<16xf32>
      %broadcast_in_dim3A_337 = arith.constant 15 : i32
      %broadcast_in_dim3A_338 = vector.broadcast %broadcast_in_dim3A_337 : i32 to vector<16xi32>
      %gather3A_339 = tpu.vector_load_idx %arg43[%iota3A, %broadcast_in_dim3A_338] : memref<16x16xf32, #tpu.memory_space<vmem>>[vector<16xi32>, vector<16xi32>], vector<16xf32>,
      %add3A_340 = arith.addf %add3A_336, %gather3A_339 : vector<16xf32>
      %swap3A = arith.index_cast %add3A_279 : i32 to index
      %swap3A_341 = tpu.vector_load %arg38[%swap3A] {strides = array<i32>} : memref<512xf32, #tpu.memory_space<vmem>>, vector<16xf32>,
      tpu.vector_store %arg38[%swap3A], %add3A_340 {strides = array<i32>} : memref<512xf32, #tpu.memory_space<vmem>>, vector<16xf32>,
      %broadcast_in_dim3A_342 = arith.constant 0 : i32
      %broadcast_in_dim3A_343 = vector.broadcast %broadcast_in_dim3A_342 : i32 to vector<16xi32>
      %gather3A_344 = tpu.vector_load_idx %arg44[%iota3A, %broadcast_in_dim3A_343] : memref<16x16xf32, #tpu.memory_space<vmem>>[vector<16xi32>, vector<16xi32>], vector<16xf32>,
      %broadcast_in_dim3A_345 = arith.constant 1 : i32
      %broadcast_in_dim3A_346 = vector.broadcast %broadcast_in_dim3A_345 : i32 to vector<16xi32>
      %gather3A_347 = tpu.vector_load_idx %arg44[%iota3A, %broadcast_in_dim3A_346] : memref<16x16xf32, #tpu.memory_space<vmem>>[vector<16xi32>, vector<16xi32>], vector<16xf32>,
      %add3A_348 = arith.addf %gather3A_344, %gather3A_347 : vector<16xf32>
      %broadcast_in_dim3A_349 = arith.constant 2 : i32
      %broadcast_in_dim3A_350 = vector.broadcast %broadcast_in_dim3A_349 : i32 to vector<16xi32>
      %gather3A_351 = tpu.vector_load_idx %arg44[%iota3A, %broadcast_in_dim3A_350] : memref<16x16xf32, #tpu.memory_space<vmem>>[vector<16xi32>, vector<16xi32>], vector<16xf32>,
      %add3A_352 = arith.addf %add3A_348, %gather3A_351 : vector<16xf32>
      %broadcast_in_dim3A_353 = arith.constant 3 : i32
      %broadcast_in_dim3A_354 = vector.broadcast %broadcast_in_dim3A_353 : i32 to vector<16xi32>
      %gather3A_355 = tpu.vector_load_idx %arg44[%iota3A, %broadcast_in_dim3A_354] : memref<16x16xf32, #tpu.memory_space<vmem>>[vector<16xi32>, vector<16xi32>], vector<16xf32>,
      %add3A_356 = arith.addf %add3A_352, %gather3A_355 : vector<16xf32>
      %broadcast_in_dim3A_357 = arith.constant 4 : i32
      %broadcast_in_dim3A_358 = vector.broadcast %broadcast_in_dim3A_357 : i32 to vector<16xi32>
      %gather3A_359 = tpu.vector_load_idx %arg44[%iota3A, %broadcast_in_dim3A_358] : memref<16x16xf32, #tpu.memory_space<vmem>>[vector<16xi32>, vector<16xi32>], vector<16xf32>,
      %add3A_360 = arith.addf %add3A_356, %gather3A_359 : vector<16xf32>
      %broadcast_in_dim3A_361 = arith.constant 5 : i32
      %broadcast_in_dim3A_362 = vector.broadcast %broadcast_in_dim3A_361 : i32 to vector<16xi32>
      %gather3A_363 = tpu.vector_load_idx %arg44[%iota3A, %broadcast_in_dim3A_362] : memref<16x16xf32, #tpu.memory_space<vmem>>[vector<16xi32>, vector<16xi32>], vector<16xf32>,
      %add3A_364 = arith.addf %add3A_360, %gather3A_363 : vector<16xf32>
      %broadcast_in_dim3A_365 = arith.constant 6 : i32
      %broadcast_in_dim3A_366 = vector.broadcast %broadcast_in_dim3A_365 : i32 to vector<16xi32>
      %gather3A_367 = tpu.vector_load_idx %arg44[%iota3A, %broadcast_in_dim3A_366] : memref<16x16xf32, #tpu.memory_space<vmem>>[vector<16xi32>, vector<16xi32>], vector<16xf32>,
      %add3A_368 = arith.addf %add3A_364, %gather3A_367 : vector<16xf32>
      %broadcast_in_dim3A_369 = arith.constant 7 : i32
      %broadcast_in_dim3A_370 = vector.broadcast %broadcast_in_dim3A_369 : i32 to vector<16xi32>
      %gather3A_371 = tpu.vector_load_idx %arg44[%iota3A, %broadcast_in_dim3A_370] : memref<16x16xf32, #tpu.memory_space<vmem>>[vector<16xi32>, vector<16xi32>], vector<16xf32>,
      %add3A_372 = arith.addf %add3A_368, %gather3A_371 : vector<16xf32>
      %broadcast_in_dim3A_373 = arith.constant 8 : i32
      %broadcast_in_dim3A_374 = vector.broadcast %broadcast_in_dim3A_373 : i32 to vector<16xi32>
      %gather3A_375 = tpu.vector_load_idx %arg44[%iota3A, %broadcast_in_dim3A_374] : memref<16x16xf32, #tpu.memory_space<vmem>>[vector<16xi32>, vector<16xi32>], vector<16xf32>,
      %add3A_376 = arith.addf %add3A_372, %gather3A_375 : vector<16xf32>
      %broadcast_in_dim3A_377 = arith.constant 9 : i32
      %broadcast_in_dim3A_378 = vector.broadcast %broadcast_in_dim3A_377 : i32 to vector<16xi32>
      %gather3A_379 = tpu.vector_load_idx %arg44[%iota3A, %broadcast_in_dim3A_378] : memref<16x16xf32, #tpu.memory_space<vmem>>[vector<16xi32>, vector<16xi32>], vector<16xf32>,
      %add3A_380 = arith.addf %add3A_376, %gather3A_379 : vector<16xf32>
      %broadcast_in_dim3A_381 = arith.constant 10 : i32
      %broadcast_in_dim3A_382 = vector.broadcast %broadcast_in_dim3A_381 : i32 to vector<16xi32>
      %gather3A_383 = tpu.vector_load_idx %arg44[%iota3A, %broadcast_in_dim3A_382] : memref<16x16xf32, #tpu.memory_space<vmem>>[vector<16xi32>, vector<16xi32>], vector<16xf32>,
      %add3A_384 = arith.addf %add3A_380, %gather3A_383 : vector<16xf32>
      %broadcast_in_dim3A_385 = arith.constant 11 : i32
      %broadcast_in_dim3A_386 = vector.broadcast %broadcast_in_dim3A_385 : i32 to vector<16xi32>
      %gather3A_387 = tpu.vector_load_idx %arg44[%iota3A, %broadcast_in_dim3A_386] : memref<16x16xf32, #tpu.memory_space<vmem>>[vector<16xi32>, vector<16xi32>], vector<16xf32>,
      %add3A_388 = arith.addf %add3A_384, %gather3A_387 : vector<16xf32>
      %broadcast_in_dim3A_389 = arith.constant 12 : i32
      %broadcast_in_dim3A_390 = vector.broadcast %broadcast_in_dim3A_389 : i32 to vector<16xi32>
      %gather3A_391 = tpu.vector_load_idx %arg44[%iota3A, %broadcast_in_dim3A_390] : memref<16x16xf32, #tpu.memory_space<vmem>>[vector<16xi32>, vector<16xi32>], vector<16xf32>,
      %add3A_392 = arith.addf %add3A_388, %gather3A_391 : vector<16xf32>
      %broadcast_in_dim3A_393 = arith.constant 13 : i32
      %broadcast_in_dim3A_394 = vector.broadcast %broadcast_in_dim3A_393 : i32 to vector<16xi32>
      %gather3A_395 = tpu.vector_load_idx %arg44[%iota3A, %broadcast_in_dim3A_394] : memref<16x16xf32, #tpu.memory_space<vmem>>[vector<16xi32>, vector<16xi32>], vector<16xf32>,
      %add3A_396 = arith.addf %add3A_392, %gather3A_395 : vector<16xf32>
      %broadcast_in_dim3A_397 = arith.constant 14 : i32
      %broadcast_in_dim3A_398 = vector.broadcast %broadcast_in_dim3A_397 : i32 to vector<16xi32>
      %gather3A_399 = tpu.vector_load_idx %arg44[%iota3A, %broadcast_in_dim3A_398] : memref<16x16xf32, #tpu.memory_space<vmem>>[vector<16xi32>, vector<16xi32>], vector<16xf32>,
      %add3A_400 = arith.addf %add3A_396, %gather3A_399 : vector<16xf32>
      %broadcast_in_dim3A_401 = arith.constant 15 : i32
      %broadcast_in_dim3A_402 = vector.broadcast %broadcast_in_dim3A_401 : i32 to vector<16xi32>
      %gather3A_403 = tpu.vector_load_idx %arg44[%iota3A, %broadcast_in_dim3A_402] : memref<16x16xf32, #tpu.memory_space<vmem>>[vector<16xi32>, vector<16xi32>], vector<16xf32>,
      %add3A_404 = arith.addf %add3A_400, %gather3A_403 : vector<16xf32>
      %sub3A = arith.subf %get3A_3, %add3A_404 : vector<16xf32>
      %max3A = arith.constant 0.000000e+00 : f32
      %max3A_405 = vector.broadcast %max3A : f32 to vector<16xf32>
      %max3A_406 = arith.maximumf %sub3A, %max3A_405 : vector<16xf32>
      %swap3A_407 = arith.index_cast %add3A_279 : i32 to index
      %swap3A_408 = tpu.vector_load %arg39[%swap3A_407] {strides = array<i32>} : memref<512xf32, #tpu.memory_space<vmem>>, vector<16xf32>,
      tpu.vector_store %arg39[%swap3A_407], %max3A_406 {strides = array<i32>} : memref<512xf32, #tpu.memory_space<vmem>>, vector<16xf32>,
      %broadcast_in_dim3A_409 = arith.constant 0 : i32
      %broadcast_in_dim3A_410 = vector.broadcast %broadcast_in_dim3A_409 : i32 to vector<16xi32>
      %gather3A_411 = tpu.vector_load_idx %arg45[%iota3A, %broadcast_in_dim3A_410] : memref<16x16xf32, #tpu.memory_space<vmem>>[vector<16xi32>, vector<16xi32>], vector<16xf32>,
      %broadcast_in_dim3A_412 = arith.constant 1 : i32
      %broadcast_in_dim3A_413 = vector.broadcast %broadcast_in_dim3A_412 : i32 to vector<16xi32>
      %gather3A_414 = tpu.vector_load_idx %arg45[%iota3A, %broadcast_in_dim3A_413] : memref<16x16xf32, #tpu.memory_space<vmem>>[vector<16xi32>, vector<16xi32>], vector<16xf32>,
      %add3A_415 = arith.addf %gather3A_411, %gather3A_414 : vector<16xf32>
      %broadcast_in_dim3A_416 = arith.constant 2 : i32
      %broadcast_in_dim3A_417 = vector.broadcast %broadcast_in_dim3A_416 : i32 to vector<16xi32>
      %gather3A_418 = tpu.vector_load_idx %arg45[%iota3A, %broadcast_in_dim3A_417] : memref<16x16xf32, #tpu.memory_space<vmem>>[vector<16xi32>, vector<16xi32>], vector<16xf32>,
      %add3A_419 = arith.addf %add3A_415, %gather3A_418 : vector<16xf32>
      %broadcast_in_dim3A_420 = arith.constant 3 : i32
      %broadcast_in_dim3A_421 = vector.broadcast %broadcast_in_dim3A_420 : i32 to vector<16xi32>
      %gather3A_422 = tpu.vector_load_idx %arg45[%iota3A, %broadcast_in_dim3A_421] : memref<16x16xf32, #tpu.memory_space<vmem>>[vector<16xi32>, vector<16xi32>], vector<16xf32>,
      %add3A_423 = arith.addf %add3A_419, %gather3A_422 : vector<16xf32>
      %broadcast_in_dim3A_424 = arith.constant 4 : i32
      %broadcast_in_dim3A_425 = vector.broadcast %broadcast_in_dim3A_424 : i32 to vector<16xi32>
      %gather3A_426 = tpu.vector_load_idx %arg45[%iota3A, %broadcast_in_dim3A_425] : memref<16x16xf32, #tpu.memory_space<vmem>>[vector<16xi32>, vector<16xi32>], vector<16xf32>,
      %add3A_427 = arith.addf %add3A_423, %gather3A_426 : vector<16xf32>
      %broadcast_in_dim3A_428 = arith.constant 5 : i32
      %broadcast_in_dim3A_429 = vector.broadcast %broadcast_in_dim3A_428 : i32 to vector<16xi32>
      %gather3A_430 = tpu.vector_load_idx %arg45[%iota3A, %broadcast_in_dim3A_429] : memref<16x16xf32, #tpu.memory_space<vmem>>[vector<16xi32>, vector<16xi32>], vector<16xf32>,
      %add3A_431 = arith.addf %add3A_427, %gather3A_430 : vector<16xf32>
      %broadcast_in_dim3A_432 = arith.constant 6 : i32
      %broadcast_in_dim3A_433 = vector.broadcast %broadcast_in_dim3A_432 : i32 to vector<16xi32>
      %gather3A_434 = tpu.vector_load_idx %arg45[%iota3A, %broadcast_in_dim3A_433] : memref<16x16xf32, #tpu.memory_space<vmem>>[vector<16xi32>, vector<16xi32>], vector<16xf32>,
      %add3A_435 = arith.addf %add3A_431, %gather3A_434 : vector<16xf32>
      %broadcast_in_dim3A_436 = arith.constant 7 : i32
      %broadcast_in_dim3A_437 = vector.broadcast %broadcast_in_dim3A_436 : i32 to vector<16xi32>
      %gather3A_438 = tpu.vector_load_idx %arg45[%iota3A, %broadcast_in_dim3A_437] : memref<16x16xf32, #tpu.memory_space<vmem>>[vector<16xi32>, vector<16xi32>], vector<16xf32>,
      %add3A_439 = arith.addf %add3A_435, %gather3A_438 : vector<16xf32>
      %broadcast_in_dim3A_440 = arith.constant 8 : i32
      %broadcast_in_dim3A_441 = vector.broadcast %broadcast_in_dim3A_440 : i32 to vector<16xi32>
      %gather3A_442 = tpu.vector_load_idx %arg45[%iota3A, %broadcast_in_dim3A_441] : memref<16x16xf32, #tpu.memory_space<vmem>>[vector<16xi32>, vector<16xi32>], vector<16xf32>,
      %add3A_443 = arith.addf %add3A_439, %gather3A_442 : vector<16xf32>
      %broadcast_in_dim3A_444 = arith.constant 9 : i32
      %broadcast_in_dim3A_445 = vector.broadcast %broadcast_in_dim3A_444 : i32 to vector<16xi32>
      %gather3A_446 = tpu.vector_load_idx %arg45[%iota3A, %broadcast_in_dim3A_445] : memref<16x16xf32, #tpu.memory_space<vmem>>[vector<16xi32>, vector<16xi32>], vector<16xf32>,
      %add3A_447 = arith.addf %add3A_443, %gather3A_446 : vector<16xf32>
      %broadcast_in_dim3A_448 = arith.constant 10 : i32
      %broadcast_in_dim3A_449 = vector.broadcast %broadcast_in_dim3A_448 : i32 to vector<16xi32>
      %gather3A_450 = tpu.vector_load_idx %arg45[%iota3A, %broadcast_in_dim3A_449] : memref<16x16xf32, #tpu.memory_space<vmem>>[vector<16xi32>, vector<16xi32>], vector<16xf32>,
      %add3A_451 = arith.addf %add3A_447, %gather3A_450 : vector<16xf32>
      %broadcast_in_dim3A_452 = arith.constant 11 : i32
      %broadcast_in_dim3A_453 = vector.broadcast %broadcast_in_dim3A_452 : i32 to vector<16xi32>
      %gather3A_454 = tpu.vector_load_idx %arg45[%iota3A, %broadcast_in_dim3A_453] : memref<16x16xf32, #tpu.memory_space<vmem>>[vector<16xi32>, vector<16xi32>], vector<16xf32>,
      %add3A_455 = arith.addf %add3A_451, %gather3A_454 : vector<16xf32>
      %broadcast_in_dim3A_456 = arith.constant 12 : i32
      %broadcast_in_dim3A_457 = vector.broadcast %broadcast_in_dim3A_456 : i32 to vector<16xi32>
      %gather3A_458 = tpu.vector_load_idx %arg45[%iota3A, %broadcast_in_dim3A_457] : memref<16x16xf32, #tpu.memory_space<vmem>>[vector<16xi32>, vector<16xi32>], vector<16xf32>,
      %add3A_459 = arith.addf %add3A_455, %gather3A_458 : vector<16xf32>
      %broadcast_in_dim3A_460 = arith.constant 13 : i32
      %broadcast_in_dim3A_461 = vector.broadcast %broadcast_in_dim3A_460 : i32 to vector<16xi32>
      %gather3A_462 = tpu.vector_load_idx %arg45[%iota3A, %broadcast_in_dim3A_461] : memref<16x16xf32, #tpu.memory_space<vmem>>[vector<16xi32>, vector<16xi32>], vector<16xf32>,
      %add3A_463 = arith.addf %add3A_459, %gather3A_462 : vector<16xf32>
      %broadcast_in_dim3A_464 = arith.constant 14 : i32
      %broadcast_in_dim3A_465 = vector.broadcast %broadcast_in_dim3A_464 : i32 to vector<16xi32>
      %gather3A_466 = tpu.vector_load_idx %arg45[%iota3A, %broadcast_in_dim3A_465] : memref<16x16xf32, #tpu.memory_space<vmem>>[vector<16xi32>, vector<16xi32>], vector<16xf32>,
      %add3A_467 = arith.addf %add3A_463, %gather3A_466 : vector<16xf32>
      %broadcast_in_dim3A_468 = arith.constant 15 : i32
      %broadcast_in_dim3A_469 = vector.broadcast %broadcast_in_dim3A_468 : i32 to vector<16xi32>
      %gather3A_470 = tpu.vector_load_idx %arg45[%iota3A, %broadcast_in_dim3A_469] : memref<16x16xf32, #tpu.memory_space<vmem>>[vector<16xi32>, vector<16xi32>], vector<16xf32>,
      %add3A_471 = arith.addf %add3A_467, %gather3A_470 : vector<16xf32>
      %sub3A_472 = arith.constant 1.000000e+00 : f32
      %sub3A_473 = vector.broadcast %sub3A_472 : f32 to vector<16xf32>
      %sub3A_474 = arith.subf %add3A_471, %sub3A_473 : vector<16xf32>
      %mul3A_475 = arith.mulf %sub3A_474, %sub3A_474 : vector<16xf32>
      %swap3A_476 = arith.index_cast %add3A_279 : i32 to index
      %swap3A_477 = tpu.vector_load %arg40[%swap3A_476] {strides = array<i32>} : memref<512xf32, #tpu.memory_space<vmem>>, vector<16xf32>,
      tpu.vector_store %arg40[%swap3A_476], %mul3A_475 {strides = array<i32>} : memref<512xf32, #tpu.memory_space<vmem>>, vector<16xf32>,
    }
    %scan3A_248 = arith.constant 8 : i32
    "tpu.region"() ({
      %run_scoped3A = tpu.sem_alloc : memref<!tpu.dma_semaphore, #tpu.memory_space<semaphore_mem>>
      %dma_start3A_269 = tpu.memref_slice %arg14[%mul3A_2] : memref<16384xf32, #tpu.memory_space<hbm>> -> memref<512xf32, #tpu.memory_space<hbm>>
      %dma_start3A_270 = tpu.memref_slice %arg14[%mul3A_2] : memref<16384xf32, #tpu.memory_space<hbm>> -> memref<512xf32, #tpu.memory_space<hbm>>
      tpu.enqueue_dma source(%arg38 : memref<512xf32, #tpu.memory_space<vmem>>) target(%dma_start3A_270 : memref<512xf32, #tpu.memory_space<hbm>>) target_semaphore(%run_scoped3A : memref<!tpu.dma_semaphore, #tpu.memory_space<semaphore_mem>>)
      %dma_wait3A_271 = tpu.memref_slice %arg14[%mul3A_2] : memref<16384xf32, #tpu.memory_space<hbm>> -> memref<512xf32, #tpu.memory_space<hbm>>
      %dma_wait3A_272 = tpu.memref_slice %arg14[%mul3A_2] : memref<16384xf32, #tpu.memory_space<hbm>> -> memref<512xf32, #tpu.memory_space<hbm>>
      tpu.wait_dma2 semaphore(%run_scoped3A : memref<!tpu.dma_semaphore, #tpu.memory_space<semaphore_mem>>) src(%arg38 : memref<512xf32, #tpu.memory_space<vmem>>) dst(%dma_wait3A_272 : memref<512xf32, #tpu.memory_space<hbm>>)
      tpu.yield
    }) : () -> ()
    "tpu.region"() ({
      %run_scoped3A = tpu.sem_alloc : memref<!tpu.dma_semaphore, #tpu.memory_space<semaphore_mem>>
      %dma_start3A_269 = tpu.memref_slice %arg15[%mul3A_2] : memref<16384xf32, #tpu.memory_space<hbm>> -> memref<512xf32, #tpu.memory_space<hbm>>
      %dma_start3A_270 = tpu.memref_slice %arg15[%mul3A_2] : memref<16384xf32, #tpu.memory_space<hbm>> -> memref<512xf32, #tpu.memory_space<hbm>>
      tpu.enqueue_dma source(%arg39 : memref<512xf32, #tpu.memory_space<vmem>>) target(%dma_start3A_270 : memref<512xf32, #tpu.memory_space<hbm>>) target_semaphore(%run_scoped3A : memref<!tpu.dma_semaphore, #tpu.memory_space<semaphore_mem>>)
      %dma_wait3A_271 = tpu.memref_slice %arg15[%mul3A_2] : memref<16384xf32, #tpu.memory_space<hbm>> -> memref<512xf32, #tpu.memory_space<hbm>>
      %dma_wait3A_272 = tpu.memref_slice %arg15[%mul3A_2] : memref<16384xf32, #tpu.memory_space<hbm>> -> memref<512xf32, #tpu.memory_space<hbm>>
      tpu.wait_dma2 semaphore(%run_scoped3A : memref<!tpu.dma_semaphore, #tpu.memory_space<semaphore_mem>>) src(%arg39 : memref<512xf32, #tpu.memory_space<vmem>>) dst(%dma_wait3A_272 : memref<512xf32, #tpu.memory_space<hbm>>)
      tpu.yield
    }) : () -> ()
    "tpu.region"() ({
      %run_scoped3A = tpu.sem_alloc : memref<!tpu.dma_semaphore, #tpu.memory_space<semaphore_mem>>
      %dma_start3A_269 = tpu.memref_slice %arg16[%mul3A_2] : memref<16384xf32, #tpu.memory_space<hbm>> -> memref<512xf32, #tpu.memory_space<hbm>>
      %dma_start3A_270 = tpu.memref_slice %arg16[%mul3A_2] : memref<16384xf32, #tpu.memory_space<hbm>> -> memref<512xf32, #tpu.memory_space<hbm>>
      tpu.enqueue_dma source(%arg40 : memref<512xf32, #tpu.memory_space<vmem>>) target(%dma_start3A_270 : memref<512xf32, #tpu.memory_space<hbm>>) target_semaphore(%run_scoped3A : memref<!tpu.dma_semaphore, #tpu.memory_space<semaphore_mem>>)
      %dma_wait3A_271 = tpu.memref_slice %arg16[%mul3A_2] : memref<16384xf32, #tpu.memory_space<hbm>> -> memref<512xf32, #tpu.memory_space<hbm>>
      %dma_wait3A_272 = tpu.memref_slice %arg16[%mul3A_2] : memref<16384xf32, #tpu.memory_space<hbm>> -> memref<512xf32, #tpu.memory_space<hbm>>
      tpu.wait_dma2 semaphore(%run_scoped3A : memref<!tpu.dma_semaphore, #tpu.memory_space<semaphore_mem>>) src(%arg40 : memref<512xf32, #tpu.memory_space<vmem>>) dst(%dma_wait3A_272 : memref<512xf32, #tpu.memory_space<hbm>>)
      tpu.yield
    }) : () -> ()
    %mul3A_249 = arith.constant 32 : i32
    %mul3A_250 = arith.muli %add3A, %mul3A_249 : i32
    "tpu.region"() ({
      %run_scoped3A = tpu.sem_alloc : memref<!tpu.dma_semaphore, #tpu.memory_space<semaphore_mem>>
      %dma_start3A_269 = tpu.memref_slice %arg10[%mul3A_250] : memref<1024xi32, #tpu.memory_space<hbm>> -> memref<32xi32, #tpu.memory_space<hbm>>
      %dma_start3A_270 = tpu.memref_slice %arg10[%mul3A_250] : memref<1024xi32, #tpu.memory_space<hbm>> -> memref<32xi32, #tpu.memory_space<hbm>>
      tpu.enqueue_dma source(%dma_start3A_270 : memref<32xi32, #tpu.memory_space<hbm>>) target(%arg26 : memref<32xi32, #tpu.memory_space<vmem>>) target_semaphore(%run_scoped3A : memref<!tpu.dma_semaphore, #tpu.memory_space<semaphore_mem>>)
      %dma_wait3A_271 = tpu.memref_slice %arg10[%mul3A_250] : memref<1024xi32, #tpu.memory_space<hbm>> -> memref<32xi32, #tpu.memory_space<hbm>>
      %dma_wait3A_272 = tpu.memref_slice %arg10[%mul3A_250] : memref<1024xi32, #tpu.memory_space<hbm>> -> memref<32xi32, #tpu.memory_space<hbm>>
      tpu.wait_dma2 semaphore(%run_scoped3A : memref<!tpu.dma_semaphore, #tpu.memory_space<semaphore_mem>>) src(%dma_wait3A_272 : memref<32xi32, #tpu.memory_space<hbm>>) dst(%arg26 : memref<32xi32, #tpu.memory_space<vmem>>)
      tpu.yield
    }) : () -> ()
    %dma_start3A_251 = arith.constant 0 : i32
    %dma_start3A_252 = arith.constant 0 : i32
    %dma_start3A_253 = tpu.memref_slice %arg12[%dma_start3A_251, %dma_start3A_252] : memref<1000x64xf32, #tpu.memory_space<hbm>> -> memref<1000x64xf32, #tpu.memory_space<hbm>>
    tpu.enqueue_indirect_dma source(%dma_start3A_253 : memref<1000x64xf32, #tpu.memory_space<hbm>>) target(%arg36 : memref<32x64xf32, #tpu.memory_space<vmem>>) offsets(%arg26 : memref<32xi32, #tpu.memory_space<vmem>>) semaphore(%arg47 : memref<!tpu.dma_semaphore, #tpu.memory_space<semaphore_mem>>)
    %dma_start3A_254 = arith.constant 0 : i32
    %dma_start3A_255 = arith.constant 0 : i32
    %dma_start3A_256 = tpu.memref_slice %arg13[%dma_start3A_254, %dma_start3A_255] : memref<1000x64xf32, #tpu.memory_space<hbm>> -> memref<1000x64xf32, #tpu.memory_space<hbm>>
    tpu.enqueue_indirect_dma source(%dma_start3A_256 : memref<1000x64xf32, #tpu.memory_space<hbm>>) target(%arg37 : memref<32x64xf32, #tpu.memory_space<vmem>>) offsets(%arg26 : memref<32xi32, #tpu.memory_space<vmem>>) semaphore(%arg47 : memref<!tpu.dma_semaphore, #tpu.memory_space<semaphore_mem>>)
    %dma_wait3A_257 = arith.constant 0 : i32
    %dma_wait3A_258 = arith.constant 0 : i32
    %dma_wait3A_259 = tpu.memref_slice %arg12[%dma_wait3A_257, %dma_wait3A_258] : memref<1000x64xf32, #tpu.memory_space<hbm>> -> memref<1000x64xf32, #tpu.memory_space<hbm>>
    tpu.wait_indirect_dma semaphore(%arg47 : memref<!tpu.dma_semaphore, #tpu.memory_space<semaphore_mem>>) src(%dma_wait3A_259 : memref<1000x64xf32, #tpu.memory_space<hbm>>) dst(%arg36 : memref<32x64xf32, #tpu.memory_space<vmem>>)
    %dma_wait3A_260 = arith.constant 0 : i32
    %dma_wait3A_261 = arith.constant 0 : i32
    %dma_wait3A_262 = tpu.memref_slice %arg13[%dma_wait3A_260, %dma_wait3A_261] : memref<1000x64xf32, #tpu.memory_space<hbm>> -> memref<1000x64xf32, #tpu.memory_space<hbm>>
    tpu.wait_indirect_dma semaphore(%arg47 : memref<!tpu.dma_semaphore, #tpu.memory_space<semaphore_mem>>) src(%dma_wait3A_262 : memref<1000x64xf32, #tpu.memory_space<hbm>>) dst(%arg37 : memref<32x64xf32, #tpu.memory_space<vmem>>)
    %scan3A_263 = arith.constant 0 : i32
    %scan3A_264 = arith.constant 0 : i32
    %scan3A_265 = arith.constant 2 : i32
    %scan3A_266 = arith.addi %scan3A_264, %scan3A_265 : i32
    %scan3A_267 = arith.constant 1 : i32
    scf.for %scan3A_269 = %scan3A_264 to %scan3A_266 step %scan3A_267  : i32 {
      %scan3A_270 = arith.constant 0 : i32
      %scan3A_271 = arith.constant 0 : i32
      %scan3A_272 = arith.constant 16 : i32
      %scan3A_273 = arith.addi %scan3A_271, %scan3A_272 : i32
      %scan3A_274 = arith.constant 1 : i32
      scf.for %scan3A_479 = %scan3A_271 to %scan3A_273 step %scan3A_274  : i32 {
        %mul3A_480 = arith.constant 16 : i32
        %mul3A_481 = arith.muli %scan3A_269, %mul3A_480 : i32
        %add3A_482 = arith.addi %mul3A_481, %scan3A_479 : i32
        %broadcast_in_dim3A_483 = arith.constant 0.000000e+00 : f32
        %broadcast_in_dim3A_484 = vector.broadcast %broadcast_in_dim3A_483 : f32 to vector<16xf32>
        %broadcast_in_dim3A_485 = arith.constant 0.000000e+00 : f32
        %broadcast_in_dim3A_486 = vector.broadcast %broadcast_in_dim3A_485 : f32 to vector<16xf32>
        %broadcast_in_dim3A_487 = arith.constant 0.000000e+00 : f32
        %broadcast_in_dim3A_488 = vector.broadcast %broadcast_in_dim3A_487 : f32 to vector<16xf32>
        %get3A_489 = arith.index_cast %add3A_482 : i32 to index
        %get3A_490 = arith.constant 0 : index
        %get3A_491 = tpu.vector_load %arg36[%get3A_489, %get3A_490] {strides = array<i32>} : memref<32x64xf32, #tpu.memory_space<vmem>>, vector<16xf32>,
        %get3A_492 = arith.index_cast %add3A_482 : i32 to index
        %get3A_493 = arith.constant 0 : index
        %get3A_494 = tpu.vector_load %arg37[%get3A_492, %get3A_493] {strides = array<i32>} : memref<32x64xf32, #tpu.memory_space<vmem>>, vector<16xf32>,
        %sub3A_495 = arith.constant 1.000000e+00 : f32
        %sub3A_496 = vector.broadcast %sub3A_495 : f32 to vector<16xf32>
        %sub3A_497 = arith.subf %sub3A_496, %get3A_491 : vector<16xf32>
        %mul3A_498 = arith.mulf %get3A_491, %sub3A_497 : vector<16xf32>
        %sub3A_499 = arith.constant 1.000000e+00 : f32
        %sub3A_500 = vector.broadcast %sub3A_499 : f32 to vector<16xf32>
        %sub3A_501 = arith.subf %sub3A_500, %get3A_494 : vector<16xf32>
        %mul3A_502 = arith.mulf %get3A_494, %sub3A_501 : vector<16xf32>
        %mul3A_503 = arith.mulf %mul3A_498, %mul3A_498 : vector<16xf32>
        %add3A_504 = arith.addf %broadcast_in_dim3A_484, %mul3A_503 : vector<16xf32>
        %mul3A_505 = arith.mulf %mul3A_502, %mul3A_502 : vector<16xf32>
        %add3A_506 = arith.addf %add3A_504, %mul3A_505 : vector<16xf32>
        %abs3A = math.absf %get3A_491 : vector<16xf32>
        %add3A_507 = arith.addf %broadcast_in_dim3A_486, %abs3A : vector<16xf32>
        %abs3A_508 = math.absf %get3A_494 : vector<16xf32>
        %add3A_509 = arith.addf %broadcast_in_dim3A_488, %abs3A_508 : vector<16xf32>
        %get3A_510 = arith.index_cast %add3A_482 : i32 to index
        %get3A_511 = arith.constant 16 : index
        %get3A_512 = tpu.vector_load %arg36[%get3A_510, %get3A_511] {strides = array<i32>} : memref<32x64xf32, #tpu.memory_space<vmem>>, vector<16xf32>,
        %get3A_513 = arith.index_cast %add3A_482 : i32 to index
        %get3A_514 = arith.constant 16 : index
        %get3A_515 = tpu.vector_load %arg37[%get3A_513, %get3A_514] {strides = array<i32>} : memref<32x64xf32, #tpu.memory_space<vmem>>, vector<16xf32>,
        %sub3A_516 = arith.constant 1.000000e+00 : f32
        %sub3A_517 = vector.broadcast %sub3A_516 : f32 to vector<16xf32>
        %sub3A_518 = arith.subf %sub3A_517, %get3A_512 : vector<16xf32>
        %mul3A_519 = arith.mulf %get3A_512, %sub3A_518 : vector<16xf32>
        %sub3A_520 = arith.constant 1.000000e+00 : f32
        %sub3A_521 = vector.broadcast %sub3A_520 : f32 to vector<16xf32>
        %sub3A_522 = arith.subf %sub3A_521, %get3A_515 : vector<16xf32>
        %mul3A_523 = arith.mulf %get3A_515, %sub3A_522 : vector<16xf32>
        %mul3A_524 = arith.mulf %mul3A_519, %mul3A_519 : vector<16xf32>
        %add3A_525 = arith.addf %add3A_506, %mul3A_524 : vector<16xf32>
        %mul3A_526 = arith.mulf %mul3A_523, %mul3A_523 : vector<16xf32>
        %add3A_527 = arith.addf %add3A_525, %mul3A_526 : vector<16xf32>
        %abs3A_528 = math.absf %get3A_512 : vector<16xf32>
        %add3A_529 = arith.addf %add3A_507, %abs3A_528 : vector<16xf32>
        %abs3A_530 = math.absf %get3A_515 : vector<16xf32>
        %add3A_531 = arith.addf %add3A_509, %abs3A_530 : vector<16xf32>
        %get3A_532 = arith.index_cast %add3A_482 : i32 to index
        %get3A_533 = arith.constant 32 : index
        %get3A_534 = tpu.vector_load %arg36[%get3A_532, %get3A_533] {strides = array<i32>} : memref<32x64xf32, #tpu.memory_space<vmem>>, vector<16xf32>,
        %get3A_535 = arith.index_cast %add3A_482 : i32 to index
        %get3A_536 = arith.constant 32 : index
        %get3A_537 = tpu.vector_load %arg37[%get3A_535, %get3A_536] {strides = array<i32>} : memref<32x64xf32, #tpu.memory_space<vmem>>, vector<16xf32>,
        %sub3A_538 = arith.constant 1.000000e+00 : f32
        %sub3A_539 = vector.broadcast %sub3A_538 : f32 to vector<16xf32>
        %sub3A_540 = arith.subf %sub3A_539, %get3A_534 : vector<16xf32>
        %mul3A_541 = arith.mulf %get3A_534, %sub3A_540 : vector<16xf32>
        %sub3A_542 = arith.constant 1.000000e+00 : f32
        %sub3A_543 = vector.broadcast %sub3A_542 : f32 to vector<16xf32>
        %sub3A_544 = arith.subf %sub3A_543, %get3A_537 : vector<16xf32>
        %mul3A_545 = arith.mulf %get3A_537, %sub3A_544 : vector<16xf32>
        %mul3A_546 = arith.mulf %mul3A_541, %mul3A_541 : vector<16xf32>
        %add3A_547 = arith.addf %add3A_527, %mul3A_546 : vector<16xf32>
        %mul3A_548 = arith.mulf %mul3A_545, %mul3A_545 : vector<16xf32>
        %add3A_549 = arith.addf %add3A_547, %mul3A_548 : vector<16xf32>
        %abs3A_550 = math.absf %get3A_534 : vector<16xf32>
        %add3A_551 = arith.addf %add3A_529, %abs3A_550 : vector<16xf32>
        %abs3A_552 = math.absf %get3A_537 : vector<16xf32>
        %add3A_553 = arith.addf %add3A_531, %abs3A_552 : vector<16xf32>
        %get3A_554 = arith.index_cast %add3A_482 : i32 to index
        %get3A_555 = arith.constant 48 : index
        %get3A_556 = tpu.vector_load %arg36[%get3A_554, %get3A_555] {strides = array<i32>} : memref<32x64xf32, #tpu.memory_space<vmem>>, vector<16xf32>,
        %get3A_557 = arith.index_cast %add3A_482 : i32 to index
        %get3A_558 = arith.constant 48 : index
        %get3A_559 = tpu.vector_load %arg37[%get3A_557, %get3A_558] {strides = array<i32>} : memref<32x64xf32, #tpu.memory_space<vmem>>, vector<16xf32>,
        %sub3A_560 = arith.constant 1.000000e+00 : f32
        %sub3A_561 = vector.broadcast %sub3A_560 : f32 to vector<16xf32>
        %sub3A_562 = arith.subf %sub3A_561, %get3A_556 : vector<16xf32>
        %mul3A_563 = arith.mulf %get3A_556, %sub3A_562 : vector<16xf32>
        %sub3A_564 = arith.constant 1.000000e+00 : f32
        %sub3A_565 = vector.broadcast %sub3A_564 : f32 to vector<16xf32>
        %sub3A_566 = arith.subf %sub3A_565, %get3A_559 : vector<16xf32>
        %mul3A_567 = arith.mulf %get3A_559, %sub3A_566 : vector<16xf32>
        %mul3A_568 = arith.mulf %mul3A_563, %mul3A_563 : vector<16xf32>
        %add3A_569 = arith.addf %add3A_549, %mul3A_568 : vector<16xf32>
        %mul3A_570 = arith.mulf %mul3A_567, %mul3A_567 : vector<16xf32>
        %add3A_571 = arith.addf %add3A_569, %mul3A_570 : vector<16xf32>
        %abs3A_572 = math.absf %get3A_556 : vector<16xf32>
        %add3A_573 = arith.addf %add3A_551, %abs3A_572 : vector<16xf32>
        %abs3A_574 = math.absf %get3A_559 : vector<16xf32>
        %add3A_575 = arith.addf %add3A_553, %abs3A_574 : vector<16xf32>
        %swap3A_576 = arith.index_cast %scan3A_479 : i32 to index
        %swap3A_577 = arith.constant 0 : index
        %swap3A_578 = tpu.vector_load %arg43[%swap3A_576, %swap3A_577] {strides = array<i32>} : memref<16x16xf32, #tpu.memory_space<vmem>>, vector<16xf32>,
        tpu.vector_store %arg43[%swap3A_576, %swap3A_577], %add3A_571 {strides = array<i32>} : memref<16x16xf32, #tpu.memory_space<vmem>>, vector<16xf32>,
        %swap3A_579 = arith.index_cast %scan3A_479 : i32 to index
        %swap3A_580 = arith.constant 0 : index
        %swap3A_581 = tpu.vector_load %arg44[%swap3A_579, %swap3A_580] {strides = array<i32>} : memref<16x16xf32, #tpu.memory_space<vmem>>, vector<16xf32>,
        tpu.vector_store %arg44[%swap3A_579, %swap3A_580], %add3A_573 {strides = array<i32>} : memref<16x16xf32, #tpu.memory_space<vmem>>, vector<16xf32>,
        %swap3A_582 = arith.index_cast %scan3A_479 : i32 to index
        %swap3A_583 = arith.constant 0 : index
        %swap3A_584 = tpu.vector_load %arg45[%swap3A_582, %swap3A_583] {strides = array<i32>} : memref<16x16xf32, #tpu.memory_space<vmem>>, vector<16xf32>,
        tpu.vector_store %arg45[%swap3A_582, %swap3A_583], %add3A_575 {strides = array<i32>} : memref<16x16xf32, #tpu.memory_space<vmem>>, vector<16xf32>,
      }
      %scan3A_275 = arith.constant 16 : i32
      %mul3A_276 = arith.constant 16 : i32
      %mul3A_277 = arith.muli %scan3A_269, %mul3A_276 : i32
      %broadcast_in_dim3A = arith.constant 0 : i32
      %broadcast_in_dim3A_278 = vector.broadcast %broadcast_in_dim3A : i32 to vector<16xi32>
      %gather3A = tpu.vector_load_idx %arg43[%iota3A, %broadcast_in_dim3A_278] : memref<16x16xf32, #tpu.memory_space<vmem>>[vector<16xi32>, vector<16xi32>], vector<16xf32>,
      %broadcast_in_dim3A_279 = arith.constant 1 : i32
      %broadcast_in_dim3A_280 = vector.broadcast %broadcast_in_dim3A_279 : i32 to vector<16xi32>
      %gather3A_281 = tpu.vector_load_idx %arg43[%iota3A, %broadcast_in_dim3A_280] : memref<16x16xf32, #tpu.memory_space<vmem>>[vector<16xi32>, vector<16xi32>], vector<16xf32>,
      %add3A_282 = arith.addf %gather3A, %gather3A_281 : vector<16xf32>
      %broadcast_in_dim3A_283 = arith.constant 2 : i32
      %broadcast_in_dim3A_284 = vector.broadcast %broadcast_in_dim3A_283 : i32 to vector<16xi32>
      %gather3A_285 = tpu.vector_load_idx %arg43[%iota3A, %broadcast_in_dim3A_284] : memref<16x16xf32, #tpu.memory_space<vmem>>[vector<16xi32>, vector<16xi32>], vector<16xf32>,
      %add3A_286 = arith.addf %add3A_282, %gather3A_285 : vector<16xf32>
      %broadcast_in_dim3A_287 = arith.constant 3 : i32
      %broadcast_in_dim3A_288 = vector.broadcast %broadcast_in_dim3A_287 : i32 to vector<16xi32>
      %gather3A_289 = tpu.vector_load_idx %arg43[%iota3A, %broadcast_in_dim3A_288] : memref<16x16xf32, #tpu.memory_space<vmem>>[vector<16xi32>, vector<16xi32>], vector<16xf32>,
      %add3A_290 = arith.addf %add3A_286, %gather3A_289 : vector<16xf32>
      %broadcast_in_dim3A_291 = arith.constant 4 : i32
      %broadcast_in_dim3A_292 = vector.broadcast %broadcast_in_dim3A_291 : i32 to vector<16xi32>
      %gather3A_293 = tpu.vector_load_idx %arg43[%iota3A, %broadcast_in_dim3A_292] : memref<16x16xf32, #tpu.memory_space<vmem>>[vector<16xi32>, vector<16xi32>], vector<16xf32>,
      %add3A_294 = arith.addf %add3A_290, %gather3A_293 : vector<16xf32>
      %broadcast_in_dim3A_295 = arith.constant 5 : i32
      %broadcast_in_dim3A_296 = vector.broadcast %broadcast_in_dim3A_295 : i32 to vector<16xi32>
      %gather3A_297 = tpu.vector_load_idx %arg43[%iota3A, %broadcast_in_dim3A_296] : memref<16x16xf32, #tpu.memory_space<vmem>>[vector<16xi32>, vector<16xi32>], vector<16xf32>,
      %add3A_298 = arith.addf %add3A_294, %gather3A_297 : vector<16xf32>
      %broadcast_in_dim3A_299 = arith.constant 6 : i32
      %broadcast_in_dim3A_300 = vector.broadcast %broadcast_in_dim3A_299 : i32 to vector<16xi32>
      %gather3A_301 = tpu.vector_load_idx %arg43[%iota3A, %broadcast_in_dim3A_300] : memref<16x16xf32, #tpu.memory_space<vmem>>[vector<16xi32>, vector<16xi32>], vector<16xf32>,
      %add3A_302 = arith.addf %add3A_298, %gather3A_301 : vector<16xf32>
      %broadcast_in_dim3A_303 = arith.constant 7 : i32
      %broadcast_in_dim3A_304 = vector.broadcast %broadcast_in_dim3A_303 : i32 to vector<16xi32>
      %gather3A_305 = tpu.vector_load_idx %arg43[%iota3A, %broadcast_in_dim3A_304] : memref<16x16xf32, #tpu.memory_space<vmem>>[vector<16xi32>, vector<16xi32>], vector<16xf32>,
      %add3A_306 = arith.addf %add3A_302, %gather3A_305 : vector<16xf32>
      %broadcast_in_dim3A_307 = arith.constant 8 : i32
      %broadcast_in_dim3A_308 = vector.broadcast %broadcast_in_dim3A_307 : i32 to vector<16xi32>
      %gather3A_309 = tpu.vector_load_idx %arg43[%iota3A, %broadcast_in_dim3A_308] : memref<16x16xf32, #tpu.memory_space<vmem>>[vector<16xi32>, vector<16xi32>], vector<16xf32>,
      %add3A_310 = arith.addf %add3A_306, %gather3A_309 : vector<16xf32>
      %broadcast_in_dim3A_311 = arith.constant 9 : i32
      %broadcast_in_dim3A_312 = vector.broadcast %broadcast_in_dim3A_311 : i32 to vector<16xi32>
      %gather3A_313 = tpu.vector_load_idx %arg43[%iota3A, %broadcast_in_dim3A_312] : memref<16x16xf32, #tpu.memory_space<vmem>>[vector<16xi32>, vector<16xi32>], vector<16xf32>,
      %add3A_314 = arith.addf %add3A_310, %gather3A_313 : vector<16xf32>
      %broadcast_in_dim3A_315 = arith.constant 10 : i32
      %broadcast_in_dim3A_316 = vector.broadcast %broadcast_in_dim3A_315 : i32 to vector<16xi32>
      %gather3A_317 = tpu.vector_load_idx %arg43[%iota3A, %broadcast_in_dim3A_316] : memref<16x16xf32, #tpu.memory_space<vmem>>[vector<16xi32>, vector<16xi32>], vector<16xf32>,
      %add3A_318 = arith.addf %add3A_314, %gather3A_317 : vector<16xf32>
      %broadcast_in_dim3A_319 = arith.constant 11 : i32
      %broadcast_in_dim3A_320 = vector.broadcast %broadcast_in_dim3A_319 : i32 to vector<16xi32>
      %gather3A_321 = tpu.vector_load_idx %arg43[%iota3A, %broadcast_in_dim3A_320] : memref<16x16xf32, #tpu.memory_space<vmem>>[vector<16xi32>, vector<16xi32>], vector<16xf32>,
      %add3A_322 = arith.addf %add3A_318, %gather3A_321 : vector<16xf32>
      %broadcast_in_dim3A_323 = arith.constant 12 : i32
      %broadcast_in_dim3A_324 = vector.broadcast %broadcast_in_dim3A_323 : i32 to vector<16xi32>
      %gather3A_325 = tpu.vector_load_idx %arg43[%iota3A, %broadcast_in_dim3A_324] : memref<16x16xf32, #tpu.memory_space<vmem>>[vector<16xi32>, vector<16xi32>], vector<16xf32>,
      %add3A_326 = arith.addf %add3A_322, %gather3A_325 : vector<16xf32>
      %broadcast_in_dim3A_327 = arith.constant 13 : i32
      %broadcast_in_dim3A_328 = vector.broadcast %broadcast_in_dim3A_327 : i32 to vector<16xi32>
      %gather3A_329 = tpu.vector_load_idx %arg43[%iota3A, %broadcast_in_dim3A_328] : memref<16x16xf32, #tpu.memory_space<vmem>>[vector<16xi32>, vector<16xi32>], vector<16xf32>,
      %add3A_330 = arith.addf %add3A_326, %gather3A_329 : vector<16xf32>
      %broadcast_in_dim3A_331 = arith.constant 14 : i32
      %broadcast_in_dim3A_332 = vector.broadcast %broadcast_in_dim3A_331 : i32 to vector<16xi32>
      %gather3A_333 = tpu.vector_load_idx %arg43[%iota3A, %broadcast_in_dim3A_332] : memref<16x16xf32, #tpu.memory_space<vmem>>[vector<16xi32>, vector<16xi32>], vector<16xf32>,
      %add3A_334 = arith.addf %add3A_330, %gather3A_333 : vector<16xf32>
      %broadcast_in_dim3A_335 = arith.constant 15 : i32
      %broadcast_in_dim3A_336 = vector.broadcast %broadcast_in_dim3A_335 : i32 to vector<16xi32>
      %gather3A_337 = tpu.vector_load_idx %arg43[%iota3A, %broadcast_in_dim3A_336] : memref<16x16xf32, #tpu.memory_space<vmem>>[vector<16xi32>, vector<16xi32>], vector<16xf32>,
      %add3A_338 = arith.addf %add3A_334, %gather3A_337 : vector<16xf32>
      %swap3A = arith.index_cast %mul3A_277 : i32 to index
      %swap3A_339 = tpu.vector_load %arg41[%swap3A] {strides = array<i32>} : memref<32xf32, #tpu.memory_space<vmem>>, vector<16xf32>,
      tpu.vector_store %arg41[%swap3A], %add3A_338 {strides = array<i32>} : memref<32xf32, #tpu.memory_space<vmem>>, vector<16xf32>,
      %broadcast_in_dim3A_340 = arith.constant 0 : i32
      %broadcast_in_dim3A_341 = vector.broadcast %broadcast_in_dim3A_340 : i32 to vector<16xi32>
      %gather3A_342 = tpu.vector_load_idx %arg44[%iota3A, %broadcast_in_dim3A_341] : memref<16x16xf32, #tpu.memory_space<vmem>>[vector<16xi32>, vector<16xi32>], vector<16xf32>,
      %broadcast_in_dim3A_343 = arith.constant 1 : i32
      %broadcast_in_dim3A_344 = vector.broadcast %broadcast_in_dim3A_343 : i32 to vector<16xi32>
      %gather3A_345 = tpu.vector_load_idx %arg44[%iota3A, %broadcast_in_dim3A_344] : memref<16x16xf32, #tpu.memory_space<vmem>>[vector<16xi32>, vector<16xi32>], vector<16xf32>,
      %add3A_346 = arith.addf %gather3A_342, %gather3A_345 : vector<16xf32>
      %broadcast_in_dim3A_347 = arith.constant 2 : i32
      %broadcast_in_dim3A_348 = vector.broadcast %broadcast_in_dim3A_347 : i32 to vector<16xi32>
      %gather3A_349 = tpu.vector_load_idx %arg44[%iota3A, %broadcast_in_dim3A_348] : memref<16x16xf32, #tpu.memory_space<vmem>>[vector<16xi32>, vector<16xi32>], vector<16xf32>,
      %add3A_350 = arith.addf %add3A_346, %gather3A_349 : vector<16xf32>
      %broadcast_in_dim3A_351 = arith.constant 3 : i32
      %broadcast_in_dim3A_352 = vector.broadcast %broadcast_in_dim3A_351 : i32 to vector<16xi32>
      %gather3A_353 = tpu.vector_load_idx %arg44[%iota3A, %broadcast_in_dim3A_352] : memref<16x16xf32, #tpu.memory_space<vmem>>[vector<16xi32>, vector<16xi32>], vector<16xf32>,
      %add3A_354 = arith.addf %add3A_350, %gather3A_353 : vector<16xf32>
      %broadcast_in_dim3A_355 = arith.constant 4 : i32
      %broadcast_in_dim3A_356 = vector.broadcast %broadcast_in_dim3A_355 : i32 to vector<16xi32>
      %gather3A_357 = tpu.vector_load_idx %arg44[%iota3A, %broadcast_in_dim3A_356] : memref<16x16xf32, #tpu.memory_space<vmem>>[vector<16xi32>, vector<16xi32>], vector<16xf32>,
      %add3A_358 = arith.addf %add3A_354, %gather3A_357 : vector<16xf32>
      %broadcast_in_dim3A_359 = arith.constant 5 : i32
      %broadcast_in_dim3A_360 = vector.broadcast %broadcast_in_dim3A_359 : i32 to vector<16xi32>
      %gather3A_361 = tpu.vector_load_idx %arg44[%iota3A, %broadcast_in_dim3A_360] : memref<16x16xf32, #tpu.memory_space<vmem>>[vector<16xi32>, vector<16xi32>], vector<16xf32>,
      %add3A_362 = arith.addf %add3A_358, %gather3A_361 : vector<16xf32>
      %broadcast_in_dim3A_363 = arith.constant 6 : i32
      %broadcast_in_dim3A_364 = vector.broadcast %broadcast_in_dim3A_363 : i32 to vector<16xi32>
      %gather3A_365 = tpu.vector_load_idx %arg44[%iota3A, %broadcast_in_dim3A_364] : memref<16x16xf32, #tpu.memory_space<vmem>>[vector<16xi32>, vector<16xi32>], vector<16xf32>,
      %add3A_366 = arith.addf %add3A_362, %gather3A_365 : vector<16xf32>
      %broadcast_in_dim3A_367 = arith.constant 7 : i32
      %broadcast_in_dim3A_368 = vector.broadcast %broadcast_in_dim3A_367 : i32 to vector<16xi32>
      %gather3A_369 = tpu.vector_load_idx %arg44[%iota3A, %broadcast_in_dim3A_368] : memref<16x16xf32, #tpu.memory_space<vmem>>[vector<16xi32>, vector<16xi32>], vector<16xf32>,
      %add3A_370 = arith.addf %add3A_366, %gather3A_369 : vector<16xf32>
      %broadcast_in_dim3A_371 = arith.constant 8 : i32
      %broadcast_in_dim3A_372 = vector.broadcast %broadcast_in_dim3A_371 : i32 to vector<16xi32>
      %gather3A_373 = tpu.vector_load_idx %arg44[%iota3A, %broadcast_in_dim3A_372] : memref<16x16xf32, #tpu.memory_space<vmem>>[vector<16xi32>, vector<16xi32>], vector<16xf32>,
      %add3A_374 = arith.addf %add3A_370, %gather3A_373 : vector<16xf32>
      %broadcast_in_dim3A_375 = arith.constant 9 : i32
      %broadcast_in_dim3A_376 = vector.broadcast %broadcast_in_dim3A_375 : i32 to vector<16xi32>
      %gather3A_377 = tpu.vector_load_idx %arg44[%iota3A, %broadcast_in_dim3A_376] : memref<16x16xf32, #tpu.memory_space<vmem>>[vector<16xi32>, vector<16xi32>], vector<16xf32>,
      %add3A_378 = arith.addf %add3A_374, %gather3A_377 : vector<16xf32>
      %broadcast_in_dim3A_379 = arith.constant 10 : i32
      %broadcast_in_dim3A_380 = vector.broadcast %broadcast_in_dim3A_379 : i32 to vector<16xi32>
      %gather3A_381 = tpu.vector_load_idx %arg44[%iota3A, %broadcast_in_dim3A_380] : memref<16x16xf32, #tpu.memory_space<vmem>>[vector<16xi32>, vector<16xi32>], vector<16xf32>,
      %add3A_382 = arith.addf %add3A_378, %gather3A_381 : vector<16xf32>
      %broadcast_in_dim3A_383 = arith.constant 11 : i32
      %broadcast_in_dim3A_384 = vector.broadcast %broadcast_in_dim3A_383 : i32 to vector<16xi32>
      %gather3A_385 = tpu.vector_load_idx %arg44[%iota3A, %broadcast_in_dim3A_384] : memref<16x16xf32, #tpu.memory_space<vmem>>[vector<16xi32>, vector<16xi32>], vector<16xf32>,
      %add3A_386 = arith.addf %add3A_382, %gather3A_385 : vector<16xf32>
      %broadcast_in_dim3A_387 = arith.constant 12 : i32
      %broadcast_in_dim3A_388 = vector.broadcast %broadcast_in_dim3A_387 : i32 to vector<16xi32>
      %gather3A_389 = tpu.vector_load_idx %arg44[%iota3A, %broadcast_in_dim3A_388] : memref<16x16xf32, #tpu.memory_space<vmem>>[vector<16xi32>, vector<16xi32>], vector<16xf32>,
      %add3A_390 = arith.addf %add3A_386, %gather3A_389 : vector<16xf32>
      %broadcast_in_dim3A_391 = arith.constant 13 : i32
      %broadcast_in_dim3A_392 = vector.broadcast %broadcast_in_dim3A_391 : i32 to vector<16xi32>
      %gather3A_393 = tpu.vector_load_idx %arg44[%iota3A, %broadcast_in_dim3A_392] : memref<16x16xf32, #tpu.memory_space<vmem>>[vector<16xi32>, vector<16xi32>], vector<16xf32>,
      %add3A_394 = arith.addf %add3A_390, %gather3A_393 : vector<16xf32>
      %broadcast_in_dim3A_395 = arith.constant 14 : i32
      %broadcast_in_dim3A_396 = vector.broadcast %broadcast_in_dim3A_395 : i32 to vector<16xi32>
      %gather3A_397 = tpu.vector_load_idx %arg44[%iota3A, %broadcast_in_dim3A_396] : memref<16x16xf32, #tpu.memory_space<vmem>>[vector<16xi32>, vector<16xi32>], vector<16xf32>,
      %add3A_398 = arith.addf %add3A_394, %gather3A_397 : vector<16xf32>
      %broadcast_in_dim3A_399 = arith.constant 15 : i32
      %broadcast_in_dim3A_400 = vector.broadcast %broadcast_in_dim3A_399 : i32 to vector<16xi32>
      %gather3A_401 = tpu.vector_load_idx %arg44[%iota3A, %broadcast_in_dim3A_400] : memref<16x16xf32, #tpu.memory_space<vmem>>[vector<16xi32>, vector<16xi32>], vector<16xf32>,
      %add3A_402 = arith.addf %add3A_398, %gather3A_401 : vector<16xf32>
      %sub3A = arith.constant 1.000000e+00 : f32
      %sub3A_403 = vector.broadcast %sub3A : f32 to vector<16xf32>
      %sub3A_404 = arith.subf %sub3A_403, %add3A_402 : vector<16xf32>
      %max3A = arith.constant 0.000000e+00 : f32
      %max3A_405 = vector.broadcast %max3A : f32 to vector<16xf32>
      %max3A_406 = arith.maximumf %sub3A_404, %max3A_405 : vector<16xf32>
      %broadcast_in_dim3A_407 = arith.constant 0 : i32
      %broadcast_in_dim3A_408 = vector.broadcast %broadcast_in_dim3A_407 : i32 to vector<16xi32>
      %gather3A_409 = tpu.vector_load_idx %arg45[%iota3A, %broadcast_in_dim3A_408] : memref<16x16xf32, #tpu.memory_space<vmem>>[vector<16xi32>, vector<16xi32>], vector<16xf32>,
      %broadcast_in_dim3A_410 = arith.constant 1 : i32
      %broadcast_in_dim3A_411 = vector.broadcast %broadcast_in_dim3A_410 : i32 to vector<16xi32>
      %gather3A_412 = tpu.vector_load_idx %arg45[%iota3A, %broadcast_in_dim3A_411] : memref<16x16xf32, #tpu.memory_space<vmem>>[vector<16xi32>, vector<16xi32>], vector<16xf32>,
      %add3A_413 = arith.addf %gather3A_409, %gather3A_412 : vector<16xf32>
      %broadcast_in_dim3A_414 = arith.constant 2 : i32
      %broadcast_in_dim3A_415 = vector.broadcast %broadcast_in_dim3A_414 : i32 to vector<16xi32>
      %gather3A_416 = tpu.vector_load_idx %arg45[%iota3A, %broadcast_in_dim3A_415] : memref<16x16xf32, #tpu.memory_space<vmem>>[vector<16xi32>, vector<16xi32>], vector<16xf32>,
      %add3A_417 = arith.addf %add3A_413, %gather3A_416 : vector<16xf32>
      %broadcast_in_dim3A_418 = arith.constant 3 : i32
      %broadcast_in_dim3A_419 = vector.broadcast %broadcast_in_dim3A_418 : i32 to vector<16xi32>
      %gather3A_420 = tpu.vector_load_idx %arg45[%iota3A, %broadcast_in_dim3A_419] : memref<16x16xf32, #tpu.memory_space<vmem>>[vector<16xi32>, vector<16xi32>], vector<16xf32>,
      %add3A_421 = arith.addf %add3A_417, %gather3A_420 : vector<16xf32>
      %broadcast_in_dim3A_422 = arith.constant 4 : i32
      %broadcast_in_dim3A_423 = vector.broadcast %broadcast_in_dim3A_422 : i32 to vector<16xi32>
      %gather3A_424 = tpu.vector_load_idx %arg45[%iota3A, %broadcast_in_dim3A_423] : memref<16x16xf32, #tpu.memory_space<vmem>>[vector<16xi32>, vector<16xi32>], vector<16xf32>,
      %add3A_425 = arith.addf %add3A_421, %gather3A_424 : vector<16xf32>
      %broadcast_in_dim3A_426 = arith.constant 5 : i32
      %broadcast_in_dim3A_427 = vector.broadcast %broadcast_in_dim3A_426 : i32 to vector<16xi32>
      %gather3A_428 = tpu.vector_load_idx %arg45[%iota3A, %broadcast_in_dim3A_427] : memref<16x16xf32, #tpu.memory_space<vmem>>[vector<16xi32>, vector<16xi32>], vector<16xf32>,
      %add3A_429 = arith.addf %add3A_425, %gather3A_428 : vector<16xf32>
      %broadcast_in_dim3A_430 = arith.constant 6 : i32
      %broadcast_in_dim3A_431 = vector.broadcast %broadcast_in_dim3A_430 : i32 to vector<16xi32>
      %gather3A_432 = tpu.vector_load_idx %arg45[%iota3A, %broadcast_in_dim3A_431] : memref<16x16xf32, #tpu.memory_space<vmem>>[vector<16xi32>, vector<16xi32>], vector<16xf32>,
      %add3A_433 = arith.addf %add3A_429, %gather3A_432 : vector<16xf32>
      %broadcast_in_dim3A_434 = arith.constant 7 : i32
      %broadcast_in_dim3A_435 = vector.broadcast %broadcast_in_dim3A_434 : i32 to vector<16xi32>
      %gather3A_436 = tpu.vector_load_idx %arg45[%iota3A, %broadcast_in_dim3A_435] : memref<16x16xf32, #tpu.memory_space<vmem>>[vector<16xi32>, vector<16xi32>], vector<16xf32>,
      %add3A_437 = arith.addf %add3A_433, %gather3A_436 : vector<16xf32>
      %broadcast_in_dim3A_438 = arith.constant 8 : i32
      %broadcast_in_dim3A_439 = vector.broadcast %broadcast_in_dim3A_438 : i32 to vector<16xi32>
      %gather3A_440 = tpu.vector_load_idx %arg45[%iota3A, %broadcast_in_dim3A_439] : memref<16x16xf32, #tpu.memory_space<vmem>>[vector<16xi32>, vector<16xi32>], vector<16xf32>,
      %add3A_441 = arith.addf %add3A_437, %gather3A_440 : vector<16xf32>
      %broadcast_in_dim3A_442 = arith.constant 9 : i32
      %broadcast_in_dim3A_443 = vector.broadcast %broadcast_in_dim3A_442 : i32 to vector<16xi32>
      %gather3A_444 = tpu.vector_load_idx %arg45[%iota3A, %broadcast_in_dim3A_443] : memref<16x16xf32, #tpu.memory_space<vmem>>[vector<16xi32>, vector<16xi32>], vector<16xf32>,
      %add3A_445 = arith.addf %add3A_441, %gather3A_444 : vector<16xf32>
      %broadcast_in_dim3A_446 = arith.constant 10 : i32
      %broadcast_in_dim3A_447 = vector.broadcast %broadcast_in_dim3A_446 : i32 to vector<16xi32>
      %gather3A_448 = tpu.vector_load_idx %arg45[%iota3A, %broadcast_in_dim3A_447] : memref<16x16xf32, #tpu.memory_space<vmem>>[vector<16xi32>, vector<16xi32>], vector<16xf32>,
      %add3A_449 = arith.addf %add3A_445, %gather3A_448 : vector<16xf32>
      %broadcast_in_dim3A_450 = arith.constant 11 : i32
      %broadcast_in_dim3A_451 = vector.broadcast %broadcast_in_dim3A_450 : i32 to vector<16xi32>
      %gather3A_452 = tpu.vector_load_idx %arg45[%iota3A, %broadcast_in_dim3A_451] : memref<16x16xf32, #tpu.memory_space<vmem>>[vector<16xi32>, vector<16xi32>], vector<16xf32>,
      %add3A_453 = arith.addf %add3A_449, %gather3A_452 : vector<16xf32>
      %broadcast_in_dim3A_454 = arith.constant 12 : i32
      %broadcast_in_dim3A_455 = vector.broadcast %broadcast_in_dim3A_454 : i32 to vector<16xi32>
      %gather3A_456 = tpu.vector_load_idx %arg45[%iota3A, %broadcast_in_dim3A_455] : memref<16x16xf32, #tpu.memory_space<vmem>>[vector<16xi32>, vector<16xi32>], vector<16xf32>,
      %add3A_457 = arith.addf %add3A_453, %gather3A_456 : vector<16xf32>
      %broadcast_in_dim3A_458 = arith.constant 13 : i32
      %broadcast_in_dim3A_459 = vector.broadcast %broadcast_in_dim3A_458 : i32 to vector<16xi32>
      %gather3A_460 = tpu.vector_load_idx %arg45[%iota3A, %broadcast_in_dim3A_459] : memref<16x16xf32, #tpu.memory_space<vmem>>[vector<16xi32>, vector<16xi32>], vector<16xf32>,
      %add3A_461 = arith.addf %add3A_457, %gather3A_460 : vector<16xf32>
      %broadcast_in_dim3A_462 = arith.constant 14 : i32
      %broadcast_in_dim3A_463 = vector.broadcast %broadcast_in_dim3A_462 : i32 to vector<16xi32>
      %gather3A_464 = tpu.vector_load_idx %arg45[%iota3A, %broadcast_in_dim3A_463] : memref<16x16xf32, #tpu.memory_space<vmem>>[vector<16xi32>, vector<16xi32>], vector<16xf32>,
      %add3A_465 = arith.addf %add3A_461, %gather3A_464 : vector<16xf32>
      %broadcast_in_dim3A_466 = arith.constant 15 : i32
      %broadcast_in_dim3A_467 = vector.broadcast %broadcast_in_dim3A_466 : i32 to vector<16xi32>
      %gather3A_468 = tpu.vector_load_idx %arg45[%iota3A, %broadcast_in_dim3A_467] : memref<16x16xf32, #tpu.memory_space<vmem>>[vector<16xi32>, vector<16xi32>], vector<16xf32>,
      %add3A_469 = arith.addf %add3A_465, %gather3A_468 : vector<16xf32>
      %sub3A_470 = arith.constant 1.000000e+00 : f32
      %sub3A_471 = vector.broadcast %sub3A_470 : f32 to vector<16xf32>
      %sub3A_472 = arith.subf %sub3A_471, %add3A_469 : vector<16xf32>
      %max3A_473 = arith.constant 0.000000e+00 : f32
      %max3A_474 = vector.broadcast %max3A_473 : f32 to vector<16xf32>
      %max3A_475 = arith.maximumf %sub3A_472, %max3A_474 : vector<16xf32>
      %add3A_476 = arith.addf %max3A_406, %max3A_475 : vector<16xf32>
      %swap3A_477 = arith.index_cast %mul3A_277 : i32 to index
      %swap3A_478 = tpu.vector_load %arg42[%swap3A_477] {strides = array<i32>} : memref<32xf32, #tpu.memory_space<vmem>>, vector<16xf32>,
      tpu.vector_store %arg42[%swap3A_477], %add3A_476 {strides = array<i32>} : memref<32xf32, #tpu.memory_space<vmem>>, vector<16xf32>,
    }
    %scan3A_268 = arith.constant 2 : i32
    "tpu.region"() ({
      %run_scoped3A = tpu.sem_alloc : memref<!tpu.dma_semaphore, #tpu.memory_space<semaphore_mem>>
      %dma_start3A_269 = tpu.memref_slice %arg17[%mul3A_250] : memref<1024xf32, #tpu.memory_space<hbm>> -> memref<32xf32, #tpu.memory_space<hbm>>
      %dma_start3A_270 = tpu.memref_slice %arg17[%mul3A_250] : memref<1024xf32, #tpu.memory_space<hbm>> -> memref<32xf32, #tpu.memory_space<hbm>>
      tpu.enqueue_dma source(%arg41 : memref<32xf32, #tpu.memory_space<vmem>>) target(%dma_start3A_270 : memref<32xf32, #tpu.memory_space<hbm>>) target_semaphore(%run_scoped3A : memref<!tpu.dma_semaphore, #tpu.memory_space<semaphore_mem>>)
      %dma_wait3A_271 = tpu.memref_slice %arg17[%mul3A_250] : memref<1024xf32, #tpu.memory_space<hbm>> -> memref<32xf32, #tpu.memory_space<hbm>>
      %dma_wait3A_272 = tpu.memref_slice %arg17[%mul3A_250] : memref<1024xf32, #tpu.memory_space<hbm>> -> memref<32xf32, #tpu.memory_space<hbm>>
      tpu.wait_dma2 semaphore(%run_scoped3A : memref<!tpu.dma_semaphore, #tpu.memory_space<semaphore_mem>>) src(%arg41 : memref<32xf32, #tpu.memory_space<vmem>>) dst(%dma_wait3A_272 : memref<32xf32, #tpu.memory_space<hbm>>)
      tpu.yield
    }) : () -> ()
    "tpu.region"() ({
      %run_scoped3A = tpu.sem_alloc : memref<!tpu.dma_semaphore, #tpu.memory_space<semaphore_mem>>
      %dma_start3A_269 = tpu.memref_slice %arg18[%mul3A_250] : memref<1024xf32, #tpu.memory_space<hbm>> -> memref<32xf32, #tpu.memory_space<hbm>>
      %dma_start3A_270 = tpu.memref_slice %arg18[%mul3A_250] : memref<1024xf32, #tpu.memory_space<hbm>> -> memref<32xf32, #tpu.memory_space<hbm>>
      tpu.enqueue_dma source(%arg42 : memref<32xf32, #tpu.memory_space<vmem>>) target(%dma_start3A_270 : memref<32xf32, #tpu.memory_space<hbm>>) target_semaphore(%run_scoped3A : memref<!tpu.dma_semaphore, #tpu.memory_space<semaphore_mem>>)
      %dma_wait3A_271 = tpu.memref_slice %arg18[%mul3A_250] : memref<1024xf32, #tpu.memory_space<hbm>> -> memref<32xf32, #tpu.memory_space<hbm>>
      %dma_wait3A_272 = tpu.memref_slice %arg18[%mul3A_250] : memref<1024xf32, #tpu.memory_space<hbm>> -> memref<32xf32, #tpu.memory_space<hbm>>
      tpu.wait_dma2 semaphore(%run_scoped3A : memref<!tpu.dma_semaphore, #tpu.memory_space<semaphore_mem>>) src(%arg42 : memref<32xf32, #tpu.memory_space<vmem>>) dst(%dma_wait3A_272 : memref<32xf32, #tpu.memory_space<hbm>>)
      tpu.yield
    }) : () -> ()
    return
  }
}

</mosaic_0001>

<sc_bundles>
// kernel: _run.3.cloned.1.call-start
scs
__scs_entry_jumppad:
0x0: {  	(pc) =	sbr.rel $0x88, $3  }
0x1: {  	(tag) =	ssettag $0x0;
	lr =	simm.s32 $0x1  }
0x2: {  	[smem:$0x3F95] =	sst lr;
	_ =	strace $0xD0000000  }
0x3: {  	_ = 	snop  }
0x4: {  	_ = 	snop  }
0x5: {  	_ = 	snop  }
0x6: {  	_ = 	snop  }
0x7: {  	_ = 	snop  }
__scs_overlays_trampoline_lowered:
0x8: {  	[smem:$0x3FA4] =	sst s0  }
0x9: {  	[smem:$0x3FA5] =	sst s1  }
0xa: {  	[smem:$0x3FA6] =	sst s2  }
0xb: {  	[smem:$0x3FA7] =	sst s3  }
0xc: {  	[smem:$0x3FA8] =	sst s4  }
0xd: {  	[smem:$0x3FA9] =	sst s5  }
0xe: {  	[smem:$0x3FAA] =	sst s6  }
0xf: {  	[smem:$0x3FAB] =	sst s7  }
0x10: {  	[smem:$0x3FAC] =	sst s8  }
0x11: {  	[smem:$0x3FAD] =	sst s9;
	s0 =	simm.s32 @!p0 $0x0  }
0x12: {  	s1 =	sld [smem:$0x3F93];
	s0 =	simm.s32 @p0 $0x1  }
0x13: {  	[smem:$0x3FAE] =	sst s0;
	s0 =	simm.s32 @!p1 $0x0  }
0x14: {  	s2 =	sld [smem:$0x3F92];
	s0 =	simm.s32 @p1 $0x1  }
0x15: {  	[smem:$0x3FAF] =	sst s0;
	s0 =	simm.s32 @!p2 $0x0  }
0x16: {  	s3 =	sld [smem:$0x3FDB];
	s0 =	simm.s32 @p2 $0x1  }
0x17: {  	s4 =	simm.s32 $0x1BF5;
	[smem:$0x3FB1] =	sst s0  }
0x18: {  	s0 =	sld [smem:$0x3F94];
	_ =	swait.ge [sflag:s4], $0x0  }
0x19: {  	s7 =	sld [smem:$0x3F95]  }
0x1a: {  	s8 =	sadd.s32 $0xFFFFE003, lr  }
0x1b: {  	s9 =	sadd.s32 $0xFFFFFEF7, lr;
	s5 =	simm.s32 $0xFFFFFFFF;
	p2 =	slt.u32 s8, $0xFFFFF086  }
0x1c: {  	p1 =	slt.u32 s9, $0xF7A;
	s5 =	simm.s32 @!p2 $0x0  }
0x1d: {  	s5 =	simm.s32 @p1 $0x1;
	p0 =	seq.s32 s7, s2  }
0x1e: {  	s7 =	smul.u32 @!p0 $0xF7A, s2;
	p2 =	seq.s32 @!p0 s5, $0x0  }
0x1f: {  	s9 =	smul.u32 $0xF7A, s1;
	s8 =	simm.s32 @!p0 $0x1BF5;
	p2 =	por !p2, p0  }
0x20: {  	[sflag:s8] =	ssyncset.s32 @!p0 $0xFFFFF086;
	s6 =	sadd.s32 @!p0 s3, s7;
	s7 =	simm.s32 @!p0 $0x108  }
0x21: {  	s3 =	sadd.s32 s3, s9;
	s6 =	sadd.s32 @!p0 $0x88, s6;
	s7 =	simm.s32 @p2 $0x1082  }
0x22: {  	[simem:s7], [sflag:s8] =	dma.local @!p0 [hbm:s6], $0xF7A  }
0x23: {  	s9 =	sor.u32 $0xD0000000, s2;
	s6 =	simm.s32 $0x108;
	_ =	swait.ge @!p0 [sflag:s8], $0x0  }
0x24: {  	s3 =	sadd.s32 $0x88, s3;
	s6 =	simm.s32 @!p1 $0x1082;
	[sflag:s4] =	ssyncset.s32 $0xFFFFF086  }
0x25: {  	[simem:s6], [sflag:s4] =	dma.local [hbm:s3], $0xF7A  }
0x26: {  	[smem:$0x3F95] =	sst s1;
	(tag) =	ssettag s2;
	_ =	strace s9  }
0x27: {  	s1 =	sld [smem:$0x3FA5]  }
0x28: {  	s2 =	sld [smem:$0x3FA6]  }
0x29: {  	s4 =	sld [smem:$0x3FA8]  }
0x2a: {  	p0 =	seq.s32 s5, $0x0;
	s5 =	sld [smem:$0x3FA9]  }
0x2b: {  	s6 =	sld [smem:$0x3FAA]  }
0x2c: {  	s7 =	sld [smem:$0x3FAB]  }
0x2d: {  	s3 =	simm.s32 $0x108;
	s8 =	sld [smem:$0x3FAC]  }
0x2e: {  	s3 =	simm.s32 @!p0 $0x1082;
	s9 =	sld [smem:$0x3FAD]  }
0x2f: {  	lr =	sadd.s32 s0, s3;
	s0 =	sld [smem:$0x3FA4]  }
0x30: {  	s3 =	sld [smem:$0x3FA7]  }
0x31: {  	[smem:$0x3FB0] =	sst s10  }
0x32: {  	s10 =	sld [smem:$0x3FAE];
	_ =	sdelay $0x3  }
0x33: {  	p0 =	seq.s32 s10, $0x1;
	s10 =	sld [smem:$0x3FB0];
	_ =	sdelay $0x3  }
0x34: {  	[smem:$0x3FB0] =	sst s10  }
0x35: {  	s10 =	sld [smem:$0x3FAF];
	_ =	sdelay $0x3  }
0x36: {  	p1 =	seq.s32 s10, $0x1;
	s10 =	sld [smem:$0x3FB0];
	_ =	sdelay $0x3  }
0x37: {  	[smem:$0x3FB0] =	sst s10  }
0x38: {  	s10 =	sld [smem:$0x3FB1]  }
0x39: {  	_ = 	snop;
	(pc) =	sbr.ind lr, $3  }
0x3a: {  	_ = 	snop  }
0x3b: {  	_ = 	snop  }
0x3c: {  	p2 =	seq.s32 s10, $0x1;
	s10 =	sld [smem:$0x3FB0]  }
0x3d: {  	_ =	shalt  }
0x3e: {  	_ =	shalt  }
0x3f: {  	_ =	shalt  }
0x40: {  	_ =	shalt  }
0x41: {  	_ =	shalt  }
0x42: {  	_ =	shalt  }
0x43: {  	_ =	shalt  }
0x44: {  	_ =	shalt  }
0x45: {  	_ =	shalt  }
0x46: {  	_ =	shalt  }
0x47: {  	_ =	shalt  }
0x48: {  	_ =	shalt  }
0x49: {  	_ =	shalt  }
0x4a: {  	_ =	shalt  }
0x4b: {  	_ =	shalt  }
0x4c: {  	_ =	shalt  }
0x4d: {  	_ =	shalt  }
0x4e: {  	_ =	shalt  }
0x4f: {  	_ =	shalt  }
0x50: {  	_ =	shalt  }
0x51: {  	_ =	shalt  }
0x52: {  	_ =	shalt  }
0x53: {  	_ =	shalt  }
0x54: {  	_ =	shalt  }
0x55: {  	_ =	shalt  }
0x56: {  	_ =	shalt  }
0x57: {  	_ =	shalt  }
0x58: {  	_ =	shalt  }
0x59: {  	_ =	shalt  }
0x5a: {  	_ =	shalt  }
0x5b: {  	_ =	shalt  }
0x5c: {  	_ =	shalt  }
0x5d: {  	_ =	shalt  }
0x5e: {  	_ =	shalt  }
0x5f: {  	_ =	shalt  }
0x60: {  	_ =	shalt  }
0x61: {  	_ =	shalt  }
0x62: {  	_ =	shalt  }
0x63: {  	_ =	shalt  }
0x64: {  	_ =	shalt  }
0x65: {  	_ =	shalt  }
0x66: {  	_ =	shalt  }
0x67: {  	_ =	shalt  }
0x68: {  	_ =	shalt  }
0x69: {  	_ =	shalt  }
0x6a: {  	_ =	shalt  }
0x6b: {  	_ =	shalt  }
0x6c: {  	_ =	shalt  }
0x6d: {  	_ =	shalt  }
0x6e: {  	_ =	shalt  }
0x6f: {  	_ =	shalt  }
0x70: {  	_ =	shalt  }
0x71: {  	_ =	shalt  }
0x72: {  	_ =	shalt  }
0x73: {  	_ =	shalt  }
0x74: {  	_ =	shalt  }
0x75: {  	_ =	shalt  }
0x76: {  	_ =	shalt  }
0x77: {  	_ =	shalt  }
0x78: {  	_ =	shalt  }
0x79: {  	_ =	shalt  }
0x7a: {  	_ =	shalt  }
0x7b: {  	_ =	shalt  }
0x7c: {  	_ =	shalt  }
0x7d: {  	_ =	shalt  }
0x7e: {  	_ =	shalt  }
0x7f: {  	_ =	shalt  }
0x80: {  	_ =	shalt  }
0x81: {  	_ =	shalt  }
0x82: {  	_ =	shalt  }
0x83: {  	_ =	shalt  }
0x84: {  	_ =	shalt  }
0x85: {  	_ =	shalt  }
0x86: {  	_ =	shalt  }
0x87: {  	_ =	shalt  }
.Lfunc_end0:
.L_simem_size_0:
called_computation_lowered:
.L_overlay_start_0:
0x88: {  	s2 =	sld [smem:$0x3FD9]  }
0x89: {  	s3 =	sld [smem:$0x3FFE];
	_ =	sdelay $0x1  }
0x8a: {  	s1 =	srdreg.scid  }
0x8b: {  	s0 =	sand.u32 $0x1, s1  }
0x8c: {  	s23 =	sshll.u32 s0, $0xA;
	s2 =	sadd.s32 s3, s2  }
0x8d: {  	s2 =	sadd.s32 s2, s23  }
0x8e: {  	[smem:$0x3FBC] =	sst s2  }
0x8f: {  	_ = 	snop  }
0x90: {  	s2 =	sld [smem:$0x3FC9]  }
0x91: {  	s3 =	sld [smem:$0x3FC8]  }
0x92: {  	s4 =	sld [smem:$0x3FC7]  }
0x93: {  	s5 =	sld [smem:$0x3FC6]  }
0x94: {  	s6 =	sld [smem:$0x3FC5]  }
0x95: {  	s7 =	sld [smem:$0x3FC4]  }
0x96: {  	s11 =	sld [smem:$0x3FD0]  }
0x97: {  	s8 =	sld [smem:$0x3FC3]  }
0x98: {  	s9 =	sld [smem:$0x3FC2]  }
0x99: {  	s15 =	simm.s32 $0xA;
	s12 =	simm.s32 $0x10;
	s10 =	sld [smem:$0x3FC1]  }
0x9a: {  	[smem:s12], [sflag:s15] =	dma.local [hbm:s11], $0x1  }
0x9b: {  	_ =	swait.eq [sflag:s15], $0x1  }
0x9c: {  	s11 =	sld [smem:$0x10]  }
0x9d: {  	s12 =	sld [smem:$0x11]  }
0x9e: {  	s13 =	sld [smem:$0x12];
	[sflag:s15] =	ssyncset.done $0x0  }
0x9f: {  	s14 =	sld [smem:$0x13];
	[sflag:s15] =	ssyncadd.s32 $0xFFFFFFFF  }
0xa0: {  	s16 =	sld [smem:$0x14];
	(tm) =	ssettm $0x1  }
0xa1: {  	s24 =	sld [smem:$0x3FFB];
	_ =	sdelay $0x3  }
0xa2: {  	_ =	strace s24  }
0xa3: {  	s15 =	sld [smem:$0x3FFC];
	_ =	sdelay $0x3  }
0xa4: {  	_ =	strace s15  }
0xa5: {  	s15 =	sld [smem:$0x3FFD];
	_ =	sdelay $0x3  }
0xa6: {  	_ =	strace s15  }
0xa7: {  	_ =	strace $0x8FFFFFFF  }
0xa8: {  	s25 =	sld [smem:$0x3FDB];
	_ =	sdelay $0x1  }
0xa9: {  	s17 =	simm.s32 $_scs_section_size  }
0xaa: {  	s18 =	simm.s32 $_size__tile_task_arg_handler_lowered;
	s19 =	simm.s32 $_tile_task_arg_handler_lowered  }
0xab: {  	s29 =	simm.s32 $0x1BFF;
	s28 =	sshll.u32 s19, $0x1;
	s17 =	sadd.s32 s17, s25  }
0xac: {  	s20 =	simm.s32 $0x60;
	s26 =	sshll.u32 s18, $0x1;
	s18 =	sadd.s32 s28, s17  }
0xad: {  	[timem:s20], [sflag:s29] =	dma.local [hbm:s18], s26  }
0xae: {  	_ =	swait.ge [sflag:s29], s26  }
0xaf: {  	s30 =	simm.s32 $_tile_overlayer_lowered;
	s15 =	ssub.s32 $0x0, s26;
	[sflag:s29] =	ssyncset.done $0x0  }
0xb0: {  	s31 =	simm.s32 $_size__tile_overlayer_lowered;
	s18 =	sshll.u32 s30, $0x1;
	[sflag:s29] =	ssyncadd.s32 s15  }
0xb1: {  	s21 =	simm.s32 $0x0;
	s18 =	sadd.s32 s18, s17;
	s15 =	sshll.u32 s31, $0x1  }
0xb2: {  	[timem:s21], [sflag:s29] =	dma.local [hbm:s18], s15  }
0xb3: {  	_ =	swait.ge [sflag:s29], s15  }
0xb4: {  	s22 =	ssub.s32 $0x0, s15;
	[sflag:s29] =	ssyncset.done $0x0  }
0xb5: {  	[sflag:s29] =	ssyncadd.s32 s22;
	_ =	sdelay $0x1  }
0xb6: {  	s23 =	simm.s32 $0x1B8B  }
0xb7: {  	_ =	swait.ge [sflag:s23], $0x1  }
0xb8: {  	[sflag:s23] =	ssyncset.done $0x0  }
0xb9: {  	s25 =	simm.s32 $0x1B8E;
	s24 =	sld [smem:$0x3FFE];
	[sflag:s23] =	ssyncadd.s32 $0xFFFFFFFF  }
0xba: {  	s26 =	simm.s32 $execute0_lowered;
	[smem:$0x3FD2] =	sst s25  }
0xbb: {  	s19 =	sshll.u32 s26, $0x1;
	_ =	strace $0x80000046;
	[dreg:$0x1] =	wrdreg $0xFFFFFFFF  }
0xbc: {  	s28 =	simm.s32 $_size_execute0_lowered;
	s17 =	sadd.s32 s17, s19;
	[dreg:$0x0] =	wrdreg $0x0  }
0xbd: {  	s19 =	sshll.u32 s28, $0x1;
	[dreg:$0x2] =	wrdreg s17  }
0xbe: {  	[dreg:$0x3] =	wrdreg s19  }
0xbf: {  	[dreg:$0x4] =	wrdreg $0xC0  }
0xc0: {  	_ =	task [dreg:s21], $0x5FFFF  }
0xc1: {  	[dreg:$0x1] =	wrdreg $0xFFFFFFFF  }
0xc2: {  	[dreg:$0x0] =	wrdreg $0x30  }
0xc3: {  	[dreg:$0x2] =	wrdreg $0x0  }
0xc4: {  	[dreg:$0x3] =	wrdreg s16  }
0xc5: {  	[dreg:$0x4] =	wrdreg $0x9  }
0xc6: {  	_ =	task [dreg:s21], $0x5FFFF  }
0xc7: {  	[dreg:$0x1] =	wrdreg $0xFFFFFFFF  }
0xc8: {  	[dreg:$0x0] =	wrdreg $0x60  }
0xc9: {  	[dreg:$0x2] =	wrdreg s2  }
0xca: {  	[dreg:$0x3] =	wrdreg s3  }
0xcb: {  	[dreg:$0x4] =	wrdreg s4  }
0xcc: {  	[dreg:$0x5] =	wrdreg s5  }
0xcd: {  	[dreg:$0x6] =	wrdreg s6  }
0xce: {  	[dreg:$0x7] =	wrdreg s7  }
0xcf: {  	[dreg:$0x8] =	wrdreg s8  }
0xd0: {  	[dreg:$0x9] =	wrdreg s9  }
0xd1: {  	[dreg:$0xa] =	wrdreg s10  }
0xd2: {  	[dreg:$0xb] =	wrdreg s24  }
0xd3: {  	[dreg:$0xc] =	wrdreg s11  }
0xd4: {  	[dreg:$0xd] =	wrdreg s12  }
0xd5: {  	[dreg:$0xe] =	wrdreg s13  }
0xd6: {  	[dreg:$0xf] =	wrdreg s14  }
0xd7: {  	_ =	task.clear_ibuf [dreg:s21], $0x10FFFF;
	_ =	strace $0x90000046  }
0xd8: {  	s29 =	simm.s32 $0x9;
	_ =	strace $0x80000048  }
0xd9: {  	_ =	swait.ge [sflag:s29], $0x1  }
0xda: {  	[sflag:s29] =	ssyncadd.s32 $0xFFFFFFFF  }
0xdb: {  	_ =	strace $0x90000048  }
0xdc: {  	_ =	sfence  }
0xdd: {  	s30 =	sld [smem:$0x0];
	_ =	sdelay $0x2  }
0xde: {  	s31 =	sshll.u32 s1, $0xD;
	s1 =	sshrl.u32 s1, $0x2  }
0xdf: {  	s3 =	sand.u32 $0x4000, s31;
	s1 =	sadd.s32 s1, s30  }
0xe0: {  	s0 =	sor.u32 s3, s0;
	s1 =	sshll.u32 s1, $0x11  }
0xe1: {  	s0 =	sor.u32 s1, s0  }
0xe2: {  	s0 =	sadd.s32 $0x8F2B, s0  }
0xe3: {  	[sflag:s0] =	ssyncadd.remote.s32 $0x1  }
0xe4: {  	_ =	sfence.sel $0xFFFF  }
0xe5: {  	[dreg:$0x0] =	wrdreg $0xFFFFFFFF;
	(pc) =	sbr.abs _section_cstart, $3  }
0xe6: {  	[dreg:$0x1] =	wrdreg $0xFFFFFFFF  }
0xe7: {  	_ =	task.clear_ibuf [dreg:s21], $0x2FFFF;
	_ =	strace $0x9FFFFFFF  }
0xe8: {  	(tm) =	ssettm $0x7FFFFFFF  }
0xe9: {  	_ =	shalt  }
tec
_tile_task_arg_handler_lowered:
.L_overlay_start_1:
0x0: {  	(tag) =	ssettag $0x1  }
0x1: {  	s0 =	rddreg [dreg:$0x0]  }
0x2: {  	s1 =	rddreg [dreg:$0x1]  }
0x3: {  	s2 =	rddreg [dreg:$0x2]  }
0x4: {  	s3 =	rddreg [dreg:$0x3]  }
0x5: {  	s4 =	rddreg [dreg:$0x4]  }
0x6: {  	s5 =	rddreg [dreg:$0x5]  }
0x7: {  	s6 =	rddreg [dreg:$0x6]  }
0x8: {  	s7 =	rddreg [dreg:$0x7]  }
0x9: {  	s8 =	rddreg [dreg:$0x8]  }
0xa: {  	s9 =	rddreg [dreg:$0x9]  }
0xb: {  	s10 =	rddreg [dreg:$0xa]  }
0xc: {  	s11 =	rddreg [dreg:$0xb]  }
0xd: {  	s12 =	rddreg [dreg:$0xc]  }
0xe: {  	s13 =	rddreg [dreg:$0xd]  }
0xf: {  	[smem:s0] =	sst s1  }
0x10: {  	[smem:s0+$0x1] =	sst s2  }
0x11: {  	[smem:s0+$0x2] =	sst s3  }
0x12: {  	[smem:s0+$0x3] =	sst s4  }
0x13: {  	[smem:s0+$0x4] =	sst s5  }
0x14: {  	[smem:s0+$0x5] =	sst s6  }
0x15: {  	[smem:s0+$0x6] =	sst s7  }
0x16: {  	[smem:s0+$0x7] =	sst s8  }
0x17: {  	[smem:s0+$0x8] =	sst s9  }
0x18: {  	[smem:s0+$0x9] =	sst s10  }
0x19: {  	[smem:s0+$0xA] =	sst s11  }
0x1a: {  	[smem:s0+$0xB] =	sst s12  }
0x1b: {  	[smem:s0+$0xC] =	sst s13;
	_ =	shalt  }
.Lfunc_end2:
execute0_lowered:
.L_overlay_start_2:
0x1c: {  	(tag) =	ssettag $0x2  }
0x1d: {  	s0 =	rddreg [dreg:$0x1]  }
0x1e: {  	s2 =	rddreg [dreg:$0x2]  }
0x1f: {  	s3 =	rddreg [dreg:$0x3]  }
0x20: {  	s4 =	rddreg [dreg:$0x4]  }
0x21: {  	s1 =	srdreg.scid;
	s6 =	stileid.u32  }
0x22: {  	s5 =	rddreg [dreg:$0x5];
	s1 =	sand.u32 $0x1, s1;
	s6 =	sshll.u32 s6, $0x1  }
0x23: {  	s7 =	rddreg [dreg:$0x6];
	s6 =	sor.u32 s1, s6  }
0x24: {  	s8 =	rddreg [dreg:$0x7];
	s10 =	sshll.u32 s6, $0x6  }
0x25: {  	s9 =	ssub.s32 $0x2, s1;
	s1 =	simm.s32 $0x0;
	s12 =	sor.u32 $0x10, s10  }
0x26: {  	[smem:$0x7FF] =	sst s1;
	s18 =	sadd.s32 s0, s12  }
0x27: {  	s19 =	sadd.s32 s2, s12;
	[dreg:$0xe] =	wrdreg s18  }
0x28: {  	s20 =	sadd.s32 s3, s12;
	[dreg:$0xf] =	wrdreg s19  }
0x29: {  	s21 =	sadd.s32 s4, s12;
	[dreg:$0x10] =	wrdreg s20  }
0x2a: {  	s22 =	sadd.s32 s5, s12;
	[dreg:$0x11] =	wrdreg s21  }
0x2b: {  	s23 =	sadd.s32 s7, s12;
	[dreg:$0x12] =	wrdreg s22  }
0x2c: {  	s24 =	sor.u32 $0x20, s10;
	s12 =	sadd.s32 s8, s12;
	[dreg:$0x13] =	wrdreg s23  }
0x2d: {  	s25 =	sadd.s32 s0, s24;
	[dreg:$0x14] =	wrdreg s12  }
0x2e: {  	s26 =	sadd.s32 s2, s24;
	[dreg:$0x15] =	wrdreg s25  }
0x2f: {  	s13 =	sadd.s32 s3, s24;
	[dreg:$0x16] =	wrdreg s26  }
0x30: {  	s14 =	sadd.s32 s4, s24;
	[dreg:$0x17] =	wrdreg s13  }
0x31: {  	s15 =	sadd.s32 s5, s24;
	[dreg:$0x18] =	wrdreg s14  }
0x32: {  	s11 =	sshrl.u32 s9, $0x1;
	s16 =	sadd.s32 s7, s24;
	[dreg:$0x19] =	wrdreg s15  }
0x33: {  	s9 =	ssub.s32 s9, s11;
	s11 =	sadd.s32 s8, s24;
	[dreg:$0x1a] =	wrdreg s16  }
0x34: {  	[dreg:$0x1b] =	wrdreg s11  }
0x35: {  	s24 =	sadd.s32 s4, s10;
	s23 =	rddreg [dreg:$0x8]  }
0x36: {  	[smem:$0x7EE] =	sst s24  }
0x37: {  	s26 =	rddreg [dreg:$0x9]  }
0x38: {  	s17 =	sor.u32 $0x30, s10;
	s18 =	sadd.s32 s0, s10;
	s14 =	rddreg [dreg:$0xa]  }
0x39: {  	s0 =	sadd.s32 s0, s17;
	[dreg:$0x1c] =	wrdreg s18  }
0x3a: {  	s19 =	sadd.s32 s2, s10;
	[dreg:$0x1d] =	wrdreg s0  }
0x3b: {  	s20 =	sadd.s32 s2, s17;
	[dreg:$0x1e] =	wrdreg s19  }
0x3c: {  	s21 =	sadd.s32 s3, s10;
	[dreg:$0x1f] =	wrdreg s20  }
0x3d: {  	s22 =	sadd.s32 s3, s17;
	[smem:$0x7EC] =	sst s21  }
0x3e: {  	s25 =	sadd.s32 s4, s17;
	[smem:$0x7ED] =	sst s22  }
0x3f: {  	s12 =	sadd.s32 s5, s10;
	[smem:$0x7EF] =	sst s25  }
0x40: {  	s13 =	sadd.s32 s5, s17;
	[smem:$0x7F0] =	sst s12  }
0x41: {  	s15 =	sadd.s32 s7, s10;
	[smem:$0x7F1] =	sst s13  }
0x42: {  	s16 =	sadd.s32 s7, s17;
	[smem:$0x7F2] =	sst s15  }
0x43: {  	s17 =	sadd.s32 s8, s17;
	[smem:$0x7F3] =	sst s16  }
0x44: {  	[smem:$0x7F4] =	sst s17  }
0x45: {  	s18 =	rddreg [dreg:$0xb]  }
0x46: {  	s28 =	simm.s32 $0x1;
	s20 =	sld [smem:$0x0]  }
0x47: {  	s29 =	simm.s32 $0x139E0;
	s30 =	simm.s32 $0x13AE0;
	s22 =	rddreg [dreg:$0xc]  }
0x48: {  	s31 =	simm.s32 $0x13BE0;
	s19 =	sadd.s32 s8, s10;
	s25 =	sld [smem:$0x1]  }
0x49: {  	s11 =	simm.s32 $0x80;
	s3 =	sadd.s32 s14, s10;
	[smem:$0x7F5] =	sst s19  }
0x4a: {  	s2 =	simm.s32 $0x0;
	s21 =	sshll.u32 s6, $0x2;
	[smem:$0x7F6] =	sst s3  }
0x4b: {  	v0 =	vlaneseq.u32;
	s4 =	sadd.s32 s18, s10;
	s0 =	sadd.s32 s23, s21;
	s23 =	rddreg [dreg:$0xd]  }
0x4c: {  	v0 =	vmul.u32 $0x10, v0;
	s6 =	sadd.s32 $0xF43000, s26;
	s5 =	sadd.s32 s22, s10;
	[smem:$0x7F7] =	sst s4  }
0x4d: {  	s7 =	sadd.s32 $0x2C00, s26;
	s8 =	sadd.s32 $0xC00, s26;
	[smem:$0x7F8] =	sst s5  }
0x4e: {  	v1 =	vor.u32 $0x1, v0;
	v2 =	vor.u32 $0x2, v0;
	v3 =	vor.u32 $0x3, v0;
	s26 =	smax.u32 s9, $0x1;
	[smem:$0x7F9] =	sst s0;
	s0 =	sadd.s32 s23, s21  }
0x4f: {  	v4 =	vor.u32 $0x4, v0;
	v5 =	vor.u32 $0x5, v0;
	v6 =	vor.u32 $0x6, v0;
	s12 =	simm.s32 $0x100;
	s13 =	simm.s32 $0x180;
	[smem:$0x7FA] =	sst s0  }
0x50: {  	v7 =	vor.u32 $0x7, v0;
	v8 =	vor.u32 $0x8, v0;
	v9 =	vor.u32 $0x9, v0;
	s14 =	simm.s32 $0x200;
	s24 =	sadd.s32 s20, s21;
	[smem:$0x7FC] =	sst s25  }
0x51: {  	v10 =	vor.u32 $0xA, v0;
	v11 =	vor.u32 $0xB, v0;
	v12 =	vor.u32 $0xC, v0;
	s15 =	simm.s32 $0x280;
	s16 =	simm.s32 $0x300;
	[smem:$0x7FB] =	sst s24  }
0x52: {  	v13 =	vor.u32 $0xD, v0;
	v14 =	vor.u32 $0xE, v0;
	v15 =	vor.u32 $0xF, v0;
	s10 =	simm.s32 $0x2;
	_ =	strace $0x80000047;
	[smem:$0x7FD] =	sst s26  }
.LBB3_1:
0x53: {  	s0 =	rddreg [dreg:$0x0];
	s3 =	simm.s32 $0x13CE0  }
0x54: {  	[tilespmem:s3], [sflag:$0x2] =	stream.linear.gather [hbm4b:s0+s1], $0x10, $0x38;
	[tilespmem:$0x13CF0] =	vst v63  }
0x55: {  	_ =	swait.ge [sflag:s10], $0x10  }
0x56: {  	[sflag:s10] =	ssyncset.done $0x0  }
0x57: {  	s25 =	rddreg [dreg:$0x1c];
	[sflag:s10] =	ssyncadd.s32 $0xFFFFFFF0  }
0x58: {  	v16 =	vld [tilespmem:$0x13CE0];
	[tilespmem:s1], [sflag:$0x2] =	stream.linear.gather [hbm4b:s25+s1], $0x80, $0x38  }
0x59: {  	_ =	swait.ge [sflag:s10], $0x80  }
0x5a: {  	[sflag:s10] =	ssyncset.done $0x0  }
0x5b: {  	s26 =	rddreg [dreg:$0x1e];
	[sflag:s10] =	ssyncadd.s32 $0xFFFFFF80  }
0x5c: {  	[tilespmem:s11], [sflag:$0x2] =	stream.linear.gather [hbm4b:s26+s1], $0x80, $0x38;
	[tilespmem:$0x13CF0] =	vst v63  }
0x5d: {  	_ =	swait.ge [sflag:s10], $0x80  }
0x5e: {  	s3 =	sld [smem:$0x7EC]  }
0x5f: {  	[sflag:s10] =	ssyncset.done $0x0  }
0x60: {  	[sflag:s10] =	ssyncadd.s32 $0xFFFFFF80  }
0x61: {  	[tilespmem:s12], [sflag:$0x2] =	stream.linear.gather [hbm4b:s3+s1], $0x80, $0x38;
	[tilespmem:$0x13CF0] =	vst v63  }
0x62: {  	_ =	swait.ge [sflag:s10], $0x80  }
0x63: {  	s4 =	sld [smem:$0x7EE]  }
0x64: {  	[sflag:s10] =	ssyncset.done $0x0  }
0x65: {  	[sflag:s10] =	ssyncadd.s32 $0xFFFFFF80  }
0x66: {  	[tilespmem:s13], [sflag:$0x2] =	stream.linear.gather [hbm4b:s4+s1], $0x80, $0x38;
	[tilespmem:$0x13CF0] =	vst v63  }
0x67: {  	_ =	swait.ge [sflag:s10], $0x80  }
0x68: {  	s5 =	sld [smem:$0x7F0]  }
0x69: {  	[sflag:s10] =	ssyncset.done $0x0  }
0x6a: {  	[sflag:s10] =	ssyncadd.s32 $0xFFFFFF80  }
0x6b: {  	[tilespmem:s14], [sflag:$0x2] =	stream.linear.gather [hbm4b:s5+s1], $0x80, $0x38;
	[tilespmem:$0x13CF0] =	vst v63  }
0x6c: {  	_ =	swait.ge [sflag:s10], $0x80  }
0x6d: {  	s9 =	sld [smem:$0x7F2]  }
0x6e: {  	[sflag:s10] =	ssyncset.done $0x0  }
0x6f: {  	[sflag:s10] =	ssyncadd.s32 $0xFFFFFF80  }
0x70: {  	[tilespmem:s15], [sflag:$0x2] =	stream.linear.gather [hbm4b:s9+s1], $0x80, $0x38;
	[tilespmem:$0x13CF0] =	vst v63  }
0x71: {  	_ =	swait.ge [sflag:s10], $0x80  }
0x72: {  	s17 =	sld [smem:$0x7F5]  }
0x73: {  	[sflag:s10] =	ssyncset.done $0x0  }
0x74: {  	[sflag:s10] =	ssyncadd.s32 $0xFFFFFF80  }
0x75: {  	[tilespmem:s16], [sflag:$0x2] =	stream.linear.gather [hbm4b:s17+s1], $0x80, $0x38;
	[tilespmem:$0x13CF0] =	vst v63  }
0x76: {  	_ =	swait.ge [sflag:s10], $0x80  }
0x77: {  	[sflag:s10] =	ssyncset.done $0x0  }
0x78: {  	s18 =	simm.s32 $0x3A0;
	[sflag:s10] =	ssyncadd.s32 $0xFFFFFF80  }
0x79: {  	[tilespmem:s18], [sflag:$0x1] =	stream.indirect.gather [hbm4b:s6+s11], $0x40, s1, s11, $0xb8;
	[tilespmem:$0x13CF0] =	vst v63  }
0x7a: {  	s19 =	simm.s32 $0x23A0  }
0x7b: {  	[tilespmem:s19], [sflag:$0x1] =	stream.indirect.gather [hbm4b:s6+s11], $0x40, s11, s11, $0xb8;
	[tilespmem:$0x13CF0] =	vst v63  }
0x7c: {  	s20 =	simm.s32 $0x43A0  }
0x7d: {  	[tilespmem:s20], [sflag:$0x1] =	stream.indirect.gather [hbm4b:s7+s11], $0x40, s12, s11, $0xb8;
	[tilespmem:$0x13CF0] =	vst v63  }
0x7e: {  	s21 =	simm.s32 $0x63A0  }
0x7f: {  	[tilespmem:s21], [sflag:$0x1] =	stream.indirect.gather [hbm4b:s8+s11], $0x40, s12, s11, $0xb8;
	[tilespmem:$0x13CF0] =	vst v63  }
0x80: {  	s22 =	simm.s32 $0x83A0  }
0x81: {  	[tilespmem:s22], [sflag:$0x1] =	stream.indirect.gather [hbm4b:s6+s11], $0x40, s13, s11, $0xb8;
	[tilespmem:$0x13CF0] =	vst v63  }
0x82: {  	s23 =	simm.s32 $0xA3A0  }
0x83: {  	[tilespmem:s23], [sflag:$0x1] =	stream.indirect.gather [hbm4b:s6+s11], $0x40, s14, s11, $0xb8;
	[tilespmem:$0x13CF0] =	vst v63  }
0x84: {  	s24 =	simm.s32 $0xC3A0  }
0x85: {  	[tilespmem:s24], [sflag:$0x1] =	stream.indirect.gather [hbm4b:s7+s11], $0x40, s15, s11, $0xb8;
	[tilespmem:$0x13CF0] =	vst v63  }
0x86: {  	s25 =	simm.s32 $0xE3A0  }
0x87: {  	[tilespmem:s25], [sflag:$0x1] =	stream.indirect.gather [hbm4b:s8+s11], $0x40, s15, s11, $0xb8;
	[tilespmem:$0x13CF0] =	vst v63  }
0x88: {  	s26 =	simm.s32 $0x103A0  }
0x89: {  	[tilespmem:s26], [sflag:$0x1] =	stream.indirect.gather [hbm4b:s6+s11], $0x40, s16, s11, $0xb8;
	[tilespmem:$0x13CF0] =	vst v63  }
0x8a: {  	_ =	swait.ge [sflag:s28], $0x2000  }
0x8b: {  	[sflag:s28] =	ssyncset.done $0x0  }
0x8c: {  	[sflag:s28] =	ssyncadd.s32 $0xFFFFE000  }
0x8d: {  	_ =	swait.ge [sflag:s28], $0x2000  }
0x8e: {  	[sflag:s28] =	ssyncset.done $0x0  }
0x8f: {  	[sflag:s28] =	ssyncadd.s32 $0xFFFFE000  }
0x90: {  	_ =	swait.ge [sflag:s28], $0x2000  }
0x91: {  	[sflag:s28] =	ssyncset.done $0x0  }
0x92: {  	[sflag:s28] =	ssyncadd.s32 $0xFFFFE000  }
0x93: {  	_ =	swait.ge [sflag:s28], $0x2000  }
0x94: {  	[sflag:s28] =	ssyncset.done $0x0  }
0x95: {  	[sflag:s28] =	ssyncadd.s32 $0xFFFFE000  }
0x96: {  	_ =	swait.ge [sflag:s28], $0x2000  }
0x97: {  	[sflag:s28] =	ssyncset.done $0x0  }
0x98: {  	[sflag:s28] =	ssyncadd.s32 $0xFFFFE000  }
0x99: {  	_ =	swait.ge [sflag:s28], $0x2000  }
0x9a: {  	[sflag:s28] =	ssyncset.done $0x0  }
0x9b: {  	[sflag:s28] =	ssyncadd.s32 $0xFFFFE000  }
0x9c: {  	_ =	swait.ge [sflag:s28], $0x2000  }
0x9d: {  	[sflag:s28] =	ssyncset.done $0x0  }
0x9e: {  	[sflag:s28] =	ssyncadd.s32 $0xFFFFE000  }
0x9f: {  	_ =	swait.ge [sflag:s28], $0x2000  }
0xa0: {  	s0 =	simm.s32 $0x83D0;
	s3 =	simm.s32 $0x43C0;
	[sflag:s28] =	ssyncset.done $0x0  }
0xa1: {  	s4 =	simm.s32 $0x3D0;
	s5 =	simm.s32 $0x63D0;
	[sflag:s28] =	ssyncadd.s32 $0xFFFFE000  }
0xa2: {  	s9 =	simm.s32 $0x23D0;
	s17 =	simm.s32 $0xE3D0;
	_ =	swait.ge [sflag:s28], $0x2000  }
0xa3: {  	s18 =	simm.s32 $0xA3D0;
	s19 =	simm.s32 $0x103D0;
	[sflag:s28] =	ssyncset.done $0x0  }
0xa4: {  	s20 =	simm.s32 $0xC3D0;
	s21 =	simm.s32 $0x0;
	[sflag:s28] =	ssyncadd.s32 $0xFFFFE000  }
.LBB3_2:
0xa5: {  	v17 =	vmov s3  }
0xa6: {  	v18 =	vmov s4;
	v19 =	vmov s5  }
0xa7: {  	s22 =	simm.s32 $0x0;
	v20 =	vmov s9;
	v21 =	vmov s20;
	v22 =	vmov s0  }
0xa8: {  	s23 =	simm.s32 $0x139E0;
	s24 =	simm.s32 $0x13AE0;
	s25 =	simm.s32 $0x13BE0;
	v23 =	vmov s17;
	v24 =	vmov s18;
	v25 =	vmov s19  }
.LBB3_3:
0xa9: {  	s26 =	sshra.s32 s22, $0x2  }
0xaa: {  	v26 =	vld.idx.msk [tilespmem:v17+s26+$0xFFFFFFE0 ss:$0x1], $0xffff  }
0xab: {  	v27 =	vld.idx.msk [tilespmem:v18+s26+$0xFFFFFFD0 ss:$0x1], $0xffff  }
0xac: {  	v28 =	vld.idx.msk [tilespmem:v19+s26+$0xFFFFFFD0 ss:$0x1], $0xffff  }
0xad: {  	v29 =	vld.idx.msk [tilespmem:v20+s26+$0xFFFFFFD0 ss:$0x1], $0xffff  }
0xae: {  	v30 =	vld.idx.msk [tilespmem:v21+s26+$0xFFFFFFD0 ss:$0x1], $0xffff  }
0xaf: {  	v31 =	vld.idx.msk [tilespmem:v22+s26+$0xFFFFFFD0 ss:$0x1], $0xffff  }
0xb0: {  	v32 =	vld.idx.msk [tilespmem:v23+s26+$0xFFFFFFD0 ss:$0x1], $0xffff  }
0xb1: {  	v33 =	vld.idx.msk [tilespmem:v24+s26+$0xFFFFFFD0 ss:$0x1], $0xffff  }
0xb2: {  	v34 =	vld.idx.msk [tilespmem:v25+s26+$0xFFFFFFD0 ss:$0x1], $0xffff  }
0xb3: {  	v35 =	vld.idx.msk [tilespmem:v17+s26+$0xFFFFFFF0 ss:$0x1], $0xffff  }
0xb4: {  	v36 =	vld.idx.msk [tilespmem:v18+s26+$0xFFFFFFE0 ss:$0x1], $0xffff  }
0xb5: {  	v37 =	vld.idx.msk [tilespmem:v19+s26+$0xFFFFFFE0 ss:$0x1], $0xffff  }
0xb6: {  	v38 =	vld.idx.msk [tilespmem:v20+s26+$0xFFFFFFE0 ss:$0x1], $0xffff  }
0xb7: {  	v39 =	vld.idx.msk [tilespmem:v21+s26+$0xFFFFFFE0 ss:$0x1], $0xffff  }
0xb8: {  	v40 =	vld.idx.msk [tilespmem:v22+s26+$0xFFFFFFE0 ss:$0x1], $0xffff  }
0xb9: {  	v41 =	vld.idx.msk [tilespmem:v23+s26+$0xFFFFFFE0 ss:$0x1], $0xffff  }
0xba: {  	v42 =	vld.idx.msk [tilespmem:v24+s26+$0xFFFFFFE0 ss:$0x1], $0xffff  }
0xbb: {  	v43 =	vld.idx.msk [tilespmem:v25+s26+$0xFFFFFFE0 ss:$0x1], $0xffff  }
0xbc: {  	v52 =	vld.idx.msk [tilespmem:v18+s26+$0xFFFFFFF0 ss:$0x1], $0xffff;
	v26 =	vsub.f32 $1.000000000e+00, v26  }
0xbd: {  	v54 =	vld.idx.msk [tilespmem:v21+s26+$0xFFFFFFF0 ss:$0x1], $0xffff;
	v28 =	vsub.f32 $1.000000000e+00, v28;
	v51 =	vsub.f32 $1.000000000e+00, v30  }
0xbe: {  	v50 =	vld.idx.msk [tilespmem:v21+s26+$0x0 ss:$0x1], $0xffff;
	v32 =	vsub.f32 $1.000000000e+00, v32;
	v53 =	vsub.f32 $1.000000000e+00, v35  }
0xbf: {  	v48 =	vld.idx.msk [tilespmem:v19+s26+$0x0 ss:$0x1], $0xffff;
	v56 =	vsub.f32 $1.000000000e+00, v39;
	v34 =	vmul.f32 v34, v34;
	v26 =	vmul.f32 v27, v26  }
0xc0: {  	v58 =	vsub.f32 $1.000000000e+00, v37;
	v27 =	vld.idx.msk [tilespmem:v17+s26+$0x0 ss:$0x1], $0xffff;
	v28 =	vmul.f32 v29, v28;
	v29 =	vmul.f32 v31, v51  }
0xc1: {  	v44 =	vld.idx.msk [tilespmem:v19+s26+$0xFFFFFFF0 ss:$0x1], $0xffff;
	v60 =	vsub.f32 $1.000000000e+00, v41;
	v32 =	vmul.f32 v33, v32;
	v33 =	vmul.f32 v36, v53  }
0xc2: {  	v57 =	vld.idx.msk [tilespmem:v22+s26+$0xFFFFFFF0 ss:$0x1], $0xffff;
	v47 =	vsub.f32 $1.000000000e+00, v54;
	v62 =	vmul.f32 v38, v58;
	v26 =	vmul.f32 v26, v26  }
0xc3: {  	v59 =	vld.idx.msk [tilespmem:v23+s26+$0xFFFFFFF0 ss:$0x1], $0xffff;
	v30 =	vsub.f32 $1.000000000e+00, v50;
	v28 =	vmul.f32 v28, v28;
	v55 =	vmul.f32 v29, v29  }
0xc4: {  	v61 =	vld.idx.msk [tilespmem:v24+s26+$0xFFFFFFF0 ss:$0x1], $0xffff;
	v35 =	vsub.f32 $1.000000000e+00, v48;
	v32 =	vmul.f32 v32, v32;
	v29 =	vmul.f32 v40, v56  }
0xc5: {  	v63 =	vld.idx.msk [tilespmem:v17+s26+$0x10 ss:$0x1], $0xffff;
	v33 =	vmul.f32 v33, v33;
	v26 =	vadd.f32 v28, v26;
	v27 =	vsub.f32 $1.000000000e+00, v27  }
0xc6: {  	v31 =	vld.idx.msk [tilespmem:v20+s26+$0xFFFFFFF0 ss:$0x1], $0xffff;
	v45 =	vmul.f32 v42, v60;
	v28 =	vadd.f32 v32, v55;
	v29 =	vmul.f32 v29, v29  }
0xc7: {  	v46 =	vld.idx.msk [tilespmem:v18+s26+$0x0 ss:$0x1], $0xffff;
	v32 =	vmul.f32 v62, v62;
	v26 =	vadd.f32 v33, v26;
	v27 =	vmul.f32 v52, v27  }
0xc8: {  	v54 =	vld.idx.msk [tilespmem:v23+s26+$0x0 ss:$0x1], $0xffff;
	v51 =	vmul.f32 v43, v43;
	v49 =	vmul.f32 v45, v45;
	v28 =	vadd.f32 v29, v28  }
0xc9: {  	v53 =	vsub.f32 $1.000000000e+00, v44;
	v52 =	vld.idx.msk [tilespmem:v22+s26+$0x0 ss:$0x1], $0xffff;
	v26 =	vadd.f32 v32, v26;
	v27 =	vmul.f32 v27, v27  }
0xca: {  	v56 =	vld.idx.msk [tilespmem:v20+s26+$0x0 ss:$0x1], $0xffff;
	v55 =	vsub.f32 $1.000000000e+00, v59;
	v33 =	vmul.f32 v57, v47;
	v28 =	vadd.f32 v49, v28  }
0xcb: {  	v29 =	vmul.f32 v31, v53;
	v57 =	vld.idx.msk [tilespmem:v24+s26+$0x0 ss:$0x1], $0xffff;
	v26 =	vadd.f32 v27, v26;
	v27 =	vsub.f32 $1.000000000e+00, v63  }
0xcc: {  	v58 =	vld.idx.msk [tilespmem:v25+s26+$0xFFFFFFF0 ss:$0x1], $0xffff;
	v32 =	vadd.f32 v51, v34;
	v33 =	vmul.f32 v33, v33;
	v34 =	vmul.f32 v61, v55  }
0xcd: {  	v59 =	vsub.f32 $1.000000000e+00, v54;
	v29 =	vmul.f32 v29, v29;
	v27 =	vmul.f32 v46, v27  }
0xce: {  	v60 =	vld.idx.msk [tilespmem:v25+s26+$0x0 ss:$0x1], $0xffff;
	v28 =	vadd.f32 v33, v28;
	v34 =	vmul.f32 v34, v34;
	v30 =	vmul.f32 v52, v30  }
0xcf: {  	v61 =	vmul.f32 v56, v35;
	v26 =	vadd.f32 v29, v26;
	v27 =	vmul.f32 v27, v27  }
0xd0: {  	v31 =	vmul.f32 v57, v59;
	v28 =	vadd.f32 v34, v28;
	v30 =	vmul.f32 v30, v30  }
0xd1: {  	v29 =	vmul.f32 v61, v61;
	v26 =	vadd.f32 v27, v26;
	v27 =	vmul.f32 v58, v58  }
0xd2: {  	p0 =	sne.s32 s22, $0xF00;
	v62 =	vmul.f32 v31, v31;
	v28 =	vadd.f32 v30, v28  }
.Ltmp0:
0xd3: {  	v63 =	vmul.f32 v60, v60;
	v27 =	vadd.f32 v27, v32;
	v26 =	vadd.f32 v29, v26;
	(pc) =	sbr.rel @p0 .LBB3_3-.Ltmp0, $4  }
0xd4: {  	v28 =	vadd.f32 v62, v28  }
0xd5: {  	v27 =	vadd.f32 v63, v27;
	[tilespmem:s23+$0x0] =	vst v26  }
0xd6: {  	s22 =	sadd.s32 $0x100, s22;
	[tilespmem:s24+$0x0] =	vst v28  }
0xd7: {  	s23 =	sadd.s32 $0x10, s23;
	s24 =	sadd.s32 $0x10, s24;
	[tilespmem:s25+$0x0] =	vst v27;
	s25 =	sadd.s32 $0x10, s25  }
0xd8: {  	_ =	sdelay $0x3  }
0xd9: {  	v17 =	vld.idx.msk [tilespmem:v0+s29+$0x0], $0xffff  }
0xda: {  	v18 =	vld.idx.msk [tilespmem:v1+s29+$0x0], $0xffff;
	_ =	sdelay $0x1  }
0xdb: {  	v19 =	vld.idx.msk [tilespmem:v2+s29+$0x0], $0xffff;
	_ =	sdelay $0x1  }
0xdc: {  	v20 =	vld.idx.msk [tilespmem:v3+s29+$0x0], $0xffff  }
0xdd: {  	v17 =	vadd.f32 v18, v17  }
0xde: {  	v18 =	vld.idx.msk [tilespmem:v4+s29+$0x0], $0xffff  }
0xdf: {  	v17 =	vadd.f32 v19, v17  }
0xe0: {  	v19 =	vld.idx.msk [tilespmem:v5+s29+$0x0], $0xffff  }
0xe1: {  	v17 =	vadd.f32 v20, v17  }
0xe2: {  	v50 =	vld.idx.msk [tilespmem:v6+s29+$0x0], $0xffff  }
0xe3: {  	v17 =	vadd.f32 v18, v17  }
0xe4: {  	v18 =	vld.idx.msk [tilespmem:v7+s29+$0x0], $0xffff  }
0xe5: {  	v17 =	vadd.f32 v19, v17  }
0xe6: {  	v19 =	vld.idx.msk [tilespmem:v8+s29+$0x0], $0xffff  }
0xe7: {  	v17 =	vadd.f32 v50, v17  }
0xe8: {  	v51 =	vld.idx.msk [tilespmem:v9+s29+$0x0], $0xffff  }
0xe9: {  	v17 =	vadd.f32 v18, v17  }
0xea: {  	v18 =	vld.idx.msk [tilespmem:v10+s29+$0x0], $0xffff  }
0xeb: {  	v17 =	vadd.f32 v19, v17  }
0xec: {  	v19 =	vld.idx.msk [tilespmem:v11+s29+$0x0], $0xffff  }
0xed: {  	v17 =	vadd.f32 v51, v17  }
0xee: {  	v52 =	vld.idx.msk [tilespmem:v12+s29+$0x0], $0xffff  }
0xef: {  	v17 =	vadd.f32 v18, v17  }
0xf0: {  	v18 =	vld.idx.msk [tilespmem:v13+s29+$0x0], $0xffff  }
0xf1: {  	v17 =	vadd.f32 v19, v17  }
0xf2: {  	v19 =	vld.idx.msk [tilespmem:v14+s29+$0x0], $0xffff  }
0xf3: {  	v17 =	vadd.f32 v52, v17  }
0xf4: {  	v53 =	vld.idx.msk [tilespmem:v15+s29+$0x0], $0xffff  }
0xf5: {  	v17 =	vadd.f32 v18, v17;
	_ =	sdelay $0x1  }
0xf6: {  	v17 =	vadd.f32 v19, v17;
	_ =	sdelay $0x1  }
0xf7: {  	v17 =	vadd.f32 v53, v17  }
0xf8: {  	s22 =	sshll.u32 s21, $0x4  }
0xf9: {  	[tilespmem:s22+$0x133A0] =	vst v17  }
0xfa: {  	v17 =	vld.idx.msk [tilespmem:v0+s30+$0x0], $0xffff  }
0xfb: {  	v18 =	vld.idx.msk [tilespmem:v1+s30+$0x0], $0xffff;
	_ =	sdelay $0x1  }
0xfc: {  	v19 =	vld.idx.msk [tilespmem:v2+s30+$0x0], $0xffff;
	_ =	sdelay $0x1  }
0xfd: {  	v54 =	vld.idx.msk [tilespmem:v3+s30+$0x0], $0xffff  }
0xfe: {  	v17 =	vadd.f32 v18, v17  }
0xff: {  	v18 =	vld.idx.msk [tilespmem:v4+s30+$0x0], $0xffff  }
0x100: {  	v17 =	vadd.f32 v19, v17  }
0x101: {  	v19 =	vld.idx.msk [tilespmem:v5+s30+$0x0], $0xffff  }
0x102: {  	v17 =	vadd.f32 v54, v17  }
0x103: {  	v55 =	vld.idx.msk [tilespmem:v6+s30+$0x0], $0xffff  }
0x104: {  	v17 =	vadd.f32 v18, v17  }
0x105: {  	v18 =	vld.idx.msk [tilespmem:v7+s30+$0x0], $0xffff  }
0x106: {  	v17 =	vadd.f32 v19, v17  }
0x107: {  	v19 =	vld.idx.msk [tilespmem:v8+s30+$0x0], $0xffff  }
0x108: {  	v17 =	vadd.f32 v55, v17  }
0x109: {  	v56 =	vld.idx.msk [tilespmem:v9+s30+$0x0], $0xffff  }
0x10a: {  	v17 =	vadd.f32 v18, v17  }
0x10b: {  	v18 =	vld.idx.msk [tilespmem:v10+s30+$0x0], $0xffff  }
0x10c: {  	v17 =	vadd.f32 v19, v17  }
0x10d: {  	v19 =	vld.idx.msk [tilespmem:v11+s30+$0x0], $0xffff  }
0x10e: {  	v17 =	vadd.f32 v56, v17  }
0x10f: {  	v57 =	vld.idx.msk [tilespmem:v12+s30+$0x0], $0xffff  }
0x110: {  	v17 =	vadd.f32 v18, v17  }
0x111: {  	v18 =	vld.idx.msk [tilespmem:v13+s30+$0x0], $0xffff  }
0x112: {  	v17 =	vadd.f32 v19, v17  }
0x113: {  	v19 =	vld.idx.msk [tilespmem:v14+s30+$0x0], $0xffff  }
0x114: {  	v17 =	vadd.f32 v57, v17  }
0x115: {  	v58 =	vld.idx.msk [tilespmem:v15+s30+$0x0], $0xffff  }
0x116: {  	v17 =	vadd.f32 v18, v17;
	_ =	sdelay $0x1  }
0x117: {  	v17 =	vadd.f32 v19, v17;
	_ =	sdelay $0x1  }
0x118: {  	v17 =	vadd.f32 v58, v17;
	_ =	sdelay $0x1  }
0x119: {  	v17 =	vsub.f32 v16, v17;
	_ =	sdelay $0x1  }
0x11a: {  	v17 =	vmax.f32 v17, $0.0e+00  }
0x11b: {  	[tilespmem:s22+$0x135A0] =	vst v17  }
0x11c: {  	v17 =	vld.idx.msk [tilespmem:v0+s31+$0x0], $0xffff  }
0x11d: {  	v18 =	vld.idx.msk [tilespmem:v1+s31+$0x0], $0xffff;
	_ =	sdelay $0x1  }
0x11e: {  	v19 =	vld.idx.msk [tilespmem:v2+s31+$0x0], $0xffff;
	_ =	sdelay $0x1  }
0x11f: {  	v59 =	vld.idx.msk [tilespmem:v3+s31+$0x0], $0xffff  }
0x120: {  	v17 =	vadd.f32 v18, v17  }
0x121: {  	v18 =	vld.idx.msk [tilespmem:v4+s31+$0x0], $0xffff  }
0x122: {  	v17 =	vadd.f32 v19, v17  }
0x123: {  	v19 =	vld.idx.msk [tilespmem:v5+s31+$0x0], $0xffff  }
0x124: {  	v17 =	vadd.f32 v59, v17  }
0x125: {  	v60 =	vld.idx.msk [tilespmem:v6+s31+$0x0], $0xffff  }
0x126: {  	v17 =	vadd.f32 v18, v17  }
0x127: {  	v18 =	vld.idx.msk [tilespmem:v7+s31+$0x0], $0xffff  }
0x128: {  	v17 =	vadd.f32 v19, v17  }
0x129: {  	v19 =	vld.idx.msk [tilespmem:v8+s31+$0x0], $0xffff  }
0x12a: {  	v17 =	vadd.f32 v60, v17  }
0x12b: {  	v61 =	vld.idx.msk [tilespmem:v9+s31+$0x0], $0xffff  }
0x12c: {  	v17 =	vadd.f32 v18, v17  }
0x12d: {  	v18 =	vld.idx.msk [tilespmem:v10+s31+$0x0], $0xffff  }
0x12e: {  	v17 =	vadd.f32 v19, v17  }
0x12f: {  	v19 =	vld.idx.msk [tilespmem:v11+s31+$0x0], $0xffff  }
0x130: {  	v17 =	vadd.f32 v61, v17  }
0x131: {  	v62 =	vld.idx.msk [tilespmem:v12+s31+$0x0], $0xffff  }
0x132: {  	v17 =	vadd.f32 v18, v17  }
0x133: {  	v18 =	vld.idx.msk [tilespmem:v13+s31+$0x0], $0xffff  }
0x134: {  	v17 =	vadd.f32 v19, v17  }
0x135: {  	v19 =	vld.idx.msk [tilespmem:v14+s31+$0x0], $0xffff  }
0x136: {  	v17 =	vadd.f32 v62, v17  }
0x137: {  	v63 =	vld.idx.msk [tilespmem:v15+s31+$0x0], $0xffff  }
0x138: {  	v17 =	vadd.f32 v18, v17;
	_ =	sdelay $0x1  }
0x139: {  	v17 =	vadd.f32 v19, v17;
	_ =	sdelay $0x1  }
0x13a: {  	s21 =	sadd.s32 $0x1, s21;
	v17 =	vadd.f32 v63, v17  }
0x13b: {  	p0 =	sne.s32 s21, $0x8  }
.Ltmp1:
0x13c: {  	v17 =	vadd.f32 $-1.000000000e+00, v17;
	(pc) =	sbr.rel @p0 .LBB3_2-.Ltmp1, $4  }
0x13d: {  	_ = 	snop  }
0x13e: {  	s3 =	sadd.s32 $0x400, s3;
	s4 =	sadd.s32 $0x400, s4;
	s5 =	sadd.s32 $0x400, s5;
	v17 =	vmul.f32 v17, v17  }
0x13f: {  	s9 =	sadd.s32 $0x400, s9;
	s20 =	sadd.s32 $0x400, s20;
	s0 =	sadd.s32 $0x400, s0  }
0x140: {  	s17 =	sadd.s32 $0x400, s17;
	s18 =	sadd.s32 $0x400, s18;
	s19 =	sadd.s32 $0x400, s19;
	[tilespmem:s22+$0x137A0] =	vst v17  }
0x141: {  	s3 =	simm.s32 $0x0;
	s0 =	rddreg [dreg:$0xe]  }
0x142: {  	[tilespmem:s3], [sflag:$0x2] =	stream.linear.gather [hbm4b:s0+s3], $0x80, $0x38;
	[tilespmem:$0x13CF0] =	vst v63  }
0x143: {  	_ =	swait.ge [sflag:s10], $0x80  }
0x144: {  	[sflag:s10] =	ssyncset.done $0x0  }
0x145: {  	s25 =	rddreg [dreg:$0xf];
	[sflag:s10] =	ssyncadd.s32 $0xFFFFFF80  }
0x146: {  	[tilespmem:s11], [sflag:$0x2] =	stream.linear.gather [hbm4b:s25+s3], $0x80, $0x38;
	[tilespmem:$0x13CF0] =	vst v63  }
0x147: {  	_ =	swait.ge [sflag:s10], $0x80  }
0x148: {  	[sflag:s10] =	ssyncset.done $0x0  }
0x149: {  	s26 =	rddreg [dreg:$0x10];
	[sflag:s10] =	ssyncadd.s32 $0xFFFFFF80  }
0x14a: {  	[tilespmem:s12], [sflag:$0x2] =	stream.linear.gather [hbm4b:s26+s3], $0x80, $0x38;
	[tilespmem:$0x13CF0] =	vst v63  }
0x14b: {  	_ =	swait.ge [sflag:s10], $0x80  }
0x14c: {  	[sflag:s10] =	ssyncset.done $0x0  }
0x14d: {  	s4 =	rddreg [dreg:$0x11];
	[sflag:s10] =	ssyncadd.s32 $0xFFFFFF80  }
0x14e: {  	[tilespmem:s13], [sflag:$0x2] =	stream.linear.gather [hbm4b:s4+s3], $0x80, $0x38;
	[tilespmem:$0x13CF0] =	vst v63  }
0x14f: {  	_ =	swait.ge [sflag:s10], $0x80  }
0x150: {  	[sflag:s10] =	ssyncset.done $0x0  }
0x151: {  	s5 =	rddreg [dreg:$0x12];
	[sflag:s10] =	ssyncadd.s32 $0xFFFFFF80  }
0x152: {  	[tilespmem:s14], [sflag:$0x2] =	stream.linear.gather [hbm4b:s5+s3], $0x80, $0x38;
	[tilespmem:$0x13CF0] =	vst v63  }
0x153: {  	_ =	swait.ge [sflag:s10], $0x80  }
0x154: {  	[sflag:s10] =	ssyncset.done $0x0  }
0x155: {  	s9 =	rddreg [dreg:$0x13];
	[sflag:s10] =	ssyncadd.s32 $0xFFFFFF80  }
0x156: {  	[tilespmem:s15], [sflag:$0x2] =	stream.linear.gather [hbm4b:s9+s3], $0x80, $0x38;
	[tilespmem:$0x13CF0] =	vst v63  }
0x157: {  	_ =	swait.ge [sflag:s10], $0x80  }
0x158: {  	[sflag:s10] =	ssyncset.done $0x0  }
0x159: {  	s17 =	rddreg [dreg:$0x14];
	[sflag:s10] =	ssyncadd.s32 $0xFFFFFF80  }
0x15a: {  	[tilespmem:s16], [sflag:$0x2] =	stream.linear.gather [hbm4b:s17+s3], $0x80, $0x38;
	[tilespmem:$0x13CF0] =	vst v63  }
0x15b: {  	_ =	swait.ge [sflag:s10], $0x80  }
0x15c: {  	[sflag:s10] =	ssyncset.done $0x0  }
0x15d: {  	s18 =	simm.s32 $0x3A0;
	[sflag:s10] =	ssyncadd.s32 $0xFFFFFF80  }
0x15e: {  	[tilespmem:s18], [sflag:$0x1] =	stream.indirect.gather [hbm4b:s6+s11], $0x40, s3, s11, $0xb8;
	[tilespmem:$0x13CF0] =	vst v63  }
0x15f: {  	s19 =	simm.s32 $0x23A0  }
0x160: {  	[tilespmem:s19], [sflag:$0x1] =	stream.indirect.gather [hbm4b:s6+s11], $0x40, s11, s11, $0xb8;
	[tilespmem:$0x13CF0] =	vst v63  }
0x161: {  	s20 =	simm.s32 $0x43A0  }
0x162: {  	[tilespmem:s20], [sflag:$0x1] =	stream.indirect.gather [hbm4b:s7+s11], $0x40, s12, s11, $0xb8;
	[tilespmem:$0x13CF0] =	vst v63  }
0x163: {  	s21 =	simm.s32 $0x63A0  }
0x164: {  	[tilespmem:s21], [sflag:$0x1] =	stream.indirect.gather [hbm4b:s8+s11], $0x40, s12, s11, $0xb8;
	[tilespmem:$0x13CF0] =	vst v63  }
0x165: {  	s22 =	simm.s32 $0x83A0  }
0x166: {  	[tilespmem:s22], [sflag:$0x1] =	stream.indirect.gather [hbm4b:s6+s11], $0x40, s13, s11, $0xb8;
	[tilespmem:$0x13CF0] =	vst v63  }
0x167: {  	s23 =	simm.s32 $0xA3A0  }
0x168: {  	[tilespmem:s23], [sflag:$0x1] =	stream.indirect.gather [hbm4b:s6+s11], $0x40, s14, s11, $0xb8;
	[tilespmem:$0x13CF0] =	vst v63  }
0x169: {  	s24 =	simm.s32 $0xC3A0  }
0x16a: {  	[tilespmem:s24], [sflag:$0x1] =	stream.indirect.gather [hbm4b:s7+s11], $0x40, s15, s11, $0xb8;
	[tilespmem:$0x13CF0] =	vst v63  }
0x16b: {  	s25 =	simm.s32 $0xE3A0  }
0x16c: {  	[tilespmem:s25], [sflag:$0x1] =	stream.indirect.gather [hbm4b:s8+s11], $0x40, s15, s11, $0xb8;
	[tilespmem:$0x13CF0] =	vst v63  }
0x16d: {  	s26 =	simm.s32 $0x103A0  }
0x16e: {  	[tilespmem:s26], [sflag:$0x1] =	stream.indirect.gather [hbm4b:s6+s11], $0x40, s16, s11, $0xb8;
	[tilespmem:$0x13CF0] =	vst v63  }
0x16f: {  	_ =	swait.ge [sflag:s28], $0x2000  }
0x170: {  	[sflag:s28] =	ssyncset.done $0x0  }
0x171: {  	[sflag:s28] =	ssyncadd.s32 $0xFFFFE000  }
0x172: {  	_ =	swait.ge [sflag:s28], $0x2000  }
0x173: {  	[sflag:s28] =	ssyncset.done $0x0  }
0x174: {  	[sflag:s28] =	ssyncadd.s32 $0xFFFFE000  }
0x175: {  	_ =	swait.ge [sflag:s28], $0x2000  }
0x176: {  	[sflag:s28] =	ssyncset.done $0x0  }
0x177: {  	[sflag:s28] =	ssyncadd.s32 $0xFFFFE000  }
0x178: {  	_ =	swait.ge [sflag:s28], $0x2000  }
0x179: {  	[sflag:s28] =	ssyncset.done $0x0  }
0x17a: {  	[sflag:s28] =	ssyncadd.s32 $0xFFFFE000  }
0x17b: {  	_ =	swait.ge [sflag:s28], $0x2000  }
0x17c: {  	[sflag:s28] =	ssyncset.done $0x0  }
0x17d: {  	[sflag:s28] =	ssyncadd.s32 $0xFFFFE000  }
0x17e: {  	_ =	swait.ge [sflag:s28], $0x2000  }
0x17f: {  	[sflag:s28] =	ssyncset.done $0x0  }
0x180: {  	[sflag:s28] =	ssyncadd.s32 $0xFFFFE000  }
0x181: {  	_ =	swait.ge [sflag:s28], $0x2000  }
0x182: {  	[sflag:s28] =	ssyncset.done $0x0  }
0x183: {  	[sflag:s28] =	ssyncadd.s32 $0xFFFFE000  }
0x184: {  	_ =	swait.ge [sflag:s28], $0x2000  }
0x185: {  	s0 =	simm.s32 $0xC3D0;
	[sflag:s28] =	ssyncset.done $0x0  }
0x186: {  	s4 =	simm.s32 $0x43C0;
	s5 =	simm.s32 $0x3D0;
	[sflag:s28] =	ssyncadd.s32 $0xFFFFE000  }
0x187: {  	s9 =	simm.s32 $0x63D0;
	s17 =	simm.s32 $0x83D0;
	_ =	swait.ge [sflag:s28], $0x2000  }
0x188: {  	s18 =	simm.s32 $0xE3D0;
	s19 =	simm.s32 $0xA3D0;
	[sflag:s28] =	ssyncset.done $0x0  }
0x189: {  	s20 =	simm.s32 $0x23D0;
	s21 =	simm.s32 $0x103D0;
	[sflag:s28] =	ssyncadd.s32 $0xFFFFE000  }
.LBB3_6:
0x18a: {  	v17 =	vmov s4  }
0x18b: {  	v18 =	vmov s5;
	v19 =	vmov s9  }
0x18c: {  	s22 =	simm.s32 $0x139E0;
	v20 =	vmov s20;
	v21 =	vmov s0;
	v22 =	vmov s17  }
0x18d: {  	s23 =	simm.s32 $0x13AE0;
	s24 =	simm.s32 $0x13BE0;
	v23 =	vmov s18;
	v24 =	vmov s19;
	v25 =	vmov s21;
	s25 =	simm.s32 $0x0  }
.LBB3_7:
0x18e: {  	s26 =	sshra.s32 s25, $0x2  }
0x18f: {  	v26 =	vld.idx.msk [tilespmem:v17+s26+$0xFFFFFFE0 ss:$0x1], $0xffff  }
0x190: {  	v27 =	vld.idx.msk [tilespmem:v18+s26+$0xFFFFFFD0 ss:$0x1], $0xffff  }
0x191: {  	v28 =	vld.idx.msk [tilespmem:v19+s26+$0xFFFFFFD0 ss:$0x1], $0xffff  }
0x192: {  	v29 =	vld.idx.msk [tilespmem:v20+s26+$0xFFFFFFD0 ss:$0x1], $0xffff  }
0x193: {  	v30 =	vld.idx.msk [tilespmem:v21+s26+$0xFFFFFFD0 ss:$0x1], $0xffff  }
0x194: {  	v31 =	vld.idx.msk [tilespmem:v22+s26+$0xFFFFFFD0 ss:$0x1], $0xffff  }
0x195: {  	v32 =	vld.idx.msk [tilespmem:v23+s26+$0xFFFFFFD0 ss:$0x1], $0xffff  }
0x196: {  	v33 =	vld.idx.msk [tilespmem:v24+s26+$0xFFFFFFD0 ss:$0x1], $0xffff  }
0x197: {  	v34 =	vld.idx.msk [tilespmem:v25+s26+$0xFFFFFFD0 ss:$0x1], $0xffff  }
0x198: {  	v35 =	vld.idx.msk [tilespmem:v17+s26+$0xFFFFFFF0 ss:$0x1], $0xffff  }
0x199: {  	v36 =	vld.idx.msk [tilespmem:v18+s26+$0xFFFFFFE0 ss:$0x1], $0xffff  }
0x19a: {  	v37 =	vld.idx.msk [tilespmem:v19+s26+$0xFFFFFFE0 ss:$0x1], $0xffff  }
0x19b: {  	v38 =	vld.idx.msk [tilespmem:v20+s26+$0xFFFFFFE0 ss:$0x1], $0xffff  }
0x19c: {  	v39 =	vld.idx.msk [tilespmem:v21+s26+$0xFFFFFFE0 ss:$0x1], $0xffff  }
0x19d: {  	v40 =	vld.idx.msk [tilespmem:v22+s26+$0xFFFFFFE0 ss:$0x1], $0xffff  }
0x19e: {  	v41 =	vld.idx.msk [tilespmem:v23+s26+$0xFFFFFFE0 ss:$0x1], $0xffff  }
0x19f: {  	v42 =	vld.idx.msk [tilespmem:v24+s26+$0xFFFFFFE0 ss:$0x1], $0xffff  }
0x1a0: {  	v43 =	vld.idx.msk [tilespmem:v25+s26+$0xFFFFFFE0 ss:$0x1], $0xffff  }
0x1a1: {  	v52 =	vld.idx.msk [tilespmem:v18+s26+$0xFFFFFFF0 ss:$0x1], $0xffff;
	v26 =	vsub.f32 $1.000000000e+00, v26  }
0x1a2: {  	v54 =	vld.idx.msk [tilespmem:v21+s26+$0xFFFFFFF0 ss:$0x1], $0xffff;
	v28 =	vsub.f32 $1.000000000e+00, v28;
	v51 =	vsub.f32 $1.000000000e+00, v30  }
0x1a3: {  	v50 =	vld.idx.msk [tilespmem:v21+s26+$0x0 ss:$0x1], $0xffff;
	v32 =	vsub.f32 $1.000000000e+00, v32;
	v53 =	vsub.f32 $1.000000000e+00, v35  }
0x1a4: {  	v48 =	vld.idx.msk [tilespmem:v19+s26+$0x0 ss:$0x1], $0xffff;
	v56 =	vsub.f32 $1.000000000e+00, v39;
	v34 =	vmul.f32 v34, v34;
	v26 =	vmul.f32 v27, v26  }
0x1a5: {  	v58 =	vsub.f32 $1.000000000e+00, v37;
	v27 =	vld.idx.msk [tilespmem:v17+s26+$0x0 ss:$0x1], $0xffff;
	v28 =	vmul.f32 v29, v28;
	v29 =	vmul.f32 v31, v51  }
0x1a6: {  	v44 =	vld.idx.msk [tilespmem:v19+s26+$0xFFFFFFF0 ss:$0x1], $0xffff;
	v60 =	vsub.f32 $1.000000000e+00, v41;
	v32 =	vmul.f32 v33, v32;
	v33 =	vmul.f32 v36, v53  }
0x1a7: {  	v57 =	vld.idx.msk [tilespmem:v22+s26+$0xFFFFFFF0 ss:$0x1], $0xffff;
	v47 =	vsub.f32 $1.000000000e+00, v54;
	v62 =	vmul.f32 v38, v58;
	v26 =	vmul.f32 v26, v26  }
0x1a8: {  	v59 =	vld.idx.msk [tilespmem:v23+s26+$0xFFFFFFF0 ss:$0x1], $0xffff;
	v30 =	vsub.f32 $1.000000000e+00, v50;
	v28 =	vmul.f32 v28, v28;
	v55 =	vmul.f32 v29, v29  }
0x1a9: {  	v61 =	vld.idx.msk [tilespmem:v24+s26+$0xFFFFFFF0 ss:$0x1], $0xffff;
	v35 =	vsub.f32 $1.000000000e+00, v48;
	v32 =	vmul.f32 v32, v32;
	v29 =	vmul.f32 v40, v56  }
0x1aa: {  	v63 =	vld.idx.msk [tilespmem:v17+s26+$0x10 ss:$0x1], $0xffff;
	v33 =	vmul.f32 v33, v33;
	v26 =	vadd.f32 v28, v26;
	v27 =	vsub.f32 $1.000000000e+00, v27  }
0x1ab: {  	v31 =	vld.idx.msk [tilespmem:v20+s26+$0xFFFFFFF0 ss:$0x1], $0xffff;
	v45 =	vmul.f32 v42, v60;
	v28 =	vadd.f32 v32, v55;
	v29 =	vmul.f32 v29, v29  }
0x1ac: {  	v46 =	vld.idx.msk [tilespmem:v18+s26+$0x0 ss:$0x1], $0xffff;
	v32 =	vmul.f32 v62, v62;
	v26 =	vadd.f32 v33, v26;
	v27 =	vmul.f32 v52, v27  }
0x1ad: {  	v54 =	vld.idx.msk [tilespmem:v23+s26+$0x0 ss:$0x1], $0xffff;
	v51 =	vmul.f32 v43, v43;
	v49 =	vmul.f32 v45, v45;
	v28 =	vadd.f32 v29, v28  }
0x1ae: {  	v53 =	vsub.f32 $1.000000000e+00, v44;
	v52 =	vld.idx.msk [tilespmem:v22+s26+$0x0 ss:$0x1], $0xffff;
	v26 =	vadd.f32 v32, v26;
	v27 =	vmul.f32 v27, v27  }
0x1af: {  	v56 =	vld.idx.msk [tilespmem:v20+s26+$0x0 ss:$0x1], $0xffff;
	v55 =	vsub.f32 $1.000000000e+00, v59;
	v33 =	vmul.f32 v57, v47;
	v28 =	vadd.f32 v49, v28  }
0x1b0: {  	v29 =	vmul.f32 v31, v53;
	v57 =	vld.idx.msk [tilespmem:v24+s26+$0x0 ss:$0x1], $0xffff;
	v26 =	vadd.f32 v27, v26;
	v27 =	vsub.f32 $1.000000000e+00, v63  }
0x1b1: {  	v58 =	vld.idx.msk [tilespmem:v25+s26+$0xFFFFFFF0 ss:$0x1], $0xffff;
	v32 =	vadd.f32 v51, v34;
	v33 =	vmul.f32 v33, v33;
	v34 =	vmul.f32 v61, v55  }
0x1b2: {  	v59 =	vsub.f32 $1.000000000e+00, v54;
	v29 =	vmul.f32 v29, v29;
	v27 =	vmul.f32 v46, v27  }
0x1b3: {  	v60 =	vld.idx.msk [tilespmem:v25+s26+$0x0 ss:$0x1], $0xffff;
	v28 =	vadd.f32 v33, v28;
	v34 =	vmul.f32 v34, v34;
	v30 =	vmul.f32 v52, v30  }
0x1b4: {  	v61 =	vmul.f32 v56, v35;
	v26 =	vadd.f32 v29, v26;
	v27 =	vmul.f32 v27, v27  }
0x1b5: {  	v31 =	vmul.f32 v57, v59;
	v28 =	vadd.f32 v34, v28;
	v30 =	vmul.f32 v30, v30  }
0x1b6: {  	v29 =	vmul.f32 v61, v61;
	v26 =	vadd.f32 v27, v26;
	v27 =	vmul.f32 v58, v58  }
0x1b7: {  	p0 =	sne.s32 s25, $0xF00;
	v62 =	vmul.f32 v31, v31;
	v28 =	vadd.f32 v30, v28  }
.Ltmp2:
0x1b8: {  	v63 =	vmul.f32 v60, v60;
	v27 =	vadd.f32 v27, v32;
	v26 =	vadd.f32 v29, v26;
	(pc) =	sbr.rel @p0 .LBB3_7-.Ltmp2, $4  }
0x1b9: {  	v28 =	vadd.f32 v62, v28  }
0x1ba: {  	v27 =	vadd.f32 v63, v27;
	[tilespmem:s22+$0x0] =	vst v26  }
0x1bb: {  	s25 =	sadd.s32 $0x100, s25;
	[tilespmem:s23+$0x0] =	vst v28  }
0x1bc: {  	s22 =	sadd.s32 $0x10, s22;
	s23 =	sadd.s32 $0x10, s23;
	[tilespmem:s24+$0x0] =	vst v27;
	s24 =	sadd.s32 $0x10, s24  }
0x1bd: {  	_ =	sdelay $0x3  }
0x1be: {  	v17 =	vld.idx.msk [tilespmem:v0+s29+$0x0], $0xffff  }
0x1bf: {  	v18 =	vld.idx.msk [tilespmem:v1+s29+$0x0], $0xffff;
	_ =	sdelay $0x1  }
0x1c0: {  	v19 =	vld.idx.msk [tilespmem:v2+s29+$0x0], $0xffff;
	_ =	sdelay $0x1  }
0x1c1: {  	v20 =	vld.idx.msk [tilespmem:v3+s29+$0x0], $0xffff  }
0x1c2: {  	v17 =	vadd.f32 v18, v17  }
0x1c3: {  	v18 =	vld.idx.msk [tilespmem:v4+s29+$0x0], $0xffff  }
0x1c4: {  	v17 =	vadd.f32 v19, v17  }
0x1c5: {  	v19 =	vld.idx.msk [tilespmem:v5+s29+$0x0], $0xffff  }
0x1c6: {  	v17 =	vadd.f32 v20, v17  }
0x1c7: {  	v50 =	vld.idx.msk [tilespmem:v6+s29+$0x0], $0xffff  }
0x1c8: {  	v17 =	vadd.f32 v18, v17  }
0x1c9: {  	v18 =	vld.idx.msk [tilespmem:v7+s29+$0x0], $0xffff  }
0x1ca: {  	v17 =	vadd.f32 v19, v17  }
0x1cb: {  	v19 =	vld.idx.msk [tilespmem:v8+s29+$0x0], $0xffff  }
0x1cc: {  	v17 =	vadd.f32 v50, v17  }
0x1cd: {  	v51 =	vld.idx.msk [tilespmem:v9+s29+$0x0], $0xffff  }
0x1ce: {  	v17 =	vadd.f32 v18, v17  }
0x1cf: {  	v18 =	vld.idx.msk [tilespmem:v10+s29+$0x0], $0xffff  }
0x1d0: {  	v17 =	vadd.f32 v19, v17  }
0x1d1: {  	v19 =	vld.idx.msk [tilespmem:v11+s29+$0x0], $0xffff  }
0x1d2: {  	v17 =	vadd.f32 v51, v17  }
0x1d3: {  	v52 =	vld.idx.msk [tilespmem:v12+s29+$0x0], $0xffff  }
0x1d4: {  	v17 =	vadd.f32 v18, v17  }
0x1d5: {  	v18 =	vld.idx.msk [tilespmem:v13+s29+$0x0], $0xffff  }
0x1d6: {  	v17 =	vadd.f32 v19, v17  }
0x1d7: {  	v19 =	vld.idx.msk [tilespmem:v14+s29+$0x0], $0xffff  }
0x1d8: {  	v17 =	vadd.f32 v52, v17  }
0x1d9: {  	v53 =	vld.idx.msk [tilespmem:v15+s29+$0x0], $0xffff  }
0x1da: {  	v17 =	vadd.f32 v18, v17;
	_ =	sdelay $0x1  }
0x1db: {  	v17 =	vadd.f32 v19, v17;
	_ =	sdelay $0x1  }
0x1dc: {  	v17 =	vadd.f32 v53, v17  }
0x1dd: {  	s22 =	sshll.u32 s3, $0x4  }
0x1de: {  	[tilespmem:s22+$0x13420] =	vst v17  }
0x1df: {  	v17 =	vld.idx.msk [tilespmem:v0+s30+$0x0], $0xffff  }
0x1e0: {  	v18 =	vld.idx.msk [tilespmem:v1+s30+$0x0], $0xffff;
	_ =	sdelay $0x1  }
0x1e1: {  	v19 =	vld.idx.msk [tilespmem:v2+s30+$0x0], $0xffff;
	_ =	sdelay $0x1  }
0x1e2: {  	v54 =	vld.idx.msk [tilespmem:v3+s30+$0x0], $0xffff  }
0x1e3: {  	v17 =	vadd.f32 v18, v17  }
0x1e4: {  	v18 =	vld.idx.msk [tilespmem:v4+s30+$0x0], $0xffff  }
0x1e5: {  	v17 =	vadd.f32 v19, v17  }
0x1e6: {  	v19 =	vld.idx.msk [tilespmem:v5+s30+$0x0], $0xffff  }
0x1e7: {  	v17 =	vadd.f32 v54, v17  }
0x1e8: {  	v55 =	vld.idx.msk [tilespmem:v6+s30+$0x0], $0xffff  }
0x1e9: {  	v17 =	vadd.f32 v18, v17  }
0x1ea: {  	v18 =	vld.idx.msk [tilespmem:v7+s30+$0x0], $0xffff  }
0x1eb: {  	v17 =	vadd.f32 v19, v17  }
0x1ec: {  	v19 =	vld.idx.msk [tilespmem:v8+s30+$0x0], $0xffff  }
0x1ed: {  	v17 =	vadd.f32 v55, v17  }
0x1ee: {  	v56 =	vld.idx.msk [tilespmem:v9+s30+$0x0], $0xffff  }
0x1ef: {  	v17 =	vadd.f32 v18, v17  }
0x1f0: {  	v18 =	vld.idx.msk [tilespmem:v10+s30+$0x0], $0xffff  }
0x1f1: {  	v17 =	vadd.f32 v19, v17  }
0x1f2: {  	v19 =	vld.idx.msk [tilespmem:v11+s30+$0x0], $0xffff  }
0x1f3: {  	v17 =	vadd.f32 v56, v17  }
0x1f4: {  	v57 =	vld.idx.msk [tilespmem:v12+s30+$0x0], $0xffff  }
0x1f5: {  	v17 =	vadd.f32 v18, v17  }
0x1f6: {  	v18 =	vld.idx.msk [tilespmem:v13+s30+$0x0], $0xffff  }
0x1f7: {  	v17 =	vadd.f32 v19, v17  }
0x1f8: {  	v19 =	vld.idx.msk [tilespmem:v14+s30+$0x0], $0xffff  }
0x1f9: {  	v17 =	vadd.f32 v57, v17  }
0x1fa: {  	v58 =	vld.idx.msk [tilespmem:v15+s30+$0x0], $0xffff  }
0x1fb: {  	v17 =	vadd.f32 v18, v17;
	_ =	sdelay $0x1  }
0x1fc: {  	v17 =	vadd.f32 v19, v17;
	_ =	sdelay $0x1  }
0x1fd: {  	v17 =	vadd.f32 v58, v17;
	_ =	sdelay $0x1  }
0x1fe: {  	v17 =	vsub.f32 v16, v17;
	_ =	sdelay $0x1  }
0x1ff: {  	v17 =	vmax.f32 v17, $0.0e+00  }
0x200: {  	[tilespmem:s22+$0x13620] =	vst v17  }
0x201: {  	v17 =	vld.idx.msk [tilespmem:v0+s31+$0x0], $0xffff  }
0x202: {  	v18 =	vld.idx.msk [tilespmem:v1+s31+$0x0], $0xffff;
	_ =	sdelay $0x1  }
0x203: {  	v19 =	vld.idx.msk [tilespmem:v2+s31+$0x0], $0xffff;
	_ =	sdelay $0x1  }
0x204: {  	v59 =	vld.idx.msk [tilespmem:v3+s31+$0x0], $0xffff  }
0x205: {  	v17 =	vadd.f32 v18, v17  }
0x206: {  	v18 =	vld.idx.msk [tilespmem:v4+s31+$0x0], $0xffff  }
0x207: {  	v17 =	vadd.f32 v19, v17  }
0x208: {  	v19 =	vld.idx.msk [tilespmem:v5+s31+$0x0], $0xffff  }
0x209: {  	v17 =	vadd.f32 v59, v17  }
0x20a: {  	v60 =	vld.idx.msk [tilespmem:v6+s31+$0x0], $0xffff  }
0x20b: {  	v17 =	vadd.f32 v18, v17  }
0x20c: {  	v18 =	vld.idx.msk [tilespmem:v7+s31+$0x0], $0xffff  }
0x20d: {  	v17 =	vadd.f32 v19, v17  }
0x20e: {  	v19 =	vld.idx.msk [tilespmem:v8+s31+$0x0], $0xffff  }
0x20f: {  	v17 =	vadd.f32 v60, v17  }
0x210: {  	v61 =	vld.idx.msk [tilespmem:v9+s31+$0x0], $0xffff  }
0x211: {  	v17 =	vadd.f32 v18, v17  }
0x212: {  	v18 =	vld.idx.msk [tilespmem:v10+s31+$0x0], $0xffff  }
0x213: {  	v17 =	vadd.f32 v19, v17  }
0x214: {  	v19 =	vld.idx.msk [tilespmem:v11+s31+$0x0], $0xffff  }
0x215: {  	v17 =	vadd.f32 v61, v17  }
0x216: {  	v62 =	vld.idx.msk [tilespmem:v12+s31+$0x0], $0xffff  }
0x217: {  	v17 =	vadd.f32 v18, v17  }
0x218: {  	v18 =	vld.idx.msk [tilespmem:v13+s31+$0x0], $0xffff  }
0x219: {  	v17 =	vadd.f32 v19, v17  }
0x21a: {  	v19 =	vld.idx.msk [tilespmem:v14+s31+$0x0], $0xffff  }
0x21b: {  	v17 =	vadd.f32 v62, v17  }
0x21c: {  	v63 =	vld.idx.msk [tilespmem:v15+s31+$0x0], $0xffff  }
0x21d: {  	v17 =	vadd.f32 v18, v17;
	_ =	sdelay $0x1  }
0x21e: {  	v17 =	vadd.f32 v19, v17;
	_ =	sdelay $0x1  }
0x21f: {  	s3 =	sadd.s32 $0x1, s3;
	v17 =	vadd.f32 v63, v17  }
0x220: {  	p0 =	sne.s32 s3, $0x8  }
.Ltmp3:
0x221: {  	v17 =	vadd.f32 $-1.000000000e+00, v17;
	(pc) =	sbr.rel @p0 .LBB3_6-.Ltmp3, $4  }
0x222: {  	_ = 	snop  }
0x223: {  	s4 =	sadd.s32 $0x400, s4;
	s5 =	sadd.s32 $0x400, s5;
	s9 =	sadd.s32 $0x400, s9;
	v17 =	vmul.f32 v17, v17  }
0x224: {  	s20 =	sadd.s32 $0x400, s20;
	s0 =	sadd.s32 $0x400, s0;
	s17 =	sadd.s32 $0x400, s17  }
0x225: {  	s18 =	sadd.s32 $0x400, s18;
	s19 =	sadd.s32 $0x400, s19;
	s21 =	sadd.s32 $0x400, s21;
	[tilespmem:s22+$0x13820] =	vst v17  }
0x226: {  	s3 =	simm.s32 $0x0;
	s0 =	rddreg [dreg:$0x15]  }
0x227: {  	[tilespmem:s3], [sflag:$0x2] =	stream.linear.gather [hbm4b:s0+s3], $0x80, $0x38;
	[tilespmem:$0x13CF0] =	vst v63  }
0x228: {  	_ =	swait.ge [sflag:s10], $0x80  }
0x229: {  	[sflag:s10] =	ssyncset.done $0x0  }
0x22a: {  	s25 =	rddreg [dreg:$0x16];
	[sflag:s10] =	ssyncadd.s32 $0xFFFFFF80  }
0x22b: {  	[tilespmem:s11], [sflag:$0x2] =	stream.linear.gather [hbm4b:s25+s3], $0x80, $0x38;
	[tilespmem:$0x13CF0] =	vst v63  }
0x22c: {  	_ =	swait.ge [sflag:s10], $0x80  }
0x22d: {  	[sflag:s10] =	ssyncset.done $0x0  }
0x22e: {  	s26 =	rddreg [dreg:$0x17];
	[sflag:s10] =	ssyncadd.s32 $0xFFFFFF80  }
0x22f: {  	[tilespmem:s12], [sflag:$0x2] =	stream.linear.gather [hbm4b:s26+s3], $0x80, $0x38;
	[tilespmem:$0x13CF0] =	vst v63  }
0x230: {  	_ =	swait.ge [sflag:s10], $0x80  }
0x231: {  	[sflag:s10] =	ssyncset.done $0x0  }
0x232: {  	s4 =	rddreg [dreg:$0x18];
	[sflag:s10] =	ssyncadd.s32 $0xFFFFFF80  }
0x233: {  	[tilespmem:s13], [sflag:$0x2] =	stream.linear.gather [hbm4b:s4+s3], $0x80, $0x38;
	[tilespmem:$0x13CF0] =	vst v63  }
0x234: {  	_ =	swait.ge [sflag:s10], $0x80  }
0x235: {  	[sflag:s10] =	ssyncset.done $0x0  }
0x236: {  	s5 =	rddreg [dreg:$0x19];
	[sflag:s10] =	ssyncadd.s32 $0xFFFFFF80  }
0x237: {  	[tilespmem:s14], [sflag:$0x2] =	stream.linear.gather [hbm4b:s5+s3], $0x80, $0x38;
	[tilespmem:$0x13CF0] =	vst v63  }
0x238: {  	_ =	swait.ge [sflag:s10], $0x80  }
0x239: {  	[sflag:s10] =	ssyncset.done $0x0  }
0x23a: {  	s9 =	rddreg [dreg:$0x1a];
	[sflag:s10] =	ssyncadd.s32 $0xFFFFFF80  }
0x23b: {  	[tilespmem:s15], [sflag:$0x2] =	stream.linear.gather [hbm4b:s9+s3], $0x80, $0x38;
	[tilespmem:$0x13CF0] =	vst v63  }
0x23c: {  	_ =	swait.ge [sflag:s10], $0x80  }
0x23d: {  	[sflag:s10] =	ssyncset.done $0x0  }
0x23e: {  	s17 =	rddreg [dreg:$0x1b];
	[sflag:s10] =	ssyncadd.s32 $0xFFFFFF80  }
0x23f: {  	[tilespmem:s16], [sflag:$0x2] =	stream.linear.gather [hbm4b:s17+s3], $0x80, $0x38;
	[tilespmem:$0x13CF0] =	vst v63  }
0x240: {  	_ =	swait.ge [sflag:s10], $0x80  }
0x241: {  	[sflag:s10] =	ssyncset.done $0x0  }
0x242: {  	s18 =	simm.s32 $0x3A0;
	[sflag:s10] =	ssyncadd.s32 $0xFFFFFF80  }
0x243: {  	[tilespmem:s18], [sflag:$0x1] =	stream.indirect.gather [hbm4b:s6+s11], $0x40, s3, s11, $0xb8;
	[tilespmem:$0x13CF0] =	vst v63  }
0x244: {  	s19 =	simm.s32 $0x23A0  }
0x245: {  	[tilespmem:s19], [sflag:$0x1] =	stream.indirect.gather [hbm4b:s6+s11], $0x40, s11, s11, $0xb8;
	[tilespmem:$0x13CF0] =	vst v63  }
0x246: {  	s20 =	simm.s32 $0x43A0  }
0x247: {  	[tilespmem:s20], [sflag:$0x1] =	stream.indirect.gather [hbm4b:s7+s11], $0x40, s12, s11, $0xb8;
	[tilespmem:$0x13CF0] =	vst v63  }
0x248: {  	s21 =	simm.s32 $0x63A0  }
0x249: {  	[tilespmem:s21], [sflag:$0x1] =	stream.indirect.gather [hbm4b:s8+s11], $0x40, s12, s11, $0xb8;
	[tilespmem:$0x13CF0] =	vst v63  }
0x24a: {  	s22 =	simm.s32 $0x83A0  }
0x24b: {  	[tilespmem:s22], [sflag:$0x1] =	stream.indirect.gather [hbm4b:s6+s11], $0x40, s13, s11, $0xb8;
	[tilespmem:$0x13CF0] =	vst v63  }
0x24c: {  	s23 =	simm.s32 $0xA3A0  }
0x24d: {  	[tilespmem:s23], [sflag:$0x1] =	stream.indirect.gather [hbm4b:s6+s11], $0x40, s14, s11, $0xb8;
	[tilespmem:$0x13CF0] =	vst v63  }
0x24e: {  	s24 =	simm.s32 $0xC3A0  }
0x24f: {  	[tilespmem:s24], [sflag:$0x1] =	stream.indirect.gather [hbm4b:s7+s11], $0x40, s15, s11, $0xb8;
	[tilespmem:$0x13CF0] =	vst v63  }
0x250: {  	s25 =	simm.s32 $0xE3A0  }
0x251: {  	[tilespmem:s25], [sflag:$0x1] =	stream.indirect.gather [hbm4b:s8+s11], $0x40, s15, s11, $0xb8;
	[tilespmem:$0x13CF0] =	vst v63  }
0x252: {  	s26 =	simm.s32 $0x103A0  }
0x253: {  	[tilespmem:s26], [sflag:$0x1] =	stream.indirect.gather [hbm4b:s6+s11], $0x40, s16, s11, $0xb8;
	[tilespmem:$0x13CF0] =	vst v63  }
0x254: {  	_ =	swait.ge [sflag:s28], $0x2000  }
0x255: {  	[sflag:s28] =	ssyncset.done $0x0  }
0x256: {  	[sflag:s28] =	ssyncadd.s32 $0xFFFFE000  }
0x257: {  	_ =	swait.ge [sflag:s28], $0x2000  }
0x258: {  	[sflag:s28] =	ssyncset.done $0x0  }
0x259: {  	[sflag:s28] =	ssyncadd.s32 $0xFFFFE000  }
0x25a: {  	_ =	swait.ge [sflag:s28], $0x2000  }
0x25b: {  	[sflag:s28] =	ssyncset.done $0x0  }
0x25c: {  	[sflag:s28] =	ssyncadd.s32 $0xFFFFE000  }
0x25d: {  	_ =	swait.ge [sflag:s28], $0x2000  }
0x25e: {  	[sflag:s28] =	ssyncset.done $0x0  }
0x25f: {  	[sflag:s28] =	ssyncadd.s32 $0xFFFFE000  }
0x260: {  	_ =	swait.ge [sflag:s28], $0x2000  }
0x261: {  	[sflag:s28] =	ssyncset.done $0x0  }
0x262: {  	[sflag:s28] =	ssyncadd.s32 $0xFFFFE000  }
0x263: {  	_ =	swait.ge [sflag:s28], $0x2000  }
0x264: {  	[sflag:s28] =	ssyncset.done $0x0  }
0x265: {  	[sflag:s28] =	ssyncadd.s32 $0xFFFFE000  }
0x266: {  	_ =	swait.ge [sflag:s28], $0x2000  }
0x267: {  	[sflag:s28] =	ssyncset.done $0x0  }
0x268: {  	[sflag:s28] =	ssyncadd.s32 $0xFFFFE000  }
0x269: {  	_ =	swait.ge [sflag:s28], $0x2000  }
0x26a: {  	s0 =	simm.s32 $0xC3D0;
	[sflag:s28] =	ssyncset.done $0x0  }
0x26b: {  	s4 =	simm.s32 $0x43C0;
	s5 =	simm.s32 $0x3D0;
	[sflag:s28] =	ssyncadd.s32 $0xFFFFE000  }
0x26c: {  	s9 =	simm.s32 $0x63D0;
	s17 =	simm.s32 $0x83D0;
	_ =	swait.ge [sflag:s28], $0x2000  }
0x26d: {  	s18 =	simm.s32 $0xE3D0;
	s19 =	simm.s32 $0xA3D0;
	[sflag:s28] =	ssyncset.done $0x0  }
0x26e: {  	s20 =	simm.s32 $0x23D0;
	s21 =	simm.s32 $0x103D0;
	[sflag:s28] =	ssyncadd.s32 $0xFFFFE000  }
.LBB3_10:
0x26f: {  	v17 =	vmov s4  }
0x270: {  	v18 =	vmov s5;
	v19 =	vmov s9  }
0x271: {  	s22 =	simm.s32 $0x139E0;
	v20 =	vmov s20;
	v21 =	vmov s0;
	v22 =	vmov s17  }
0x272: {  	s23 =	simm.s32 $0x13AE0;
	s24 =	simm.s32 $0x13BE0;
	v23 =	vmov s18;
	v24 =	vmov s19;
	v25 =	vmov s21;
	s25 =	simm.s32 $0x0  }
.LBB3_11:
0x273: {  	s26 =	sshra.s32 s25, $0x2  }
0x274: {  	v26 =	vld.idx.msk [tilespmem:v17+s26+$0xFFFFFFE0 ss:$0x1], $0xffff  }
0x275: {  	v27 =	vld.idx.msk [tilespmem:v18+s26+$0xFFFFFFD0 ss:$0x1], $0xffff  }
0x276: {  	v28 =	vld.idx.msk [tilespmem:v19+s26+$0xFFFFFFD0 ss:$0x1], $0xffff  }
0x277: {  	v29 =	vld.idx.msk [tilespmem:v20+s26+$0xFFFFFFD0 ss:$0x1], $0xffff  }
0x278: {  	v30 =	vld.idx.msk [tilespmem:v21+s26+$0xFFFFFFD0 ss:$0x1], $0xffff  }
0x279: {  	v31 =	vld.idx.msk [tilespmem:v22+s26+$0xFFFFFFD0 ss:$0x1], $0xffff  }
0x27a: {  	v32 =	vld.idx.msk [tilespmem:v23+s26+$0xFFFFFFD0 ss:$0x1], $0xffff  }
0x27b: {  	v33 =	vld.idx.msk [tilespmem:v24+s26+$0xFFFFFFD0 ss:$0x1], $0xffff  }
0x27c: {  	v34 =	vld.idx.msk [tilespmem:v25+s26+$0xFFFFFFD0 ss:$0x1], $0xffff  }
0x27d: {  	v35 =	vld.idx.msk [tilespmem:v17+s26+$0xFFFFFFF0 ss:$0x1], $0xffff  }
0x27e: {  	v36 =	vld.idx.msk [tilespmem:v18+s26+$0xFFFFFFE0 ss:$0x1], $0xffff  }
0x27f: {  	v37 =	vld.idx.msk [tilespmem:v19+s26+$0xFFFFFFE0 ss:$0x1], $0xffff  }
0x280: {  	v38 =	vld.idx.msk [tilespmem:v20+s26+$0xFFFFFFE0 ss:$0x1], $0xffff  }
0x281: {  	v39 =	vld.idx.msk [tilespmem:v21+s26+$0xFFFFFFE0 ss:$0x1], $0xffff  }
0x282: {  	v40 =	vld.idx.msk [tilespmem:v22+s26+$0xFFFFFFE0 ss:$0x1], $0xffff  }
0x283: {  	v41 =	vld.idx.msk [tilespmem:v23+s26+$0xFFFFFFE0 ss:$0x1], $0xffff  }
0x284: {  	v42 =	vld.idx.msk [tilespmem:v24+s26+$0xFFFFFFE0 ss:$0x1], $0xffff  }
0x285: {  	v43 =	vld.idx.msk [tilespmem:v25+s26+$0xFFFFFFE0 ss:$0x1], $0xffff  }
0x286: {  	v52 =	vld.idx.msk [tilespmem:v18+s26+$0xFFFFFFF0 ss:$0x1], $0xffff;
	v26 =	vsub.f32 $1.000000000e+00, v26  }
0x287: {  	v54 =	vld.idx.msk [tilespmem:v21+s26+$0xFFFFFFF0 ss:$0x1], $0xffff;
	v28 =	vsub.f32 $1.000000000e+00, v28;
	v51 =	vsub.f32 $1.000000000e+00, v30  }
0x288: {  	v50 =	vld.idx.msk [tilespmem:v21+s26+$0x0 ss:$0x1], $0xffff;
	v32 =	vsub.f32 $1.000000000e+00, v32;
	v53 =	vsub.f32 $1.000000000e+00, v35  }
0x289: {  	v48 =	vld.idx.msk [tilespmem:v19+s26+$0x0 ss:$0x1], $0xffff;
	v56 =	vsub.f32 $1.000000000e+00, v39;
	v34 =	vmul.f32 v34, v34;
	v26 =	vmul.f32 v27, v26  }
0x28a: {  	v58 =	vsub.f32 $1.000000000e+00, v37;
	v27 =	vld.idx.msk [tilespmem:v17+s26+$0x0 ss:$0x1], $0xffff;
	v28 =	vmul.f32 v29, v28;
	v29 =	vmul.f32 v31, v51  }
0x28b: {  	v44 =	vld.idx.msk [tilespmem:v19+s26+$0xFFFFFFF0 ss:$0x1], $0xffff;
	v60 =	vsub.f32 $1.000000000e+00, v41;
	v32 =	vmul.f32 v33, v32;
	v33 =	vmul.f32 v36, v53  }
0x28c: {  	v57 =	vld.idx.msk [tilespmem:v22+s26+$0xFFFFFFF0 ss:$0x1], $0xffff;
	v47 =	vsub.f32 $1.000000000e+00, v54;
	v62 =	vmul.f32 v38, v58;
	v26 =	vmul.f32 v26, v26  }
0x28d: {  	v59 =	vld.idx.msk [tilespmem:v23+s26+$0xFFFFFFF0 ss:$0x1], $0xffff;
	v30 =	vsub.f32 $1.000000000e+00, v50;
	v28 =	vmul.f32 v28, v28;
	v55 =	vmul.f32 v29, v29  }
0x28e: {  	v61 =	vld.idx.msk [tilespmem:v24+s26+$0xFFFFFFF0 ss:$0x1], $0xffff;
	v35 =	vsub.f32 $1.000000000e+00, v48;
	v32 =	vmul.f32 v32, v32;
	v29 =	vmul.f32 v40, v56  }
0x28f: {  	v63 =	vld.idx.msk [tilespmem:v17+s26+$0x10 ss:$0x1], $0xffff;
	v33 =	vmul.f32 v33, v33;
	v26 =	vadd.f32 v28, v26;
	v27 =	vsub.f32 $1.000000000e+00, v27  }
0x290: {  	v31 =	vld.idx.msk [tilespmem:v20+s26+$0xFFFFFFF0 ss:$0x1], $0xffff;
	v45 =	vmul.f32 v42, v60;
	v28 =	vadd.f32 v32, v55;
	v29 =	vmul.f32 v29, v29  }
0x291: {  	v46 =	vld.idx.msk [tilespmem:v18+s26+$0x0 ss:$0x1], $0xffff;
	v32 =	vmul.f32 v62, v62;
	v26 =	vadd.f32 v33, v26;
	v27 =	vmul.f32 v52, v27  }
0x292: {  	v54 =	vld.idx.msk [tilespmem:v23+s26+$0x0 ss:$0x1], $0xffff;
	v51 =	vmul.f32 v43, v43;
	v49 =	vmul.f32 v45, v45;
	v28 =	vadd.f32 v29, v28  }
0x293: {  	v53 =	vsub.f32 $1.000000000e+00, v44;
	v52 =	vld.idx.msk [tilespmem:v22+s26+$0x0 ss:$0x1], $0xffff;
	v26 =	vadd.f32 v32, v26;
	v27 =	vmul.f32 v27, v27  }
0x294: {  	v56 =	vld.idx.msk [tilespmem:v20+s26+$0x0 ss:$0x1], $0xffff;
	v55 =	vsub.f32 $1.000000000e+00, v59;
	v33 =	vmul.f32 v57, v47;
	v28 =	vadd.f32 v49, v28  }
0x295: {  	v29 =	vmul.f32 v31, v53;
	v57 =	vld.idx.msk [tilespmem:v24+s26+$0x0 ss:$0x1], $0xffff;
	v26 =	vadd.f32 v27, v26;
	v27 =	vsub.f32 $1.000000000e+00, v63  }
0x296: {  	v58 =	vld.idx.msk [tilespmem:v25+s26+$0xFFFFFFF0 ss:$0x1], $0xffff;
	v32 =	vadd.f32 v51, v34;
	v33 =	vmul.f32 v33, v33;
	v34 =	vmul.f32 v61, v55  }
0x297: {  	v59 =	vsub.f32 $1.000000000e+00, v54;
	v29 =	vmul.f32 v29, v29;
	v27 =	vmul.f32 v46, v27  }
0x298: {  	v60 =	vld.idx.msk [tilespmem:v25+s26+$0x0 ss:$0x1], $0xffff;
	v28 =	vadd.f32 v33, v28;
	v34 =	vmul.f32 v34, v34;
	v30 =	vmul.f32 v52, v30  }
0x299: {  	v61 =	vmul.f32 v56, v35;
	v26 =	vadd.f32 v29, v26;
	v27 =	vmul.f32 v27, v27  }
0x29a: {  	v31 =	vmul.f32 v57, v59;
	v28 =	vadd.f32 v34, v28;
	v30 =	vmul.f32 v30, v30  }
0x29b: {  	v29 =	vmul.f32 v61, v61;
	v26 =	vadd.f32 v27, v26;
	v27 =	vmul.f32 v58, v58  }
0x29c: {  	p0 =	sne.s32 s25, $0xF00;
	v62 =	vmul.f32 v31, v31;
	v28 =	vadd.f32 v30, v28  }
.Ltmp4:
0x29d: {  	v63 =	vmul.f32 v60, v60;
	v27 =	vadd.f32 v27, v32;
	v26 =	vadd.f32 v29, v26;
	(pc) =	sbr.rel @p0 .LBB3_11-.Ltmp4, $4  }
0x29e: {  	v28 =	vadd.f32 v62, v28  }
0x29f: {  	v27 =	vadd.f32 v63, v27;
	[tilespmem:s22+$0x0] =	vst v26  }
0x2a0: {  	s25 =	sadd.s32 $0x100, s25;
	[tilespmem:s23+$0x0] =	vst v28  }
0x2a1: {  	s22 =	sadd.s32 $0x10, s22;
	s23 =	sadd.s32 $0x10, s23;
	[tilespmem:s24+$0x0] =	vst v27;
	s24 =	sadd.s32 $0x10, s24  }
0x2a2: {  	_ =	sdelay $0x3  }
0x2a3: {  	v17 =	vld.idx.msk [tilespmem:v0+s29+$0x0], $0xffff  }
0x2a4: {  	v18 =	vld.idx.msk [tilespmem:v1+s29+$0x0], $0xffff;
	_ =	sdelay $0x1  }
0x2a5: {  	v19 =	vld.idx.msk [tilespmem:v2+s29+$0x0], $0xffff;
	_ =	sdelay $0x1  }
0x2a6: {  	v20 =	vld.idx.msk [tilespmem:v3+s29+$0x0], $0xffff  }
0x2a7: {  	v17 =	vadd.f32 v18, v17  }
0x2a8: {  	v18 =	vld.idx.msk [tilespmem:v4+s29+$0x0], $0xffff  }
0x2a9: {  	v17 =	vadd.f32 v19, v17  }
0x2aa: {  	v19 =	vld.idx.msk [tilespmem:v5+s29+$0x0], $0xffff  }
0x2ab: {  	v17 =	vadd.f32 v20, v17  }
0x2ac: {  	v50 =	vld.idx.msk [tilespmem:v6+s29+$0x0], $0xffff  }
0x2ad: {  	v17 =	vadd.f32 v18, v17  }
0x2ae: {  	v18 =	vld.idx.msk [tilespmem:v7+s29+$0x0], $0xffff  }
0x2af: {  	v17 =	vadd.f32 v19, v17  }
0x2b0: {  	v19 =	vld.idx.msk [tilespmem:v8+s29+$0x0], $0xffff  }
0x2b1: {  	v17 =	vadd.f32 v50, v17  }
0x2b2: {  	v51 =	vld.idx.msk [tilespmem:v9+s29+$0x0], $0xffff  }
0x2b3: {  	v17 =	vadd.f32 v18, v17  }
0x2b4: {  	v18 =	vld.idx.msk [tilespmem:v10+s29+$0x0], $0xffff  }
0x2b5: {  	v17 =	vadd.f32 v19, v17  }
0x2b6: {  	v19 =	vld.idx.msk [tilespmem:v11+s29+$0x0], $0xffff  }
0x2b7: {  	v17 =	vadd.f32 v51, v17  }
0x2b8: {  	v52 =	vld.idx.msk [tilespmem:v12+s29+$0x0], $0xffff  }
0x2b9: {  	v17 =	vadd.f32 v18, v17  }
0x2ba: {  	v18 =	vld.idx.msk [tilespmem:v13+s29+$0x0], $0xffff  }
0x2bb: {  	v17 =	vadd.f32 v19, v17  }
0x2bc: {  	v19 =	vld.idx.msk [tilespmem:v14+s29+$0x0], $0xffff  }
0x2bd: {  	v17 =	vadd.f32 v52, v17  }
0x2be: {  	v53 =	vld.idx.msk [tilespmem:v15+s29+$0x0], $0xffff  }
0x2bf: {  	v17 =	vadd.f32 v18, v17;
	_ =	sdelay $0x1  }
0x2c0: {  	v17 =	vadd.f32 v19, v17;
	_ =	sdelay $0x1  }
0x2c1: {  	v17 =	vadd.f32 v53, v17  }
0x2c2: {  	s22 =	sshll.u32 s3, $0x4  }
0x2c3: {  	[tilespmem:s22+$0x134A0] =	vst v17  }
0x2c4: {  	v17 =	vld.idx.msk [tilespmem:v0+s30+$0x0], $0xffff  }
0x2c5: {  	v18 =	vld.idx.msk [tilespmem:v1+s30+$0x0], $0xffff;
	_ =	sdelay $0x1  }
0x2c6: {  	v19 =	vld.idx.msk [tilespmem:v2+s30+$0x0], $0xffff;
	_ =	sdelay $0x1  }
0x2c7: {  	v54 =	vld.idx.msk [tilespmem:v3+s30+$0x0], $0xffff  }
0x2c8: {  	v17 =	vadd.f32 v18, v17  }
0x2c9: {  	v18 =	vld.idx.msk [tilespmem:v4+s30+$0x0], $0xffff  }
0x2ca: {  	v17 =	vadd.f32 v19, v17  }
0x2cb: {  	v19 =	vld.idx.msk [tilespmem:v5+s30+$0x0], $0xffff  }
0x2cc: {  	v17 =	vadd.f32 v54, v17  }
0x2cd: {  	v55 =	vld.idx.msk [tilespmem:v6+s30+$0x0], $0xffff  }
0x2ce: {  	v17 =	vadd.f32 v18, v17  }
0x2cf: {  	v18 =	vld.idx.msk [tilespmem:v7+s30+$0x0], $0xffff  }
0x2d0: {  	v17 =	vadd.f32 v19, v17  }
0x2d1: {  	v19 =	vld.idx.msk [tilespmem:v8+s30+$0x0], $0xffff  }
0x2d2: {  	v17 =	vadd.f32 v55, v17  }
0x2d3: {  	v56 =	vld.idx.msk [tilespmem:v9+s30+$0x0], $0xffff  }
0x2d4: {  	v17 =	vadd.f32 v18, v17  }
0x2d5: {  	v18 =	vld.idx.msk [tilespmem:v10+s30+$0x0], $0xffff  }
0x2d6: {  	v17 =	vadd.f32 v19, v17  }
0x2d7: {  	v19 =	vld.idx.msk [tilespmem:v11+s30+$0x0], $0xffff  }
0x2d8: {  	v17 =	vadd.f32 v56, v17  }
0x2d9: {  	v57 =	vld.idx.msk [tilespmem:v12+s30+$0x0], $0xffff  }
0x2da: {  	v17 =	vadd.f32 v18, v17  }
0x2db: {  	v18 =	vld.idx.msk [tilespmem:v13+s30+$0x0], $0xffff  }
0x2dc: {  	v17 =	vadd.f32 v19, v17  }
0x2dd: {  	v19 =	vld.idx.msk [tilespmem:v14+s30+$0x0], $0xffff  }
0x2de: {  	v17 =	vadd.f32 v57, v17  }
0x2df: {  	v58 =	vld.idx.msk [tilespmem:v15+s30+$0x0], $0xffff  }
0x2e0: {  	v17 =	vadd.f32 v18, v17;
	_ =	sdelay $0x1  }
0x2e1: {  	v17 =	vadd.f32 v19, v17;
	_ =	sdelay $0x1  }
0x2e2: {  	v17 =	vadd.f32 v58, v17;
	_ =	sdelay $0x1  }
0x2e3: {  	v17 =	vsub.f32 v16, v17;
	_ =	sdelay $0x1  }
0x2e4: {  	v17 =	vmax.f32 v17, $0.0e+00  }
0x2e5: {  	[tilespmem:s22+$0x136A0] =	vst v17  }
0x2e6: {  	v17 =	vld.idx.msk [tilespmem:v0+s31+$0x0], $0xffff  }
0x2e7: {  	v18 =	vld.idx.msk [tilespmem:v1+s31+$0x0], $0xffff;
	_ =	sdelay $0x1  }
0x2e8: {  	v19 =	vld.idx.msk [tilespmem:v2+s31+$0x0], $0xffff;
	_ =	sdelay $0x1  }
0x2e9: {  	v59 =	vld.idx.msk [tilespmem:v3+s31+$0x0], $0xffff  }
0x2ea: {  	v17 =	vadd.f32 v18, v17  }
0x2eb: {  	v18 =	vld.idx.msk [tilespmem:v4+s31+$0x0], $0xffff  }
0x2ec: {  	v17 =	vadd.f32 v19, v17  }
0x2ed: {  	v19 =	vld.idx.msk [tilespmem:v5+s31+$0x0], $0xffff  }
0x2ee: {  	v17 =	vadd.f32 v59, v17  }
0x2ef: {  	v60 =	vld.idx.msk [tilespmem:v6+s31+$0x0], $0xffff  }
0x2f0: {  	v17 =	vadd.f32 v18, v17  }
0x2f1: {  	v18 =	vld.idx.msk [tilespmem:v7+s31+$0x0], $0xffff  }
0x2f2: {  	v17 =	vadd.f32 v19, v17  }
0x2f3: {  	v19 =	vld.idx.msk [tilespmem:v8+s31+$0x0], $0xffff  }
0x2f4: {  	v17 =	vadd.f32 v60, v17  }
0x2f5: {  	v61 =	vld.idx.msk [tilespmem:v9+s31+$0x0], $0xffff  }
0x2f6: {  	v17 =	vadd.f32 v18, v17  }
0x2f7: {  	v18 =	vld.idx.msk [tilespmem:v10+s31+$0x0], $0xffff  }
0x2f8: {  	v17 =	vadd.f32 v19, v17  }
0x2f9: {  	v19 =	vld.idx.msk [tilespmem:v11+s31+$0x0], $0xffff  }
0x2fa: {  	v17 =	vadd.f32 v61, v17  }
0x2fb: {  	v62 =	vld.idx.msk [tilespmem:v12+s31+$0x0], $0xffff  }
0x2fc: {  	v17 =	vadd.f32 v18, v17  }
0x2fd: {  	v18 =	vld.idx.msk [tilespmem:v13+s31+$0x0], $0xffff  }
0x2fe: {  	v17 =	vadd.f32 v19, v17  }
0x2ff: {  	v19 =	vld.idx.msk [tilespmem:v14+s31+$0x0], $0xffff  }
0x300: {  	v17 =	vadd.f32 v62, v17  }
0x301: {  	v63 =	vld.idx.msk [tilespmem:v15+s31+$0x0], $0xffff  }
0x302: {  	v17 =	vadd.f32 v18, v17;
	_ =	sdelay $0x1  }
0x303: {  	v17 =	vadd.f32 v19, v17;
	_ =	sdelay $0x1  }
0x304: {  	s3 =	sadd.s32 $0x1, s3;
	v17 =	vadd.f32 v63, v17  }
0x305: {  	p0 =	sne.s32 s3, $0x8  }
.Ltmp5:
0x306: {  	v17 =	vadd.f32 $-1.000000000e+00, v17;
	(pc) =	sbr.rel @p0 .LBB3_10-.Ltmp5, $4  }
0x307: {  	_ = 	snop  }
0x308: {  	s4 =	sadd.s32 $0x400, s4;
	s5 =	sadd.s32 $0x400, s5;
	s9 =	sadd.s32 $0x400, s9;
	v17 =	vmul.f32 v17, v17  }
0x309: {  	s20 =	sadd.s32 $0x400, s20;
	s0 =	sadd.s32 $0x400, s0;
	s17 =	sadd.s32 $0x400, s17  }
0x30a: {  	s18 =	sadd.s32 $0x400, s18;
	s19 =	sadd.s32 $0x400, s19;
	s21 =	sadd.s32 $0x400, s21;
	[tilespmem:s22+$0x138A0] =	vst v17  }
0x30b: {  	s3 =	simm.s32 $0x0;
	s0 =	rddreg [dreg:$0x1d]  }
0x30c: {  	[tilespmem:s3], [sflag:$0x2] =	stream.linear.gather [hbm4b:s0+s3], $0x80, $0x38;
	[tilespmem:$0x13CF0] =	vst v63  }
0x30d: {  	_ =	swait.ge [sflag:s10], $0x80  }
0x30e: {  	[sflag:s10] =	ssyncset.done $0x0  }
0x30f: {  	s25 =	rddreg [dreg:$0x1f];
	[sflag:s10] =	ssyncadd.s32 $0xFFFFFF80  }
0x310: {  	[tilespmem:s11], [sflag:$0x2] =	stream.linear.gather [hbm4b:s25+s3], $0x80, $0x38;
	[tilespmem:$0x13CF0] =	vst v63  }
0x311: {  	_ =	swait.ge [sflag:s10], $0x80  }
0x312: {  	s26 =	sld [smem:$0x7ED]  }
0x313: {  	[sflag:s10] =	ssyncset.done $0x0  }
0x314: {  	[sflag:s10] =	ssyncadd.s32 $0xFFFFFF80  }
0x315: {  	[tilespmem:s12], [sflag:$0x2] =	stream.linear.gather [hbm4b:s26+s3], $0x80, $0x38;
	[tilespmem:$0x13CF0] =	vst v63  }
0x316: {  	_ =	swait.ge [sflag:s10], $0x80  }
0x317: {  	s4 =	sld [smem:$0x7EF]  }
0x318: {  	[sflag:s10] =	ssyncset.done $0x0  }
0x319: {  	[sflag:s10] =	ssyncadd.s32 $0xFFFFFF80  }
0x31a: {  	[tilespmem:s13], [sflag:$0x2] =	stream.linear.gather [hbm4b:s4+s3], $0x80, $0x38;
	[tilespmem:$0x13CF0] =	vst v63  }
0x31b: {  	_ =	swait.ge [sflag:s10], $0x80  }
0x31c: {  	s5 =	sld [smem:$0x7F1]  }
0x31d: {  	[sflag:s10] =	ssyncset.done $0x0  }
0x31e: {  	[sflag:s10] =	ssyncadd.s32 $0xFFFFFF80  }
0x31f: {  	[tilespmem:s14], [sflag:$0x2] =	stream.linear.gather [hbm4b:s5+s3], $0x80, $0x38;
	[tilespmem:$0x13CF0] =	vst v63  }
0x320: {  	_ =	swait.ge [sflag:s10], $0x80  }
0x321: {  	s9 =	sld [smem:$0x7F3]  }
0x322: {  	[sflag:s10] =	ssyncset.done $0x0  }
0x323: {  	[sflag:s10] =	ssyncadd.s32 $0xFFFFFF80  }
0x324: {  	[tilespmem:s15], [sflag:$0x2] =	stream.linear.gather [hbm4b:s9+s3], $0x80, $0x38;
	[tilespmem:$0x13CF0] =	vst v63  }
0x325: {  	_ =	swait.ge [sflag:s10], $0x80  }
0x326: {  	s17 =	sld [smem:$0x7F4]  }
0x327: {  	[sflag:s10] =	ssyncset.done $0x0  }
0x328: {  	[sflag:s10] =	ssyncadd.s32 $0xFFFFFF80  }
0x329: {  	[tilespmem:s16], [sflag:$0x2] =	stream.linear.gather [hbm4b:s17+s3], $0x80, $0x38;
	[tilespmem:$0x13CF0] =	vst v63  }
0x32a: {  	_ =	swait.ge [sflag:s10], $0x80  }
0x32b: {  	[sflag:s10] =	ssyncset.done $0x0  }
0x32c: {  	s18 =	simm.s32 $0x3A0;
	[sflag:s10] =	ssyncadd.s32 $0xFFFFFF80  }
0x32d: {  	[tilespmem:s18], [sflag:$0x1] =	stream.indirect.gather [hbm4b:s6+s11], $0x40, s3, s11, $0xb8;
	[tilespmem:$0x13CF0] =	vst v63  }
0x32e: {  	s19 =	simm.s32 $0x23A0  }
0x32f: {  	[tilespmem:s19], [sflag:$0x1] =	stream.indirect.gather [hbm4b:s6+s11], $0x40, s11, s11, $0xb8;
	[tilespmem:$0x13CF0] =	vst v63  }
0x330: {  	s20 =	simm.s32 $0x43A0  }
0x331: {  	[tilespmem:s20], [sflag:$0x1] =	stream.indirect.gather [hbm4b:s7+s11], $0x40, s12, s11, $0xb8;
	[tilespmem:$0x13CF0] =	vst v63  }
0x332: {  	s21 =	simm.s32 $0x63A0  }
0x333: {  	[tilespmem:s21], [sflag:$0x1] =	stream.indirect.gather [hbm4b:s8+s11], $0x40, s12, s11, $0xb8;
	[tilespmem:$0x13CF0] =	vst v63  }
0x334: {  	s22 =	simm.s32 $0x83A0  }
0x335: {  	[tilespmem:s22], [sflag:$0x1] =	stream.indirect.gather [hbm4b:s6+s11], $0x40, s13, s11, $0xb8;
	[tilespmem:$0x13CF0] =	vst v63  }
0x336: {  	s23 =	simm.s32 $0xA3A0  }
0x337: {  	[tilespmem:s23], [sflag:$0x1] =	stream.indirect.gather [hbm4b:s6+s11], $0x40, s14, s11, $0xb8;
	[tilespmem:$0x13CF0] =	vst v63  }
0x338: {  	s24 =	simm.s32 $0xC3A0  }
0x339: {  	[tilespmem:s24], [sflag:$0x1] =	stream.indirect.gather [hbm4b:s7+s11], $0x40, s15, s11, $0xb8;
	[tilespmem:$0x13CF0] =	vst v63  }
0x33a: {  	s25 =	simm.s32 $0xE3A0  }
0x33b: {  	[tilespmem:s25], [sflag:$0x1] =	stream.indirect.gather [hbm4b:s8+s11], $0x40, s15, s11, $0xb8;
	[tilespmem:$0x13CF0] =	vst v63  }
0x33c: {  	s26 =	simm.s32 $0x103A0  }
0x33d: {  	[tilespmem:s26], [sflag:$0x1] =	stream.indirect.gather [hbm4b:s6+s11], $0x40, s16, s11, $0xb8;
	[tilespmem:$0x13CF0] =	vst v63  }
0x33e: {  	_ =	swait.ge [sflag:s28], $0x2000  }
0x33f: {  	[sflag:s28] =	ssyncset.done $0x0  }
0x340: {  	[sflag:s28] =	ssyncadd.s32 $0xFFFFE000  }
0x341: {  	_ =	swait.ge [sflag:s28], $0x2000  }
0x342: {  	[sflag:s28] =	ssyncset.done $0x0  }
0x343: {  	[sflag:s28] =	ssyncadd.s32 $0xFFFFE000  }
0x344: {  	_ =	swait.ge [sflag:s28], $0x2000  }
0x345: {  	[sflag:s28] =	ssyncset.done $0x0  }
0x346: {  	[sflag:s28] =	ssyncadd.s32 $0xFFFFE000  }
0x347: {  	_ =	swait.ge [sflag:s28], $0x2000  }
0x348: {  	[sflag:s28] =	ssyncset.done $0x0  }
0x349: {  	[sflag:s28] =	ssyncadd.s32 $0xFFFFE000  }
0x34a: {  	_ =	swait.ge [sflag:s28], $0x2000  }
0x34b: {  	[sflag:s28] =	ssyncset.done $0x0  }
0x34c: {  	[sflag:s28] =	ssyncadd.s32 $0xFFFFE000  }
0x34d: {  	_ =	swait.ge [sflag:s28], $0x2000  }
0x34e: {  	[sflag:s28] =	ssyncset.done $0x0  }
0x34f: {  	[sflag:s28] =	ssyncadd.s32 $0xFFFFE000  }
0x350: {  	_ =	swait.ge [sflag:s28], $0x2000  }
0x351: {  	[sflag:s28] =	ssyncset.done $0x0  }
0x352: {  	[sflag:s28] =	ssyncadd.s32 $0xFFFFE000  }
0x353: {  	_ =	swait.ge [sflag:s28], $0x2000  }
0x354: {  	s0 =	simm.s32 $0xC3D0;
	[sflag:s28] =	ssyncset.done $0x0  }
0x355: {  	s4 =	simm.s32 $0x43C0;
	s5 =	simm.s32 $0x3D0;
	[sflag:s28] =	ssyncadd.s32 $0xFFFFE000  }
0x356: {  	s9 =	simm.s32 $0x63D0;
	s17 =	simm.s32 $0x83D0;
	_ =	swait.ge [sflag:s28], $0x2000  }
0x357: {  	s18 =	simm.s32 $0xE3D0;
	s19 =	simm.s32 $0xA3D0;
	[sflag:s28] =	ssyncset.done $0x0  }
0x358: {  	s20 =	simm.s32 $0x23D0;
	s21 =	simm.s32 $0x103D0;
	[sflag:s28] =	ssyncadd.s32 $0xFFFFE000  }
.LBB3_14:
0x359: {  	v17 =	vmov s4  }
0x35a: {  	v18 =	vmov s5;
	v19 =	vmov s9  }
0x35b: {  	s22 =	simm.s32 $0x139E0;
	v20 =	vmov s20;
	v21 =	vmov s0;
	v22 =	vmov s17  }
0x35c: {  	s23 =	simm.s32 $0x13AE0;
	s24 =	simm.s32 $0x13BE0;
	v23 =	vmov s18;
	v24 =	vmov s19;
	v25 =	vmov s21;
	s25 =	simm.s32 $0x0  }
.LBB3_15:
0x35d: {  	s26 =	sshra.s32 s25, $0x2  }
0x35e: {  	v26 =	vld.idx.msk [tilespmem:v17+s26+$0xFFFFFFE0 ss:$0x1], $0xffff  }
0x35f: {  	v27 =	vld.idx.msk [tilespmem:v18+s26+$0xFFFFFFD0 ss:$0x1], $0xffff  }
0x360: {  	v28 =	vld.idx.msk [tilespmem:v19+s26+$0xFFFFFFD0 ss:$0x1], $0xffff  }
0x361: {  	v29 =	vld.idx.msk [tilespmem:v20+s26+$0xFFFFFFD0 ss:$0x1], $0xffff  }
0x362: {  	v30 =	vld.idx.msk [tilespmem:v21+s26+$0xFFFFFFD0 ss:$0x1], $0xffff  }
0x363: {  	v31 =	vld.idx.msk [tilespmem:v22+s26+$0xFFFFFFD0 ss:$0x1], $0xffff  }
0x364: {  	v32 =	vld.idx.msk [tilespmem:v23+s26+$0xFFFFFFD0 ss:$0x1], $0xffff  }
0x365: {  	v33 =	vld.idx.msk [tilespmem:v24+s26+$0xFFFFFFD0 ss:$0x1], $0xffff  }
0x366: {  	v34 =	vld.idx.msk [tilespmem:v25+s26+$0xFFFFFFD0 ss:$0x1], $0xffff  }
0x367: {  	v35 =	vld.idx.msk [tilespmem:v17+s26+$0xFFFFFFF0 ss:$0x1], $0xffff  }
0x368: {  	v36 =	vld.idx.msk [tilespmem:v18+s26+$0xFFFFFFE0 ss:$0x1], $0xffff  }
0x369: {  	v37 =	vld.idx.msk [tilespmem:v19+s26+$0xFFFFFFE0 ss:$0x1], $0xffff  }
0x36a: {  	v38 =	vld.idx.msk [tilespmem:v20+s26+$0xFFFFFFE0 ss:$0x1], $0xffff  }
0x36b: {  	v39 =	vld.idx.msk [tilespmem:v21+s26+$0xFFFFFFE0 ss:$0x1], $0xffff  }
0x36c: {  	v40 =	vld.idx.msk [tilespmem:v22+s26+$0xFFFFFFE0 ss:$0x1], $0xffff  }
0x36d: {  	v41 =	vld.idx.msk [tilespmem:v23+s26+$0xFFFFFFE0 ss:$0x1], $0xffff  }
0x36e: {  	v42 =	vld.idx.msk [tilespmem:v24+s26+$0xFFFFFFE0 ss:$0x1], $0xffff  }
0x36f: {  	v43 =	vld.idx.msk [tilespmem:v25+s26+$0xFFFFFFE0 ss:$0x1], $0xffff  }
0x370: {  	v52 =	vld.idx.msk [tilespmem:v18+s26+$0xFFFFFFF0 ss:$0x1], $0xffff;
	v26 =	vsub.f32 $1.000000000e+00, v26  }
0x371: {  	v54 =	vld.idx.msk [tilespmem:v21+s26+$0xFFFFFFF0 ss:$0x1], $0xffff;
	v28 =	vsub.f32 $1.000000000e+00, v28;
	v51 =	vsub.f32 $1.000000000e+00, v30  }
0x372: {  	v50 =	vld.idx.msk [tilespmem:v21+s26+$0x0 ss:$0x1], $0xffff;
	v32 =	vsub.f32 $1.000000000e+00, v32;
	v53 =	vsub.f32 $1.000000000e+00, v35  }
0x373: {  	v48 =	vld.idx.msk [tilespmem:v19+s26+$0x0 ss:$0x1], $0xffff;
	v56 =	vsub.f32 $1.000000000e+00, v39;
	v34 =	vmul.f32 v34, v34;
	v26 =	vmul.f32 v27, v26  }
0x374: {  	v58 =	vsub.f32 $1.000000000e+00, v37;
	v27 =	vld.idx.msk [tilespmem:v17+s26+$0x0 ss:$0x1], $0xffff;
	v28 =	vmul.f32 v29, v28;
	v29 =	vmul.f32 v31, v51  }
0x375: {  	v44 =	vld.idx.msk [tilespmem:v19+s26+$0xFFFFFFF0 ss:$0x1], $0xffff;
	v60 =	vsub.f32 $1.000000000e+00, v41;
	v32 =	vmul.f32 v33, v32;
	v33 =	vmul.f32 v36, v53  }
0x376: {  	v57 =	vld.idx.msk [tilespmem:v22+s26+$0xFFFFFFF0 ss:$0x1], $0xffff;
	v47 =	vsub.f32 $1.000000000e+00, v54;
	v62 =	vmul.f32 v38, v58;
	v26 =	vmul.f32 v26, v26  }
0x377: {  	v59 =	vld.idx.msk [tilespmem:v23+s26+$0xFFFFFFF0 ss:$0x1], $0xffff;
	v30 =	vsub.f32 $1.000000000e+00, v50;
	v28 =	vmul.f32 v28, v28;
	v55 =	vmul.f32 v29, v29  }
0x378: {  	v61 =	vld.idx.msk [tilespmem:v24+s26+$0xFFFFFFF0 ss:$0x1], $0xffff;
	v35 =	vsub.f32 $1.000000000e+00, v48;
	v32 =	vmul.f32 v32, v32;
	v29 =	vmul.f32 v40, v56  }
0x379: {  	v63 =	vld.idx.msk [tilespmem:v17+s26+$0x10 ss:$0x1], $0xffff;
	v33 =	vmul.f32 v33, v33;
	v26 =	vadd.f32 v28, v26;
	v27 =	vsub.f32 $1.000000000e+00, v27  }
0x37a: {  	v31 =	vld.idx.msk [tilespmem:v20+s26+$0xFFFFFFF0 ss:$0x1], $0xffff;
	v45 =	vmul.f32 v42, v60;
	v28 =	vadd.f32 v32, v55;
	v29 =	vmul.f32 v29, v29  }
0x37b: {  	v46 =	vld.idx.msk [tilespmem:v18+s26+$0x0 ss:$0x1], $0xffff;
	v32 =	vmul.f32 v62, v62;
	v26 =	vadd.f32 v33, v26;
	v27 =	vmul.f32 v52, v27  }
0x37c: {  	v54 =	vld.idx.msk [tilespmem:v23+s26+$0x0 ss:$0x1], $0xffff;
	v51 =	vmul.f32 v43, v43;
	v49 =	vmul.f32 v45, v45;
	v28 =	vadd.f32 v29, v28  }
0x37d: {  	v53 =	vsub.f32 $1.000000000e+00, v44;
	v52 =	vld.idx.msk [tilespmem:v22+s26+$0x0 ss:$0x1], $0xffff;
	v26 =	vadd.f32 v32, v26;
	v27 =	vmul.f32 v27, v27  }
0x37e: {  	v56 =	vld.idx.msk [tilespmem:v20+s26+$0x0 ss:$0x1], $0xffff;
	v55 =	vsub.f32 $1.000000000e+00, v59;
	v33 =	vmul.f32 v57, v47;
	v28 =	vadd.f32 v49, v28  }
0x37f: {  	v29 =	vmul.f32 v31, v53;
	v57 =	vld.idx.msk [tilespmem:v24+s26+$0x0 ss:$0x1], $0xffff;
	v26 =	vadd.f32 v27, v26;
	v27 =	vsub.f32 $1.000000000e+00, v63  }
0x380: {  	v58 =	vld.idx.msk [tilespmem:v25+s26+$0xFFFFFFF0 ss:$0x1], $0xffff;
	v32 =	vadd.f32 v51, v34;
	v33 =	vmul.f32 v33, v33;
	v34 =	vmul.f32 v61, v55  }
0x381: {  	v59 =	vsub.f32 $1.000000000e+00, v54;
	v29 =	vmul.f32 v29, v29;
	v27 =	vmul.f32 v46, v27  }
0x382: {  	v60 =	vld.idx.msk [tilespmem:v25+s26+$0x0 ss:$0x1], $0xffff;
	v28 =	vadd.f32 v33, v28;
	v34 =	vmul.f32 v34, v34;
	v30 =	vmul.f32 v52, v30  }
0x383: {  	v61 =	vmul.f32 v56, v35;
	v26 =	vadd.f32 v29, v26;
	v27 =	vmul.f32 v27, v27  }
0x384: {  	v31 =	vmul.f32 v57, v59;
	v28 =	vadd.f32 v34, v28;
	v30 =	vmul.f32 v30, v30  }
0x385: {  	v29 =	vmul.f32 v61, v61;
	v26 =	vadd.f32 v27, v26;
	v27 =	vmul.f32 v58, v58  }
0x386: {  	p0 =	sne.s32 s25, $0xF00;
	v62 =	vmul.f32 v31, v31;
	v28 =	vadd.f32 v30, v28  }
.Ltmp6:
0x387: {  	v63 =	vmul.f32 v60, v60;
	v27 =	vadd.f32 v27, v32;
	v26 =	vadd.f32 v29, v26;
	(pc) =	sbr.rel @p0 .LBB3_15-.Ltmp6, $4  }
0x388: {  	v28 =	vadd.f32 v62, v28  }
0x389: {  	v27 =	vadd.f32 v63, v27;
	[tilespmem:s22+$0x0] =	vst v26  }
0x38a: {  	s25 =	sadd.s32 $0x100, s25;
	[tilespmem:s23+$0x0] =	vst v28  }
0x38b: {  	s22 =	sadd.s32 $0x10, s22;
	s23 =	sadd.s32 $0x10, s23;
	[tilespmem:s24+$0x0] =	vst v27;
	s24 =	sadd.s32 $0x10, s24  }
0x38c: {  	_ =	sdelay $0x3  }
0x38d: {  	v17 =	vld.idx.msk [tilespmem:v0+s29+$0x0], $0xffff  }
0x38e: {  	v18 =	vld.idx.msk [tilespmem:v1+s29+$0x0], $0xffff;
	_ =	sdelay $0x1  }
0x38f: {  	v19 =	vld.idx.msk [tilespmem:v2+s29+$0x0], $0xffff;
	_ =	sdelay $0x1  }
0x390: {  	v20 =	vld.idx.msk [tilespmem:v3+s29+$0x0], $0xffff  }
0x391: {  	v17 =	vadd.f32 v18, v17  }
0x392: {  	v18 =	vld.idx.msk [tilespmem:v4+s29+$0x0], $0xffff  }
0x393: {  	v17 =	vadd.f32 v19, v17  }
0x394: {  	v19 =	vld.idx.msk [tilespmem:v5+s29+$0x0], $0xffff  }
0x395: {  	v17 =	vadd.f32 v20, v17  }
0x396: {  	v50 =	vld.idx.msk [tilespmem:v6+s29+$0x0], $0xffff  }
0x397: {  	v17 =	vadd.f32 v18, v17  }
0x398: {  	v18 =	vld.idx.msk [tilespmem:v7+s29+$0x0], $0xffff  }
0x399: {  	v17 =	vadd.f32 v19, v17  }
0x39a: {  	v19 =	vld.idx.msk [tilespmem:v8+s29+$0x0], $0xffff  }
0x39b: {  	v17 =	vadd.f32 v50, v17  }
0x39c: {  	v51 =	vld.idx.msk [tilespmem:v9+s29+$0x0], $0xffff  }
0x39d: {  	v17 =	vadd.f32 v18, v17  }
0x39e: {  	v18 =	vld.idx.msk [tilespmem:v10+s29+$0x0], $0xffff  }
0x39f: {  	v17 =	vadd.f32 v19, v17  }
0x3a0: {  	v19 =	vld.idx.msk [tilespmem:v11+s29+$0x0], $0xffff  }
0x3a1: {  	v17 =	vadd.f32 v51, v17  }
0x3a2: {  	v52 =	vld.idx.msk [tilespmem:v12+s29+$0x0], $0xffff  }
0x3a3: {  	v17 =	vadd.f32 v18, v17  }
0x3a4: {  	v18 =	vld.idx.msk [tilespmem:v13+s29+$0x0], $0xffff  }
0x3a5: {  	v17 =	vadd.f32 v19, v17  }
0x3a6: {  	v19 =	vld.idx.msk [tilespmem:v14+s29+$0x0], $0xffff  }
0x3a7: {  	v17 =	vadd.f32 v52, v17  }
0x3a8: {  	v53 =	vld.idx.msk [tilespmem:v15+s29+$0x0], $0xffff  }
0x3a9: {  	v17 =	vadd.f32 v18, v17;
	_ =	sdelay $0x1  }
0x3aa: {  	v17 =	vadd.f32 v19, v17;
	_ =	sdelay $0x1  }
0x3ab: {  	v17 =	vadd.f32 v53, v17  }
0x3ac: {  	s22 =	sshll.u32 s3, $0x4  }
0x3ad: {  	[tilespmem:s22+$0x13520] =	vst v17  }
0x3ae: {  	v17 =	vld.idx.msk [tilespmem:v0+s30+$0x0], $0xffff  }
0x3af: {  	v18 =	vld.idx.msk [tilespmem:v1+s30+$0x0], $0xffff;
	_ =	sdelay $0x1  }
0x3b0: {  	v19 =	vld.idx.msk [tilespmem:v2+s30+$0x0], $0xffff;
	_ =	sdelay $0x1  }
0x3b1: {  	v54 =	vld.idx.msk [tilespmem:v3+s30+$0x0], $0xffff  }
0x3b2: {  	v17 =	vadd.f32 v18, v17  }
0x3b3: {  	v18 =	vld.idx.msk [tilespmem:v4+s30+$0x0], $0xffff  }
0x3b4: {  	v17 =	vadd.f32 v19, v17  }
0x3b5: {  	v19 =	vld.idx.msk [tilespmem:v5+s30+$0x0], $0xffff  }
0x3b6: {  	v17 =	vadd.f32 v54, v17  }
0x3b7: {  	v55 =	vld.idx.msk [tilespmem:v6+s30+$0x0], $0xffff  }
0x3b8: {  	v17 =	vadd.f32 v18, v17  }
0x3b9: {  	v18 =	vld.idx.msk [tilespmem:v7+s30+$0x0], $0xffff  }
0x3ba: {  	v17 =	vadd.f32 v19, v17  }
0x3bb: {  	v19 =	vld.idx.msk [tilespmem:v8+s30+$0x0], $0xffff  }
0x3bc: {  	v17 =	vadd.f32 v55, v17  }
0x3bd: {  	v56 =	vld.idx.msk [tilespmem:v9+s30+$0x0], $0xffff  }
0x3be: {  	v17 =	vadd.f32 v18, v17  }
0x3bf: {  	v18 =	vld.idx.msk [tilespmem:v10+s30+$0x0], $0xffff  }
0x3c0: {  	v17 =	vadd.f32 v19, v17  }
0x3c1: {  	v19 =	vld.idx.msk [tilespmem:v11+s30+$0x0], $0xffff  }
0x3c2: {  	v17 =	vadd.f32 v56, v17  }
0x3c3: {  	v57 =	vld.idx.msk [tilespmem:v12+s30+$0x0], $0xffff  }
0x3c4: {  	v17 =	vadd.f32 v18, v17  }
0x3c5: {  	v18 =	vld.idx.msk [tilespmem:v13+s30+$0x0], $0xffff  }
0x3c6: {  	v17 =	vadd.f32 v19, v17  }
0x3c7: {  	v19 =	vld.idx.msk [tilespmem:v14+s30+$0x0], $0xffff  }
0x3c8: {  	v17 =	vadd.f32 v57, v17  }
0x3c9: {  	v58 =	vld.idx.msk [tilespmem:v15+s30+$0x0], $0xffff  }
0x3ca: {  	v17 =	vadd.f32 v18, v17;
	_ =	sdelay $0x1  }
0x3cb: {  	v17 =	vadd.f32 v19, v17;
	_ =	sdelay $0x1  }
0x3cc: {  	v17 =	vadd.f32 v58, v17;
	_ =	sdelay $0x1  }
0x3cd: {  	v17 =	vsub.f32 v16, v17;
	_ =	sdelay $0x1  }
0x3ce: {  	v17 =	vmax.f32 v17, $0.0e+00  }
0x3cf: {  	[tilespmem:s22+$0x13720] =	vst v17  }
0x3d0: {  	v17 =	vld.idx.msk [tilespmem:v0+s31+$0x0], $0xffff  }
0x3d1: {  	v18 =	vld.idx.msk [tilespmem:v1+s31+$0x0], $0xffff;
	_ =	sdelay $0x1  }
0x3d2: {  	v19 =	vld.idx.msk [tilespmem:v2+s31+$0x0], $0xffff;
	_ =	sdelay $0x1  }
0x3d3: {  	v59 =	vld.idx.msk [tilespmem:v3+s31+$0x0], $0xffff  }
0x3d4: {  	v17 =	vadd.f32 v18, v17  }
0x3d5: {  	v18 =	vld.idx.msk [tilespmem:v4+s31+$0x0], $0xffff  }
0x3d6: {  	v17 =	vadd.f32 v19, v17  }
0x3d7: {  	v19 =	vld.idx.msk [tilespmem:v5+s31+$0x0], $0xffff  }
0x3d8: {  	v17 =	vadd.f32 v59, v17  }
0x3d9: {  	v60 =	vld.idx.msk [tilespmem:v6+s31+$0x0], $0xffff  }
0x3da: {  	v17 =	vadd.f32 v18, v17  }
0x3db: {  	v18 =	vld.idx.msk [tilespmem:v7+s31+$0x0], $0xffff  }
0x3dc: {  	v17 =	vadd.f32 v19, v17  }
0x3dd: {  	v19 =	vld.idx.msk [tilespmem:v8+s31+$0x0], $0xffff  }
0x3de: {  	v17 =	vadd.f32 v60, v17  }
0x3df: {  	v61 =	vld.idx.msk [tilespmem:v9+s31+$0x0], $0xffff  }
0x3e0: {  	v17 =	vadd.f32 v18, v17  }
0x3e1: {  	v18 =	vld.idx.msk [tilespmem:v10+s31+$0x0], $0xffff  }
0x3e2: {  	v17 =	vadd.f32 v19, v17  }
0x3e3: {  	v19 =	vld.idx.msk [tilespmem:v11+s31+$0x0], $0xffff  }
0x3e4: {  	v17 =	vadd.f32 v61, v17  }
0x3e5: {  	v62 =	vld.idx.msk [tilespmem:v12+s31+$0x0], $0xffff  }
0x3e6: {  	v17 =	vadd.f32 v18, v17  }
0x3e7: {  	v18 =	vld.idx.msk [tilespmem:v13+s31+$0x0], $0xffff  }
0x3e8: {  	v17 =	vadd.f32 v19, v17  }
0x3e9: {  	v19 =	vld.idx.msk [tilespmem:v14+s31+$0x0], $0xffff  }
0x3ea: {  	v17 =	vadd.f32 v62, v17  }
0x3eb: {  	v63 =	vld.idx.msk [tilespmem:v15+s31+$0x0], $0xffff  }
0x3ec: {  	v17 =	vadd.f32 v18, v17;
	_ =	sdelay $0x1  }
0x3ed: {  	v17 =	vadd.f32 v19, v17;
	_ =	sdelay $0x1  }
0x3ee: {  	s3 =	sadd.s32 $0x1, s3;
	v17 =	vadd.f32 v63, v17  }
0x3ef: {  	p0 =	sne.s32 s3, $0x8  }
.Ltmp7:
0x3f0: {  	v17 =	vadd.f32 $-1.000000000e+00, v17;
	(pc) =	sbr.rel @p0 .LBB3_14-.Ltmp7, $4  }
0x3f1: {  	_ = 	snop  }
0x3f2: {  	s4 =	sadd.s32 $0x400, s4;
	s5 =	sadd.s32 $0x400, s5;
	s9 =	sadd.s32 $0x400, s9;
	v17 =	vmul.f32 v17, v17  }
0x3f3: {  	s20 =	sadd.s32 $0x400, s20;
	s0 =	sadd.s32 $0x400, s0;
	s17 =	sadd.s32 $0x400, s17  }
0x3f4: {  	s18 =	sadd.s32 $0x400, s18;
	s19 =	sadd.s32 $0x400, s19;
	s21 =	sadd.s32 $0x400, s21;
	[tilespmem:s22+$0x13920] =	vst v17  }
0x3f5: {  	s3 =	sld [smem:$0x7F6];
	_ =	sdelay $0x1  }
0x3f6: {  	s0 =	simm.s32 $0x0;
	s4 =	simm.s32 $0x133A0  }
0x3f7: {  	[hbm4b:s3+s0] =	stream.linear.scatter [tilespmem:s4], [sflag:$0x2], $0x200, $0x38;
	[tilespmem:$0x13CF0] =	vst v63  }
0x3f8: {  	_ =	swait.ge [sflag:s10], $0x200  }
0x3f9: {  	s19 =	sld [smem:$0x7F7]  }
0x3fa: {  	[sflag:s10] =	ssyncset.done $0x0  }
0x3fb: {  	s20 =	simm.s32 $0x135A0;
	[sflag:s10] =	ssyncadd.s32 $0xFFFFFE00  }
0x3fc: {  	[hbm4b:s19+s0] =	stream.linear.scatter [tilespmem:s20], [sflag:$0x2], $0x200, $0x38;
	[tilespmem:$0x13CF0] =	vst v63  }
0x3fd: {  	_ =	swait.ge [sflag:s10], $0x200  }
0x3fe: {  	s21 =	sld [smem:$0x7F8]  }
0x3ff: {  	[sflag:s10] =	ssyncset.done $0x0  }
0x400: {  	s22 =	simm.s32 $0x137A0;
	[sflag:s10] =	ssyncadd.s32 $0xFFFFFE00  }
0x401: {  	[hbm4b:s21+s0] =	stream.linear.scatter [tilespmem:s22], [sflag:$0x2], $0x200, $0x38;
	[tilespmem:$0x13CF0] =	vst v63  }
0x402: {  	_ =	swait.ge [sflag:s10], $0x200  }
0x403: {  	s23 =	sld [smem:$0x7F9]  }
0x404: {  	[sflag:s10] =	ssyncset.done $0x0  }
0x405: {  	s24 =	simm.s32 $0x380;
	[sflag:s10] =	ssyncadd.s32 $0xFFFFFE00  }
0x406: {  	[tilespmem:s24], [sflag:$0x2] =	stream.linear.gather [hbm4b:s23+s0], $0x20, $0x38;
	[tilespmem:$0x13CF0] =	vst v63  }
0x407: {  	_ =	swait.ge [sflag:s10], $0x20  }
0x408: {  	[sflag:s10] =	ssyncset.done $0x0  }
0x409: {  	s25 =	simm.s32 $0x20;
	s5 =	simm.s32 $0x123A0;
	[sflag:s10] =	ssyncadd.s32 $0xFFFFFFE0  }
0x40a: {  	[tilespmem:s5], [sflag:$0x1] =	stream.indirect.gather [hbm4b:s7+s25], $0x40, s24, s25, $0xb8;
	[tilespmem:$0x13CF0] =	vst v63  }
0x40b: {  	s26 =	simm.s32 $0x12BA0  }
0x40c: {  	[tilespmem:s26], [sflag:$0x1] =	stream.indirect.gather [hbm4b:s8+s25], $0x40, s24, s25, $0xb8;
	[tilespmem:$0x13CF0] =	vst v63  }
0x40d: {  	_ =	swait.ge [sflag:s28], $0x800  }
0x40e: {  	[sflag:s28] =	ssyncset.done $0x0  }
0x40f: {  	[sflag:s28] =	ssyncadd.s32 $0xFFFFF800  }
0x410: {  	_ =	swait.ge [sflag:s28], $0x800  }
0x411: {  	[sflag:s28] =	ssyncset.done $0x0  }
0x412: {  	p1 =	por $0x1, $0x1;
	[sflag:s28] =	ssyncadd.s32 $0xFFFFF800  }
.LBB3_18:
0x413: {  	s3 =	sshll.u32 s0, $0xA  }
0x414: {  	s4 =	sand.u32 $0x3FFFFC00, s3  }
0x415: {  	s3 =	sadd.s32 $0x12BC0, s4  }
0x416: {  	s4 =	sadd.s32 $0x123C0, s4;
	v16 =	vld [tilespmem:s3+$0xFFFFFFE0]  }
0x417: {  	v17 =	vld [tilespmem:s4+$0xFFFFFFE0]  }
0x418: {  	v18 =	vld [tilespmem:s4+$0xFFFFFFF0];
	_ =	sdelay $0x1  }
0x419: {  	v19 =	vld [tilespmem:s3+$0xFFFFFFF0]  }
0x41a: {  	v22 =	vld [tilespmem:s4+$0x0]  }
0x41b: {  	v24 =	vld [tilespmem:s3+$0x0];
	v20 =	vsub.f32 $1.000000000e+00, v16;
	v21 =	vsub.f32 $1.000000000e+00, v17  }
0x41c: {  	v23 =	vsub.f32 $1.000000000e+00, v18  }
0x41d: {  	v20 =	vmul.f32 v20, v16;
	v21 =	vmul.f32 v21, v17  }
0x41e: {  	v25 =	vsub.f32 $1.000000000e+00, v19;
	v23 =	vmul.f32 v23, v18  }
0x41f: {  	v27 =	vsub.f32 $1.000000000e+00, v22;
	v21 =	vmul.f32 v21, v21;
	v20 =	vmul.f32 v20, v20  }
0x420: {  	v26 =	vld [tilespmem:s4+$0x10];
	v56 =	vsub.f32 $1.000000000e+00, v24;
	v17 =	vand.u32 $0x7FFFFFFF, v17;
	v18 =	vand.u32 $0x7FFFFFFF, v18  }
0x421: {  	v55 =	vld [tilespmem:s3+$0x10];
	v25 =	vmul.f32 v25, v19;
	v23 =	vmul.f32 v23, v23;
	v20 =	vadd.f32 v20, v21  }
0x422: {  	v16 =	vand.u32 $0x7FFFFFFF, v16;
	v17 =	vadd.f32 v18, v17;
	v18 =	vand.u32 $0x7FFFFFFF, v19  }
0x423: {  	v19 =	vmul.f32 v27, v22;
	v57 =	vmul.f32 v25, v25;
	v20 =	vadd.f32 v23, v20  }
0x424: {  	v58 =	vmul.f32 v56, v24;
	v16 =	vadd.f32 v18, v16  }
0x425: {  	v18 =	vsub.f32 $1.000000000e+00, v26;
	v19 =	vmul.f32 v19, v19;
	v20 =	vadd.f32 v57, v20  }
0x426: {  	v59 =	vand.u32 $0x7FFFFFFF, v24;
	v60 =	vsub.f32 $1.000000000e+00, v55;
	v22 =	vand.u32 $0x7FFFFFFF, v22  }
0x427: {  	v25 =	vmul.f32 v58, v58;
	v18 =	vmul.f32 v18, v26;
	v19 =	vadd.f32 v19, v20  }
0x428: {  	v61 =	vand.u32 $0x7FFFFFFF, v26;
	v62 =	vmul.f32 v60, v55;
	v17 =	vadd.f32 v22, v17  }
0x429: {  	v16 =	vadd.f32 v59, v16;
	v18 =	vmul.f32 v18, v18;
	v19 =	vadd.f32 v25, v19  }
0x42a: {  	v63 =	vand.u32 $0x7FFFFFFF, v55;
	v17 =	vadd.f32 v61, v17  }
0x42b: {  	s9 =	simm.s32 $0x0;
	v16 =	vadd.f32 v63, v16;
	v18 =	vadd.f32 v18, v19;
	v19 =	vmul.f32 v62, v62  }
0x42c: {  	[tilespmem:s9+$0x13AE0] =	vst v17  }
0x42d: {  	p0 =	por p1, p1;
	s5 =	simm.s32 $0x40;
	[tilespmem:s9+$0x13BE0] =	vst v16;
	v16 =	vadd.f32 v19, v18  }
.LBB3_19:
0x42e: {  	p1 =	sne.s32 s5, $0x3C0;
	s4 =	sadd.s32 $0x40, s4;
	s3 =	sadd.s32 $0x40, s3  }
0x42f: {  	[tilespmem:s9+$0x139E0] =	vst v16;
	s9 =	smov.u32 s5;
	s5 =	sadd.s32 $0x40, s5  }
0x430: {  	v16 =	vld [tilespmem:s3+$0xFFFFFFE0]  }
0x431: {  	v17 =	vld [tilespmem:s4+$0xFFFFFFE0]  }
0x432: {  	v18 =	vld [tilespmem:s4+$0xFFFFFFF0];
	_ =	sdelay $0x1  }
0x433: {  	v19 =	vld [tilespmem:s3+$0xFFFFFFF0]  }
0x434: {  	v20 =	vsub.f32 $1.000000000e+00, v16  }
0x435: {  	v21 =	vsub.f32 $1.000000000e+00, v17;
	v22 =	vand.u32 $0x7FFFFFFF, v17;
	v23 =	vld [tilespmem:s4+$0x0]  }
0x436: {  	v20 =	vmul.f32 v20, v16;
	v24 =	vsub.f32 $1.000000000e+00, v18;
	v25 =	vand.u32 $0x7FFFFFFF, v18  }
0x437: {  	v16 =	vand.u32 $0x7FFFFFFF, v16;
	v17 =	vmul.f32 v21, v17;
	v21 =	vadd.f32 v25, v22;
	v22 =	vld [tilespmem:s3+$0x0]  }
0x438: {  	v18 =	vmul.f32 v24, v18;
	v24 =	vsub.f32 $1.000000000e+00, v19;
	v25 =	vand.u32 $0x7FFFFFFF, v19;
	v26 =	vld [tilespmem:s4+$0x10]  }
0x439: {  	v20 =	vmul.f32 v20, v20;
	v17 =	vmul.f32 v17, v17;
	v16 =	vadd.f32 v25, v16;
	v25 =	vld [tilespmem:s3+$0x10]  }
0x43a: {  	v19 =	vmul.f32 v24, v19;
	v24 =	vsub.f32 $1.000000000e+00, v23;
	v27 =	vand.u32 $0x7FFFFFFF, v23  }
0x43b: {  	v18 =	vmul.f32 v18, v18;
	v17 =	vadd.f32 v20, v17;
	v20 =	vadd.f32 v27, v21  }
0x43c: {  	v21 =	vmul.f32 v24, v23;
	v23 =	vsub.f32 $1.000000000e+00, v22;
	v24 =	vand.u32 $0x7FFFFFFF, v22  }
0x43d: {  	v17 =	vadd.f32 v18, v17;
	v18 =	vmul.f32 v19, v19;
	v19 =	vsub.f32 $1.000000000e+00, v26  }
0x43e: {  	v27 =	vand.u32 $0x7FFFFFFF, v26;
	v22 =	vmul.f32 v23, v22;
	v23 =	vsub.f32 $1.000000000e+00, v25  }
0x43f: {  	v20 =	vadd.f32 v27, v20;
	v17 =	vadd.f32 v18, v17;
	v18 =	vmul.f32 v21, v21  }
0x440: {  	v16 =	vadd.f32 v24, v16;
	v19 =	vmul.f32 v19, v26;
	v21 =	vmul.f32 v22, v22  }
0x441: {  	s9 =	sshra.s32 s9, $0x2;
	v22 =	vand.u32 $0x7FFFFFFF, v25;
	v17 =	vadd.f32 v18, v17;
	v18 =	vmul.f32 v23, v25  }
0x442: {  	v19 =	vmul.f32 v19, v19;
	v16 =	vadd.f32 v22, v16;
	[tilespmem:s9+$0x13AE0] =	vst v20  }
.Ltmp8:
0x443: {  	v17 =	vadd.f32 v21, v17;
	(pc) =	sbr.rel @p1 .LBB3_19-.Ltmp8, $3  }
0x444: {  	[tilespmem:s9+$0x13BE0] =	vst v16  }
0x445: {  	v16 =	vadd.f32 v19, v17;
	v17 =	vmul.f32 v18, v18;
	_ =	sdelay $0x1  }
0x446: {  	v16 =	vadd.f32 v17, v16  }
0x447: {  	_ =	sdelay $0x2  }
0x448: {  	[tilespmem:s9+$0x139E0] =	vst v16  }
0x449: {  	v16 =	vld.idx.msk [tilespmem:v0+s29+$0x0], $0xffff  }
0x44a: {  	v17 =	vld.idx.msk [tilespmem:v1+s29+$0x0], $0xffff;
	_ =	sdelay $0x1  }
0x44b: {  	v18 =	vld.idx.msk [tilespmem:v2+s29+$0x0], $0xffff;
	_ =	sdelay $0x1  }
0x44c: {  	v19 =	vld.idx.msk [tilespmem:v3+s29+$0x0], $0xffff  }
0x44d: {  	v16 =	vadd.f32 v17, v16  }
0x44e: {  	v17 =	vld.idx.msk [tilespmem:v4+s29+$0x0], $0xffff  }
0x44f: {  	v16 =	vadd.f32 v18, v16  }
0x450: {  	v34 =	vld.idx.msk [tilespmem:v5+s29+$0x0], $0xffff  }
0x451: {  	v16 =	vadd.f32 v19, v16  }
0x452: {  	v35 =	vld.idx.msk [tilespmem:v6+s29+$0x0], $0xffff  }
0x453: {  	v16 =	vadd.f32 v17, v16  }
0x454: {  	v17 =	vld.idx.msk [tilespmem:v7+s29+$0x0], $0xffff  }
0x455: {  	v16 =	vadd.f32 v34, v16  }
0x456: {  	v36 =	vld.idx.msk [tilespmem:v8+s29+$0x0], $0xffff  }
0x457: {  	v16 =	vadd.f32 v35, v16  }
0x458: {  	v37 =	vld.idx.msk [tilespmem:v9+s29+$0x0], $0xffff  }
0x459: {  	v16 =	vadd.f32 v17, v16  }
0x45a: {  	v17 =	vld.idx.msk [tilespmem:v10+s29+$0x0], $0xffff  }
0x45b: {  	v16 =	vadd.f32 v36, v16  }
0x45c: {  	v38 =	vld.idx.msk [tilespmem:v11+s29+$0x0], $0xffff  }
0x45d: {  	v16 =	vadd.f32 v37, v16  }
0x45e: {  	v39 =	vld.idx.msk [tilespmem:v12+s29+$0x0], $0xffff  }
0x45f: {  	v16 =	vadd.f32 v17, v16  }
0x460: {  	v17 =	vld.idx.msk [tilespmem:v13+s29+$0x0], $0xffff  }
0x461: {  	v16 =	vadd.f32 v38, v16  }
0x462: {  	v40 =	vld.idx.msk [tilespmem:v14+s29+$0x0], $0xffff  }
0x463: {  	v16 =	vadd.f32 v39, v16  }
0x464: {  	v41 =	vld.idx.msk [tilespmem:v15+s29+$0x0], $0xffff  }
0x465: {  	v16 =	vadd.f32 v17, v16;
	_ =	sdelay $0x1  }
0x466: {  	v16 =	vadd.f32 v40, v16;
	_ =	sdelay $0x1  }
0x467: {  	v16 =	vadd.f32 v41, v16  }
0x468: {  	s0 =	sshll.u32 s0, $0x4  }
0x469: {  	[tilespmem:s0+$0x139A0] =	vst v16  }
0x46a: {  	v16 =	vld.idx.msk [tilespmem:v0+s30+$0x0], $0xffff  }
0x46b: {  	v17 =	vld.idx.msk [tilespmem:v1+s30+$0x0], $0xffff  }
0x46c: {  	v42 =	vld.idx.msk [tilespmem:v0+s31+$0x0], $0xffff  }
0x46d: {  	v43 =	vld.idx.msk [tilespmem:v1+s31+$0x0], $0xffff  }
0x46e: {  	v20 =	vld.idx.msk [tilespmem:v2+s30+$0x0], $0xffff  }
0x46f: {  	v21 =	vld.idx.msk [tilespmem:v2+s31+$0x0], $0xffff  }
0x470: {  	v22 =	vld.idx.msk [tilespmem:v3+s30+$0x0], $0xffff  }
0x471: {  	v23 =	vld.idx.msk [tilespmem:v3+s31+$0x0], $0xffff  }
0x472: {  	v44 =	vld.idx.msk [tilespmem:v4+s31+$0x0], $0xffff;
	v16 =	vadd.f32 v17, v16;
	v18 =	vadd.f32 v43, v42  }
0x473: {  	v17 =	vld.idx.msk [tilespmem:v4+s30+$0x0], $0xffff  }
0x474: {  	v45 =	vld.idx.msk [tilespmem:v5+s30+$0x0], $0xffff;
	v16 =	vadd.f32 v20, v16;
	v18 =	vadd.f32 v21, v18  }
0x475: {  	v46 =	vld.idx.msk [tilespmem:v5+s31+$0x0], $0xffff  }
0x476: {  	v47 =	vld.idx.msk [tilespmem:v6+s30+$0x0], $0xffff;
	v16 =	vadd.f32 v22, v16;
	v18 =	vadd.f32 v23, v18  }
0x477: {  	v48 =	vld.idx.msk [tilespmem:v6+s31+$0x0], $0xffff  }
0x478: {  	v49 =	vld.idx.msk [tilespmem:v7+s31+$0x0], $0xffff;
	v16 =	vadd.f32 v17, v16;
	v18 =	vadd.f32 v44, v18  }
0x479: {  	v17 =	vld.idx.msk [tilespmem:v7+s30+$0x0], $0xffff  }
0x47a: {  	v50 =	vld.idx.msk [tilespmem:v8+s30+$0x0], $0xffff;
	v16 =	vadd.f32 v45, v16;
	v18 =	vadd.f32 v46, v18  }
0x47b: {  	v51 =	vld.idx.msk [tilespmem:v8+s31+$0x0], $0xffff  }
0x47c: {  	v52 =	vld.idx.msk [tilespmem:v9+s30+$0x0], $0xffff;
	v16 =	vadd.f32 v47, v16;
	v18 =	vadd.f32 v48, v18  }
0x47d: {  	v53 =	vld.idx.msk [tilespmem:v9+s31+$0x0], $0xffff  }
0x47e: {  	v54 =	vld.idx.msk [tilespmem:v10+s31+$0x0], $0xffff;
	v16 =	vadd.f32 v17, v16;
	v18 =	vadd.f32 v49, v18  }
0x47f: {  	v17 =	vld.idx.msk [tilespmem:v10+s30+$0x0], $0xffff  }
0x480: {  	v55 =	vld.idx.msk [tilespmem:v11+s30+$0x0], $0xffff;
	v16 =	vadd.f32 v50, v16;
	v18 =	vadd.f32 v51, v18  }
0x481: {  	v56 =	vld.idx.msk [tilespmem:v11+s31+$0x0], $0xffff  }
0x482: {  	v57 =	vld.idx.msk [tilespmem:v12+s30+$0x0], $0xffff;
	v16 =	vadd.f32 v52, v16;
	v18 =	vadd.f32 v53, v18  }
0x483: {  	v58 =	vld.idx.msk [tilespmem:v12+s31+$0x0], $0xffff  }
0x484: {  	v59 =	vld.idx.msk [tilespmem:v13+s31+$0x0], $0xffff;
	v16 =	vadd.f32 v17, v16;
	v18 =	vadd.f32 v54, v18  }
0x485: {  	v17 =	vld.idx.msk [tilespmem:v13+s30+$0x0], $0xffff  }
0x486: {  	v60 =	vld.idx.msk [tilespmem:v14+s30+$0x0], $0xffff;
	v16 =	vadd.f32 v55, v16;
	v18 =	vadd.f32 v56, v18  }
0x487: {  	v61 =	vld.idx.msk [tilespmem:v14+s31+$0x0], $0xffff  }
0x488: {  	v62 =	vld.idx.msk [tilespmem:v15+s30+$0x0], $0xffff;
	v16 =	vadd.f32 v57, v16;
	v18 =	vadd.f32 v58, v18  }
0x489: {  	v63 =	vld.idx.msk [tilespmem:v15+s31+$0x0], $0xffff  }
0x48a: {  	v16 =	vadd.f32 v17, v16;
	v17 =	vadd.f32 v59, v18;
	_ =	sdelay $0x1  }
0x48b: {  	v16 =	vadd.f32 v60, v16;
	v17 =	vadd.f32 v61, v17;
	_ =	sdelay $0x1  }
0x48c: {  	v16 =	vadd.f32 v62, v16;
	v17 =	vadd.f32 v63, v17;
	_ =	sdelay $0x1  }
0x48d: {  	v16 =	vsub.f32 $1.000000000e+00, v16;
	v17 =	vsub.f32 $1.000000000e+00, v17  }
.Ltmp9:
0x48e: {  	_ = 	snop;
	(pc) =	sbr.rel @p0 .LBB3_18-.Ltmp9, $3  }
0x48f: {  	v16 =	vmax.f32 v16, $0.0e+00;
	v17 =	vmax.f32 v17, $0.0e+00  }
0x490: {  	v16 =	vadd.f32 v17, v16;
	_ =	sdelay $0x1  }
0x491: {  	p1 =	por $0x0, $0x0;
	[tilespmem:s0+$0x139C0] =	vst v16;
	s0 =	simm.s32 $0x1  }
0x492: {  	s0 =	sld [smem:$0x7FA];
	_ =	sdelay $0x1  }
0x493: {  	s3 =	simm.s32 $0x139A0  }
0x494: {  	[hbm4b:s0+s1] =	stream.linear.scatter [tilespmem:s3], [sflag:$0x2], $0x20, $0x38;
	[tilespmem:$0x13CF0] =	vst v63  }
0x495: {  	_ =	swait.ge [sflag:s10], $0x20  }
0x496: {  	s24 =	sld [smem:$0x7FB]  }
0x497: {  	[sflag:s10] =	ssyncset.done $0x0  }
0x498: {  	s25 =	simm.s32 $0x139C0;
	[sflag:s10] =	ssyncadd.s32 $0xFFFFFFE0  }
0x499: {  	[hbm4b:s24+s1] =	stream.linear.scatter [tilespmem:s25], [sflag:$0x2], $0x20, $0x38;
	[tilespmem:$0x13CF0] =	vst v63  }
0x49a: {  	_ =	swait.ge [sflag:s10], $0x20  }
0x49b: {  	s26 =	sld [smem:$0x7FD];
	_ =	sdelay $0x1  }
0x49c: {  	s2 =	sadd.s32 $0x1, s2  }
0x49d: {  	p0 =	sne.s32 s2, s26  }
.Ltmp10:
0x49e: {  	_ = 	snop;
	(pc) =	sbr.rel @p0 .LBB3_1-.Ltmp10, $3  }
0x49f: {  	_ =	sdelay $0x1  }
0x4a0: {  	[sflag:s10] =	ssyncset.done $0x0  }
0x4a1: {  	[sflag:s10] =	ssyncadd.s32 $0xFFFFFFE0  }
0x4a2: {  	_ =	sfence.sel $0x180000  }
0x4a3: {  	[bflag:$0x0] =	sbarrier.arrive $0xFFFF  }
0x4a4: {  	_ =	strace $0x90000047  }
0x4a5: {  	s0 =	stileid.u32;
	[bflag:$0x2] =	sbarrier.arrive $0xFFFF  }
0x4a6: {  	p0 =	sne.s32 s0, $0x0;
	s0 =	sld [smem:$0x7FC];
	_ =	sdelay $0x2  }
0x4a7: {  	s0 =	sadd.s32 @!p0 $0x100000, s0  }
0x4a8: {  	[sflag:s0] =	ssyncadd.tile.s32 @!p0 $0x1;
	_ =	shalt  }
.Lfunc_end3:
_tile_overlayer_lowered:
.L_overlay_start_3:
0x4a9: {  	(tag) =	ssettag $0x3  }
0x4aa: {  	s0 =	rddreg [dreg:$0x0];
	s2 =	stileid.u32  }
0x4ab: {  	s1 =	rddreg [dreg:$0x1];
	p0 =	sne.s32 s2, $0x0  }
0x4ac: {  	s3 =	rddreg [dreg:$0x2];
	[bflag:$0x3] =	sbarrier.arrive $0xFFFF;
	s2 =	simm.s32 @!p0 $0x1C02  }
0x4ad: {  	[timem:s3], [sflag:s2] =	dma.local @!p0 [hbm:s0], s1  }
0x4ae: {  	s0 =	simm.s32 @!p0 $0x2  }
0x4af: {  	_ =	swait.ge @!p0 [sflag:s0], s1  }
0x4b0: {  	s1 =	ssub.s32 @!p0 $0x0, s1;
	[sflag:s0] =	ssyncset.done @!p0 $0x0  }
0x4b1: {  	[sflag:s0] =	ssyncadd.s32 @!p0 s1  }
0x4b2: {  	[bflag:$0x3] =	sbarrier.arrive $0xFFFF  }
0x4b3: {  	_ =	shalt  }

</sc_bundles>
